<compile_context>
chip_gen: v7x
topology: tpu7x:2x2x1
jax: 0.10.2.dev20260603
libtpu: 0.0.44.dev20260713+nightly
codegen_flags: <defaults>
</compile_context>

<pallas_src>
import dataclasses
import functools

import jax
import jax.numpy as jnp
from jax import lax
from jax.experimental import pallas as pl
from jax.experimental.pallas import tpu as pltpu
from jax.experimental.pallas import tpu_sc as plsc

N = 10000
E = 320000
D = 128
G = 64
NP = 10240
NC, NS, L = 2, 16, 16
NCU = 2
NW = NC * NS
CHUNK = 128
EP = 327680
CPW_DEG = EP // (NW * CHUNK)
CPW0 = EP // (NCU * NS * CHUNK)
PARTS = NCU
GRP = 8
NG0 = CPW0 // GRP
EROWS = EP // CHUNK
RB = NP // 16
PAD_IDX = N

def _mesh():
    return plsc.VectorSubcoreMesh(core_axis_name="c", subcore_axis_name="s")


def _sc_params():
    cp = pltpu.CompilerParams()
    if "needs_layout_passes" in pltpu.CompilerParams.__dataclass_fields__:
        cp = dataclasses.replace(cp, needs_layout_passes=False)
    return cp


def _sc_degree(dst2d):

    @functools.partial(
        pl.kernel,
        out_type=jax.ShapeDtypeStruct((NW, NP), jnp.float32),
        mesh=_mesh(),
        compiler_params=_sc_params(),
        scratch_types=[
            pltpu.VMEM((CPW_DEG, CHUNK), jnp.int32),
            pltpu.VMEM((NP,), jnp.float32),
        ],
    )
    def k(dst_hbm, hist_hbm, idx_v, h_v):
        c = lax.axis_index("c")
        s = lax.axis_index("s")
        wid = c * NS + s

        @pl.loop(0, NP, step=L)
        def _(i):
            h_v[pl.ds(i, L)] = jnp.zeros((L,), jnp.float32)

        pltpu.sync_copy(dst_hbm.at[pl.ds(wid * CPW_DEG, CPW_DEG)], idx_v)
        ones = jnp.ones((L,), jnp.float32)

        @pl.loop(0, CPW_DEG)
        def _(j):
            @pl.loop(0, CHUNK, step=L)
            def _(kk):
                idx = idx_v[j, pl.ds(kk, L)]
                plsc.addupdate_scatter(h_v, [idx], ones)

        pltpu.sync_copy(h_v, hist_hbm.at[wid])

    return k(dst2d)


def _sc_aggregate(y, src2d, dst2d):

    @functools.partial(
        pl.kernel,
        out_type=jax.ShapeDtypeStruct((PARTS, NP, D), jnp.float32),
        mesh=plsc.VectorSubcoreMesh(core_axis_name="c", subcore_axis_name="s",
                                    num_cores=NCU),
        scratch_types=[
            pltpu.VMEM((GRP, CHUNK), jnp.int32),
            pltpu.VMEM((GRP, CHUNK), jnp.int32),
            pltpu.VMEM((GRP, CHUNK), jnp.int32),
            pltpu.VMEM((GRP, CHUNK), jnp.int32),
            pltpu.VMEM((CHUNK, D), jnp.float32),
            pltpu.VMEM((CHUNK, D), jnp.float32),
            pltpu.VMEM_SHARED((NP, D), jnp.float32),
            pltpu.SemaphoreType.DMA,
            pltpu.SemaphoreType.DMA,
            pltpu.SemaphoreType.DMA,
        ],
    )
    def k(y_hbm, src_hbm, dst_hbm, out_hbm, sia, dia, sib, dib, rows_a, rows_b,
          acc, sem_a, sem_b, sem_i):
        c = lax.axis_index("c")
        s = lax.axis_index("s")

        def zero_acc_slice():
            @pl.loop(0, CHUNK)
            def _(r):
                @pl.loop(0, D, step=L)
                def _(kk):
                    rows_a[r, pl.ds(kk, L)] = jnp.zeros((L,), jnp.float32)

            @pl.loop(0, RB // CHUNK)
            def _(t):
                pltpu.sync_copy(rows_a, acc.at[pl.ds(s * RB + t * CHUNK, CHUNK)])

        def _scat(rows, dsl):
            pltpu.sync_copy(rows, dsl, add=True)

        H = CHUNK // 2

        def _gather(si, j, rows, sem):
            pltpu.async_copy(y_hbm.at[si.at[j, pl.ds(0, H)]],
                             rows.at[pl.ds(0, H)], sem)
            pltpu.async_copy(y_hbm.at[si.at[j, pl.ds(H, H)]],
                             rows.at[pl.ds(H, H)], sem)

        def _gwait(si, j, rows, sem):
            pltpu.make_async_copy(y_hbm.at[si.at[j, pl.ds(0, H)]],
                                  rows.at[pl.ds(0, H)], sem).wait()
            pltpu.make_async_copy(y_hbm.at[si.at[j, pl.ds(H, H)]],
                                  rows.at[pl.ds(H, H)], sem).wait()

        def group_body(si, di, si_next):
            @pl.loop(0, GRP - 2, step=2)
            def _(q):
                _gather(si, q + 1, rows_b, sem_b)
                _gwait(si, q, rows_a, sem_a)
                _scat(rows_a, acc.at[di.at[q]])
                _gather(si, q + 2, rows_a, sem_a)
                _gwait(si, q + 1, rows_b, sem_b)
                _scat(rows_b, acc.at[di.at[q + 1]])

            _gather(si, GRP - 1, rows_b, sem_b)
            _gwait(si, GRP - 2, rows_a, sem_a)
            _scat(rows_a, acc.at[di.at[GRP - 2]])
            _gather(si_next, 0, rows_a, sem_a)
            _gwait(si, GRP - 1, rows_b, sem_b)
            _scat(rows_b, acc.at[di.at[GRP - 1]])

        def wait_idx(si, di):
            pltpu.make_async_copy(src_hbm.at[pl.ds(0, GRP)], si, sem_i).wait()
            pltpu.make_async_copy(dst_hbm.at[pl.ds(0, GRP)], di, sem_i).wait()

        def run(base, ng):
            pltpu.sync_copy(src_hbm.at[pl.ds(base, GRP)], sia)
            pltpu.sync_copy(dst_hbm.at[pl.ds(base, GRP)], dia)
            pltpu.async_copy(src_hbm.at[pl.ds(base + GRP, GRP)], sib, sem_i)
            pltpu.async_copy(dst_hbm.at[pl.ds(base + GRP, GRP)], dib, sem_i)
            plsc.subcore_barrier()
            _gather(sia, 0, rows_a, sem_a)

            @pl.loop(0, ng, step=2)
            def _(g):
                wait_idx(sib, dib)
                group_body(sia, dia, sib)
                off2 = jnp.minimum(g + 2, ng - 1) * GRP
                pltpu.async_copy(src_hbm.at[pl.ds(base + off2, GRP)], sia, sem_i)
                pltpu.async_copy(dst_hbm.at[pl.ds(base + off2, GRP)], dia, sem_i)
                wait_idx(sia, dia)
                group_body(sib, dib, sia)
                off3 = jnp.minimum(g + 3, ng - 1) * GRP
                pltpu.async_copy(src_hbm.at[pl.ds(base + off3, GRP)], sib, sem_i)
                pltpu.async_copy(dst_hbm.at[pl.ds(base + off3, GRP)], dib, sem_i)

            wait_idx(sib, dib)
            _gwait(sia, 0, rows_a, sem_a)

        zero_acc_slice()
        run((c * NS + s) * CPW0, NG0)
        plsc.subcore_barrier()
        pltpu.sync_copy(acc.at[pl.ds(s * RB, RB)],
                        out_hbm.at[c].at[pl.ds(s * RB, RB)])

    return k(y, src2d, dst2d)


def _tc_xw(xp, W, hist):

    MRB = NP // 4

    def body(x_ref, w_ref, h_ref, o_ref):
        o_ref[...] = jnp.dot(x_ref[...], w_ref[...],
                             preferred_element_type=jnp.float32) * \
            _dinv_block(h_ref)

    return pl.pallas_call(
        body,
        grid=(NP // MRB,),
        in_specs=[
            pl.BlockSpec((MRB, D), lambda i: (i, 0)),
            pl.BlockSpec((D, D), lambda i: (0, 0)),
            pl.BlockSpec((NW, MRB), lambda i: (0, i)),
        ],
        out_specs=pl.BlockSpec((MRB, D), lambda i: (i, 0)),
        out_shape=jax.ShapeDtypeStruct((NP, D), jnp.float32),
    )(xp, W, hist)


def _dinv_block(h_ref):
    deg = 1.0 + jnp.sum(h_ref[...], axis=0)
    return lax.rsqrt(deg)[:, None]


def _tc_mid(parts, y, hist, b, W):

    MRB = NP // 4

    def body(pp_ref, y_ref, h_ref, b_ref, w_ref, o_ref):
        dinv = _dinv_block(h_ref)
        agg = sum(pp_ref[i] for i in range(PARTS)) + y_ref[...]
        h = jnp.maximum(agg * dinv + b_ref[...], 0.0)
        i = pl.program_id(0)
        row = i * MRB + lax.broadcasted_iota(jnp.int32, (MRB, 1), 0)
        h = jnp.where(row < N, h, 0.0)
        o_ref[...] = jnp.dot(h, w_ref[...],
                             preferred_element_type=jnp.float32) * dinv

    return pl.pallas_call(
        body,
        grid=(NP // MRB,),
        in_specs=[
            pl.BlockSpec((PARTS, MRB, D), lambda i: (0, i, 0)),
            pl.BlockSpec((MRB, D), lambda i: (i, 0)),
            pl.BlockSpec((NW, MRB), lambda i: (0, i)),
            pl.BlockSpec((D,), lambda i: (0,)),
            pl.BlockSpec((D, D), lambda i: (0, 0)),
        ],
        out_specs=pl.BlockSpec((MRB, D), lambda i: (i, 0)),
        out_shape=jax.ShapeDtypeStruct((NP, D), jnp.float32),
    )(parts, y, hist, b, W)


def _tc_pool(parts, y, hist, b, batchp, Wfc, bfc):

    PRB = NP // 4

    def body(pp_ref, y_ref, h_ref, b_ref, bat_ref, wfc_ref, bfc_ref, o_ref,
             acc_s, acc_c):
        i = pl.program_id(0)

        @pl.when(i == 0)
        def _():
            acc_s[...] = jnp.zeros_like(acc_s)
            acc_c[...] = jnp.zeros_like(acc_c)

        dinv = _dinv_block(h_ref)
        agg = sum(pp_ref[i] for i in range(PARTS)) + y_ref[...]
        h = jnp.maximum(agg * dinv + b_ref[...], 0.0)
        gi = lax.broadcasted_iota(jnp.int32, (PRB, G), 1)
        mask = (bat_ref[...] == gi).astype(jnp.float32)
        dn = (((0,), (0,)), ((), ()))
        acc_s[...] += lax.dot_general(mask, h, dn,
                                      preferred_element_type=jnp.float32)
        acc_c[...] += lax.dot_general(mask, jnp.ones((PRB, 1), jnp.float32),
                                      dn, preferred_element_type=jnp.float32)

        @pl.when(i == NP // PRB - 1)
        def _():
            pooled = acc_s[...] / jnp.maximum(acc_c[...], 1.0)
            o_ref[...] = (jnp.dot(pooled, wfc_ref[...],
                                  preferred_element_type=jnp.float32)
                          + bfc_ref[...])

    return pl.pallas_call(
        body,
        grid=(NP // PRB,),
        in_specs=[
            pl.BlockSpec((PARTS, PRB, D), lambda i: (0, i, 0)),
            pl.BlockSpec((PRB, D), lambda i: (i, 0)),
            pl.BlockSpec((NW, PRB), lambda i: (0, i)),
            pl.BlockSpec((D,), lambda i: (0,)),
            pl.BlockSpec((PRB, 1), lambda i: (i, 0)),
            pl.BlockSpec((D, D), lambda i: (0, 0)),
            pl.BlockSpec((D,), lambda i: (0,)),
        ],
        out_specs=pl.BlockSpec((G, D), lambda i: (0, 0)),
        out_shape=jax.ShapeDtypeStruct((G, D), jnp.float32),
        scratch_shapes=[
            pltpu.VMEM((G, D), jnp.float32),
            pltpu.VMEM((G, 1), jnp.float32),
        ],
    )(parts, y, hist, b, batchp, Wfc, bfc)


def kernel(x, edge_index, batch, W1, b1, W2, b2, Wfc, bfc):
    src = edge_index[0].astype(jnp.int32)
    dst = edge_index[1].astype(jnp.int32)
    pad = PAD_IDX + jnp.arange(EP - E, dtype=jnp.int32) % (NP - N)
    src2d = jnp.concatenate([src, pad]).reshape(EROWS, CHUNK)
    dst2d = jnp.concatenate([dst, pad]).reshape(EROWS, CHUNK)
    xp = jnp.zeros((NP, D), jnp.float32).at[:N].set(x)
    batchp = jnp.full((NP, 1), G, jnp.int32).at[:N, 0].set(batch.astype(jnp.int32))

    hist = _sc_degree(dst2d)
    y1 = _tc_xw(xp, W1, hist)
    parts1 = _sc_aggregate(y1, src2d, dst2d)
    y2 = _tc_mid(parts1, y1, hist, b1, W2)
    parts2 = _sc_aggregate(y2, src2d, dst2d)
    return _tc_pool(parts2, y2, hist, b2, batchp, Wfc, bfc)

# --- scband reference (transcript-rebuilt; emitter-appended) ---
"""Pipeline reference for scband-gcn-12489764896775 (READ-ONLY COPY).

The authoritative reference and input builder live on the scoring server;
editing this copy changes nothing except your own understanding.
"""

import jax, jax.numpy as jnp
import numpy as np

NUM_NODES = 10000
NUM_EDGES = 320000
D_IN = 128
D_HID = 128
D_OUT = 128
NUM_GRAPHS = 64


def setup_inputs(seed: int = 0) -> dict:
    key = jax.random.key(seed)
    ks = jax.random.split(key, 10)
    x = jax.random.normal(ks[0], (NUM_NODES, D_IN), dtype=jnp.float32)
    edge_index = jax.random.randint(ks[1], (2, NUM_EDGES), 0, NUM_NODES, dtype=jnp.int64)
    batch = jnp.sort(jax.random.randint(ks[2], (NUM_NODES,), 0, NUM_GRAPHS, dtype=jnp.int64))
    s1 = 1.0 / np.sqrt(D_IN)
    s2 = 1.0 / np.sqrt(D_HID)
    W1 = jax.random.uniform(ks[3], (D_IN, D_HID), minval=-s1, maxval=s1, dtype=jnp.float32)
    b1 = jnp.zeros((D_HID,), dtype=jnp.float32)
    W2 = jax.random.uniform(ks[4], (D_HID, D_HID), minval=-s2, maxval=s2, dtype=jnp.float32)
    b2 = jnp.zeros((D_HID,), dtype=jnp.float32)
    Wfc = jax.random.uniform(ks[5], (D_HID, D_OUT), minval=-s2, maxval=s2, dtype=jnp.float32)
    bfc = jax.random.uniform(ks[6], (D_OUT,), minval=-s2, maxval=s2, dtype=jnp.float32)
    return {"x": x, "edge_index": edge_index, "batch": batch,
            "W1": W1, "b1": b1, "W2": W2, "b2": b2, "Wfc": Wfc, "bfc": bfc}


def _gcn_conv(x, src, dst, dinv, W, b):
    # x' = D^{-1/2} (A + I) D^{-1/2} X W + b  (self-loops already appended to src/dst)
    xw = x @ W
    norm = (dinv[src] * dinv[dst])[:, None]
    msg = xw[src] * norm
    agg = jax.ops.segment_sum(msg, dst, num_segments=NUM_NODES)
    return agg + b


def reference(x, edge_index, batch, W1, b1, W2, b2, Wfc, bfc):
    loop = jnp.arange(NUM_NODES, dtype=edge_index.dtype)
    src = jnp.concatenate([edge_index[0], loop])
    dst = jnp.concatenate([edge_index[1], loop])
    deg = jnp.zeros((NUM_NODES,), dtype=jnp.float32).at[dst].add(1.0)
    dinv = 1.0 / jnp.sqrt(deg)  # deg >= 1 due to self-loops

    h = jax.nn.relu(_gcn_conv(x, src, dst, dinv, W1, b1))
    h = jax.nn.relu(_gcn_conv(h, src, dst, dinv, W2, b2))

    # global mean pool over graphs in the batch
    sums = jax.ops.segment_sum(h, batch, num_segments=NUM_GRAPHS)
    counts = jax.ops.segment_sum(jnp.ones((NUM_NODES,), dtype=jnp.float32), batch, num_segments=NUM_GRAPHS)
    pooled = sums / jnp.maximum(counts, 1.0)[:, None]

    return pooled @ Wfc + bfc

if __name__ == "__main__":
    import jax
    _d = setup_inputs()
    print(jax.jit(kernel)(*tuple(_d.values())))

</pallas_src>

<mosaic_0001>
#map = affine_map<(d0, d1) -> (0, 0)>
#map1 = affine_map<(d0, d1) -> (0, 0, 0)>
module attributes {stable_mosaic.version = 14 : i64} {
  func.func @k(%arg0: i32, %arg1: i32, %arg2: memref<10240x128xf32, #tpu.memory_space<hbm>>, %arg3: memref<2560x128xi32, #tpu.memory_space<hbm>>, %arg4: memref<2560x128xi32, #tpu.memory_space<hbm>>, %arg5: memref<2x10240x128xf32, #tpu.memory_space<hbm>>, %arg6: memref<8x128xi32, #tpu.memory_space<vmem>>, %arg7: memref<8x128xi32, #tpu.memory_space<vmem>>, %arg8: memref<8x128xi32, #tpu.memory_space<vmem>>, %arg9: memref<8x128xi32, #tpu.memory_space<vmem>>, %arg10: memref<128x128xf32, #tpu.memory_space<vmem>>, %arg11: memref<128x128xf32, #tpu.memory_space<vmem>>, %arg12: memref<10240x128xf32, #tpu.memory_space<vmem_shared>>, %arg13: memref<!tpu.dma_semaphore, #tpu.memory_space<semaphore_mem>>, %arg14: memref<!tpu.dma_semaphore, #tpu.memory_space<semaphore_mem>>, %arg15: memref<!tpu.dma_semaphore, #tpu.memory_space<semaphore_mem>>) attributes {dimension_semantics = [#tpu.dimension_semantics<core_parallel>, #tpu.dimension_semantics<subcore_parallel>], iteration_bounds = array<i64: 2, 16>, scalar_prefetch = 0 : i64, scratch_operands = 10 : i64, tpu.core_type = #tpu.core_type<sc_vector_subcore>, window_params = [{transform_indices = #map}, {transform_indices = #map}, {transform_indices = #map}, {transform_indices = #map1}]} {
    %scan3A = arith.constant 0 : i32
    %scan3A_0 = arith.constant 128 : i32
    %scan3A_1 = arith.addi %scan3A, %scan3A_0 : i32
    %scan3A_2 = arith.constant 1 : i32
    scf.for %scan3A_84 = %scan3A to %scan3A_1 step %scan3A_2  : i32 {
      %mul3A_85 = arith.constant 1 : i32
      %mul3A_86 = arith.muli %scan3A_84, %mul3A_85 : i32
      %add3A_87 = arith.constant 0 : i32
      %add3A_88 = arith.addi %add3A_87, %mul3A_86 : i32
      %scan3A_89 = arith.constant 0 : i32
      %scan3A_90 = arith.constant 8 : i32
      %scan3A_91 = arith.addi %scan3A_89, %scan3A_90 : i32
      %scan3A_92 = arith.constant 1 : i32
      scf.for %scan3A_94 = %scan3A_89 to %scan3A_91 step %scan3A_92  : i32 {
        %mul3A_95 = arith.constant 16 : i32
        %mul3A_96 = arith.muli %scan3A_94, %mul3A_95 : i32
        %add3A_97 = arith.constant 0 : i32
        %add3A_98 = arith.addi %add3A_97, %mul3A_96 : i32
        %broadcast_in_dim3A = arith.constant 0.000000e+00 : f32
        %broadcast_in_dim3A_99 = vector.broadcast %broadcast_in_dim3A : f32 to vector<16xf32>
        %swap3A = arith.index_cast %add3A_88 : i32 to index
        %swap3A_100 = arith.index_cast %add3A_98 : i32 to index
        %swap3A_101 = tpu.vector_load %arg10[%swap3A, %swap3A_100] {strides = array<i32>} : memref<128x128xf32, #tpu.memory_space<vmem>>, vector<1x16xf32>,
        %swap3A_102 = vector.shape_cast %swap3A_101 : vector<1x16xf32> to vector<16xf32>
        %swap3A_103 = vector.shape_cast %broadcast_in_dim3A_99 : vector<16xf32> to vector<1x16xf32>
        tpu.vector_store %arg10[%swap3A, %swap3A_100], %swap3A_103 {strides = array<i32>} : memref<128x128xf32, #tpu.memory_space<vmem>>, vector<1x16xf32>,
      }
      %scan3A_93 = arith.constant 8 : i32
    }
    %scan3A_3 = arith.constant 128 : i32
    %scan3A_4 = arith.constant 0 : i32
    %scan3A_5 = arith.constant 5 : i32
    %scan3A_6 = arith.addi %scan3A_4, %scan3A_5 : i32
    %scan3A_7 = arith.constant 1 : i32
    scf.for %scan3A_84 = %scan3A_4 to %scan3A_6 step %scan3A_7  : i32 {
      %mul3A_85 = arith.constant 1 : i32
      %mul3A_86 = arith.muli %scan3A_84, %mul3A_85 : i32
      %add3A_87 = arith.constant 0 : i32
      %add3A_88 = arith.addi %add3A_87, %mul3A_86 : i32
      %mul3A_89 = arith.constant 640 : i32
      %mul3A_90 = arith.muli %arg1, %mul3A_89 : i32
      %mul3A_91 = arith.constant 128 : i32
      %mul3A_92 = arith.muli %add3A_88, %mul3A_91 : i32
      %add3A_93 = arith.addi %mul3A_90, %mul3A_92 : i32
      "tpu.region"() ({
        %run_scoped3A = tpu.sem_alloc : memref<!tpu.dma_semaphore, #tpu.memory_space<semaphore_mem>>
        %dma_start3A_94 = arith.constant 0 : i32
        %dma_start3A_95 = tpu.memref_slice %arg12[%add3A_93, %dma_start3A_94] : memref<10240x128xf32, #tpu.memory_space<vmem_shared>> -> memref<128x128xf32, #tpu.memory_space<vmem_shared>>
        %dma_start3A_96 = arith.constant 0 : i32
        %dma_start3A_97 = tpu.memref_slice %arg12[%add3A_93, %dma_start3A_96] : memref<10240x128xf32, #tpu.memory_space<vmem_shared>> -> memref<128x128xf32, #tpu.memory_space<vmem_shared>>
        tpu.enqueue_dma source(%arg10 : memref<128x128xf32, #tpu.memory_space<vmem>>) target(%dma_start3A_97 : memref<128x128xf32, #tpu.memory_space<vmem_shared>>) target_semaphore(%run_scoped3A : memref<!tpu.dma_semaphore, #tpu.memory_space<semaphore_mem>>)
        %dma_wait3A_98 = arith.constant 0 : i32
        %dma_wait3A_99 = tpu.memref_slice %arg12[%add3A_93, %dma_wait3A_98] : memref<10240x128xf32, #tpu.memory_space<vmem_shared>> -> memref<128x128xf32, #tpu.memory_space<vmem_shared>>
        %dma_wait3A_100 = arith.constant 0 : i32
        %dma_wait3A_101 = tpu.memref_slice %arg12[%add3A_93, %dma_wait3A_100] : memref<10240x128xf32, #tpu.memory_space<vmem_shared>> -> memref<128x128xf32, #tpu.memory_space<vmem_shared>>
        tpu.wait_dma2 semaphore(%run_scoped3A : memref<!tpu.dma_semaphore, #tpu.memory_space<semaphore_mem>>) src(%arg10 : memref<128x128xf32, #tpu.memory_space<vmem>>) dst(%dma_wait3A_101 : memref<128x128xf32, #tpu.memory_space<vmem_shared>>)
        tpu.yield
      }) : () -> ()
    }
    %scan3A_8 = arith.constant 5 : i32
    %mul3A = arith.constant 16 : i32
    %mul3A_9 = arith.muli %arg0, %mul3A : i32
    %add3A = arith.addi %mul3A_9, %arg1 : i32
    %mul3A_10 = arith.constant 80 : i32
    %mul3A_11 = arith.muli %add3A, %mul3A_10 : i32
    "tpu.region"() ({
      %run_scoped3A = tpu.sem_alloc : memref<!tpu.dma_semaphore, #tpu.memory_space<semaphore_mem>>
      %dma_start3A_84 = arith.constant 0 : i32
      %dma_start3A_85 = tpu.memref_slice %arg3[%mul3A_11, %dma_start3A_84] : memref<2560x128xi32, #tpu.memory_space<hbm>> -> memref<8x128xi32, #tpu.memory_space<hbm>>
      %dma_start3A_86 = arith.constant 0 : i32
      %dma_start3A_87 = tpu.memref_slice %arg3[%mul3A_11, %dma_start3A_86] : memref<2560x128xi32, #tpu.memory_space<hbm>> -> memref<8x128xi32, #tpu.memory_space<hbm>>
      tpu.enqueue_dma source(%dma_start3A_87 : memref<8x128xi32, #tpu.memory_space<hbm>>) target(%arg6 : memref<8x128xi32, #tpu.memory_space<vmem>>) target_semaphore(%run_scoped3A : memref<!tpu.dma_semaphore, #tpu.memory_space<semaphore_mem>>)
      %dma_wait3A_88 = arith.constant 0 : i32
      %dma_wait3A_89 = tpu.memref_slice %arg3[%mul3A_11, %dma_wait3A_88] : memref<2560x128xi32, #tpu.memory_space<hbm>> -> memref<8x128xi32, #tpu.memory_space<hbm>>
      %dma_wait3A_90 = arith.constant 0 : i32
      %dma_wait3A_91 = tpu.memref_slice %arg3[%mul3A_11, %dma_wait3A_90] : memref<2560x128xi32, #tpu.memory_space<hbm>> -> memref<8x128xi32, #tpu.memory_space<hbm>>
      tpu.wait_dma2 semaphore(%run_scoped3A : memref<!tpu.dma_semaphore, #tpu.memory_space<semaphore_mem>>) src(%dma_wait3A_91 : memref<8x128xi32, #tpu.memory_space<hbm>>) dst(%arg6 : memref<8x128xi32, #tpu.memory_space<vmem>>)
      tpu.yield
    }) : () -> ()
    "tpu.region"() ({
      %run_scoped3A = tpu.sem_alloc : memref<!tpu.dma_semaphore, #tpu.memory_space<semaphore_mem>>
      %dma_start3A_84 = arith.constant 0 : i32
      %dma_start3A_85 = tpu.memref_slice %arg4[%mul3A_11, %dma_start3A_84] : memref<2560x128xi32, #tpu.memory_space<hbm>> -> memref<8x128xi32, #tpu.memory_space<hbm>>
      %dma_start3A_86 = arith.constant 0 : i32
      %dma_start3A_87 = tpu.memref_slice %arg4[%mul3A_11, %dma_start3A_86] : memref<2560x128xi32, #tpu.memory_space<hbm>> -> memref<8x128xi32, #tpu.memory_space<hbm>>
      tpu.enqueue_dma source(%dma_start3A_87 : memref<8x128xi32, #tpu.memory_space<hbm>>) target(%arg7 : memref<8x128xi32, #tpu.memory_space<vmem>>) target_semaphore(%run_scoped3A : memref<!tpu.dma_semaphore, #tpu.memory_space<semaphore_mem>>)
      %dma_wait3A_88 = arith.constant 0 : i32
      %dma_wait3A_89 = tpu.memref_slice %arg4[%mul3A_11, %dma_wait3A_88] : memref<2560x128xi32, #tpu.memory_space<hbm>> -> memref<8x128xi32, #tpu.memory_space<hbm>>
      %dma_wait3A_90 = arith.constant 0 : i32
      %dma_wait3A_91 = tpu.memref_slice %arg4[%mul3A_11, %dma_wait3A_90] : memref<2560x128xi32, #tpu.memory_space<hbm>> -> memref<8x128xi32, #tpu.memory_space<hbm>>
      tpu.wait_dma2 semaphore(%run_scoped3A : memref<!tpu.dma_semaphore, #tpu.memory_space<semaphore_mem>>) src(%dma_wait3A_91 : memref<8x128xi32, #tpu.memory_space<hbm>>) dst(%arg7 : memref<8x128xi32, #tpu.memory_space<vmem>>)
      tpu.yield
    }) : () -> ()
    %add3A_12 = arith.constant 8 : i32
    %add3A_13 = arith.addi %mul3A_11, %add3A_12 : i32
    %dma_start3A = arith.constant 0 : i32
    %dma_start3A_14 = tpu.memref_slice %arg3[%add3A_13, %dma_start3A] : memref<2560x128xi32, #tpu.memory_space<hbm>> -> memref<8x128xi32, #tpu.memory_space<hbm>>
    %dma_start3A_15 = arith.constant 0 : i32
    %dma_start3A_16 = tpu.memref_slice %arg3[%add3A_13, %dma_start3A_15] : memref<2560x128xi32, #tpu.memory_space<hbm>> -> memref<8x128xi32, #tpu.memory_space<hbm>>
    tpu.enqueue_dma source(%dma_start3A_16 : memref<8x128xi32, #tpu.memory_space<hbm>>) target(%arg8 : memref<8x128xi32, #tpu.memory_space<vmem>>) target_semaphore(%arg15 : memref<!tpu.dma_semaphore, #tpu.memory_space<semaphore_mem>>)
    %add3A_17 = arith.constant 8 : i32
    %add3A_18 = arith.addi %mul3A_11, %add3A_17 : i32
    %dma_start3A_19 = arith.constant 0 : i32
    %dma_start3A_20 = tpu.memref_slice %arg4[%add3A_18, %dma_start3A_19] : memref<2560x128xi32, #tpu.memory_space<hbm>> -> memref<8x128xi32, #tpu.memory_space<hbm>>
    %dma_start3A_21 = arith.constant 0 : i32
    %dma_start3A_22 = tpu.memref_slice %arg4[%add3A_18, %dma_start3A_21] : memref<2560x128xi32, #tpu.memory_space<hbm>> -> memref<8x128xi32, #tpu.memory_space<hbm>>
    tpu.enqueue_dma source(%dma_start3A_22 : memref<8x128xi32, #tpu.memory_space<hbm>>) target(%arg9 : memref<8x128xi32, #tpu.memory_space<vmem>>) target_semaphore(%arg15 : memref<!tpu.dma_semaphore, #tpu.memory_space<semaphore_mem>>)
    %barrier3A = arith.constant 0 : index
    tpu.barrier barrier_id(%barrier3A)
    %dma_start3A_23 = arith.constant 0 : i32
    %dma_start3A_24 = arith.constant 0 : i32
    %dma_start3A_25 = arith.constant 0 : i32
    %dma_start3A_26 = tpu.memref_slice %arg10[%dma_start3A_24, %dma_start3A_25] : memref<128x128xf32, #tpu.memory_space<vmem>> -> memref<64x128xf32, #tpu.memory_space<vmem>>
    %dma_start3A_27 = arith.constant 0 : i32
    %dma_start3A_28 = tpu.memref_slice %arg6[%dma_start3A_23, %dma_start3A_27] : memref<8x128xi32, #tpu.memory_space<vmem>> -> memref<1x64xi32, #tpu.memory_space<vmem>>
    %dma_start3A_29 = tpu.memref_squeeze %dma_start3A_28 : memref<1x64xi32, #tpu.memory_space<vmem>> -> memref<64xi32, #tpu.memory_space<vmem>>
    %dma_start3A_30 = arith.constant 0 : i32
    %dma_start3A_31 = arith.constant 0 : i32
    %dma_start3A_32 = tpu.memref_slice %arg2[%dma_start3A_30, %dma_start3A_31] : memref<10240x128xf32, #tpu.memory_space<hbm>> -> memref<10240x128xf32, #tpu.memory_space<hbm>>
    tpu.enqueue_indirect_dma source(%dma_start3A_32 : memref<10240x128xf32, #tpu.memory_space<hbm>>) target(%dma_start3A_26 : memref<64x128xf32, #tpu.memory_space<vmem>>) offsets(%dma_start3A_29 : memref<64xi32, #tpu.memory_space<vmem>>) semaphore(%arg13 : memref<!tpu.dma_semaphore, #tpu.memory_space<semaphore_mem>>)
    %dma_start3A_33 = arith.constant 0 : i32
    %dma_start3A_34 = arith.constant 64 : i32
    %dma_start3A_35 = arith.constant 0 : i32
    %dma_start3A_36 = tpu.memref_slice %arg10[%dma_start3A_34, %dma_start3A_35] : memref<128x128xf32, #tpu.memory_space<vmem>> -> memref<64x128xf32, #tpu.memory_space<vmem>>
    %dma_start3A_37 = arith.constant 64 : i32
    %dma_start3A_38 = tpu.memref_slice %arg6[%dma_start3A_33, %dma_start3A_37] : memref<8x128xi32, #tpu.memory_space<vmem>> -> memref<1x64xi32, #tpu.memory_space<vmem>>
    %dma_start3A_39 = tpu.memref_squeeze %dma_start3A_38 : memref<1x64xi32, #tpu.memory_space<vmem>> -> memref<64xi32, #tpu.memory_space<vmem>>
    %dma_start3A_40 = arith.constant 0 : i32
    %dma_start3A_41 = arith.constant 0 : i32
    %dma_start3A_42 = tpu.memref_slice %arg2[%dma_start3A_40, %dma_start3A_41] : memref<10240x128xf32, #tpu.memory_space<hbm>> -> memref<10240x128xf32, #tpu.memory_space<hbm>>
    tpu.enqueue_indirect_dma source(%dma_start3A_42 : memref<10240x128xf32, #tpu.memory_space<hbm>>) target(%dma_start3A_36 : memref<64x128xf32, #tpu.memory_space<vmem>>) offsets(%dma_start3A_39 : memref<64xi32, #tpu.memory_space<vmem>>) semaphore(%arg13 : memref<!tpu.dma_semaphore, #tpu.memory_space<semaphore_mem>>)
    %scan3A_43 = arith.constant 0 : i32
    %scan3A_44 = arith.constant 5 : i32
    %scan3A_45 = arith.addi %scan3A_43, %scan3A_44 : i32
    %scan3A_46 = arith.constant 1 : i32
    scf.for %scan3A_84 = %scan3A_43 to %scan3A_45 step %scan3A_46  : i32 {
      %mul3A_85 = arith.constant 2 : i32
      %mul3A_86 = arith.muli %scan3A_84, %mul3A_85 : i32
      %add3A_87 = arith.constant 0 : i32
      %add3A_88 = arith.addi %add3A_87, %mul3A_86 : i32
      %dma_wait3A_89 = arith.constant 0 : i32
      %dma_wait3A_90 = arith.constant 0 : i32
      %dma_wait3A_91 = tpu.memref_slice %arg3[%dma_wait3A_89, %dma_wait3A_90] : memref<2560x128xi32, #tpu.memory_space<hbm>> -> memref<8x128xi32, #tpu.memory_space<hbm>>
      %dma_wait3A_92 = arith.constant 0 : i32
      %dma_wait3A_93 = arith.constant 0 : i32
      %dma_wait3A_94 = tpu.memref_slice %arg3[%dma_wait3A_92, %dma_wait3A_93] : memref<2560x128xi32, #tpu.memory_space<hbm>> -> memref<8x128xi32, #tpu.memory_space<hbm>>
      tpu.wait_dma2 semaphore(%arg15 : memref<!tpu.dma_semaphore, #tpu.memory_space<semaphore_mem>>) src(%dma_wait3A_94 : memref<8x128xi32, #tpu.memory_space<hbm>>) dst(%arg8 : memref<8x128xi32, #tpu.memory_space<vmem>>)
      %dma_wait3A_95 = arith.constant 0 : i32
      %dma_wait3A_96 = arith.constant 0 : i32
      %dma_wait3A_97 = tpu.memref_slice %arg4[%dma_wait3A_95, %dma_wait3A_96] : memref<2560x128xi32, #tpu.memory_space<hbm>> -> memref<8x128xi32, #tpu.memory_space<hbm>>
      %dma_wait3A_98 = arith.constant 0 : i32
      %dma_wait3A_99 = arith.constant 0 : i32
      %dma_wait3A_100 = tpu.memref_slice %arg4[%dma_wait3A_98, %dma_wait3A_99] : memref<2560x128xi32, #tpu.memory_space<hbm>> -> memref<8x128xi32, #tpu.memory_space<hbm>>
      tpu.wait_dma2 semaphore(%arg15 : memref<!tpu.dma_semaphore, #tpu.memory_space<semaphore_mem>>) src(%dma_wait3A_100 : memref<8x128xi32, #tpu.memory_space<hbm>>) dst(%arg9 : memref<8x128xi32, #tpu.memory_space<vmem>>)
      %scan3A_101 = arith.constant 0 : i32
      %scan3A_102 = arith.constant 3 : i32
      %scan3A_103 = arith.addi %scan3A_101, %scan3A_102 : i32
      %scan3A_104 = arith.constant 1 : i32
      scf.for %scan3A_317 = %scan3A_101 to %scan3A_103 step %scan3A_104  : i32 {
        %mul3A_318 = arith.constant 2 : i32
        %mul3A_319 = arith.muli %scan3A_317, %mul3A_318 : i32
        %add3A_320 = arith.constant 0 : i32
        %add3A_321 = arith.addi %add3A_320, %mul3A_319 : i32
        %add3A_322 = arith.constant 1 : i32
        %add3A_323 = arith.addi %add3A_321, %add3A_322 : i32
        %dma_start3A_324 = arith.constant 0 : i32
        %dma_start3A_325 = arith.constant 0 : i32
        %dma_start3A_326 = tpu.memref_slice %arg11[%dma_start3A_324, %dma_start3A_325] : memref<128x128xf32, #tpu.memory_space<vmem>> -> memref<64x128xf32, #tpu.memory_space<vmem>>
        %dma_start3A_327 = arith.constant 0 : i32
        %dma_start3A_328 = tpu.memref_slice %arg6[%add3A_323, %dma_start3A_327] : memref<8x128xi32, #tpu.memory_space<vmem>> -> memref<1x64xi32, #tpu.memory_space<vmem>>
        %dma_start3A_329 = tpu.memref_squeeze %dma_start3A_328 : memref<1x64xi32, #tpu.memory_space<vmem>> -> memref<64xi32, #tpu.memory_space<vmem>>
        %dma_start3A_330 = arith.constant 0 : i32
        %dma_start3A_331 = arith.constant 0 : i32
        %dma_start3A_332 = tpu.memref_slice %arg2[%dma_start3A_330, %dma_start3A_331] : memref<10240x128xf32, #tpu.memory_space<hbm>> -> memref<10240x128xf32, #tpu.memory_space<hbm>>
        tpu.enqueue_indirect_dma source(%dma_start3A_332 : memref<10240x128xf32, #tpu.memory_space<hbm>>) target(%dma_start3A_326 : memref<64x128xf32, #tpu.memory_space<vmem>>) offsets(%dma_start3A_329 : memref<64xi32, #tpu.memory_space<vmem>>) semaphore(%arg14 : memref<!tpu.dma_semaphore, #tpu.memory_space<semaphore_mem>>)
        %dma_start3A_333 = arith.constant 64 : i32
        %dma_start3A_334 = arith.constant 0 : i32
        %dma_start3A_335 = tpu.memref_slice %arg11[%dma_start3A_333, %dma_start3A_334] : memref<128x128xf32, #tpu.memory_space<vmem>> -> memref<64x128xf32, #tpu.memory_space<vmem>>
        %dma_start3A_336 = arith.constant 64 : i32
        %dma_start3A_337 = tpu.memref_slice %arg6[%add3A_323, %dma_start3A_336] : memref<8x128xi32, #tpu.memory_space<vmem>> -> memref<1x64xi32, #tpu.memory_space<vmem>>
        %dma_start3A_338 = tpu.memref_squeeze %dma_start3A_337 : memref<1x64xi32, #tpu.memory_space<vmem>> -> memref<64xi32, #tpu.memory_space<vmem>>
        %dma_start3A_339 = arith.constant 0 : i32
        %dma_start3A_340 = arith.constant 0 : i32
        %dma_start3A_341 = tpu.memref_slice %arg2[%dma_start3A_339, %dma_start3A_340] : memref<10240x128xf32, #tpu.memory_space<hbm>> -> memref<10240x128xf32, #tpu.memory_space<hbm>>
        tpu.enqueue_indirect_dma source(%dma_start3A_341 : memref<10240x128xf32, #tpu.memory_space<hbm>>) target(%dma_start3A_335 : memref<64x128xf32, #tpu.memory_space<vmem>>) offsets(%dma_start3A_338 : memref<64xi32, #tpu.memory_space<vmem>>) semaphore(%arg14 : memref<!tpu.dma_semaphore, #tpu.memory_space<semaphore_mem>>)
        %dma_wait3A_342 = arith.constant 0 : i32
        %dma_wait3A_343 = arith.constant 0 : i32
        %dma_wait3A_344 = tpu.memref_slice %arg10[%dma_wait3A_342, %dma_wait3A_343] : memref<128x128xf32, #tpu.memory_space<vmem>> -> memref<64x128xf32, #tpu.memory_space<vmem>>
        %dma_wait3A_345 = arith.constant 0 : i32
        %dma_wait3A_346 = tpu.memref_slice %arg6[%add3A_321, %dma_wait3A_345] : memref<8x128xi32, #tpu.memory_space<vmem>> -> memref<1x64xi32, #tpu.memory_space<vmem>>
        %dma_wait3A_347 = tpu.memref_squeeze %dma_wait3A_346 : memref<1x64xi32, #tpu.memory_space<vmem>> -> memref<64xi32, #tpu.memory_space<vmem>>
        %dma_wait3A_348 = arith.constant 0 : i32
        %dma_wait3A_349 = arith.constant 0 : i32
        %dma_wait3A_350 = tpu.memref_slice %arg2[%dma_wait3A_348, %dma_wait3A_349] : memref<10240x128xf32, #tpu.memory_space<hbm>> -> memref<10240x128xf32, #tpu.memory_space<hbm>>
        tpu.wait_indirect_dma semaphore(%arg13 : memref<!tpu.dma_semaphore, #tpu.memory_space<semaphore_mem>>) src(%dma_wait3A_350 : memref<10240x128xf32, #tpu.memory_space<hbm>>) dst(%dma_wait3A_344 : memref<64x128xf32, #tpu.memory_space<vmem>>)
        %dma_wait3A_351 = arith.constant 64 : i32
        %dma_wait3A_352 = arith.constant 0 : i32
        %dma_wait3A_353 = tpu.memref_slice %arg10[%dma_wait3A_351, %dma_wait3A_352] : memref<128x128xf32, #tpu.memory_space<vmem>> -> memref<64x128xf32, #tpu.memory_space<vmem>>
        %dma_wait3A_354 = arith.constant 64 : i32
        %dma_wait3A_355 = tpu.memref_slice %arg6[%add3A_321, %dma_wait3A_354] : memref<8x128xi32, #tpu.memory_space<vmem>> -> memref<1x64xi32, #tpu.memory_space<vmem>>
        %dma_wait3A_356 = tpu.memref_squeeze %dma_wait3A_355 : memref<1x64xi32, #tpu.memory_space<vmem>> -> memref<64xi32, #tpu.memory_space<vmem>>
        %dma_wait3A_357 = arith.constant 0 : i32
        %dma_wait3A_358 = arith.constant 0 : i32
        %dma_wait3A_359 = tpu.memref_slice %arg2[%dma_wait3A_357, %dma_wait3A_358] : memref<10240x128xf32, #tpu.memory_space<hbm>> -> memref<10240x128xf32, #tpu.memory_space<hbm>>
        tpu.wait_indirect_dma semaphore(%arg13 : memref<!tpu.dma_semaphore, #tpu.memory_space<semaphore_mem>>) src(%dma_wait3A_359 : memref<10240x128xf32, #tpu.memory_space<hbm>>) dst(%dma_wait3A_353 : memref<64x128xf32, #tpu.memory_space<vmem>>)
        "tpu.region"() ({
          %run_scoped3A_402 = tpu.sem_alloc : memref<!tpu.dma_semaphore, #tpu.memory_space<semaphore_mem>>
          %dma_start3A_403 = arith.constant 0 : i32
          %dma_start3A_404 = tpu.memref_slice %arg7[%add3A_321, %dma_start3A_403] : memref<8x128xi32, #tpu.memory_space<vmem>> -> memref<1x128xi32, #tpu.memory_space<vmem>>
          %dma_start3A_405 = tpu.memref_squeeze %dma_start3A_404 : memref<1x128xi32, #tpu.memory_space<vmem>> -> memref<128xi32, #tpu.memory_space<vmem>>
          %dma_start3A_406 = arith.constant 0 : i32
          %dma_start3A_407 = arith.constant 0 : i32
          %dma_start3A_408 = tpu.memref_slice %arg12[%dma_start3A_406, %dma_start3A_407] : memref<10240x128xf32, #tpu.memory_space<vmem_shared>> -> memref<10240x128xf32, #tpu.memory_space<vmem_shared>>
          tpu.enqueue_indirect_dma source(%arg10 : memref<128x128xf32, #tpu.memory_space<vmem>>) target(%dma_start3A_408 : memref<10240x128xf32, #tpu.memory_space<vmem_shared>>) offsets(%dma_start3A_405 : memref<128xi32, #tpu.memory_space<vmem>>) semaphore(%run_scoped3A_402 : memref<!tpu.dma_semaphore, #tpu.memory_space<semaphore_mem>>) {add = true}
          %dma_wait3A_409 = arith.constant 0 : i32
          %dma_wait3A_410 = tpu.memref_slice %arg7[%add3A_321, %dma_wait3A_409] : memref<8x128xi32, #tpu.memory_space<vmem>> -> memref<1x128xi32, #tpu.memory_space<vmem>>
          %dma_wait3A_411 = tpu.memref_squeeze %dma_wait3A_410 : memref<1x128xi32, #tpu.memory_space<vmem>> -> memref<128xi32, #tpu.memory_space<vmem>>
          %dma_wait3A_412 = arith.constant 0 : i32
          %dma_wait3A_413 = arith.constant 0 : i32
          %dma_wait3A_414 = tpu.memref_slice %arg12[%dma_wait3A_412, %dma_wait3A_413] : memref<10240x128xf32, #tpu.memory_space<vmem_shared>> -> memref<10240x128xf32, #tpu.memory_space<vmem_shared>>
          tpu.wait_indirect_dma semaphore(%run_scoped3A_402 : memref<!tpu.dma_semaphore, #tpu.memory_space<semaphore_mem>>) src(%arg10 : memref<128x128xf32, #tpu.memory_space<vmem>>) dst(%dma_wait3A_414 : memref<10240x128xf32, #tpu.memory_space<vmem_shared>>)
          tpu.yield
        }) : () -> ()
        %add3A_360 = arith.constant 2 : i32
        %add3A_361 = arith.addi %add3A_321, %add3A_360 : i32
        %dma_start3A_362 = arith.constant 0 : i32
        %dma_start3A_363 = arith.constant 0 : i32
        %dma_start3A_364 = tpu.memref_slice %arg10[%dma_start3A_362, %dma_start3A_363] : memref<128x128xf32, #tpu.memory_space<vmem>> -> memref<64x128xf32, #tpu.memory_space<vmem>>
        %dma_start3A_365 = arith.constant 0 : i32
        %dma_start3A_366 = tpu.memref_slice %arg6[%add3A_361, %dma_start3A_365] : memref<8x128xi32, #tpu.memory_space<vmem>> -> memref<1x64xi32, #tpu.memory_space<vmem>>
        %dma_start3A_367 = tpu.memref_squeeze %dma_start3A_366 : memref<1x64xi32, #tpu.memory_space<vmem>> -> memref<64xi32, #tpu.memory_space<vmem>>
        %dma_start3A_368 = arith.constant 0 : i32
        %dma_start3A_369 = arith.constant 0 : i32
        %dma_start3A_370 = tpu.memref_slice %arg2[%dma_start3A_368, %dma_start3A_369] : memref<10240x128xf32, #tpu.memory_space<hbm>> -> memref<10240x128xf32, #tpu.memory_space<hbm>>
        tpu.enqueue_indirect_dma source(%dma_start3A_370 : memref<10240x128xf32, #tpu.memory_space<hbm>>) target(%dma_start3A_364 : memref<64x128xf32, #tpu.memory_space<vmem>>) offsets(%dma_start3A_367 : memref<64xi32, #tpu.memory_space<vmem>>) semaphore(%arg13 : memref<!tpu.dma_semaphore, #tpu.memory_space<semaphore_mem>>)
        %dma_start3A_371 = arith.constant 64 : i32
        %dma_start3A_372 = arith.constant 0 : i32
        %dma_start3A_373 = tpu.memref_slice %arg10[%dma_start3A_371, %dma_start3A_372] : memref<128x128xf32, #tpu.memory_space<vmem>> -> memref<64x128xf32, #tpu.memory_space<vmem>>
        %dma_start3A_374 = arith.constant 64 : i32
        %dma_start3A_375 = tpu.memref_slice %arg6[%add3A_361, %dma_start3A_374] : memref<8x128xi32, #tpu.memory_space<vmem>> -> memref<1x64xi32, #tpu.memory_space<vmem>>
        %dma_start3A_376 = tpu.memref_squeeze %dma_start3A_375 : memref<1x64xi32, #tpu.memory_space<vmem>> -> memref<64xi32, #tpu.memory_space<vmem>>
        %dma_start3A_377 = arith.constant 0 : i32
        %dma_start3A_378 = arith.constant 0 : i32
        %dma_start3A_379 = tpu.memref_slice %arg2[%dma_start3A_377, %dma_start3A_378] : memref<10240x128xf32, #tpu.memory_space<hbm>> -> memref<10240x128xf32, #tpu.memory_space<hbm>>
        tpu.enqueue_indirect_dma source(%dma_start3A_379 : memref<10240x128xf32, #tpu.memory_space<hbm>>) target(%dma_start3A_373 : memref<64x128xf32, #tpu.memory_space<vmem>>) offsets(%dma_start3A_376 : memref<64xi32, #tpu.memory_space<vmem>>) semaphore(%arg13 : memref<!tpu.dma_semaphore, #tpu.memory_space<semaphore_mem>>)
        %add3A_380 = arith.constant 1 : i32
        %add3A_381 = arith.addi %add3A_321, %add3A_380 : i32
        %dma_wait3A_382 = arith.constant 0 : i32
        %dma_wait3A_383 = arith.constant 0 : i32
        %dma_wait3A_384 = tpu.memref_slice %arg11[%dma_wait3A_382, %dma_wait3A_383] : memref<128x128xf32, #tpu.memory_space<vmem>> -> memref<64x128xf32, #tpu.memory_space<vmem>>
        %dma_wait3A_385 = arith.constant 0 : i32
        %dma_wait3A_386 = tpu.memref_slice %arg6[%add3A_381, %dma_wait3A_385] : memref<8x128xi32, #tpu.memory_space<vmem>> -> memref<1x64xi32, #tpu.memory_space<vmem>>
        %dma_wait3A_387 = tpu.memref_squeeze %dma_wait3A_386 : memref<1x64xi32, #tpu.memory_space<vmem>> -> memref<64xi32, #tpu.memory_space<vmem>>
        %dma_wait3A_388 = arith.constant 0 : i32
        %dma_wait3A_389 = arith.constant 0 : i32
        %dma_wait3A_390 = tpu.memref_slice %arg2[%dma_wait3A_388, %dma_wait3A_389] : memref<10240x128xf32, #tpu.memory_space<hbm>> -> memref<10240x128xf32, #tpu.memory_space<hbm>>
        tpu.wait_indirect_dma semaphore(%arg14 : memref<!tpu.dma_semaphore, #tpu.memory_space<semaphore_mem>>) src(%dma_wait3A_390 : memref<10240x128xf32, #tpu.memory_space<hbm>>) dst(%dma_wait3A_384 : memref<64x128xf32, #tpu.memory_space<vmem>>)
        %dma_wait3A_391 = arith.constant 64 : i32
        %dma_wait3A_392 = arith.constant 0 : i32
        %dma_wait3A_393 = tpu.memref_slice %arg11[%dma_wait3A_391, %dma_wait3A_392] : memref<128x128xf32, #tpu.memory_space<vmem>> -> memref<64x128xf32, #tpu.memory_space<vmem>>
        %dma_wait3A_394 = arith.constant 64 : i32
        %dma_wait3A_395 = tpu.memref_slice %arg6[%add3A_381, %dma_wait3A_394] : memref<8x128xi32, #tpu.memory_space<vmem>> -> memref<1x64xi32, #tpu.memory_space<vmem>>
        %dma_wait3A_396 = tpu.memref_squeeze %dma_wait3A_395 : memref<1x64xi32, #tpu.memory_space<vmem>> -> memref<64xi32, #tpu.memory_space<vmem>>
        %dma_wait3A_397 = arith.constant 0 : i32
        %dma_wait3A_398 = arith.constant 0 : i32
        %dma_wait3A_399 = tpu.memref_slice %arg2[%dma_wait3A_397, %dma_wait3A_398] : memref<10240x128xf32, #tpu.memory_space<hbm>> -> memref<10240x128xf32, #tpu.memory_space<hbm>>
        tpu.wait_indirect_dma semaphore(%arg14 : memref<!tpu.dma_semaphore, #tpu.memory_space<semaphore_mem>>) src(%dma_wait3A_399 : memref<10240x128xf32, #tpu.memory_space<hbm>>) dst(%dma_wait3A_393 : memref<64x128xf32, #tpu.memory_space<vmem>>)
        %add3A_400 = arith.constant 1 : i32
        %add3A_401 = arith.addi %add3A_321, %add3A_400 : i32
        "tpu.region"() ({
          %run_scoped3A_402 = tpu.sem_alloc : memref<!tpu.dma_semaphore, #tpu.memory_space<semaphore_mem>>
          %dma_start3A_403 = arith.constant 0 : i32
          %dma_start3A_404 = tpu.memref_slice %arg7[%add3A_401, %dma_start3A_403] : memref<8x128xi32, #tpu.memory_space<vmem>> -> memref<1x128xi32, #tpu.memory_space<vmem>>
          %dma_start3A_405 = tpu.memref_squeeze %dma_start3A_404 : memref<1x128xi32, #tpu.memory_space<vmem>> -> memref<128xi32, #tpu.memory_space<vmem>>
          %dma_start3A_406 = arith.constant 0 : i32
          %dma_start3A_407 = arith.constant 0 : i32
          %dma_start3A_408 = tpu.memref_slice %arg12[%dma_start3A_406, %dma_start3A_407] : memref<10240x128xf32, #tpu.memory_space<vmem_shared>> -> memref<10240x128xf32, #tpu.memory_space<vmem_shared>>
          tpu.enqueue_indirect_dma source(%arg11 : memref<128x128xf32, #tpu.memory_space<vmem>>) target(%dma_start3A_408 : memref<10240x128xf32, #tpu.memory_space<vmem_shared>>) offsets(%dma_start3A_405 : memref<128xi32, #tpu.memory_space<vmem>>) semaphore(%run_scoped3A_402 : memref<!tpu.dma_semaphore, #tpu.memory_space<semaphore_mem>>) {add = true}
          %dma_wait3A_409 = arith.constant 0 : i32
          %dma_wait3A_410 = tpu.memref_slice %arg7[%add3A_401, %dma_wait3A_409] : memref<8x128xi32, #tpu.memory_space<vmem>> -> memref<1x128xi32, #tpu.memory_space<vmem>>
          %dma_wait3A_411 = tpu.memref_squeeze %dma_wait3A_410 : memref<1x128xi32, #tpu.memory_space<vmem>> -> memref<128xi32, #tpu.memory_space<vmem>>
          %dma_wait3A_412 = arith.constant 0 : i32
          %dma_wait3A_413 = arith.constant 0 : i32
          %dma_wait3A_414 = tpu.memref_slice %arg12[%dma_wait3A_412, %dma_wait3A_413] : memref<10240x128xf32, #tpu.memory_space<vmem_shared>> -> memref<10240x128xf32, #tpu.memory_space<vmem_shared>>
          tpu.wait_indirect_dma semaphore(%run_scoped3A_402 : memref<!tpu.dma_semaphore, #tpu.memory_space<semaphore_mem>>) src(%arg11 : memref<128x128xf32, #tpu.memory_space<vmem>>) dst(%dma_wait3A_414 : memref<10240x128xf32, #tpu.memory_space<vmem_shared>>)
          tpu.yield
        }) : () -> ()
      }
      %scan3A_105 = arith.constant 3 : i32
      %dma_start3A_106 = arith.constant 7 : i32
      %dma_start3A_107 = arith.constant 0 : i32
      %dma_start3A_108 = arith.constant 0 : i32
      %dma_start3A_109 = tpu.memref_slice %arg11[%dma_start3A_107, %dma_start3A_108] : memref<128x128xf32, #tpu.memory_space<vmem>> -> memref<64x128xf32, #tpu.memory_space<vmem>>
      %dma_start3A_110 = arith.constant 0 : i32
      %dma_start3A_111 = tpu.memref_slice %arg6[%dma_start3A_106, %dma_start3A_110] : memref<8x128xi32, #tpu.memory_space<vmem>> -> memref<1x64xi32, #tpu.memory_space<vmem>>
      %dma_start3A_112 = tpu.memref_squeeze %dma_start3A_111 : memref<1x64xi32, #tpu.memory_space<vmem>> -> memref<64xi32, #tpu.memory_space<vmem>>
      %dma_start3A_113 = arith.constant 0 : i32
      %dma_start3A_114 = arith.constant 0 : i32
      %dma_start3A_115 = tpu.memref_slice %arg2[%dma_start3A_113, %dma_start3A_114] : memref<10240x128xf32, #tpu.memory_space<hbm>> -> memref<10240x128xf32, #tpu.memory_space<hbm>>
      tpu.enqueue_indirect_dma source(%dma_start3A_115 : memref<10240x128xf32, #tpu.memory_space<hbm>>) target(%dma_start3A_109 : memref<64x128xf32, #tpu.memory_space<vmem>>) offsets(%dma_start3A_112 : memref<64xi32, #tpu.memory_space<vmem>>) semaphore(%arg14 : memref<!tpu.dma_semaphore, #tpu.memory_space<semaphore_mem>>)
      %dma_start3A_116 = arith.constant 7 : i32
      %dma_start3A_117 = arith.constant 64 : i32
      %dma_start3A_118 = arith.constant 0 : i32
      %dma_start3A_119 = tpu.memref_slice %arg11[%dma_start3A_117, %dma_start3A_118] : memref<128x128xf32, #tpu.memory_space<vmem>> -> memref<64x128xf32, #tpu.memory_space<vmem>>
      %dma_start3A_120 = arith.constant 64 : i32
      %dma_start3A_121 = tpu.memref_slice %arg6[%dma_start3A_116, %dma_start3A_120] : memref<8x128xi32, #tpu.memory_space<vmem>> -> memref<1x64xi32, #tpu.memory_space<vmem>>
      %dma_start3A_122 = tpu.memref_squeeze %dma_start3A_121 : memref<1x64xi32, #tpu.memory_space<vmem>> -> memref<64xi32, #tpu.memory_space<vmem>>
      %dma_start3A_123 = arith.constant 0 : i32
      %dma_start3A_124 = arith.constant 0 : i32
      %dma_start3A_125 = tpu.memref_slice %arg2[%dma_start3A_123, %dma_start3A_124] : memref<10240x128xf32, #tpu.memory_space<hbm>> -> memref<10240x128xf32, #tpu.memory_space<hbm>>
      tpu.enqueue_indirect_dma source(%dma_start3A_125 : memref<10240x128xf32, #tpu.memory_space<hbm>>) target(%dma_start3A_119 : memref<64x128xf32, #tpu.memory_space<vmem>>) offsets(%dma_start3A_122 : memref<64xi32, #tpu.memory_space<vmem>>) semaphore(%arg14 : memref<!tpu.dma_semaphore, #tpu.memory_space<semaphore_mem>>)
      %dma_wait3A_126 = arith.constant 6 : i32
      %dma_wait3A_127 = arith.constant 0 : i32
      %dma_wait3A_128 = arith.constant 0 : i32
      %dma_wait3A_129 = tpu.memref_slice %arg10[%dma_wait3A_127, %dma_wait3A_128] : memref<128x128xf32, #tpu.memory_space<vmem>> -> memref<64x128xf32, #tpu.memory_space<vmem>>
      %dma_wait3A_130 = arith.constant 0 : i32
      %dma_wait3A_131 = tpu.memref_slice %arg6[%dma_wait3A_126, %dma_wait3A_130] : memref<8x128xi32, #tpu.memory_space<vmem>> -> memref<1x64xi32, #tpu.memory_space<vmem>>
      %dma_wait3A_132 = tpu.memref_squeeze %dma_wait3A_131 : memref<1x64xi32, #tpu.memory_space<vmem>> -> memref<64xi32, #tpu.memory_space<vmem>>
      %dma_wait3A_133 = arith.constant 0 : i32
      %dma_wait3A_134 = arith.constant 0 : i32
      %dma_wait3A_135 = tpu.memref_slice %arg2[%dma_wait3A_133, %dma_wait3A_134] : memref<10240x128xf32, #tpu.memory_space<hbm>> -> memref<10240x128xf32, #tpu.memory_space<hbm>>
      tpu.wait_indirect_dma semaphore(%arg13 : memref<!tpu.dma_semaphore, #tpu.memory_space<semaphore_mem>>) src(%dma_wait3A_135 : memref<10240x128xf32, #tpu.memory_space<hbm>>) dst(%dma_wait3A_129 : memref<64x128xf32, #tpu.memory_space<vmem>>)
      %dma_wait3A_136 = arith.constant 6 : i32
      %dma_wait3A_137 = arith.constant 64 : i32
      %dma_wait3A_138 = arith.constant 0 : i32
      %dma_wait3A_139 = tpu.memref_slice %arg10[%dma_wait3A_137, %dma_wait3A_138] : memref<128x128xf32, #tpu.memory_space<vmem>> -> memref<64x128xf32, #tpu.memory_space<vmem>>
      %dma_wait3A_140 = arith.constant 64 : i32
      %dma_wait3A_141 = tpu.memref_slice %arg6[%dma_wait3A_136, %dma_wait3A_140] : memref<8x128xi32, #tpu.memory_space<vmem>> -> memref<1x64xi32, #tpu.memory_space<vmem>>
      %dma_wait3A_142 = tpu.memref_squeeze %dma_wait3A_141 : memref<1x64xi32, #tpu.memory_space<vmem>> -> memref<64xi32, #tpu.memory_space<vmem>>
      %dma_wait3A_143 = arith.constant 0 : i32
      %dma_wait3A_144 = arith.constant 0 : i32
      %dma_wait3A_145 = tpu.memref_slice %arg2[%dma_wait3A_143, %dma_wait3A_144] : memref<10240x128xf32, #tpu.memory_space<hbm>> -> memref<10240x128xf32, #tpu.memory_space<hbm>>
      tpu.wait_indirect_dma semaphore(%arg13 : memref<!tpu.dma_semaphore, #tpu.memory_space<semaphore_mem>>) src(%dma_wait3A_145 : memref<10240x128xf32, #tpu.memory_space<hbm>>) dst(%dma_wait3A_139 : memref<64x128xf32, #tpu.memory_space<vmem>>)
      %run_scoped3A = arith.constant 6 : i32
      "tpu.region"() ({
        %run_scoped3A_317 = tpu.sem_alloc : memref<!tpu.dma_semaphore, #tpu.memory_space<semaphore_mem>>
        %dma_start3A_318 = arith.constant 0 : i32
        %dma_start3A_319 = tpu.memref_slice %arg7[%run_scoped3A, %dma_start3A_318] : memref<8x128xi32, #tpu.memory_space<vmem>> -> memref<1x128xi32, #tpu.memory_space<vmem>>
        %dma_start3A_320 = tpu.memref_squeeze %dma_start3A_319 : memref<1x128xi32, #tpu.memory_space<vmem>> -> memref<128xi32, #tpu.memory_space<vmem>>
        %dma_start3A_321 = arith.constant 0 : i32
        %dma_start3A_322 = arith.constant 0 : i32
        %dma_start3A_323 = tpu.memref_slice %arg12[%dma_start3A_321, %dma_start3A_322] : memref<10240x128xf32, #tpu.memory_space<vmem_shared>> -> memref<10240x128xf32, #tpu.memory_space<vmem_shared>>
        tpu.enqueue_indirect_dma source(%arg10 : memref<128x128xf32, #tpu.memory_space<vmem>>) target(%dma_start3A_323 : memref<10240x128xf32, #tpu.memory_space<vmem_shared>>) offsets(%dma_start3A_320 : memref<128xi32, #tpu.memory_space<vmem>>) semaphore(%run_scoped3A_317 : memref<!tpu.dma_semaphore, #tpu.memory_space<semaphore_mem>>) {add = true}
        %dma_wait3A_324 = arith.constant 0 : i32
        %dma_wait3A_325 = tpu.memref_slice %arg7[%run_scoped3A, %dma_wait3A_324] : memref<8x128xi32, #tpu.memory_space<vmem>> -> memref<1x128xi32, #tpu.memory_space<vmem>>
        %dma_wait3A_326 = tpu.memref_squeeze %dma_wait3A_325 : memref<1x128xi32, #tpu.memory_space<vmem>> -> memref<128xi32, #tpu.memory_space<vmem>>
        %dma_wait3A_327 = arith.constant 0 : i32
        %dma_wait3A_328 = arith.constant 0 : i32
        %dma_wait3A_329 = tpu.memref_slice %arg12[%dma_wait3A_327, %dma_wait3A_328] : memref<10240x128xf32, #tpu.memory_space<vmem_shared>> -> memref<10240x128xf32, #tpu.memory_space<vmem_shared>>
        tpu.wait_indirect_dma semaphore(%run_scoped3A_317 : memref<!tpu.dma_semaphore, #tpu.memory_space<semaphore_mem>>) src(%arg10 : memref<128x128xf32, #tpu.memory_space<vmem>>) dst(%dma_wait3A_329 : memref<10240x128xf32, #tpu.memory_space<vmem_shared>>)
        tpu.yield
      }) : () -> ()
      %dma_start3A_146 = arith.constant 0 : i32
      %dma_start3A_147 = arith.constant 0 : i32
      %dma_start3A_148 = arith.constant 0 : i32
      %dma_start3A_149 = tpu.memref_slice %arg10[%dma_start3A_147, %dma_start3A_148] : memref<128x128xf32, #tpu.memory_space<vmem>> -> memref<64x128xf32, #tpu.memory_space<vmem>>
      %dma_start3A_150 = arith.constant 0 : i32
      %dma_start3A_151 = tpu.memref_slice %arg8[%dma_start3A_146, %dma_start3A_150] : memref<8x128xi32, #tpu.memory_space<vmem>> -> memref<1x64xi32, #tpu.memory_space<vmem>>
      %dma_start3A_152 = tpu.memref_squeeze %dma_start3A_151 : memref<1x64xi32, #tpu.memory_space<vmem>> -> memref<64xi32, #tpu.memory_space<vmem>>
      %dma_start3A_153 = arith.constant 0 : i32
      %dma_start3A_154 = arith.constant 0 : i32
      %dma_start3A_155 = tpu.memref_slice %arg2[%dma_start3A_153, %dma_start3A_154] : memref<10240x128xf32, #tpu.memory_space<hbm>> -> memref<10240x128xf32, #tpu.memory_space<hbm>>
      tpu.enqueue_indirect_dma source(%dma_start3A_155 : memref<10240x128xf32, #tpu.memory_space<hbm>>) target(%dma_start3A_149 : memref<64x128xf32, #tpu.memory_space<vmem>>) offsets(%dma_start3A_152 : memref<64xi32, #tpu.memory_space<vmem>>) semaphore(%arg13 : memref<!tpu.dma_semaphore, #tpu.memory_space<semaphore_mem>>)
      %dma_start3A_156 = arith.constant 0 : i32
      %dma_start3A_157 = arith.constant 64 : i32
      %dma_start3A_158 = arith.constant 0 : i32
      %dma_start3A_159 = tpu.memref_slice %arg10[%dma_start3A_157, %dma_start3A_158] : memref<128x128xf32, #tpu.memory_space<vmem>> -> memref<64x128xf32, #tpu.memory_space<vmem>>
      %dma_start3A_160 = arith.constant 64 : i32
      %dma_start3A_161 = tpu.memref_slice %arg8[%dma_start3A_156, %dma_start3A_160] : memref<8x128xi32, #tpu.memory_space<vmem>> -> memref<1x64xi32, #tpu.memory_space<vmem>>
      %dma_start3A_162 = tpu.memref_squeeze %dma_start3A_161 : memref<1x64xi32, #tpu.memory_space<vmem>> -> memref<64xi32, #tpu.memory_space<vmem>>
      %dma_start3A_163 = arith.constant 0 : i32
      %dma_start3A_164 = arith.constant 0 : i32
      %dma_start3A_165 = tpu.memref_slice %arg2[%dma_start3A_163, %dma_start3A_164] : memref<10240x128xf32, #tpu.memory_space<hbm>> -> memref<10240x128xf32, #tpu.memory_space<hbm>>
      tpu.enqueue_indirect_dma source(%dma_start3A_165 : memref<10240x128xf32, #tpu.memory_space<hbm>>) target(%dma_start3A_159 : memref<64x128xf32, #tpu.memory_space<vmem>>) offsets(%dma_start3A_162 : memref<64xi32, #tpu.memory_space<vmem>>) semaphore(%arg13 : memref<!tpu.dma_semaphore, #tpu.memory_space<semaphore_mem>>)
      %dma_wait3A_166 = arith.constant 7 : i32
      %dma_wait3A_167 = arith.constant 0 : i32
      %dma_wait3A_168 = arith.constant 0 : i32
      %dma_wait3A_169 = tpu.memref_slice %arg11[%dma_wait3A_167, %dma_wait3A_168] : memref<128x128xf32, #tpu.memory_space<vmem>> -> memref<64x128xf32, #tpu.memory_space<vmem>>
      %dma_wait3A_170 = arith.constant 0 : i32
      %dma_wait3A_171 = tpu.memref_slice %arg6[%dma_wait3A_166, %dma_wait3A_170] : memref<8x128xi32, #tpu.memory_space<vmem>> -> memref<1x64xi32, #tpu.memory_space<vmem>>
      %dma_wait3A_172 = tpu.memref_squeeze %dma_wait3A_171 : memref<1x64xi32, #tpu.memory_space<vmem>> -> memref<64xi32, #tpu.memory_space<vmem>>
      %dma_wait3A_173 = arith.constant 0 : i32
      %dma_wait3A_174 = arith.constant 0 : i32
      %dma_wait3A_175 = tpu.memref_slice %arg2[%dma_wait3A_173, %dma_wait3A_174] : memref<10240x128xf32, #tpu.memory_space<hbm>> -> memref<10240x128xf32, #tpu.memory_space<hbm>>
      tpu.wait_indirect_dma semaphore(%arg14 : memref<!tpu.dma_semaphore, #tpu.memory_space<semaphore_mem>>) src(%dma_wait3A_175 : memref<10240x128xf32, #tpu.memory_space<hbm>>) dst(%dma_wait3A_169 : memref<64x128xf32, #tpu.memory_space<vmem>>)
      %dma_wait3A_176 = arith.constant 7 : i32
      %dma_wait3A_177 = arith.constant 64 : i32
      %dma_wait3A_178 = arith.constant 0 : i32
      %dma_wait3A_179 = tpu.memref_slice %arg11[%dma_wait3A_177, %dma_wait3A_178] : memref<128x128xf32, #tpu.memory_space<vmem>> -> memref<64x128xf32, #tpu.memory_space<vmem>>
      %dma_wait3A_180 = arith.constant 64 : i32
      %dma_wait3A_181 = tpu.memref_slice %arg6[%dma_wait3A_176, %dma_wait3A_180] : memref<8x128xi32, #tpu.memory_space<vmem>> -> memref<1x64xi32, #tpu.memory_space<vmem>>
      %dma_wait3A_182 = tpu.memref_squeeze %dma_wait3A_181 : memref<1x64xi32, #tpu.memory_space<vmem>> -> memref<64xi32, #tpu.memory_space<vmem>>
      %dma_wait3A_183 = arith.constant 0 : i32
      %dma_wait3A_184 = arith.constant 0 : i32
      %dma_wait3A_185 = tpu.memref_slice %arg2[%dma_wait3A_183, %dma_wait3A_184] : memref<10240x128xf32, #tpu.memory_space<hbm>> -> memref<10240x128xf32, #tpu.memory_space<hbm>>
      tpu.wait_indirect_dma semaphore(%arg14 : memref<!tpu.dma_semaphore, #tpu.memory_space<semaphore_mem>>) src(%dma_wait3A_185 : memref<10240x128xf32, #tpu.memory_space<hbm>>) dst(%dma_wait3A_179 : memref<64x128xf32, #tpu.memory_space<vmem>>)
      %run_scoped3A_186 = arith.constant 7 : i32
      "tpu.region"() ({
        %run_scoped3A_317 = tpu.sem_alloc : memref<!tpu.dma_semaphore, #tpu.memory_space<semaphore_mem>>
        %dma_start3A_318 = arith.constant 0 : i32
        %dma_start3A_319 = tpu.memref_slice %arg7[%run_scoped3A_186, %dma_start3A_318] : memref<8x128xi32, #tpu.memory_space<vmem>> -> memref<1x128xi32, #tpu.memory_space<vmem>>
        %dma_start3A_320 = tpu.memref_squeeze %dma_start3A_319 : memref<1x128xi32, #tpu.memory_space<vmem>> -> memref<128xi32, #tpu.memory_space<vmem>>
        %dma_start3A_321 = arith.constant 0 : i32
        %dma_start3A_322 = arith.constant 0 : i32
        %dma_start3A_323 = tpu.memref_slice %arg12[%dma_start3A_321, %dma_start3A_322] : memref<10240x128xf32, #tpu.memory_space<vmem_shared>> -> memref<10240x128xf32, #tpu.memory_space<vmem_shared>>
        tpu.enqueue_indirect_dma source(%arg11 : memref<128x128xf32, #tpu.memory_space<vmem>>) target(%dma_start3A_323 : memref<10240x128xf32, #tpu.memory_space<vmem_shared>>) offsets(%dma_start3A_320 : memref<128xi32, #tpu.memory_space<vmem>>) semaphore(%run_scoped3A_317 : memref<!tpu.dma_semaphore, #tpu.memory_space<semaphore_mem>>) {add = true}
        %dma_wait3A_324 = arith.constant 0 : i32
        %dma_wait3A_325 = tpu.memref_slice %arg7[%run_scoped3A_186, %dma_wait3A_324] : memref<8x128xi32, #tpu.memory_space<vmem>> -> memref<1x128xi32, #tpu.memory_space<vmem>>
        %dma_wait3A_326 = tpu.memref_squeeze %dma_wait3A_325 : memref<1x128xi32, #tpu.memory_space<vmem>> -> memref<128xi32, #tpu.memory_space<vmem>>
        %dma_wait3A_327 = arith.constant 0 : i32
        %dma_wait3A_328 = arith.constant 0 : i32
        %dma_wait3A_329 = tpu.memref_slice %arg12[%dma_wait3A_327, %dma_wait3A_328] : memref<10240x128xf32, #tpu.memory_space<vmem_shared>> -> memref<10240x128xf32, #tpu.memory_space<vmem_shared>>
        tpu.wait_indirect_dma semaphore(%run_scoped3A_317 : memref<!tpu.dma_semaphore, #tpu.memory_space<semaphore_mem>>) src(%arg11 : memref<128x128xf32, #tpu.memory_space<vmem>>) dst(%dma_wait3A_329 : memref<10240x128xf32, #tpu.memory_space<vmem_shared>>)
        tpu.yield
      }) : () -> ()
      %add3A_187 = arith.constant 2 : i32
      %add3A_188 = arith.addi %add3A_88, %add3A_187 : i32
      %min3A = arith.constant 9 : i32
      %min3A_189 = arith.minsi %add3A_188, %min3A : i32
      %mul3A_190 = arith.constant 8 : i32
      %mul3A_191 = arith.muli %min3A_189, %mul3A_190 : i32
      %add3A_192 = arith.addi %mul3A_11, %mul3A_191 : i32
      %dma_start3A_193 = arith.constant 0 : i32
      %dma_start3A_194 = tpu.memref_slice %arg3[%add3A_192, %dma_start3A_193] : memref<2560x128xi32, #tpu.memory_space<hbm>> -> memref<8x128xi32, #tpu.memory_space<hbm>>
      %dma_start3A_195 = arith.constant 0 : i32
      %dma_start3A_196 = tpu.memref_slice %arg3[%add3A_192, %dma_start3A_195] : memref<2560x128xi32, #tpu.memory_space<hbm>> -> memref<8x128xi32, #tpu.memory_space<hbm>>
      tpu.enqueue_dma source(%dma_start3A_196 : memref<8x128xi32, #tpu.memory_space<hbm>>) target(%arg6 : memref<8x128xi32, #tpu.memory_space<vmem>>) target_semaphore(%arg15 : memref<!tpu.dma_semaphore, #tpu.memory_space<semaphore_mem>>)
      %add3A_197 = arith.addi %mul3A_11, %mul3A_191 : i32
      %dma_start3A_198 = arith.constant 0 : i32
      %dma_start3A_199 = tpu.memref_slice %arg4[%add3A_197, %dma_start3A_198] : memref<2560x128xi32, #tpu.memory_space<hbm>> -> memref<8x128xi32, #tpu.memory_space<hbm>>
      %dma_start3A_200 = arith.constant 0 : i32
      %dma_start3A_201 = tpu.memref_slice %arg4[%add3A_197, %dma_start3A_200] : memref<2560x128xi32, #tpu.memory_space<hbm>> -> memref<8x128xi32, #tpu.memory_space<hbm>>
      tpu.enqueue_dma source(%dma_start3A_201 : memref<8x128xi32, #tpu.memory_space<hbm>>) target(%arg7 : memref<8x128xi32, #tpu.memory_space<vmem>>) target_semaphore(%arg15 : memref<!tpu.dma_semaphore, #tpu.memory_space<semaphore_mem>>)
      %dma_wait3A_202 = arith.constant 0 : i32
      %dma_wait3A_203 = arith.constant 0 : i32
      %dma_wait3A_204 = tpu.memref_slice %arg3[%dma_wait3A_202, %dma_wait3A_203] : memref<2560x128xi32, #tpu.memory_space<hbm>> -> memref<8x128xi32, #tpu.memory_space<hbm>>
      %dma_wait3A_205 = arith.constant 0 : i32
      %dma_wait3A_206 = arith.constant 0 : i32
      %dma_wait3A_207 = tpu.memref_slice %arg3[%dma_wait3A_205, %dma_wait3A_206] : memref<2560x128xi32, #tpu.memory_space<hbm>> -> memref<8x128xi32, #tpu.memory_space<hbm>>
      tpu.wait_dma2 semaphore(%arg15 : memref<!tpu.dma_semaphore, #tpu.memory_space<semaphore_mem>>) src(%dma_wait3A_207 : memref<8x128xi32, #tpu.memory_space<hbm>>) dst(%arg6 : memref<8x128xi32, #tpu.memory_space<vmem>>)
      %dma_wait3A_208 = arith.constant 0 : i32
      %dma_wait3A_209 = arith.constant 0 : i32
      %dma_wait3A_210 = tpu.memref_slice %arg4[%dma_wait3A_208, %dma_wait3A_209] : memref<2560x128xi32, #tpu.memory_space<hbm>> -> memref<8x128xi32, #tpu.memory_space<hbm>>
      %dma_wait3A_211 = arith.constant 0 : i32
      %dma_wait3A_212 = arith.constant 0 : i32
      %dma_wait3A_213 = tpu.memref_slice %arg4[%dma_wait3A_211, %dma_wait3A_212] : memref<2560x128xi32, #tpu.memory_space<hbm>> -> memref<8x128xi32, #tpu.memory_space<hbm>>
      tpu.wait_dma2 semaphore(%arg15 : memref<!tpu.dma_semaphore, #tpu.memory_space<semaphore_mem>>) src(%dma_wait3A_213 : memref<8x128xi32, #tpu.memory_space<hbm>>) dst(%arg7 : memref<8x128xi32, #tpu.memory_space<vmem>>)
      %scan3A_214 = arith.constant 0 : i32
      %scan3A_215 = arith.constant 3 : i32
      %scan3A_216 = arith.addi %scan3A_214, %scan3A_215 : i32
      %scan3A_217 = arith.constant 1 : i32
      scf.for %scan3A_317 = %scan3A_214 to %scan3A_216 step %scan3A_217  : i32 {
        %mul3A_318 = arith.constant 2 : i32
        %mul3A_319 = arith.muli %scan3A_317, %mul3A_318 : i32
        %add3A_320 = arith.constant 0 : i32
        %add3A_321 = arith.addi %add3A_320, %mul3A_319 : i32
        %add3A_322 = arith.constant 1 : i32
        %add3A_323 = arith.addi %add3A_321, %add3A_322 : i32
        %dma_start3A_324 = arith.constant 0 : i32
        %dma_start3A_325 = arith.constant 0 : i32
        %dma_start3A_326 = tpu.memref_slice %arg11[%dma_start3A_324, %dma_start3A_325] : memref<128x128xf32, #tpu.memory_space<vmem>> -> memref<64x128xf32, #tpu.memory_space<vmem>>
        %dma_start3A_327 = arith.constant 0 : i32
        %dma_start3A_328 = tpu.memref_slice %arg8[%add3A_323, %dma_start3A_327] : memref<8x128xi32, #tpu.memory_space<vmem>> -> memref<1x64xi32, #tpu.memory_space<vmem>>
        %dma_start3A_329 = tpu.memref_squeeze %dma_start3A_328 : memref<1x64xi32, #tpu.memory_space<vmem>> -> memref<64xi32, #tpu.memory_space<vmem>>
        %dma_start3A_330 = arith.constant 0 : i32
        %dma_start3A_331 = arith.constant 0 : i32
        %dma_start3A_332 = tpu.memref_slice %arg2[%dma_start3A_330, %dma_start3A_331] : memref<10240x128xf32, #tpu.memory_space<hbm>> -> memref<10240x128xf32, #tpu.memory_space<hbm>>
        tpu.enqueue_indirect_dma source(%dma_start3A_332 : memref<10240x128xf32, #tpu.memory_space<hbm>>) target(%dma_start3A_326 : memref<64x128xf32, #tpu.memory_space<vmem>>) offsets(%dma_start3A_329 : memref<64xi32, #tpu.memory_space<vmem>>) semaphore(%arg14 : memref<!tpu.dma_semaphore, #tpu.memory_space<semaphore_mem>>)
        %dma_start3A_333 = arith.constant 64 : i32
        %dma_start3A_334 = arith.constant 0 : i32
        %dma_start3A_335 = tpu.memref_slice %arg11[%dma_start3A_333, %dma_start3A_334] : memref<128x128xf32, #tpu.memory_space<vmem>> -> memref<64x128xf32, #tpu.memory_space<vmem>>
        %dma_start3A_336 = arith.constant 64 : i32
        %dma_start3A_337 = tpu.memref_slice %arg8[%add3A_323, %dma_start3A_336] : memref<8x128xi32, #tpu.memory_space<vmem>> -> memref<1x64xi32, #tpu.memory_space<vmem>>
        %dma_start3A_338 = tpu.memref_squeeze %dma_start3A_337 : memref<1x64xi32, #tpu.memory_space<vmem>> -> memref<64xi32, #tpu.memory_space<vmem>>
        %dma_start3A_339 = arith.constant 0 : i32
        %dma_start3A_340 = arith.constant 0 : i32
        %dma_start3A_341 = tpu.memref_slice %arg2[%dma_start3A_339, %dma_start3A_340] : memref<10240x128xf32, #tpu.memory_space<hbm>> -> memref<10240x128xf32, #tpu.memory_space<hbm>>
        tpu.enqueue_indirect_dma source(%dma_start3A_341 : memref<10240x128xf32, #tpu.memory_space<hbm>>) target(%dma_start3A_335 : memref<64x128xf32, #tpu.memory_space<vmem>>) offsets(%dma_start3A_338 : memref<64xi32, #tpu.memory_space<vmem>>) semaphore(%arg14 : memref<!tpu.dma_semaphore, #tpu.memory_space<semaphore_mem>>)
        %dma_wait3A_342 = arith.constant 0 : i32
        %dma_wait3A_343 = arith.constant 0 : i32
        %dma_wait3A_344 = tpu.memref_slice %arg10[%dma_wait3A_342, %dma_wait3A_343] : memref<128x128xf32, #tpu.memory_space<vmem>> -> memref<64x128xf32, #tpu.memory_space<vmem>>
        %dma_wait3A_345 = arith.constant 0 : i32
        %dma_wait3A_346 = tpu.memref_slice %arg8[%add3A_321, %dma_wait3A_345] : memref<8x128xi32, #tpu.memory_space<vmem>> -> memref<1x64xi32, #tpu.memory_space<vmem>>
        %dma_wait3A_347 = tpu.memref_squeeze %dma_wait3A_346 : memref<1x64xi32, #tpu.memory_space<vmem>> -> memref<64xi32, #tpu.memory_space<vmem>>
        %dma_wait3A_348 = arith.constant 0 : i32
        %dma_wait3A_349 = arith.constant 0 : i32
        %dma_wait3A_350 = tpu.memref_slice %arg2[%dma_wait3A_348, %dma_wait3A_349] : memref<10240x128xf32, #tpu.memory_space<hbm>> -> memref<10240x128xf32, #tpu.memory_space<hbm>>
        tpu.wait_indirect_dma semaphore(%arg13 : memref<!tpu.dma_semaphore, #tpu.memory_space<semaphore_mem>>) src(%dma_wait3A_350 : memref<10240x128xf32, #tpu.memory_space<hbm>>) dst(%dma_wait3A_344 : memref<64x128xf32, #tpu.memory_space<vmem>>)
        %dma_wait3A_351 = arith.constant 64 : i32
        %dma_wait3A_352 = arith.constant 0 : i32
        %dma_wait3A_353 = tpu.memref_slice %arg10[%dma_wait3A_351, %dma_wait3A_352] : memref<128x128xf32, #tpu.memory_space<vmem>> -> memref<64x128xf32, #tpu.memory_space<vmem>>
        %dma_wait3A_354 = arith.constant 64 : i32
        %dma_wait3A_355 = tpu.memref_slice %arg8[%add3A_321, %dma_wait3A_354] : memref<8x128xi32, #tpu.memory_space<vmem>> -> memref<1x64xi32, #tpu.memory_space<vmem>>
        %dma_wait3A_356 = tpu.memref_squeeze %dma_wait3A_355 : memref<1x64xi32, #tpu.memory_space<vmem>> -> memref<64xi32, #tpu.memory_space<vmem>>
        %dma_wait3A_357 = arith.constant 0 : i32
        %dma_wait3A_358 = arith.constant 0 : i32
        %dma_wait3A_359 = tpu.memref_slice %arg2[%dma_wait3A_357, %dma_wait3A_358] : memref<10240x128xf32, #tpu.memory_space<hbm>> -> memref<10240x128xf32, #tpu.memory_space<hbm>>
        tpu.wait_indirect_dma semaphore(%arg13 : memref<!tpu.dma_semaphore, #tpu.memory_space<semaphore_mem>>) src(%dma_wait3A_359 : memref<10240x128xf32, #tpu.memory_space<hbm>>) dst(%dma_wait3A_353 : memref<64x128xf32, #tpu.memory_space<vmem>>)
        "tpu.region"() ({
          %run_scoped3A_402 = tpu.sem_alloc : memref<!tpu.dma_semaphore, #tpu.memory_space<semaphore_mem>>
          %dma_start3A_403 = arith.constant 0 : i32
          %dma_start3A_404 = tpu.memref_slice %arg9[%add3A_321, %dma_start3A_403] : memref<8x128xi32, #tpu.memory_space<vmem>> -> memref<1x128xi32, #tpu.memory_space<vmem>>
          %dma_start3A_405 = tpu.memref_squeeze %dma_start3A_404 : memref<1x128xi32, #tpu.memory_space<vmem>> -> memref<128xi32, #tpu.memory_space<vmem>>
          %dma_start3A_406 = arith.constant 0 : i32
          %dma_start3A_407 = arith.constant 0 : i32
          %dma_start3A_408 = tpu.memref_slice %arg12[%dma_start3A_406, %dma_start3A_407] : memref<10240x128xf32, #tpu.memory_space<vmem_shared>> -> memref<10240x128xf32, #tpu.memory_space<vmem_shared>>
          tpu.enqueue_indirect_dma source(%arg10 : memref<128x128xf32, #tpu.memory_space<vmem>>) target(%dma_start3A_408 : memref<10240x128xf32, #tpu.memory_space<vmem_shared>>) offsets(%dma_start3A_405 : memref<128xi32, #tpu.memory_space<vmem>>) semaphore(%run_scoped3A_402 : memref<!tpu.dma_semaphore, #tpu.memory_space<semaphore_mem>>) {add = true}
          %dma_wait3A_409 = arith.constant 0 : i32
          %dma_wait3A_410 = tpu.memref_slice %arg9[%add3A_321, %dma_wait3A_409] : memref<8x128xi32, #tpu.memory_space<vmem>> -> memref<1x128xi32, #tpu.memory_space<vmem>>
          %dma_wait3A_411 = tpu.memref_squeeze %dma_wait3A_410 : memref<1x128xi32, #tpu.memory_space<vmem>> -> memref<128xi32, #tpu.memory_space<vmem>>
          %dma_wait3A_412 = arith.constant 0 : i32
          %dma_wait3A_413 = arith.constant 0 : i32
          %dma_wait3A_414 = tpu.memref_slice %arg12[%dma_wait3A_412, %dma_wait3A_413] : memref<10240x128xf32, #tpu.memory_space<vmem_shared>> -> memref<10240x128xf32, #tpu.memory_space<vmem_shared>>
          tpu.wait_indirect_dma semaphore(%run_scoped3A_402 : memref<!tpu.dma_semaphore, #tpu.memory_space<semaphore_mem>>) src(%arg10 : memref<128x128xf32, #tpu.memory_space<vmem>>) dst(%dma_wait3A_414 : memref<10240x128xf32, #tpu.memory_space<vmem_shared>>)
          tpu.yield
        }) : () -> ()
        %add3A_360 = arith.constant 2 : i32
        %add3A_361 = arith.addi %add3A_321, %add3A_360 : i32
        %dma_start3A_362 = arith.constant 0 : i32
        %dma_start3A_363 = arith.constant 0 : i32
        %dma_start3A_364 = tpu.memref_slice %arg10[%dma_start3A_362, %dma_start3A_363] : memref<128x128xf32, #tpu.memory_space<vmem>> -> memref<64x128xf32, #tpu.memory_space<vmem>>
        %dma_start3A_365 = arith.constant 0 : i32
        %dma_start3A_366 = tpu.memref_slice %arg8[%add3A_361, %dma_start3A_365] : memref<8x128xi32, #tpu.memory_space<vmem>> -> memref<1x64xi32, #tpu.memory_space<vmem>>
        %dma_start3A_367 = tpu.memref_squeeze %dma_start3A_366 : memref<1x64xi32, #tpu.memory_space<vmem>> -> memref<64xi32, #tpu.memory_space<vmem>>
        %dma_start3A_368 = arith.constant 0 : i32
        %dma_start3A_369 = arith.constant 0 : i32
        %dma_start3A_370 = tpu.memref_slice %arg2[%dma_start3A_368, %dma_start3A_369] : memref<10240x128xf32, #tpu.memory_space<hbm>> -> memref<10240x128xf32, #tpu.memory_space<hbm>>
        tpu.enqueue_indirect_dma source(%dma_start3A_370 : memref<10240x128xf32, #tpu.memory_space<hbm>>) target(%dma_start3A_364 : memref<64x128xf32, #tpu.memory_space<vmem>>) offsets(%dma_start3A_367 : memref<64xi32, #tpu.memory_space<vmem>>) semaphore(%arg13 : memref<!tpu.dma_semaphore, #tpu.memory_space<semaphore_mem>>)
        %dma_start3A_371 = arith.constant 64 : i32
        %dma_start3A_372 = arith.constant 0 : i32
        %dma_start3A_373 = tpu.memref_slice %arg10[%dma_start3A_371, %dma_start3A_372] : memref<128x128xf32, #tpu.memory_space<vmem>> -> memref<64x128xf32, #tpu.memory_space<vmem>>
        %dma_start3A_374 = arith.constant 64 : i32
        %dma_start3A_375 = tpu.memref_slice %arg8[%add3A_361, %dma_start3A_374] : memref<8x128xi32, #tpu.memory_space<vmem>> -> memref<1x64xi32, #tpu.memory_space<vmem>>
        %dma_start3A_376 = tpu.memref_squeeze %dma_start3A_375 : memref<1x64xi32, #tpu.memory_space<vmem>> -> memref<64xi32, #tpu.memory_space<vmem>>
        %dma_start3A_377 = arith.constant 0 : i32
        %dma_start3A_378 = arith.constant 0 : i32
        %dma_start3A_379 = tpu.memref_slice %arg2[%dma_start3A_377, %dma_start3A_378] : memref<10240x128xf32, #tpu.memory_space<hbm>> -> memref<10240x128xf32, #tpu.memory_space<hbm>>
        tpu.enqueue_indirect_dma source(%dma_start3A_379 : memref<10240x128xf32, #tpu.memory_space<hbm>>) target(%dma_start3A_373 : memref<64x128xf32, #tpu.memory_space<vmem>>) offsets(%dma_start3A_376 : memref<64xi32, #tpu.memory_space<vmem>>) semaphore(%arg13 : memref<!tpu.dma_semaphore, #tpu.memory_space<semaphore_mem>>)
        %add3A_380 = arith.constant 1 : i32
        %add3A_381 = arith.addi %add3A_321, %add3A_380 : i32
        %dma_wait3A_382 = arith.constant 0 : i32
        %dma_wait3A_383 = arith.constant 0 : i32
        %dma_wait3A_384 = tpu.memref_slice %arg11[%dma_wait3A_382, %dma_wait3A_383] : memref<128x128xf32, #tpu.memory_space<vmem>> -> memref<64x128xf32, #tpu.memory_space<vmem>>
        %dma_wait3A_385 = arith.constant 0 : i32
        %dma_wait3A_386 = tpu.memref_slice %arg8[%add3A_381, %dma_wait3A_385] : memref<8x128xi32, #tpu.memory_space<vmem>> -> memref<1x64xi32, #tpu.memory_space<vmem>>
        %dma_wait3A_387 = tpu.memref_squeeze %dma_wait3A_386 : memref<1x64xi32, #tpu.memory_space<vmem>> -> memref<64xi32, #tpu.memory_space<vmem>>
        %dma_wait3A_388 = arith.constant 0 : i32
        %dma_wait3A_389 = arith.constant 0 : i32
        %dma_wait3A_390 = tpu.memref_slice %arg2[%dma_wait3A_388, %dma_wait3A_389] : memref<10240x128xf32, #tpu.memory_space<hbm>> -> memref<10240x128xf32, #tpu.memory_space<hbm>>
        tpu.wait_indirect_dma semaphore(%arg14 : memref<!tpu.dma_semaphore, #tpu.memory_space<semaphore_mem>>) src(%dma_wait3A_390 : memref<10240x128xf32, #tpu.memory_space<hbm>>) dst(%dma_wait3A_384 : memref<64x128xf32, #tpu.memory_space<vmem>>)
        %dma_wait3A_391 = arith.constant 64 : i32
        %dma_wait3A_392 = arith.constant 0 : i32
        %dma_wait3A_393 = tpu.memref_slice %arg11[%dma_wait3A_391, %dma_wait3A_392] : memref<128x128xf32, #tpu.memory_space<vmem>> -> memref<64x128xf32, #tpu.memory_space<vmem>>
        %dma_wait3A_394 = arith.constant 64 : i32
        %dma_wait3A_395 = tpu.memref_slice %arg8[%add3A_381, %dma_wait3A_394] : memref<8x128xi32, #tpu.memory_space<vmem>> -> memref<1x64xi32, #tpu.memory_space<vmem>>
        %dma_wait3A_396 = tpu.memref_squeeze %dma_wait3A_395 : memref<1x64xi32, #tpu.memory_space<vmem>> -> memref<64xi32, #tpu.memory_space<vmem>>
        %dma_wait3A_397 = arith.constant 0 : i32
        %dma_wait3A_398 = arith.constant 0 : i32
        %dma_wait3A_399 = tpu.memref_slice %arg2[%dma_wait3A_397, %dma_wait3A_398] : memref<10240x128xf32, #tpu.memory_space<hbm>> -> memref<10240x128xf32, #tpu.memory_space<hbm>>
        tpu.wait_indirect_dma semaphore(%arg14 : memref<!tpu.dma_semaphore, #tpu.memory_space<semaphore_mem>>) src(%dma_wait3A_399 : memref<10240x128xf32, #tpu.memory_space<hbm>>) dst(%dma_wait3A_393 : memref<64x128xf32, #tpu.memory_space<vmem>>)
        %add3A_400 = arith.constant 1 : i32
        %add3A_401 = arith.addi %add3A_321, %add3A_400 : i32
        "tpu.region"() ({
          %run_scoped3A_402 = tpu.sem_alloc : memref<!tpu.dma_semaphore, #tpu.memory_space<semaphore_mem>>
          %dma_start3A_403 = arith.constant 0 : i32
          %dma_start3A_404 = tpu.memref_slice %arg9[%add3A_401, %dma_start3A_403] : memref<8x128xi32, #tpu.memory_space<vmem>> -> memref<1x128xi32, #tpu.memory_space<vmem>>
          %dma_start3A_405 = tpu.memref_squeeze %dma_start3A_404 : memref<1x128xi32, #tpu.memory_space<vmem>> -> memref<128xi32, #tpu.memory_space<vmem>>
          %dma_start3A_406 = arith.constant 0 : i32
          %dma_start3A_407 = arith.constant 0 : i32
          %dma_start3A_408 = tpu.memref_slice %arg12[%dma_start3A_406, %dma_start3A_407] : memref<10240x128xf32, #tpu.memory_space<vmem_shared>> -> memref<10240x128xf32, #tpu.memory_space<vmem_shared>>
          tpu.enqueue_indirect_dma source(%arg11 : memref<128x128xf32, #tpu.memory_space<vmem>>) target(%dma_start3A_408 : memref<10240x128xf32, #tpu.memory_space<vmem_shared>>) offsets(%dma_start3A_405 : memref<128xi32, #tpu.memory_space<vmem>>) semaphore(%run_scoped3A_402 : memref<!tpu.dma_semaphore, #tpu.memory_space<semaphore_mem>>) {add = true}
          %dma_wait3A_409 = arith.constant 0 : i32
          %dma_wait3A_410 = tpu.memref_slice %arg9[%add3A_401, %dma_wait3A_409] : memref<8x128xi32, #tpu.memory_space<vmem>> -> memref<1x128xi32, #tpu.memory_space<vmem>>
          %dma_wait3A_411 = tpu.memref_squeeze %dma_wait3A_410 : memref<1x128xi32, #tpu.memory_space<vmem>> -> memref<128xi32, #tpu.memory_space<vmem>>
          %dma_wait3A_412 = arith.constant 0 : i32
          %dma_wait3A_413 = arith.constant 0 : i32
          %dma_wait3A_414 = tpu.memref_slice %arg12[%dma_wait3A_412, %dma_wait3A_413] : memref<10240x128xf32, #tpu.memory_space<vmem_shared>> -> memref<10240x128xf32, #tpu.memory_space<vmem_shared>>
          tpu.wait_indirect_dma semaphore(%run_scoped3A_402 : memref<!tpu.dma_semaphore, #tpu.memory_space<semaphore_mem>>) src(%arg11 : memref<128x128xf32, #tpu.memory_space<vmem>>) dst(%dma_wait3A_414 : memref<10240x128xf32, #tpu.memory_space<vmem_shared>>)
          tpu.yield
        }) : () -> ()
      }
      %scan3A_218 = arith.constant 3 : i32
      %dma_start3A_219 = arith.constant 7 : i32
      %dma_start3A_220 = arith.constant 0 : i32
      %dma_start3A_221 = arith.constant 0 : i32
      %dma_start3A_222 = tpu.memref_slice %arg11[%dma_start3A_220, %dma_start3A_221] : memref<128x128xf32, #tpu.memory_space<vmem>> -> memref<64x128xf32, #tpu.memory_space<vmem>>
      %dma_start3A_223 = arith.constant 0 : i32
      %dma_start3A_224 = tpu.memref_slice %arg8[%dma_start3A_219, %dma_start3A_223] : memref<8x128xi32, #tpu.memory_space<vmem>> -> memref<1x64xi32, #tpu.memory_space<vmem>>
      %dma_start3A_225 = tpu.memref_squeeze %dma_start3A_224 : memref<1x64xi32, #tpu.memory_space<vmem>> -> memref<64xi32, #tpu.memory_space<vmem>>
      %dma_start3A_226 = arith.constant 0 : i32
      %dma_start3A_227 = arith.constant 0 : i32
      %dma_start3A_228 = tpu.memref_slice %arg2[%dma_start3A_226, %dma_start3A_227] : memref<10240x128xf32, #tpu.memory_space<hbm>> -> memref<10240x128xf32, #tpu.memory_space<hbm>>
      tpu.enqueue_indirect_dma source(%dma_start3A_228 : memref<10240x128xf32, #tpu.memory_space<hbm>>) target(%dma_start3A_222 : memref<64x128xf32, #tpu.memory_space<vmem>>) offsets(%dma_start3A_225 : memref<64xi32, #tpu.memory_space<vmem>>) semaphore(%arg14 : memref<!tpu.dma_semaphore, #tpu.memory_space<semaphore_mem>>)
      %dma_start3A_229 = arith.constant 7 : i32
      %dma_start3A_230 = arith.constant 64 : i32
      %dma_start3A_231 = arith.constant 0 : i32
      %dma_start3A_232 = tpu.memref_slice %arg11[%dma_start3A_230, %dma_start3A_231] : memref<128x128xf32, #tpu.memory_space<vmem>> -> memref<64x128xf32, #tpu.memory_space<vmem>>
      %dma_start3A_233 = arith.constant 64 : i32
      %dma_start3A_234 = tpu.memref_slice %arg8[%dma_start3A_229, %dma_start3A_233] : memref<8x128xi32, #tpu.memory_space<vmem>> -> memref<1x64xi32, #tpu.memory_space<vmem>>
      %dma_start3A_235 = tpu.memref_squeeze %dma_start3A_234 : memref<1x64xi32, #tpu.memory_space<vmem>> -> memref<64xi32, #tpu.memory_space<vmem>>
      %dma_start3A_236 = arith.constant 0 : i32
      %dma_start3A_237 = arith.constant 0 : i32
      %dma_start3A_238 = tpu.memref_slice %arg2[%dma_start3A_236, %dma_start3A_237] : memref<10240x128xf32, #tpu.memory_space<hbm>> -> memref<10240x128xf32, #tpu.memory_space<hbm>>
      tpu.enqueue_indirect_dma source(%dma_start3A_238 : memref<10240x128xf32, #tpu.memory_space<hbm>>) target(%dma_start3A_232 : memref<64x128xf32, #tpu.memory_space<vmem>>) offsets(%dma_start3A_235 : memref<64xi32, #tpu.memory_space<vmem>>) semaphore(%arg14 : memref<!tpu.dma_semaphore, #tpu.memory_space<semaphore_mem>>)
      %dma_wait3A_239 = arith.constant 6 : i32
      %dma_wait3A_240 = arith.constant 0 : i32
      %dma_wait3A_241 = arith.constant 0 : i32
      %dma_wait3A_242 = tpu.memref_slice %arg10[%dma_wait3A_240, %dma_wait3A_241] : memref<128x128xf32, #tpu.memory_space<vmem>> -> memref<64x128xf32, #tpu.memory_space<vmem>>
      %dma_wait3A_243 = arith.constant 0 : i32
      %dma_wait3A_244 = tpu.memref_slice %arg8[%dma_wait3A_239, %dma_wait3A_243] : memref<8x128xi32, #tpu.memory_space<vmem>> -> memref<1x64xi32, #tpu.memory_space<vmem>>
      %dma_wait3A_245 = tpu.memref_squeeze %dma_wait3A_244 : memref<1x64xi32, #tpu.memory_space<vmem>> -> memref<64xi32, #tpu.memory_space<vmem>>
      %dma_wait3A_246 = arith.constant 0 : i32
      %dma_wait3A_247 = arith.constant 0 : i32
      %dma_wait3A_248 = tpu.memref_slice %arg2[%dma_wait3A_246, %dma_wait3A_247] : memref<10240x128xf32, #tpu.memory_space<hbm>> -> memref<10240x128xf32, #tpu.memory_space<hbm>>
      tpu.wait_indirect_dma semaphore(%arg13 : memref<!tpu.dma_semaphore, #tpu.memory_space<semaphore_mem>>) src(%dma_wait3A_248 : memref<10240x128xf32, #tpu.memory_space<hbm>>) dst(%dma_wait3A_242 : memref<64x128xf32, #tpu.memory_space<vmem>>)
      %dma_wait3A_249 = arith.constant 6 : i32
      %dma_wait3A_250 = arith.constant 64 : i32
      %dma_wait3A_251 = arith.constant 0 : i32
      %dma_wait3A_252 = tpu.memref_slice %arg10[%dma_wait3A_250, %dma_wait3A_251] : memref<128x128xf32, #tpu.memory_space<vmem>> -> memref<64x128xf32, #tpu.memory_space<vmem>>
      %dma_wait3A_253 = arith.constant 64 : i32
      %dma_wait3A_254 = tpu.memref_slice %arg8[%dma_wait3A_249, %dma_wait3A_253] : memref<8x128xi32, #tpu.memory_space<vmem>> -> memref<1x64xi32, #tpu.memory_space<vmem>>
      %dma_wait3A_255 = tpu.memref_squeeze %dma_wait3A_254 : memref<1x64xi32, #tpu.memory_space<vmem>> -> memref<64xi32, #tpu.memory_space<vmem>>
      %dma_wait3A_256 = arith.constant 0 : i32
      %dma_wait3A_257 = arith.constant 0 : i32
      %dma_wait3A_258 = tpu.memref_slice %arg2[%dma_wait3A_256, %dma_wait3A_257] : memref<10240x128xf32, #tpu.memory_space<hbm>> -> memref<10240x128xf32, #tpu.memory_space<hbm>>
      tpu.wait_indirect_dma semaphore(%arg13 : memref<!tpu.dma_semaphore, #tpu.memory_space<semaphore_mem>>) src(%dma_wait3A_258 : memref<10240x128xf32, #tpu.memory_space<hbm>>) dst(%dma_wait3A_252 : memref<64x128xf32, #tpu.memory_space<vmem>>)
      %run_scoped3A_259 = arith.constant 6 : i32
      "tpu.region"() ({
        %run_scoped3A_317 = tpu.sem_alloc : memref<!tpu.dma_semaphore, #tpu.memory_space<semaphore_mem>>
        %dma_start3A_318 = arith.constant 0 : i32
        %dma_start3A_319 = tpu.memref_slice %arg9[%run_scoped3A_259, %dma_start3A_318] : memref<8x128xi32, #tpu.memory_space<vmem>> -> memref<1x128xi32, #tpu.memory_space<vmem>>
        %dma_start3A_320 = tpu.memref_squeeze %dma_start3A_319 : memref<1x128xi32, #tpu.memory_space<vmem>> -> memref<128xi32, #tpu.memory_space<vmem>>
        %dma_start3A_321 = arith.constant 0 : i32
        %dma_start3A_322 = arith.constant 0 : i32
        %dma_start3A_323 = tpu.memref_slice %arg12[%dma_start3A_321, %dma_start3A_322] : memref<10240x128xf32, #tpu.memory_space<vmem_shared>> -> memref<10240x128xf32, #tpu.memory_space<vmem_shared>>
        tpu.enqueue_indirect_dma source(%arg10 : memref<128x128xf32, #tpu.memory_space<vmem>>) target(%dma_start3A_323 : memref<10240x128xf32, #tpu.memory_space<vmem_shared>>) offsets(%dma_start3A_320 : memref<128xi32, #tpu.memory_space<vmem>>) semaphore(%run_scoped3A_317 : memref<!tpu.dma_semaphore, #tpu.memory_space<semaphore_mem>>) {add = true}
        %dma_wait3A_324 = arith.constant 0 : i32
        %dma_wait3A_325 = tpu.memref_slice %arg9[%run_scoped3A_259, %dma_wait3A_324] : memref<8x128xi32, #tpu.memory_space<vmem>> -> memref<1x128xi32, #tpu.memory_space<vmem>>
        %dma_wait3A_326 = tpu.memref_squeeze %dma_wait3A_325 : memref<1x128xi32, #tpu.memory_space<vmem>> -> memref<128xi32, #tpu.memory_space<vmem>>
        %dma_wait3A_327 = arith.constant 0 : i32
        %dma_wait3A_328 = arith.constant 0 : i32
        %dma_wait3A_329 = tpu.memref_slice %arg12[%dma_wait3A_327, %dma_wait3A_328] : memref<10240x128xf32, #tpu.memory_space<vmem_shared>> -> memref<10240x128xf32, #tpu.memory_space<vmem_shared>>
        tpu.wait_indirect_dma semaphore(%run_scoped3A_317 : memref<!tpu.dma_semaphore, #tpu.memory_space<semaphore_mem>>) src(%arg10 : memref<128x128xf32, #tpu.memory_space<vmem>>) dst(%dma_wait3A_329 : memref<10240x128xf32, #tpu.memory_space<vmem_shared>>)
        tpu.yield
      }) : () -> ()
      %dma_start3A_260 = arith.constant 0 : i32
      %dma_start3A_261 = arith.constant 0 : i32
      %dma_start3A_262 = arith.constant 0 : i32
      %dma_start3A_263 = tpu.memref_slice %arg10[%dma_start3A_261, %dma_start3A_262] : memref<128x128xf32, #tpu.memory_space<vmem>> -> memref<64x128xf32, #tpu.memory_space<vmem>>
      %dma_start3A_264 = arith.constant 0 : i32
      %dma_start3A_265 = tpu.memref_slice %arg6[%dma_start3A_260, %dma_start3A_264] : memref<8x128xi32, #tpu.memory_space<vmem>> -> memref<1x64xi32, #tpu.memory_space<vmem>>
      %dma_start3A_266 = tpu.memref_squeeze %dma_start3A_265 : memref<1x64xi32, #tpu.memory_space<vmem>> -> memref<64xi32, #tpu.memory_space<vmem>>
      %dma_start3A_267 = arith.constant 0 : i32
      %dma_start3A_268 = arith.constant 0 : i32
      %dma_start3A_269 = tpu.memref_slice %arg2[%dma_start3A_267, %dma_start3A_268] : memref<10240x128xf32, #tpu.memory_space<hbm>> -> memref<10240x128xf32, #tpu.memory_space<hbm>>
      tpu.enqueue_indirect_dma source(%dma_start3A_269 : memref<10240x128xf32, #tpu.memory_space<hbm>>) target(%dma_start3A_263 : memref<64x128xf32, #tpu.memory_space<vmem>>) offsets(%dma_start3A_266 : memref<64xi32, #tpu.memory_space<vmem>>) semaphore(%arg13 : memref<!tpu.dma_semaphore, #tpu.memory_space<semaphore_mem>>)
      %dma_start3A_270 = arith.constant 0 : i32
      %dma_start3A_271 = arith.constant 64 : i32
      %dma_start3A_272 = arith.constant 0 : i32
      %dma_start3A_273 = tpu.memref_slice %arg10[%dma_start3A_271, %dma_start3A_272] : memref<128x128xf32, #tpu.memory_space<vmem>> -> memref<64x128xf32, #tpu.memory_space<vmem>>
      %dma_start3A_274 = arith.constant 64 : i32
      %dma_start3A_275 = tpu.memref_slice %arg6[%dma_start3A_270, %dma_start3A_274] : memref<8x128xi32, #tpu.memory_space<vmem>> -> memref<1x64xi32, #tpu.memory_space<vmem>>
      %dma_start3A_276 = tpu.memref_squeeze %dma_start3A_275 : memref<1x64xi32, #tpu.memory_space<vmem>> -> memref<64xi32, #tpu.memory_space<vmem>>
      %dma_start3A_277 = arith.constant 0 : i32
      %dma_start3A_278 = arith.constant 0 : i32
      %dma_start3A_279 = tpu.memref_slice %arg2[%dma_start3A_277, %dma_start3A_278] : memref<10240x128xf32, #tpu.memory_space<hbm>> -> memref<10240x128xf32, #tpu.memory_space<hbm>>
      tpu.enqueue_indirect_dma source(%dma_start3A_279 : memref<10240x128xf32, #tpu.memory_space<hbm>>) target(%dma_start3A_273 : memref<64x128xf32, #tpu.memory_space<vmem>>) offsets(%dma_start3A_276 : memref<64xi32, #tpu.memory_space<vmem>>) semaphore(%arg13 : memref<!tpu.dma_semaphore, #tpu.memory_space<semaphore_mem>>)
      %dma_wait3A_280 = arith.constant 7 : i32
      %dma_wait3A_281 = arith.constant 0 : i32
      %dma_wait3A_282 = arith.constant 0 : i32
      %dma_wait3A_283 = tpu.memref_slice %arg11[%dma_wait3A_281, %dma_wait3A_282] : memref<128x128xf32, #tpu.memory_space<vmem>> -> memref<64x128xf32, #tpu.memory_space<vmem>>
      %dma_wait3A_284 = arith.constant 0 : i32
      %dma_wait3A_285 = tpu.memref_slice %arg8[%dma_wait3A_280, %dma_wait3A_284] : memref<8x128xi32, #tpu.memory_space<vmem>> -> memref<1x64xi32, #tpu.memory_space<vmem>>
      %dma_wait3A_286 = tpu.memref_squeeze %dma_wait3A_285 : memref<1x64xi32, #tpu.memory_space<vmem>> -> memref<64xi32, #tpu.memory_space<vmem>>
      %dma_wait3A_287 = arith.constant 0 : i32
      %dma_wait3A_288 = arith.constant 0 : i32
      %dma_wait3A_289 = tpu.memref_slice %arg2[%dma_wait3A_287, %dma_wait3A_288] : memref<10240x128xf32, #tpu.memory_space<hbm>> -> memref<10240x128xf32, #tpu.memory_space<hbm>>
      tpu.wait_indirect_dma semaphore(%arg14 : memref<!tpu.dma_semaphore, #tpu.memory_space<semaphore_mem>>) src(%dma_wait3A_289 : memref<10240x128xf32, #tpu.memory_space<hbm>>) dst(%dma_wait3A_283 : memref<64x128xf32, #tpu.memory_space<vmem>>)
      %dma_wait3A_290 = arith.constant 7 : i32
      %dma_wait3A_291 = arith.constant 64 : i32
      %dma_wait3A_292 = arith.constant 0 : i32
      %dma_wait3A_293 = tpu.memref_slice %arg11[%dma_wait3A_291, %dma_wait3A_292] : memref<128x128xf32, #tpu.memory_space<vmem>> -> memref<64x128xf32, #tpu.memory_space<vmem>>
      %dma_wait3A_294 = arith.constant 64 : i32
      %dma_wait3A_295 = tpu.memref_slice %arg8[%dma_wait3A_290, %dma_wait3A_294] : memref<8x128xi32, #tpu.memory_space<vmem>> -> memref<1x64xi32, #tpu.memory_space<vmem>>
      %dma_wait3A_296 = tpu.memref_squeeze %dma_wait3A_295 : memref<1x64xi32, #tpu.memory_space<vmem>> -> memref<64xi32, #tpu.memory_space<vmem>>
      %dma_wait3A_297 = arith.constant 0 : i32
      %dma_wait3A_298 = arith.constant 0 : i32
      %dma_wait3A_299 = tpu.memref_slice %arg2[%dma_wait3A_297, %dma_wait3A_298] : memref<10240x128xf32, #tpu.memory_space<hbm>> -> memref<10240x128xf32, #tpu.memory_space<hbm>>
      tpu.wait_indirect_dma semaphore(%arg14 : memref<!tpu.dma_semaphore, #tpu.memory_space<semaphore_mem>>) src(%dma_wait3A_299 : memref<10240x128xf32, #tpu.memory_space<hbm>>) dst(%dma_wait3A_293 : memref<64x128xf32, #tpu.memory_space<vmem>>)
      %run_scoped3A_300 = arith.constant 7 : i32
      "tpu.region"() ({
        %run_scoped3A_317 = tpu.sem_alloc : memref<!tpu.dma_semaphore, #tpu.memory_space<semaphore_mem>>
        %dma_start3A_318 = arith.constant 0 : i32
        %dma_start3A_319 = tpu.memref_slice %arg9[%run_scoped3A_300, %dma_start3A_318] : memref<8x128xi32, #tpu.memory_space<vmem>> -> memref<1x128xi32, #tpu.memory_space<vmem>>
        %dma_start3A_320 = tpu.memref_squeeze %dma_start3A_319 : memref<1x128xi32, #tpu.memory_space<vmem>> -> memref<128xi32, #tpu.memory_space<vmem>>
        %dma_start3A_321 = arith.constant 0 : i32
        %dma_start3A_322 = arith.constant 0 : i32
        %dma_start3A_323 = tpu.memref_slice %arg12[%dma_start3A_321, %dma_start3A_322] : memref<10240x128xf32, #tpu.memory_space<vmem_shared>> -> memref<10240x128xf32, #tpu.memory_space<vmem_shared>>
        tpu.enqueue_indirect_dma source(%arg11 : memref<128x128xf32, #tpu.memory_space<vmem>>) target(%dma_start3A_323 : memref<10240x128xf32, #tpu.memory_space<vmem_shared>>) offsets(%dma_start3A_320 : memref<128xi32, #tpu.memory_space<vmem>>) semaphore(%run_scoped3A_317 : memref<!tpu.dma_semaphore, #tpu.memory_space<semaphore_mem>>) {add = true}
        %dma_wait3A_324 = arith.constant 0 : i32
        %dma_wait3A_325 = tpu.memref_slice %arg9[%run_scoped3A_300, %dma_wait3A_324] : memref<8x128xi32, #tpu.memory_space<vmem>> -> memref<1x128xi32, #tpu.memory_space<vmem>>
        %dma_wait3A_326 = tpu.memref_squeeze %dma_wait3A_325 : memref<1x128xi32, #tpu.memory_space<vmem>> -> memref<128xi32, #tpu.memory_space<vmem>>
        %dma_wait3A_327 = arith.constant 0 : i32
        %dma_wait3A_328 = arith.constant 0 : i32
        %dma_wait3A_329 = tpu.memref_slice %arg12[%dma_wait3A_327, %dma_wait3A_328] : memref<10240x128xf32, #tpu.memory_space<vmem_shared>> -> memref<10240x128xf32, #tpu.memory_space<vmem_shared>>
        tpu.wait_indirect_dma semaphore(%run_scoped3A_317 : memref<!tpu.dma_semaphore, #tpu.memory_space<semaphore_mem>>) src(%arg11 : memref<128x128xf32, #tpu.memory_space<vmem>>) dst(%dma_wait3A_329 : memref<10240x128xf32, #tpu.memory_space<vmem_shared>>)
        tpu.yield
      }) : () -> ()
      %add3A_301 = arith.constant 3 : i32
      %add3A_302 = arith.addi %add3A_88, %add3A_301 : i32
      %min3A_303 = arith.constant 9 : i32
      %min3A_304 = arith.minsi %add3A_302, %min3A_303 : i32
      %mul3A_305 = arith.constant 8 : i32
      %mul3A_306 = arith.muli %min3A_304, %mul3A_305 : i32
      %add3A_307 = arith.addi %mul3A_11, %mul3A_306 : i32
      %dma_start3A_308 = arith.constant 0 : i32
      %dma_start3A_309 = tpu.memref_slice %arg3[%add3A_307, %dma_start3A_308] : memref<2560x128xi32, #tpu.memory_space<hbm>> -> memref<8x128xi32, #tpu.memory_space<hbm>>
      %dma_start3A_310 = arith.constant 0 : i32
      %dma_start3A_311 = tpu.memref_slice %arg3[%add3A_307, %dma_start3A_310] : memref<2560x128xi32, #tpu.memory_space<hbm>> -> memref<8x128xi32, #tpu.memory_space<hbm>>
      tpu.enqueue_dma source(%dma_start3A_311 : memref<8x128xi32, #tpu.memory_space<hbm>>) target(%arg8 : memref<8x128xi32, #tpu.memory_space<vmem>>) target_semaphore(%arg15 : memref<!tpu.dma_semaphore, #tpu.memory_space<semaphore_mem>>)
      %add3A_312 = arith.addi %mul3A_11, %mul3A_306 : i32
      %dma_start3A_313 = arith.constant 0 : i32
      %dma_start3A_314 = tpu.memref_slice %arg4[%add3A_312, %dma_start3A_313] : memref<2560x128xi32, #tpu.memory_space<hbm>> -> memref<8x128xi32, #tpu.memory_space<hbm>>
      %dma_start3A_315 = arith.constant 0 : i32
      %dma_start3A_316 = tpu.memref_slice %arg4[%add3A_312, %dma_start3A_315] : memref<2560x128xi32, #tpu.memory_space<hbm>> -> memref<8x128xi32, #tpu.memory_space<hbm>>
      tpu.enqueue_dma source(%dma_start3A_316 : memref<8x128xi32, #tpu.memory_space<hbm>>) target(%arg9 : memref<8x128xi32, #tpu.memory_space<vmem>>) target_semaphore(%arg15 : memref<!tpu.dma_semaphore, #tpu.memory_space<semaphore_mem>>)
    }
    %scan3A_47 = arith.constant 5 : i32
    %dma_wait3A = arith.constant 0 : i32
    %dma_wait3A_48 = arith.constant 0 : i32
    %dma_wait3A_49 = tpu.memref_slice %arg3[%dma_wait3A, %dma_wait3A_48] : memref<2560x128xi32, #tpu.memory_space<hbm>> -> memref<8x128xi32, #tpu.memory_space<hbm>>
    %dma_wait3A_50 = arith.constant 0 : i32
    %dma_wait3A_51 = arith.constant 0 : i32
    %dma_wait3A_52 = tpu.memref_slice %arg3[%dma_wait3A_50, %dma_wait3A_51] : memref<2560x128xi32, #tpu.memory_space<hbm>> -> memref<8x128xi32, #tpu.memory_space<hbm>>
    tpu.wait_dma2 semaphore(%arg15 : memref<!tpu.dma_semaphore, #tpu.memory_space<semaphore_mem>>) src(%dma_wait3A_52 : memref<8x128xi32, #tpu.memory_space<hbm>>) dst(%arg8 : memref<8x128xi32, #tpu.memory_space<vmem>>)
    %dma_wait3A_53 = arith.constant 0 : i32
    %dma_wait3A_54 = arith.constant 0 : i32
    %dma_wait3A_55 = tpu.memref_slice %arg4[%dma_wait3A_53, %dma_wait3A_54] : memref<2560x128xi32, #tpu.memory_space<hbm>> -> memref<8x128xi32, #tpu.memory_space<hbm>>
    %dma_wait3A_56 = arith.constant 0 : i32
    %dma_wait3A_57 = arith.constant 0 : i32
    %dma_wait3A_58 = tpu.memref_slice %arg4[%dma_wait3A_56, %dma_wait3A_57] : memref<2560x128xi32, #tpu.memory_space<hbm>> -> memref<8x128xi32, #tpu.memory_space<hbm>>
    tpu.wait_dma2 semaphore(%arg15 : memref<!tpu.dma_semaphore, #tpu.memory_space<semaphore_mem>>) src(%dma_wait3A_58 : memref<8x128xi32, #tpu.memory_space<hbm>>) dst(%arg9 : memref<8x128xi32, #tpu.memory_space<vmem>>)
    %dma_wait3A_59 = arith.constant 0 : i32
    %dma_wait3A_60 = arith.constant 0 : i32
    %dma_wait3A_61 = arith.constant 0 : i32
    %dma_wait3A_62 = tpu.memref_slice %arg10[%dma_wait3A_60, %dma_wait3A_61] : memref<128x128xf32, #tpu.memory_space<vmem>> -> memref<64x128xf32, #tpu.memory_space<vmem>>
    %dma_wait3A_63 = arith.constant 0 : i32
    %dma_wait3A_64 = tpu.memref_slice %arg6[%dma_wait3A_59, %dma_wait3A_63] : memref<8x128xi32, #tpu.memory_space<vmem>> -> memref<1x64xi32, #tpu.memory_space<vmem>>
    %dma_wait3A_65 = tpu.memref_squeeze %dma_wait3A_64 : memref<1x64xi32, #tpu.memory_space<vmem>> -> memref<64xi32, #tpu.memory_space<vmem>>
    %dma_wait3A_66 = arith.constant 0 : i32
    %dma_wait3A_67 = arith.constant 0 : i32
    %dma_wait3A_68 = tpu.memref_slice %arg2[%dma_wait3A_66, %dma_wait3A_67] : memref<10240x128xf32, #tpu.memory_space<hbm>> -> memref<10240x128xf32, #tpu.memory_space<hbm>>
    tpu.wait_indirect_dma semaphore(%arg13 : memref<!tpu.dma_semaphore, #tpu.memory_space<semaphore_mem>>) src(%dma_wait3A_68 : memref<10240x128xf32, #tpu.memory_space<hbm>>) dst(%dma_wait3A_62 : memref<64x128xf32, #tpu.memory_space<vmem>>)
    %dma_wait3A_69 = arith.constant 0 : i32
    %dma_wait3A_70 = arith.constant 64 : i32
    %dma_wait3A_71 = arith.constant 0 : i32
    %dma_wait3A_72 = tpu.memref_slice %arg10[%dma_wait3A_70, %dma_wait3A_71] : memref<128x128xf32, #tpu.memory_space<vmem>> -> memref<64x128xf32, #tpu.memory_space<vmem>>
    %dma_wait3A_73 = arith.constant 64 : i32
    %dma_wait3A_74 = tpu.memref_slice %arg6[%dma_wait3A_69, %dma_wait3A_73] : memref<8x128xi32, #tpu.memory_space<vmem>> -> memref<1x64xi32, #tpu.memory_space<vmem>>
    %dma_wait3A_75 = tpu.memref_squeeze %dma_wait3A_74 : memref<1x64xi32, #tpu.memory_space<vmem>> -> memref<64xi32, #tpu.memory_space<vmem>>
    %dma_wait3A_76 = arith.constant 0 : i32
    %dma_wait3A_77 = arith.constant 0 : i32
    %dma_wait3A_78 = tpu.memref_slice %arg2[%dma_wait3A_76, %dma_wait3A_77] : memref<10240x128xf32, #tpu.memory_space<hbm>> -> memref<10240x128xf32, #tpu.memory_space<hbm>>
    tpu.wait_indirect_dma semaphore(%arg13 : memref<!tpu.dma_semaphore, #tpu.memory_space<semaphore_mem>>) src(%dma_wait3A_78 : memref<10240x128xf32, #tpu.memory_space<hbm>>) dst(%dma_wait3A_72 : memref<64x128xf32, #tpu.memory_space<vmem>>)
    %barrier3A_79 = arith.constant 0 : index
    tpu.barrier barrier_id(%barrier3A_79)
    %mul3A_80 = arith.constant 640 : i32
    %mul3A_81 = arith.muli %arg1, %mul3A_80 : i32
    %mul3A_82 = arith.constant 640 : i32
    %mul3A_83 = arith.muli %arg1, %mul3A_82 : i32
    "tpu.region"() ({
      %run_scoped3A = tpu.sem_alloc : memref<!tpu.dma_semaphore, #tpu.memory_space<semaphore_mem>>
      %dma_start3A_84 = arith.constant 0 : i32
      %dma_start3A_85 = arith.constant 0 : i32
      %dma_start3A_86 = tpu.memref_slice %arg5[%arg0, %dma_start3A_84, %dma_start3A_85] : memref<2x10240x128xf32, #tpu.memory_space<hbm>> -> memref<1x10240x128xf32, #tpu.memory_space<hbm>>
      %dma_start3A_87 = tpu.memref_squeeze %dma_start3A_86 : memref<1x10240x128xf32, #tpu.memory_space<hbm>> -> memref<10240x128xf32, #tpu.memory_space<hbm>>
      %dma_start3A_88 = arith.constant 0 : i32
      %dma_start3A_89 = tpu.memref_slice %dma_start3A_87[%mul3A_83, %dma_start3A_88] : memref<10240x128xf32, #tpu.memory_space<hbm>> -> memref<640x128xf32, #tpu.memory_space<hbm>>
      %dma_start3A_90 = arith.constant 0 : i32
      %dma_start3A_91 = tpu.memref_slice %arg12[%mul3A_81, %dma_start3A_90] : memref<10240x128xf32, #tpu.memory_space<vmem_shared>> -> memref<640x128xf32, #tpu.memory_space<vmem_shared>>
      tpu.enqueue_dma source(%dma_start3A_91 : memref<640x128xf32, #tpu.memory_space<vmem_shared>>) target(%dma_start3A_89 : memref<640x128xf32, #tpu.memory_space<hbm>>) target_semaphore(%run_scoped3A : memref<!tpu.dma_semaphore, #tpu.memory_space<semaphore_mem>>)
      %dma_wait3A_92 = arith.constant 0 : i32
      %dma_wait3A_93 = arith.constant 0 : i32
      %dma_wait3A_94 = tpu.memref_slice %arg5[%arg0, %dma_wait3A_92, %dma_wait3A_93] : memref<2x10240x128xf32, #tpu.memory_space<hbm>> -> memref<1x10240x128xf32, #tpu.memory_space<hbm>>
      %dma_wait3A_95 = tpu.memref_squeeze %dma_wait3A_94 : memref<1x10240x128xf32, #tpu.memory_space<hbm>> -> memref<10240x128xf32, #tpu.memory_space<hbm>>
      %dma_wait3A_96 = arith.constant 0 : i32
      %dma_wait3A_97 = tpu.memref_slice %dma_wait3A_95[%mul3A_83, %dma_wait3A_96] : memref<10240x128xf32, #tpu.memory_space<hbm>> -> memref<640x128xf32, #tpu.memory_space<hbm>>
      %dma_wait3A_98 = arith.constant 0 : i32
      %dma_wait3A_99 = tpu.memref_slice %arg12[%mul3A_81, %dma_wait3A_98] : memref<10240x128xf32, #tpu.memory_space<vmem_shared>> -> memref<640x128xf32, #tpu.memory_space<vmem_shared>>
      tpu.wait_dma2 semaphore(%run_scoped3A : memref<!tpu.dma_semaphore, #tpu.memory_space<semaphore_mem>>) src(%dma_wait3A_99 : memref<640x128xf32, #tpu.memory_space<vmem_shared>>) dst(%dma_wait3A_97 : memref<640x128xf32, #tpu.memory_space<hbm>>)
      tpu.yield
    }) : () -> ()
    return
  }
}

#map = affine_map<(d0, d1) -> (0, 0)>
#map1 = affine_map<(d0, d1) -> (0, 0, 0)>
module attributes {stable_mosaic.version = 14 : i64} {
  func.func @k(%arg0: i32, %arg1: i32, %arg2: memref<10240x128xf32, #tpu.memory_space<hbm>>, %arg3: memref<2560x128xi32, #tpu.memory_space<hbm>>, %arg4: memref<2560x128xi32, #tpu.memory_space<hbm>>, %arg5: memref<2x10240x128xf32, #tpu.memory_space<hbm>>, %arg6: memref<8x128xi32, #tpu.memory_space<vmem>>, %arg7: memref<8x128xi32, #tpu.memory_space<vmem>>, %arg8: memref<8x128xi32, #tpu.memory_space<vmem>>, %arg9: memref<8x128xi32, #tpu.memory_space<vmem>>, %arg10: memref<128x128xf32, #tpu.memory_space<vmem>>, %arg11: memref<128x128xf32, #tpu.memory_space<vmem>>, %arg12: memref<10240x128xf32, #tpu.memory_space<vmem_shared>>, %arg13: memref<!tpu.dma_semaphore, #tpu.memory_space<semaphore_mem>>, %arg14: memref<!tpu.dma_semaphore, #tpu.memory_space<semaphore_mem>>, %arg15: memref<!tpu.dma_semaphore, #tpu.memory_space<semaphore_mem>>) attributes {dimension_semantics = [#tpu.dimension_semantics<core_parallel>, #tpu.dimension_semantics<subcore_parallel>], iteration_bounds = array<i64: 2, 16>, scalar_prefetch = 0 : i64, scratch_operands = 10 : i64, tpu.core_type = #tpu.core_type<sc_vector_subcore>, window_params = [{transform_indices = #map}, {transform_indices = #map}, {transform_indices = #map}, {transform_indices = #map1}]} {
    %scan3A = arith.constant 0 : i32
    %scan3A_0 = arith.constant 128 : i32
    %scan3A_1 = arith.addi %scan3A, %scan3A_0 : i32
    %scan3A_2 = arith.constant 1 : i32
    scf.for %scan3A_84 = %scan3A to %scan3A_1 step %scan3A_2  : i32 {
      %mul3A_85 = arith.constant 1 : i32
      %mul3A_86 = arith.muli %scan3A_84, %mul3A_85 : i32
      %add3A_87 = arith.constant 0 : i32
      %add3A_88 = arith.addi %add3A_87, %mul3A_86 : i32
      %scan3A_89 = arith.constant 0 : i32
      %scan3A_90 = arith.constant 8 : i32
      %scan3A_91 = arith.addi %scan3A_89, %scan3A_90 : i32
      %scan3A_92 = arith.constant 1 : i32
      scf.for %scan3A_94 = %scan3A_89 to %scan3A_91 step %scan3A_92  : i32 {
        %mul3A_95 = arith.constant 16 : i32
        %mul3A_96 = arith.muli %scan3A_94, %mul3A_95 : i32
        %add3A_97 = arith.constant 0 : i32
        %add3A_98 = arith.addi %add3A_97, %mul3A_96 : i32
        %broadcast_in_dim3A = arith.constant 0.000000e+00 : f32
        %broadcast_in_dim3A_99 = vector.broadcast %broadcast_in_dim3A : f32 to vector<16xf32>
        %swap3A = arith.index_cast %add3A_88 : i32 to index
        %swap3A_100 = arith.index_cast %add3A_98 : i32 to index
        %swap3A_101 = tpu.vector_load %arg10[%swap3A, %swap3A_100] {strides = array<i32>} : memref<128x128xf32, #tpu.memory_space<vmem>>, vector<1x16xf32>,
        %swap3A_102 = vector.shape_cast %swap3A_101 : vector<1x16xf32> to vector<16xf32>
        %swap3A_103 = vector.shape_cast %broadcast_in_dim3A_99 : vector<16xf32> to vector<1x16xf32>
        tpu.vector_store %arg10[%swap3A, %swap3A_100], %swap3A_103 {strides = array<i32>} : memref<128x128xf32, #tpu.memory_space<vmem>>, vector<1x16xf32>,
      }
      %scan3A_93 = arith.constant 8 : i32
    }
    %scan3A_3 = arith.constant 128 : i32
    %scan3A_4 = arith.constant 0 : i32
    %scan3A_5 = arith.constant 5 : i32
    %scan3A_6 = arith.addi %scan3A_4, %scan3A_5 : i32
    %scan3A_7 = arith.constant 1 : i32
    scf.for %scan3A_84 = %scan3A_4 to %scan3A_6 step %scan3A_7  : i32 {
      %mul3A_85 = arith.constant 1 : i32
      %mul3A_86 = arith.muli %scan3A_84, %mul3A_85 : i32
      %add3A_87 = arith.constant 0 : i32
      %add3A_88 = arith.addi %add3A_87, %mul3A_86 : i32
      %mul3A_89 = arith.constant 640 : i32
      %mul3A_90 = arith.muli %arg1, %mul3A_89 : i32
      %mul3A_91 = arith.constant 128 : i32
      %mul3A_92 = arith.muli %add3A_88, %mul3A_91 : i32
      %add3A_93 = arith.addi %mul3A_90, %mul3A_92 : i32
      "tpu.region"() ({
        %run_scoped3A = tpu.sem_alloc : memref<!tpu.dma_semaphore, #tpu.memory_space<semaphore_mem>>
        %dma_start3A_94 = arith.constant 0 : i32
        %dma_start3A_95 = tpu.memref_slice %arg12[%add3A_93, %dma_start3A_94] : memref<10240x128xf32, #tpu.memory_space<vmem_shared>> -> memref<128x128xf32, #tpu.memory_space<vmem_shared>>
        %dma_start3A_96 = arith.constant 0 : i32
        %dma_start3A_97 = tpu.memref_slice %arg12[%add3A_93, %dma_start3A_96] : memref<10240x128xf32, #tpu.memory_space<vmem_shared>> -> memref<128x128xf32, #tpu.memory_space<vmem_shared>>
        tpu.enqueue_dma source(%arg10 : memref<128x128xf32, #tpu.memory_space<vmem>>) target(%dma_start3A_97 : memref<128x128xf32, #tpu.memory_space<vmem_shared>>) target_semaphore(%run_scoped3A : memref<!tpu.dma_semaphore, #tpu.memory_space<semaphore_mem>>)
        %dma_wait3A_98 = arith.constant 0 : i32
        %dma_wait3A_99 = tpu.memref_slice %arg12[%add3A_93, %dma_wait3A_98] : memref<10240x128xf32, #tpu.memory_space<vmem_shared>> -> memref<128x128xf32, #tpu.memory_space<vmem_shared>>
        %dma_wait3A_100 = arith.constant 0 : i32
        %dma_wait3A_101 = tpu.memref_slice %arg12[%add3A_93, %dma_wait3A_100] : memref<10240x128xf32, #tpu.memory_space<vmem_shared>> -> memref<128x128xf32, #tpu.memory_space<vmem_shared>>
        tpu.wait_dma2 semaphore(%run_scoped3A : memref<!tpu.dma_semaphore, #tpu.memory_space<semaphore_mem>>) src(%arg10 : memref<128x128xf32, #tpu.memory_space<vmem>>) dst(%dma_wait3A_101 : memref<128x128xf32, #tpu.memory_space<vmem_shared>>)
        tpu.yield
      }) : () -> ()
    }
    %scan3A_8 = arith.constant 5 : i32
    %mul3A = arith.constant 16 : i32
    %mul3A_9 = arith.muli %arg0, %mul3A : i32
    %add3A = arith.addi %mul3A_9, %arg1 : i32
    %mul3A_10 = arith.constant 80 : i32
    %mul3A_11 = arith.muli %add3A, %mul3A_10 : i32
    "tpu.region"() ({
      %run_scoped3A = tpu.sem_alloc : memref<!tpu.dma_semaphore, #tpu.memory_space<semaphore_mem>>
      %dma_start3A_84 = arith.constant 0 : i32
      %dma_start3A_85 = tpu.memref_slice %arg3[%mul3A_11, %dma_start3A_84] : memref<2560x128xi32, #tpu.memory_space<hbm>> -> memref<8x128xi32, #tpu.memory_space<hbm>>
      %dma_start3A_86 = arith.constant 0 : i32
      %dma_start3A_87 = tpu.memref_slice %arg3[%mul3A_11, %dma_start3A_86] : memref<2560x128xi32, #tpu.memory_space<hbm>> -> memref<8x128xi32, #tpu.memory_space<hbm>>
      tpu.enqueue_dma source(%dma_start3A_87 : memref<8x128xi32, #tpu.memory_space<hbm>>) target(%arg6 : memref<8x128xi32, #tpu.memory_space<vmem>>) target_semaphore(%run_scoped3A : memref<!tpu.dma_semaphore, #tpu.memory_space<semaphore_mem>>)
      %dma_wait3A_88 = arith.constant 0 : i32
      %dma_wait3A_89 = tpu.memref_slice %arg3[%mul3A_11, %dma_wait3A_88] : memref<2560x128xi32, #tpu.memory_space<hbm>> -> memref<8x128xi32, #tpu.memory_space<hbm>>
      %dma_wait3A_90 = arith.constant 0 : i32
      %dma_wait3A_91 = tpu.memref_slice %arg3[%mul3A_11, %dma_wait3A_90] : memref<2560x128xi32, #tpu.memory_space<hbm>> -> memref<8x128xi32, #tpu.memory_space<hbm>>
      tpu.wait_dma2 semaphore(%run_scoped3A : memref<!tpu.dma_semaphore, #tpu.memory_space<semaphore_mem>>) src(%dma_wait3A_91 : memref<8x128xi32, #tpu.memory_space<hbm>>) dst(%arg6 : memref<8x128xi32, #tpu.memory_space<vmem>>)
      tpu.yield
    }) : () -> ()
    "tpu.region"() ({
      %run_scoped3A = tpu.sem_alloc : memref<!tpu.dma_semaphore, #tpu.memory_space<semaphore_mem>>
      %dma_start3A_84 = arith.constant 0 : i32
      %dma_start3A_85 = tpu.memref_slice %arg4[%mul3A_11, %dma_start3A_84] : memref<2560x128xi32, #tpu.memory_space<hbm>> -> memref<8x128xi32, #tpu.memory_space<hbm>>
      %dma_start3A_86 = arith.constant 0 : i32
      %dma_start3A_87 = tpu.memref_slice %arg4[%mul3A_11, %dma_start3A_86] : memref<2560x128xi32, #tpu.memory_space<hbm>> -> memref<8x128xi32, #tpu.memory_space<hbm>>
      tpu.enqueue_dma source(%dma_start3A_87 : memref<8x128xi32, #tpu.memory_space<hbm>>) target(%arg7 : memref<8x128xi32, #tpu.memory_space<vmem>>) target_semaphore(%run_scoped3A : memref<!tpu.dma_semaphore, #tpu.memory_space<semaphore_mem>>)
      %dma_wait3A_88 = arith.constant 0 : i32
      %dma_wait3A_89 = tpu.memref_slice %arg4[%mul3A_11, %dma_wait3A_88] : memref<2560x128xi32, #tpu.memory_space<hbm>> -> memref<8x128xi32, #tpu.memory_space<hbm>>
      %dma_wait3A_90 = arith.constant 0 : i32
      %dma_wait3A_91 = tpu.memref_slice %arg4[%mul3A_11, %dma_wait3A_90] : memref<2560x128xi32, #tpu.memory_space<hbm>> -> memref<8x128xi32, #tpu.memory_space<hbm>>
      tpu.wait_dma2 semaphore(%run_scoped3A : memref<!tpu.dma_semaphore, #tpu.memory_space<semaphore_mem>>) src(%dma_wait3A_91 : memref<8x128xi32, #tpu.memory_space<hbm>>) dst(%arg7 : memref<8x128xi32, #tpu.memory_space<vmem>>)
      tpu.yield
    }) : () -> ()
    %add3A_12 = arith.constant 8 : i32
    %add3A_13 = arith.addi %mul3A_11, %add3A_12 : i32
    %dma_start3A = arith.constant 0 : i32
    %dma_start3A_14 = tpu.memref_slice %arg3[%add3A_13, %dma_start3A] : memref<2560x128xi32, #tpu.memory_space<hbm>> -> memref<8x128xi32, #tpu.memory_space<hbm>>
    %dma_start3A_15 = arith.constant 0 : i32
    %dma_start3A_16 = tpu.memref_slice %arg3[%add3A_13, %dma_start3A_15] : memref<2560x128xi32, #tpu.memory_space<hbm>> -> memref<8x128xi32, #tpu.memory_space<hbm>>
    tpu.enqueue_dma source(%dma_start3A_16 : memref<8x128xi32, #tpu.memory_space<hbm>>) target(%arg8 : memref<8x128xi32, #tpu.memory_space<vmem>>) target_semaphore(%arg15 : memref<!tpu.dma_semaphore, #tpu.memory_space<semaphore_mem>>)
    %add3A_17 = arith.constant 8 : i32
    %add3A_18 = arith.addi %mul3A_11, %add3A_17 : i32
    %dma_start3A_19 = arith.constant 0 : i32
    %dma_start3A_20 = tpu.memref_slice %arg4[%add3A_18, %dma_start3A_19] : memref<2560x128xi32, #tpu.memory_space<hbm>> -> memref<8x128xi32, #tpu.memory_space<hbm>>
    %dma_start3A_21 = arith.constant 0 : i32
    %dma_start3A_22 = tpu.memref_slice %arg4[%add3A_18, %dma_start3A_21] : memref<2560x128xi32, #tpu.memory_space<hbm>> -> memref<8x128xi32, #tpu.memory_space<hbm>>
    tpu.enqueue_dma source(%dma_start3A_22 : memref<8x128xi32, #tpu.memory_space<hbm>>) target(%arg9 : memref<8x128xi32, #tpu.memory_space<vmem>>) target_semaphore(%arg15 : memref<!tpu.dma_semaphore, #tpu.memory_space<semaphore_mem>>)
    %barrier3A = arith.constant 0 : index
    tpu.barrier barrier_id(%barrier3A)
    %dma_start3A_23 = arith.constant 0 : i32
    %dma_start3A_24 = arith.constant 0 : i32
    %dma_start3A_25 = arith.constant 0 : i32
    %dma_start3A_26 = tpu.memref_slice %arg10[%dma_start3A_24, %dma_start3A_25] : memref<128x128xf32, #tpu.memory_space<vmem>> -> memref<64x128xf32, #tpu.memory_space<vmem>>
    %dma_start3A_27 = arith.constant 0 : i32
    %dma_start3A_28 = tpu.memref_slice %arg6[%dma_start3A_23, %dma_start3A_27] : memref<8x128xi32, #tpu.memory_space<vmem>> -> memref<1x64xi32, #tpu.memory_space<vmem>>
    %dma_start3A_29 = tpu.memref_squeeze %dma_start3A_28 : memref<1x64xi32, #tpu.memory_space<vmem>> -> memref<64xi32, #tpu.memory_space<vmem>>
    %dma_start3A_30 = arith.constant 0 : i32
    %dma_start3A_31 = arith.constant 0 : i32
    %dma_start3A_32 = tpu.memref_slice %arg2[%dma_start3A_30, %dma_start3A_31] : memref<10240x128xf32, #tpu.memory_space<hbm>> -> memref<10240x128xf32, #tpu.memory_space<hbm>>
    tpu.enqueue_indirect_dma source(%dma_start3A_32 : memref<10240x128xf32, #tpu.memory_space<hbm>>) target(%dma_start3A_26 : memref<64x128xf32, #tpu.memory_space<vmem>>) offsets(%dma_start3A_29 : memref<64xi32, #tpu.memory_space<vmem>>) semaphore(%arg13 : memref<!tpu.dma_semaphore, #tpu.memory_space<semaphore_mem>>)
    %dma_start3A_33 = arith.constant 0 : i32
    %dma_start3A_34 = arith.constant 64 : i32
    %dma_start3A_35 = arith.constant 0 : i32
    %dma_start3A_36 = tpu.memref_slice %arg10[%dma_start3A_34, %dma_start3A_35] : memref<128x128xf32, #tpu.memory_space<vmem>> -> memref<64x128xf32, #tpu.memory_space<vmem>>
    %dma_start3A_37 = arith.constant 64 : i32
    %dma_start3A_38 = tpu.memref_slice %arg6[%dma_start3A_33, %dma_start3A_37] : memref<8x128xi32, #tpu.memory_space<vmem>> -> memref<1x64xi32, #tpu.memory_space<vmem>>
    %dma_start3A_39 = tpu.memref_squeeze %dma_start3A_38 : memref<1x64xi32, #tpu.memory_space<vmem>> -> memref<64xi32, #tpu.memory_space<vmem>>
    %dma_start3A_40 = arith.constant 0 : i32
    %dma_start3A_41 = arith.constant 0 : i32
    %dma_start3A_42 = tpu.memref_slice %arg2[%dma_start3A_40, %dma_start3A_41] : memref<10240x128xf32, #tpu.memory_space<hbm>> -> memref<10240x128xf32, #tpu.memory_space<hbm>>
    tpu.enqueue_indirect_dma source(%dma_start3A_42 : memref<10240x128xf32, #tpu.memory_space<hbm>>) target(%dma_start3A_36 : memref<64x128xf32, #tpu.memory_space<vmem>>) offsets(%dma_start3A_39 : memref<64xi32, #tpu.memory_space<vmem>>) semaphore(%arg13 : memref<!tpu.dma_semaphore, #tpu.memory_space<semaphore_mem>>)
    %scan3A_43 = arith.constant 0 : i32
    %scan3A_44 = arith.constant 5 : i32
    %scan3A_45 = arith.addi %scan3A_43, %scan3A_44 : i32
    %scan3A_46 = arith.constant 1 : i32
    scf.for %scan3A_84 = %scan3A_43 to %scan3A_45 step %scan3A_46  : i32 {
      %mul3A_85 = arith.constant 2 : i32
      %mul3A_86 = arith.muli %scan3A_84, %mul3A_85 : i32
      %add3A_87 = arith.constant 0 : i32
      %add3A_88 = arith.addi %add3A_87, %mul3A_86 : i32
      %dma_wait3A_89 = arith.constant 0 : i32
      %dma_wait3A_90 = arith.constant 0 : i32
      %dma_wait3A_91 = tpu.memref_slice %arg3[%dma_wait3A_89, %dma_wait3A_90] : memref<2560x128xi32, #tpu.memory_space<hbm>> -> memref<8x128xi32, #tpu.memory_space<hbm>>
      %dma_wait3A_92 = arith.constant 0 : i32
      %dma_wait3A_93 = arith.constant 0 : i32
      %dma_wait3A_94 = tpu.memref_slice %arg3[%dma_wait3A_92, %dma_wait3A_93] : memref<2560x128xi32, #tpu.memory_space<hbm>> -> memref<8x128xi32, #tpu.memory_space<hbm>>
      tpu.wait_dma2 semaphore(%arg15 : memref<!tpu.dma_semaphore, #tpu.memory_space<semaphore_mem>>) src(%dma_wait3A_94 : memref<8x128xi32, #tpu.memory_space<hbm>>) dst(%arg8 : memref<8x128xi32, #tpu.memory_space<vmem>>)
      %dma_wait3A_95 = arith.constant 0 : i32
      %dma_wait3A_96 = arith.constant 0 : i32
      %dma_wait3A_97 = tpu.memref_slice %arg4[%dma_wait3A_95, %dma_wait3A_96] : memref<2560x128xi32, #tpu.memory_space<hbm>> -> memref<8x128xi32, #tpu.memory_space<hbm>>
      %dma_wait3A_98 = arith.constant 0 : i32
      %dma_wait3A_99 = arith.constant 0 : i32
      %dma_wait3A_100 = tpu.memref_slice %arg4[%dma_wait3A_98, %dma_wait3A_99] : memref<2560x128xi32, #tpu.memory_space<hbm>> -> memref<8x128xi32, #tpu.memory_space<hbm>>
      tpu.wait_dma2 semaphore(%arg15 : memref<!tpu.dma_semaphore, #tpu.memory_space<semaphore_mem>>) src(%dma_wait3A_100 : memref<8x128xi32, #tpu.memory_space<hbm>>) dst(%arg9 : memref<8x128xi32, #tpu.memory_space<vmem>>)
      %scan3A_101 = arith.constant 0 : i32
      %scan3A_102 = arith.constant 3 : i32
      %scan3A_103 = arith.addi %scan3A_101, %scan3A_102 : i32
      %scan3A_104 = arith.constant 1 : i32
      scf.for %scan3A_317 = %scan3A_101 to %scan3A_103 step %scan3A_104  : i32 {
        %mul3A_318 = arith.constant 2 : i32
        %mul3A_319 = arith.muli %scan3A_317, %mul3A_318 : i32
        %add3A_320 = arith.constant 0 : i32
        %add3A_321 = arith.addi %add3A_320, %mul3A_319 : i32
        %add3A_322 = arith.constant 1 : i32
        %add3A_323 = arith.addi %add3A_321, %add3A_322 : i32
        %dma_start3A_324 = arith.constant 0 : i32
        %dma_start3A_325 = arith.constant 0 : i32
        %dma_start3A_326 = tpu.memref_slice %arg11[%dma_start3A_324, %dma_start3A_325] : memref<128x128xf32, #tpu.memory_space<vmem>> -> memref<64x128xf32, #tpu.memory_space<vmem>>
        %dma_start3A_327 = arith.constant 0 : i32
        %dma_start3A_328 = tpu.memref_slice %arg6[%add3A_323, %dma_start3A_327] : memref<8x128xi32, #tpu.memory_space<vmem>> -> memref<1x64xi32, #tpu.memory_space<vmem>>
        %dma_start3A_329 = tpu.memref_squeeze %dma_start3A_328 : memref<1x64xi32, #tpu.memory_space<vmem>> -> memref<64xi32, #tpu.memory_space<vmem>>
        %dma_start3A_330 = arith.constant 0 : i32
        %dma_start3A_331 = arith.constant 0 : i32
        %dma_start3A_332 = tpu.memref_slice %arg2[%dma_start3A_330, %dma_start3A_331] : memref<10240x128xf32, #tpu.memory_space<hbm>> -> memref<10240x128xf32, #tpu.memory_space<hbm>>
        tpu.enqueue_indirect_dma source(%dma_start3A_332 : memref<10240x128xf32, #tpu.memory_space<hbm>>) target(%dma_start3A_326 : memref<64x128xf32, #tpu.memory_space<vmem>>) offsets(%dma_start3A_329 : memref<64xi32, #tpu.memory_space<vmem>>) semaphore(%arg14 : memref<!tpu.dma_semaphore, #tpu.memory_space<semaphore_mem>>)
        %dma_start3A_333 = arith.constant 64 : i32
        %dma_start3A_334 = arith.constant 0 : i32
        %dma_start3A_335 = tpu.memref_slice %arg11[%dma_start3A_333, %dma_start3A_334] : memref<128x128xf32, #tpu.memory_space<vmem>> -> memref<64x128xf32, #tpu.memory_space<vmem>>
        %dma_start3A_336 = arith.constant 64 : i32
        %dma_start3A_337 = tpu.memref_slice %arg6[%add3A_323, %dma_start3A_336] : memref<8x128xi32, #tpu.memory_space<vmem>> -> memref<1x64xi32, #tpu.memory_space<vmem>>
        %dma_start3A_338 = tpu.memref_squeeze %dma_start3A_337 : memref<1x64xi32, #tpu.memory_space<vmem>> -> memref<64xi32, #tpu.memory_space<vmem>>
        %dma_start3A_339 = arith.constant 0 : i32
        %dma_start3A_340 = arith.constant 0 : i32
        %dma_start3A_341 = tpu.memref_slice %arg2[%dma_start3A_339, %dma_start3A_340] : memref<10240x128xf32, #tpu.memory_space<hbm>> -> memref<10240x128xf32, #tpu.memory_space<hbm>>
        tpu.enqueue_indirect_dma source(%dma_start3A_341 : memref<10240x128xf32, #tpu.memory_space<hbm>>) target(%dma_start3A_335 : memref<64x128xf32, #tpu.memory_space<vmem>>) offsets(%dma_start3A_338 : memref<64xi32, #tpu.memory_space<vmem>>) semaphore(%arg14 : memref<!tpu.dma_semaphore, #tpu.memory_space<semaphore_mem>>)
        %dma_wait3A_342 = arith.constant 0 : i32
        %dma_wait3A_343 = arith.constant 0 : i32
        %dma_wait3A_344 = tpu.memref_slice %arg10[%dma_wait3A_342, %dma_wait3A_343] : memref<128x128xf32, #tpu.memory_space<vmem>> -> memref<64x128xf32, #tpu.memory_space<vmem>>
        %dma_wait3A_345 = arith.constant 0 : i32
        %dma_wait3A_346 = tpu.memref_slice %arg6[%add3A_321, %dma_wait3A_345] : memref<8x128xi32, #tpu.memory_space<vmem>> -> memref<1x64xi32, #tpu.memory_space<vmem>>
        %dma_wait3A_347 = tpu.memref_squeeze %dma_wait3A_346 : memref<1x64xi32, #tpu.memory_space<vmem>> -> memref<64xi32, #tpu.memory_space<vmem>>
        %dma_wait3A_348 = arith.constant 0 : i32
        %dma_wait3A_349 = arith.constant 0 : i32
        %dma_wait3A_350 = tpu.memref_slice %arg2[%dma_wait3A_348, %dma_wait3A_349] : memref<10240x128xf32, #tpu.memory_space<hbm>> -> memref<10240x128xf32, #tpu.memory_space<hbm>>
        tpu.wait_indirect_dma semaphore(%arg13 : memref<!tpu.dma_semaphore, #tpu.memory_space<semaphore_mem>>) src(%dma_wait3A_350 : memref<10240x128xf32, #tpu.memory_space<hbm>>) dst(%dma_wait3A_344 : memref<64x128xf32, #tpu.memory_space<vmem>>)
        %dma_wait3A_351 = arith.constant 64 : i32
        %dma_wait3A_352 = arith.constant 0 : i32
        %dma_wait3A_353 = tpu.memref_slice %arg10[%dma_wait3A_351, %dma_wait3A_352] : memref<128x128xf32, #tpu.memory_space<vmem>> -> memref<64x128xf32, #tpu.memory_space<vmem>>
        %dma_wait3A_354 = arith.constant 64 : i32
        %dma_wait3A_355 = tpu.memref_slice %arg6[%add3A_321, %dma_wait3A_354] : memref<8x128xi32, #tpu.memory_space<vmem>> -> memref<1x64xi32, #tpu.memory_space<vmem>>
        %dma_wait3A_356 = tpu.memref_squeeze %dma_wait3A_355 : memref<1x64xi32, #tpu.memory_space<vmem>> -> memref<64xi32, #tpu.memory_space<vmem>>
        %dma_wait3A_357 = arith.constant 0 : i32
        %dma_wait3A_358 = arith.constant 0 : i32
        %dma_wait3A_359 = tpu.memref_slice %arg2[%dma_wait3A_357, %dma_wait3A_358] : memref<10240x128xf32, #tpu.memory_space<hbm>> -> memref<10240x128xf32, #tpu.memory_space<hbm>>
        tpu.wait_indirect_dma semaphore(%arg13 : memref<!tpu.dma_semaphore, #tpu.memory_space<semaphore_mem>>) src(%dma_wait3A_359 : memref<10240x128xf32, #tpu.memory_space<hbm>>) dst(%dma_wait3A_353 : memref<64x128xf32, #tpu.memory_space<vmem>>)
        "tpu.region"() ({
          %run_scoped3A_402 = tpu.sem_alloc : memref<!tpu.dma_semaphore, #tpu.memory_space<semaphore_mem>>
          %dma_start3A_403 = arith.constant 0 : i32
          %dma_start3A_404 = tpu.memref_slice %arg7[%add3A_321, %dma_start3A_403] : memref<8x128xi32, #tpu.memory_space<vmem>> -> memref<1x128xi32, #tpu.memory_space<vmem>>
          %dma_start3A_405 = tpu.memref_squeeze %dma_start3A_404 : memref<1x128xi32, #tpu.memory_space<vmem>> -> memref<128xi32, #tpu.memory_space<vmem>>
          %dma_start3A_406 = arith.constant 0 : i32
          %dma_start3A_407 = arith.constant 0 : i32
          %dma_start3A_408 = tpu.memref_slice %arg12[%dma_start3A_406, %dma_start3A_407] : memref<10240x128xf32, #tpu.memory_space<vmem_shared>> -> memref<10240x128xf32, #tpu.memory_space<vmem_shared>>
          tpu.enqueue_indirect_dma source(%arg10 : memref<128x128xf32, #tpu.memory_space<vmem>>) target(%dma_start3A_408 : memref<10240x128xf32, #tpu.memory_space<vmem_shared>>) offsets(%dma_start3A_405 : memref<128xi32, #tpu.memory_space<vmem>>) semaphore(%run_scoped3A_402 : memref<!tpu.dma_semaphore, #tpu.memory_space<semaphore_mem>>) {add = true}
          %dma_wait3A_409 = arith.constant 0 : i32
          %dma_wait3A_410 = tpu.memref_slice %arg7[%add3A_321, %dma_wait3A_409] : memref<8x128xi32, #tpu.memory_space<vmem>> -> memref<1x128xi32, #tpu.memory_space<vmem>>
          %dma_wait3A_411 = tpu.memref_squeeze %dma_wait3A_410 : memref<1x128xi32, #tpu.memory_space<vmem>> -> memref<128xi32, #tpu.memory_space<vmem>>
          %dma_wait3A_412 = arith.constant 0 : i32
          %dma_wait3A_413 = arith.constant 0 : i32
          %dma_wait3A_414 = tpu.memref_slice %arg12[%dma_wait3A_412, %dma_wait3A_413] : memref<10240x128xf32, #tpu.memory_space<vmem_shared>> -> memref<10240x128xf32, #tpu.memory_space<vmem_shared>>
          tpu.wait_indirect_dma semaphore(%run_scoped3A_402 : memref<!tpu.dma_semaphore, #tpu.memory_space<semaphore_mem>>) src(%arg10 : memref<128x128xf32, #tpu.memory_space<vmem>>) dst(%dma_wait3A_414 : memref<10240x128xf32, #tpu.memory_space<vmem_shared>>)
          tpu.yield
        }) : () -> ()
        %add3A_360 = arith.constant 2 : i32
        %add3A_361 = arith.addi %add3A_321, %add3A_360 : i32
        %dma_start3A_362 = arith.constant 0 : i32
        %dma_start3A_363 = arith.constant 0 : i32
        %dma_start3A_364 = tpu.memref_slice %arg10[%dma_start3A_362, %dma_start3A_363] : memref<128x128xf32, #tpu.memory_space<vmem>> -> memref<64x128xf32, #tpu.memory_space<vmem>>
        %dma_start3A_365 = arith.constant 0 : i32
        %dma_start3A_366 = tpu.memref_slice %arg6[%add3A_361, %dma_start3A_365] : memref<8x128xi32, #tpu.memory_space<vmem>> -> memref<1x64xi32, #tpu.memory_space<vmem>>
        %dma_start3A_367 = tpu.memref_squeeze %dma_start3A_366 : memref<1x64xi32, #tpu.memory_space<vmem>> -> memref<64xi32, #tpu.memory_space<vmem>>
        %dma_start3A_368 = arith.constant 0 : i32
        %dma_start3A_369 = arith.constant 0 : i32
        %dma_start3A_370 = tpu.memref_slice %arg2[%dma_start3A_368, %dma_start3A_369] : memref<10240x128xf32, #tpu.memory_space<hbm>> -> memref<10240x128xf32, #tpu.memory_space<hbm>>
        tpu.enqueue_indirect_dma source(%dma_start3A_370 : memref<10240x128xf32, #tpu.memory_space<hbm>>) target(%dma_start3A_364 : memref<64x128xf32, #tpu.memory_space<vmem>>) offsets(%dma_start3A_367 : memref<64xi32, #tpu.memory_space<vmem>>) semaphore(%arg13 : memref<!tpu.dma_semaphore, #tpu.memory_space<semaphore_mem>>)
        %dma_start3A_371 = arith.constant 64 : i32
        %dma_start3A_372 = arith.constant 0 : i32
        %dma_start3A_373 = tpu.memref_slice %arg10[%dma_start3A_371, %dma_start3A_372] : memref<128x128xf32, #tpu.memory_space<vmem>> -> memref<64x128xf32, #tpu.memory_space<vmem>>
        %dma_start3A_374 = arith.constant 64 : i32
        %dma_start3A_375 = tpu.memref_slice %arg6[%add3A_361, %dma_start3A_374] : memref<8x128xi32, #tpu.memory_space<vmem>> -> memref<1x64xi32, #tpu.memory_space<vmem>>
        %dma_start3A_376 = tpu.memref_squeeze %dma_start3A_375 : memref<1x64xi32, #tpu.memory_space<vmem>> -> memref<64xi32, #tpu.memory_space<vmem>>
        %dma_start3A_377 = arith.constant 0 : i32
        %dma_start3A_378 = arith.constant 0 : i32
        %dma_start3A_379 = tpu.memref_slice %arg2[%dma_start3A_377, %dma_start3A_378] : memref<10240x128xf32, #tpu.memory_space<hbm>> -> memref<10240x128xf32, #tpu.memory_space<hbm>>
        tpu.enqueue_indirect_dma source(%dma_start3A_379 : memref<10240x128xf32, #tpu.memory_space<hbm>>) target(%dma_start3A_373 : memref<64x128xf32, #tpu.memory_space<vmem>>) offsets(%dma_start3A_376 : memref<64xi32, #tpu.memory_space<vmem>>) semaphore(%arg13 : memref<!tpu.dma_semaphore, #tpu.memory_space<semaphore_mem>>)
        %add3A_380 = arith.constant 1 : i32
        %add3A_381 = arith.addi %add3A_321, %add3A_380 : i32
        %dma_wait3A_382 = arith.constant 0 : i32
        %dma_wait3A_383 = arith.constant 0 : i32
        %dma_wait3A_384 = tpu.memref_slice %arg11[%dma_wait3A_382, %dma_wait3A_383] : memref<128x128xf32, #tpu.memory_space<vmem>> -> memref<64x128xf32, #tpu.memory_space<vmem>>
        %dma_wait3A_385 = arith.constant 0 : i32
        %dma_wait3A_386 = tpu.memref_slice %arg6[%add3A_381, %dma_wait3A_385] : memref<8x128xi32, #tpu.memory_space<vmem>> -> memref<1x64xi32, #tpu.memory_space<vmem>>
        %dma_wait3A_387 = tpu.memref_squeeze %dma_wait3A_386 : memref<1x64xi32, #tpu.memory_space<vmem>> -> memref<64xi32, #tpu.memory_space<vmem>>
        %dma_wait3A_388 = arith.constant 0 : i32
        %dma_wait3A_389 = arith.constant 0 : i32
        %dma_wait3A_390 = tpu.memref_slice %arg2[%dma_wait3A_388, %dma_wait3A_389] : memref<10240x128xf32, #tpu.memory_space<hbm>> -> memref<10240x128xf32, #tpu.memory_space<hbm>>
        tpu.wait_indirect_dma semaphore(%arg14 : memref<!tpu.dma_semaphore, #tpu.memory_space<semaphore_mem>>) src(%dma_wait3A_390 : memref<10240x128xf32, #tpu.memory_space<hbm>>) dst(%dma_wait3A_384 : memref<64x128xf32, #tpu.memory_space<vmem>>)
        %dma_wait3A_391 = arith.constant 64 : i32
        %dma_wait3A_392 = arith.constant 0 : i32
        %dma_wait3A_393 = tpu.memref_slice %arg11[%dma_wait3A_391, %dma_wait3A_392] : memref<128x128xf32, #tpu.memory_space<vmem>> -> memref<64x128xf32, #tpu.memory_space<vmem>>
        %dma_wait3A_394 = arith.constant 64 : i32
        %dma_wait3A_395 = tpu.memref_slice %arg6[%add3A_381, %dma_wait3A_394] : memref<8x128xi32, #tpu.memory_space<vmem>> -> memref<1x64xi32, #tpu.memory_space<vmem>>
        %dma_wait3A_396 = tpu.memref_squeeze %dma_wait3A_395 : memref<1x64xi32, #tpu.memory_space<vmem>> -> memref<64xi32, #tpu.memory_space<vmem>>
        %dma_wait3A_397 = arith.constant 0 : i32
        %dma_wait3A_398 = arith.constant 0 : i32
        %dma_wait3A_399 = tpu.memref_slice %arg2[%dma_wait3A_397, %dma_wait3A_398] : memref<10240x128xf32, #tpu.memory_space<hbm>> -> memref<10240x128xf32, #tpu.memory_space<hbm>>
        tpu.wait_indirect_dma semaphore(%arg14 : memref<!tpu.dma_semaphore, #tpu.memory_space<semaphore_mem>>) src(%dma_wait3A_399 : memref<10240x128xf32, #tpu.memory_space<hbm>>) dst(%dma_wait3A_393 : memref<64x128xf32, #tpu.memory_space<vmem>>)
        %add3A_400 = arith.constant 1 : i32
        %add3A_401 = arith.addi %add3A_321, %add3A_400 : i32
        "tpu.region"() ({
          %run_scoped3A_402 = tpu.sem_alloc : memref<!tpu.dma_semaphore, #tpu.memory_space<semaphore_mem>>
          %dma_start3A_403 = arith.constant 0 : i32
          %dma_start3A_404 = tpu.memref_slice %arg7[%add3A_401, %dma_start3A_403] : memref<8x128xi32, #tpu.memory_space<vmem>> -> memref<1x128xi32, #tpu.memory_space<vmem>>
          %dma_start3A_405 = tpu.memref_squeeze %dma_start3A_404 : memref<1x128xi32, #tpu.memory_space<vmem>> -> memref<128xi32, #tpu.memory_space<vmem>>
          %dma_start3A_406 = arith.constant 0 : i32
          %dma_start3A_407 = arith.constant 0 : i32
          %dma_start3A_408 = tpu.memref_slice %arg12[%dma_start3A_406, %dma_start3A_407] : memref<10240x128xf32, #tpu.memory_space<vmem_shared>> -> memref<10240x128xf32, #tpu.memory_space<vmem_shared>>
          tpu.enqueue_indirect_dma source(%arg11 : memref<128x128xf32, #tpu.memory_space<vmem>>) target(%dma_start3A_408 : memref<10240x128xf32, #tpu.memory_space<vmem_shared>>) offsets(%dma_start3A_405 : memref<128xi32, #tpu.memory_space<vmem>>) semaphore(%run_scoped3A_402 : memref<!tpu.dma_semaphore, #tpu.memory_space<semaphore_mem>>) {add = true}
          %dma_wait3A_409 = arith.constant 0 : i32
          %dma_wait3A_410 = tpu.memref_slice %arg7[%add3A_401, %dma_wait3A_409] : memref<8x128xi32, #tpu.memory_space<vmem>> -> memref<1x128xi32, #tpu.memory_space<vmem>>
          %dma_wait3A_411 = tpu.memref_squeeze %dma_wait3A_410 : memref<1x128xi32, #tpu.memory_space<vmem>> -> memref<128xi32, #tpu.memory_space<vmem>>
          %dma_wait3A_412 = arith.constant 0 : i32
          %dma_wait3A_413 = arith.constant 0 : i32
          %dma_wait3A_414 = tpu.memref_slice %arg12[%dma_wait3A_412, %dma_wait3A_413] : memref<10240x128xf32, #tpu.memory_space<vmem_shared>> -> memref<10240x128xf32, #tpu.memory_space<vmem_shared>>
          tpu.wait_indirect_dma semaphore(%run_scoped3A_402 : memref<!tpu.dma_semaphore, #tpu.memory_space<semaphore_mem>>) src(%arg11 : memref<128x128xf32, #tpu.memory_space<vmem>>) dst(%dma_wait3A_414 : memref<10240x128xf32, #tpu.memory_space<vmem_shared>>)
          tpu.yield
        }) : () -> ()
      }
      %scan3A_105 = arith.constant 3 : i32
      %dma_start3A_106 = arith.constant 7 : i32
      %dma_start3A_107 = arith.constant 0 : i32
      %dma_start3A_108 = arith.constant 0 : i32
      %dma_start3A_109 = tpu.memref_slice %arg11[%dma_start3A_107, %dma_start3A_108] : memref<128x128xf32, #tpu.memory_space<vmem>> -> memref<64x128xf32, #tpu.memory_space<vmem>>
      %dma_start3A_110 = arith.constant 0 : i32
      %dma_start3A_111 = tpu.memref_slice %arg6[%dma_start3A_106, %dma_start3A_110] : memref<8x128xi32, #tpu.memory_space<vmem>> -> memref<1x64xi32, #tpu.memory_space<vmem>>
      %dma_start3A_112 = tpu.memref_squeeze %dma_start3A_111 : memref<1x64xi32, #tpu.memory_space<vmem>> -> memref<64xi32, #tpu.memory_space<vmem>>
      %dma_start3A_113 = arith.constant 0 : i32
      %dma_start3A_114 = arith.constant 0 : i32
      %dma_start3A_115 = tpu.memref_slice %arg2[%dma_start3A_113, %dma_start3A_114] : memref<10240x128xf32, #tpu.memory_space<hbm>> -> memref<10240x128xf32, #tpu.memory_space<hbm>>
      tpu.enqueue_indirect_dma source(%dma_start3A_115 : memref<10240x128xf32, #tpu.memory_space<hbm>>) target(%dma_start3A_109 : memref<64x128xf32, #tpu.memory_space<vmem>>) offsets(%dma_start3A_112 : memref<64xi32, #tpu.memory_space<vmem>>) semaphore(%arg14 : memref<!tpu.dma_semaphore, #tpu.memory_space<semaphore_mem>>)
      %dma_start3A_116 = arith.constant 7 : i32
      %dma_start3A_117 = arith.constant 64 : i32
      %dma_start3A_118 = arith.constant 0 : i32
      %dma_start3A_119 = tpu.memref_slice %arg11[%dma_start3A_117, %dma_start3A_118] : memref<128x128xf32, #tpu.memory_space<vmem>> -> memref<64x128xf32, #tpu.memory_space<vmem>>
      %dma_start3A_120 = arith.constant 64 : i32
      %dma_start3A_121 = tpu.memref_slice %arg6[%dma_start3A_116, %dma_start3A_120] : memref<8x128xi32, #tpu.memory_space<vmem>> -> memref<1x64xi32, #tpu.memory_space<vmem>>
      %dma_start3A_122 = tpu.memref_squeeze %dma_start3A_121 : memref<1x64xi32, #tpu.memory_space<vmem>> -> memref<64xi32, #tpu.memory_space<vmem>>
      %dma_start3A_123 = arith.constant 0 : i32
      %dma_start3A_124 = arith.constant 0 : i32
      %dma_start3A_125 = tpu.memref_slice %arg2[%dma_start3A_123, %dma_start3A_124] : memref<10240x128xf32, #tpu.memory_space<hbm>> -> memref<10240x128xf32, #tpu.memory_space<hbm>>
      tpu.enqueue_indirect_dma source(%dma_start3A_125 : memref<10240x128xf32, #tpu.memory_space<hbm>>) target(%dma_start3A_119 : memref<64x128xf32, #tpu.memory_space<vmem>>) offsets(%dma_start3A_122 : memref<64xi32, #tpu.memory_space<vmem>>) semaphore(%arg14 : memref<!tpu.dma_semaphore, #tpu.memory_space<semaphore_mem>>)
      %dma_wait3A_126 = arith.constant 6 : i32
      %dma_wait3A_127 = arith.constant 0 : i32
      %dma_wait3A_128 = arith.constant 0 : i32
      %dma_wait3A_129 = tpu.memref_slice %arg10[%dma_wait3A_127, %dma_wait3A_128] : memref<128x128xf32, #tpu.memory_space<vmem>> -> memref<64x128xf32, #tpu.memory_space<vmem>>
      %dma_wait3A_130 = arith.constant 0 : i32
      %dma_wait3A_131 = tpu.memref_slice %arg6[%dma_wait3A_126, %dma_wait3A_130] : memref<8x128xi32, #tpu.memory_space<vmem>> -> memref<1x64xi32, #tpu.memory_space<vmem>>
      %dma_wait3A_132 = tpu.memref_squeeze %dma_wait3A_131 : memref<1x64xi32, #tpu.memory_space<vmem>> -> memref<64xi32, #tpu.memory_space<vmem>>
      %dma_wait3A_133 = arith.constant 0 : i32
      %dma_wait3A_134 = arith.constant 0 : i32
      %dma_wait3A_135 = tpu.memref_slice %arg2[%dma_wait3A_133, %dma_wait3A_134] : memref<10240x128xf32, #tpu.memory_space<hbm>> -> memref<10240x128xf32, #tpu.memory_space<hbm>>
      tpu.wait_indirect_dma semaphore(%arg13 : memref<!tpu.dma_semaphore, #tpu.memory_space<semaphore_mem>>) src(%dma_wait3A_135 : memref<10240x128xf32, #tpu.memory_space<hbm>>) dst(%dma_wait3A_129 : memref<64x128xf32, #tpu.memory_space<vmem>>)
      %dma_wait3A_136 = arith.constant 6 : i32
      %dma_wait3A_137 = arith.constant 64 : i32
      %dma_wait3A_138 = arith.constant 0 : i32
      %dma_wait3A_139 = tpu.memref_slice %arg10[%dma_wait3A_137, %dma_wait3A_138] : memref<128x128xf32, #tpu.memory_space<vmem>> -> memref<64x128xf32, #tpu.memory_space<vmem>>
      %dma_wait3A_140 = arith.constant 64 : i32
      %dma_wait3A_141 = tpu.memref_slice %arg6[%dma_wait3A_136, %dma_wait3A_140] : memref<8x128xi32, #tpu.memory_space<vmem>> -> memref<1x64xi32, #tpu.memory_space<vmem>>
      %dma_wait3A_142 = tpu.memref_squeeze %dma_wait3A_141 : memref<1x64xi32, #tpu.memory_space<vmem>> -> memref<64xi32, #tpu.memory_space<vmem>>
      %dma_wait3A_143 = arith.constant 0 : i32
      %dma_wait3A_144 = arith.constant 0 : i32
      %dma_wait3A_145 = tpu.memref_slice %arg2[%dma_wait3A_143, %dma_wait3A_144] : memref<10240x128xf32, #tpu.memory_space<hbm>> -> memref<10240x128xf32, #tpu.memory_space<hbm>>
      tpu.wait_indirect_dma semaphore(%arg13 : memref<!tpu.dma_semaphore, #tpu.memory_space<semaphore_mem>>) src(%dma_wait3A_145 : memref<10240x128xf32, #tpu.memory_space<hbm>>) dst(%dma_wait3A_139 : memref<64x128xf32, #tpu.memory_space<vmem>>)
      %run_scoped3A = arith.constant 6 : i32
      "tpu.region"() ({
        %run_scoped3A_317 = tpu.sem_alloc : memref<!tpu.dma_semaphore, #tpu.memory_space<semaphore_mem>>
        %dma_start3A_318 = arith.constant 0 : i32
        %dma_start3A_319 = tpu.memref_slice %arg7[%run_scoped3A, %dma_start3A_318] : memref<8x128xi32, #tpu.memory_space<vmem>> -> memref<1x128xi32, #tpu.memory_space<vmem>>
        %dma_start3A_320 = tpu.memref_squeeze %dma_start3A_319 : memref<1x128xi32, #tpu.memory_space<vmem>> -> memref<128xi32, #tpu.memory_space<vmem>>
        %dma_start3A_321 = arith.constant 0 : i32
        %dma_start3A_322 = arith.constant 0 : i32
        %dma_start3A_323 = tpu.memref_slice %arg12[%dma_start3A_321, %dma_start3A_322] : memref<10240x128xf32, #tpu.memory_space<vmem_shared>> -> memref<10240x128xf32, #tpu.memory_space<vmem_shared>>
        tpu.enqueue_indirect_dma source(%arg10 : memref<128x128xf32, #tpu.memory_space<vmem>>) target(%dma_start3A_323 : memref<10240x128xf32, #tpu.memory_space<vmem_shared>>) offsets(%dma_start3A_320 : memref<128xi32, #tpu.memory_space<vmem>>) semaphore(%run_scoped3A_317 : memref<!tpu.dma_semaphore, #tpu.memory_space<semaphore_mem>>) {add = true}
        %dma_wait3A_324 = arith.constant 0 : i32
        %dma_wait3A_325 = tpu.memref_slice %arg7[%run_scoped3A, %dma_wait3A_324] : memref<8x128xi32, #tpu.memory_space<vmem>> -> memref<1x128xi32, #tpu.memory_space<vmem>>
        %dma_wait3A_326 = tpu.memref_squeeze %dma_wait3A_325 : memref<1x128xi32, #tpu.memory_space<vmem>> -> memref<128xi32, #tpu.memory_space<vmem>>
        %dma_wait3A_327 = arith.constant 0 : i32
        %dma_wait3A_328 = arith.constant 0 : i32
        %dma_wait3A_329 = tpu.memref_slice %arg12[%dma_wait3A_327, %dma_wait3A_328] : memref<10240x128xf32, #tpu.memory_space<vmem_shared>> -> memref<10240x128xf32, #tpu.memory_space<vmem_shared>>
        tpu.wait_indirect_dma semaphore(%run_scoped3A_317 : memref<!tpu.dma_semaphore, #tpu.memory_space<semaphore_mem>>) src(%arg10 : memref<128x128xf32, #tpu.memory_space<vmem>>) dst(%dma_wait3A_329 : memref<10240x128xf32, #tpu.memory_space<vmem_shared>>)
        tpu.yield
      }) : () -> ()
      %dma_start3A_146 = arith.constant 0 : i32
      %dma_start3A_147 = arith.constant 0 : i32
      %dma_start3A_148 = arith.constant 0 : i32
      %dma_start3A_149 = tpu.memref_slice %arg10[%dma_start3A_147, %dma_start3A_148] : memref<128x128xf32, #tpu.memory_space<vmem>> -> memref<64x128xf32, #tpu.memory_space<vmem>>
      %dma_start3A_150 = arith.constant 0 : i32
      %dma_start3A_151 = tpu.memref_slice %arg8[%dma_start3A_146, %dma_start3A_150] : memref<8x128xi32, #tpu.memory_space<vmem>> -> memref<1x64xi32, #tpu.memory_space<vmem>>
      %dma_start3A_152 = tpu.memref_squeeze %dma_start3A_151 : memref<1x64xi32, #tpu.memory_space<vmem>> -> memref<64xi32, #tpu.memory_space<vmem>>
      %dma_start3A_153 = arith.constant 0 : i32
      %dma_start3A_154 = arith.constant 0 : i32
      %dma_start3A_155 = tpu.memref_slice %arg2[%dma_start3A_153, %dma_start3A_154] : memref<10240x128xf32, #tpu.memory_space<hbm>> -> memref<10240x128xf32, #tpu.memory_space<hbm>>
      tpu.enqueue_indirect_dma source(%dma_start3A_155 : memref<10240x128xf32, #tpu.memory_space<hbm>>) target(%dma_start3A_149 : memref<64x128xf32, #tpu.memory_space<vmem>>) offsets(%dma_start3A_152 : memref<64xi32, #tpu.memory_space<vmem>>) semaphore(%arg13 : memref<!tpu.dma_semaphore, #tpu.memory_space<semaphore_mem>>)
      %dma_start3A_156 = arith.constant 0 : i32
      %dma_start3A_157 = arith.constant 64 : i32
      %dma_start3A_158 = arith.constant 0 : i32
      %dma_start3A_159 = tpu.memref_slice %arg10[%dma_start3A_157, %dma_start3A_158] : memref<128x128xf32, #tpu.memory_space<vmem>> -> memref<64x128xf32, #tpu.memory_space<vmem>>
      %dma_start3A_160 = arith.constant 64 : i32
      %dma_start3A_161 = tpu.memref_slice %arg8[%dma_start3A_156, %dma_start3A_160] : memref<8x128xi32, #tpu.memory_space<vmem>> -> memref<1x64xi32, #tpu.memory_space<vmem>>
      %dma_start3A_162 = tpu.memref_squeeze %dma_start3A_161 : memref<1x64xi32, #tpu.memory_space<vmem>> -> memref<64xi32, #tpu.memory_space<vmem>>
      %dma_start3A_163 = arith.constant 0 : i32
      %dma_start3A_164 = arith.constant 0 : i32
      %dma_start3A_165 = tpu.memref_slice %arg2[%dma_start3A_163, %dma_start3A_164] : memref<10240x128xf32, #tpu.memory_space<hbm>> -> memref<10240x128xf32, #tpu.memory_space<hbm>>
      tpu.enqueue_indirect_dma source(%dma_start3A_165 : memref<10240x128xf32, #tpu.memory_space<hbm>>) target(%dma_start3A_159 : memref<64x128xf32, #tpu.memory_space<vmem>>) offsets(%dma_start3A_162 : memref<64xi32, #tpu.memory_space<vmem>>) semaphore(%arg13 : memref<!tpu.dma_semaphore, #tpu.memory_space<semaphore_mem>>)
      %dma_wait3A_166 = arith.constant 7 : i32
      %dma_wait3A_167 = arith.constant 0 : i32
      %dma_wait3A_168 = arith.constant 0 : i32
      %dma_wait3A_169 = tpu.memref_slice %arg11[%dma_wait3A_167, %dma_wait3A_168] : memref<128x128xf32, #tpu.memory_space<vmem>> -> memref<64x128xf32, #tpu.memory_space<vmem>>
      %dma_wait3A_170 = arith.constant 0 : i32
      %dma_wait3A_171 = tpu.memref_slice %arg6[%dma_wait3A_166, %dma_wait3A_170] : memref<8x128xi32, #tpu.memory_space<vmem>> -> memref<1x64xi32, #tpu.memory_space<vmem>>
      %dma_wait3A_172 = tpu.memref_squeeze %dma_wait3A_171 : memref<1x64xi32, #tpu.memory_space<vmem>> -> memref<64xi32, #tpu.memory_space<vmem>>
      %dma_wait3A_173 = arith.constant 0 : i32
      %dma_wait3A_174 = arith.constant 0 : i32
      %dma_wait3A_175 = tpu.memref_slice %arg2[%dma_wait3A_173, %dma_wait3A_174] : memref<10240x128xf32, #tpu.memory_space<hbm>> -> memref<10240x128xf32, #tpu.memory_space<hbm>>
      tpu.wait_indirect_dma semaphore(%arg14 : memref<!tpu.dma_semaphore, #tpu.memory_space<semaphore_mem>>) src(%dma_wait3A_175 : memref<10240x128xf32, #tpu.memory_space<hbm>>) dst(%dma_wait3A_169 : memref<64x128xf32, #tpu.memory_space<vmem>>)
      %dma_wait3A_176 = arith.constant 7 : i32
      %dma_wait3A_177 = arith.constant 64 : i32
      %dma_wait3A_178 = arith.constant 0 : i32
      %dma_wait3A_179 = tpu.memref_slice %arg11[%dma_wait3A_177, %dma_wait3A_178] : memref<128x128xf32, #tpu.memory_space<vmem>> -> memref<64x128xf32, #tpu.memory_space<vmem>>
      %dma_wait3A_180 = arith.constant 64 : i32
      %dma_wait3A_181 = tpu.memref_slice %arg6[%dma_wait3A_176, %dma_wait3A_180] : memref<8x128xi32, #tpu.memory_space<vmem>> -> memref<1x64xi32, #tpu.memory_space<vmem>>
      %dma_wait3A_182 = tpu.memref_squeeze %dma_wait3A_181 : memref<1x64xi32, #tpu.memory_space<vmem>> -> memref<64xi32, #tpu.memory_space<vmem>>
      %dma_wait3A_183 = arith.constant 0 : i32
      %dma_wait3A_184 = arith.constant 0 : i32
      %dma_wait3A_185 = tpu.memref_slice %arg2[%dma_wait3A_183, %dma_wait3A_184] : memref<10240x128xf32, #tpu.memory_space<hbm>> -> memref<10240x128xf32, #tpu.memory_space<hbm>>
      tpu.wait_indirect_dma semaphore(%arg14 : memref<!tpu.dma_semaphore, #tpu.memory_space<semaphore_mem>>) src(%dma_wait3A_185 : memref<10240x128xf32, #tpu.memory_space<hbm>>) dst(%dma_wait3A_179 : memref<64x128xf32, #tpu.memory_space<vmem>>)
      %run_scoped3A_186 = arith.constant 7 : i32
      "tpu.region"() ({
        %run_scoped3A_317 = tpu.sem_alloc : memref<!tpu.dma_semaphore, #tpu.memory_space<semaphore_mem>>
        %dma_start3A_318 = arith.constant 0 : i32
        %dma_start3A_319 = tpu.memref_slice %arg7[%run_scoped3A_186, %dma_start3A_318] : memref<8x128xi32, #tpu.memory_space<vmem>> -> memref<1x128xi32, #tpu.memory_space<vmem>>
        %dma_start3A_320 = tpu.memref_squeeze %dma_start3A_319 : memref<1x128xi32, #tpu.memory_space<vmem>> -> memref<128xi32, #tpu.memory_space<vmem>>
        %dma_start3A_321 = arith.constant 0 : i32
        %dma_start3A_322 = arith.constant 0 : i32
        %dma_start3A_323 = tpu.memref_slice %arg12[%dma_start3A_321, %dma_start3A_322] : memref<10240x128xf32, #tpu.memory_space<vmem_shared>> -> memref<10240x128xf32, #tpu.memory_space<vmem_shared>>
        tpu.enqueue_indirect_dma source(%arg11 : memref<128x128xf32, #tpu.memory_space<vmem>>) target(%dma_start3A_323 : memref<10240x128xf32, #tpu.memory_space<vmem_shared>>) offsets(%dma_start3A_320 : memref<128xi32, #tpu.memory_space<vmem>>) semaphore(%run_scoped3A_317 : memref<!tpu.dma_semaphore, #tpu.memory_space<semaphore_mem>>) {add = true}
        %dma_wait3A_324 = arith.constant 0 : i32
        %dma_wait3A_325 = tpu.memref_slice %arg7[%run_scoped3A_186, %dma_wait3A_324] : memref<8x128xi32, #tpu.memory_space<vmem>> -> memref<1x128xi32, #tpu.memory_space<vmem>>
        %dma_wait3A_326 = tpu.memref_squeeze %dma_wait3A_325 : memref<1x128xi32, #tpu.memory_space<vmem>> -> memref<128xi32, #tpu.memory_space<vmem>>
        %dma_wait3A_327 = arith.constant 0 : i32
        %dma_wait3A_328 = arith.constant 0 : i32
        %dma_wait3A_329 = tpu.memref_slice %arg12[%dma_wait3A_327, %dma_wait3A_328] : memref<10240x128xf32, #tpu.memory_space<vmem_shared>> -> memref<10240x128xf32, #tpu.memory_space<vmem_shared>>
        tpu.wait_indirect_dma semaphore(%run_scoped3A_317 : memref<!tpu.dma_semaphore, #tpu.memory_space<semaphore_mem>>) src(%arg11 : memref<128x128xf32, #tpu.memory_space<vmem>>) dst(%dma_wait3A_329 : memref<10240x128xf32, #tpu.memory_space<vmem_shared>>)
        tpu.yield
      }) : () -> ()
      %add3A_187 = arith.constant 2 : i32
      %add3A_188 = arith.addi %add3A_88, %add3A_187 : i32
      %min3A = arith.constant 9 : i32
      %min3A_189 = arith.minsi %add3A_188, %min3A : i32
      %mul3A_190 = arith.constant 8 : i32
      %mul3A_191 = arith.muli %min3A_189, %mul3A_190 : i32
      %add3A_192 = arith.addi %mul3A_11, %mul3A_191 : i32
      %dma_start3A_193 = arith.constant 0 : i32
      %dma_start3A_194 = tpu.memref_slice %arg3[%add3A_192, %dma_start3A_193] : memref<2560x128xi32, #tpu.memory_space<hbm>> -> memref<8x128xi32, #tpu.memory_space<hbm>>
      %dma_start3A_195 = arith.constant 0 : i32
      %dma_start3A_196 = tpu.memref_slice %arg3[%add3A_192, %dma_start3A_195] : memref<2560x128xi32, #tpu.memory_space<hbm>> -> memref<8x128xi32, #tpu.memory_space<hbm>>
      tpu.enqueue_dma source(%dma_start3A_196 : memref<8x128xi32, #tpu.memory_space<hbm>>) target(%arg6 : memref<8x128xi32, #tpu.memory_space<vmem>>) target_semaphore(%arg15 : memref<!tpu.dma_semaphore, #tpu.memory_space<semaphore_mem>>)
      %add3A_197 = arith.addi %mul3A_11, %mul3A_191 : i32
      %dma_start3A_198 = arith.constant 0 : i32
      %dma_start3A_199 = tpu.memref_slice %arg4[%add3A_197, %dma_start3A_198] : memref<2560x128xi32, #tpu.memory_space<hbm>> -> memref<8x128xi32, #tpu.memory_space<hbm>>
      %dma_start3A_200 = arith.constant 0 : i32
      %dma_start3A_201 = tpu.memref_slice %arg4[%add3A_197, %dma_start3A_200] : memref<2560x128xi32, #tpu.memory_space<hbm>> -> memref<8x128xi32, #tpu.memory_space<hbm>>
      tpu.enqueue_dma source(%dma_start3A_201 : memref<8x128xi32, #tpu.memory_space<hbm>>) target(%arg7 : memref<8x128xi32, #tpu.memory_space<vmem>>) target_semaphore(%arg15 : memref<!tpu.dma_semaphore, #tpu.memory_space<semaphore_mem>>)
      %dma_wait3A_202 = arith.constant 0 : i32
      %dma_wait3A_203 = arith.constant 0 : i32
      %dma_wait3A_204 = tpu.memref_slice %arg3[%dma_wait3A_202, %dma_wait3A_203] : memref<2560x128xi32, #tpu.memory_space<hbm>> -> memref<8x128xi32, #tpu.memory_space<hbm>>
      %dma_wait3A_205 = arith.constant 0 : i32
      %dma_wait3A_206 = arith.constant 0 : i32
      %dma_wait3A_207 = tpu.memref_slice %arg3[%dma_wait3A_205, %dma_wait3A_206] : memref<2560x128xi32, #tpu.memory_space<hbm>> -> memref<8x128xi32, #tpu.memory_space<hbm>>
      tpu.wait_dma2 semaphore(%arg15 : memref<!tpu.dma_semaphore, #tpu.memory_space<semaphore_mem>>) src(%dma_wait3A_207 : memref<8x128xi32, #tpu.memory_space<hbm>>) dst(%arg6 : memref<8x128xi32, #tpu.memory_space<vmem>>)
      %dma_wait3A_208 = arith.constant 0 : i32
      %dma_wait3A_209 = arith.constant 0 : i32
      %dma_wait3A_210 = tpu.memref_slice %arg4[%dma_wait3A_208, %dma_wait3A_209] : memref<2560x128xi32, #tpu.memory_space<hbm>> -> memref<8x128xi32, #tpu.memory_space<hbm>>
      %dma_wait3A_211 = arith.constant 0 : i32
      %dma_wait3A_212 = arith.constant 0 : i32
      %dma_wait3A_213 = tpu.memref_slice %arg4[%dma_wait3A_211, %dma_wait3A_212] : memref<2560x128xi32, #tpu.memory_space<hbm>> -> memref<8x128xi32, #tpu.memory_space<hbm>>
      tpu.wait_dma2 semaphore(%arg15 : memref<!tpu.dma_semaphore, #tpu.memory_space<semaphore_mem>>) src(%dma_wait3A_213 : memref<8x128xi32, #tpu.memory_space<hbm>>) dst(%arg7 : memref<8x128xi32, #tpu.memory_space<vmem>>)
      %scan3A_214 = arith.constant 0 : i32
      %scan3A_215 = arith.constant 3 : i32
      %scan3A_216 = arith.addi %scan3A_214, %scan3A_215 : i32
      %scan3A_217 = arith.constant 1 : i32
      scf.for %scan3A_317 = %scan3A_214 to %scan3A_216 step %scan3A_217  : i32 {
        %mul3A_318 = arith.constant 2 : i32
        %mul3A_319 = arith.muli %scan3A_317, %mul3A_318 : i32
        %add3A_320 = arith.constant 0 : i32
        %add3A_321 = arith.addi %add3A_320, %mul3A_319 : i32
        %add3A_322 = arith.constant 1 : i32
        %add3A_323 = arith.addi %add3A_321, %add3A_322 : i32
        %dma_start3A_324 = arith.constant 0 : i32
        %dma_start3A_325 = arith.constant 0 : i32
        %dma_start3A_326 = tpu.memref_slice %arg11[%dma_start3A_324, %dma_start3A_325] : memref<128x128xf32, #tpu.memory_space<vmem>> -> memref<64x128xf32, #tpu.memory_space<vmem>>
        %dma_start3A_327 = arith.constant 0 : i32
        %dma_start3A_328 = tpu.memref_slice %arg8[%add3A_323, %dma_start3A_327] : memref<8x128xi32, #tpu.memory_space<vmem>> -> memref<1x64xi32, #tpu.memory_space<vmem>>
        %dma_start3A_329 = tpu.memref_squeeze %dma_start3A_328 : memref<1x64xi32, #tpu.memory_space<vmem>> -> memref<64xi32, #tpu.memory_space<vmem>>
        %dma_start3A_330 = arith.constant 0 : i32
        %dma_start3A_331 = arith.constant 0 : i32
        %dma_start3A_332 = tpu.memref_slice %arg2[%dma_start3A_330, %dma_start3A_331] : memref<10240x128xf32, #tpu.memory_space<hbm>> -> memref<10240x128xf32, #tpu.memory_space<hbm>>
        tpu.enqueue_indirect_dma source(%dma_start3A_332 : memref<10240x128xf32, #tpu.memory_space<hbm>>) target(%dma_start3A_326 : memref<64x128xf32, #tpu.memory_space<vmem>>) offsets(%dma_start3A_329 : memref<64xi32, #tpu.memory_space<vmem>>) semaphore(%arg14 : memref<!tpu.dma_semaphore, #tpu.memory_space<semaphore_mem>>)
        %dma_start3A_333 = arith.constant 64 : i32
        %dma_start3A_334 = arith.constant 0 : i32
        %dma_start3A_335 = tpu.memref_slice %arg11[%dma_start3A_333, %dma_start3A_334] : memref<128x128xf32, #tpu.memory_space<vmem>> -> memref<64x128xf32, #tpu.memory_space<vmem>>
        %dma_start3A_336 = arith.constant 64 : i32
        %dma_start3A_337 = tpu.memref_slice %arg8[%add3A_323, %dma_start3A_336] : memref<8x128xi32, #tpu.memory_space<vmem>> -> memref<1x64xi32, #tpu.memory_space<vmem>>
        %dma_start3A_338 = tpu.memref_squeeze %dma_start3A_337 : memref<1x64xi32, #tpu.memory_space<vmem>> -> memref<64xi32, #tpu.memory_space<vmem>>
        %dma_start3A_339 = arith.constant 0 : i32
        %dma_start3A_340 = arith.constant 0 : i32
        %dma_start3A_341 = tpu.memref_slice %arg2[%dma_start3A_339, %dma_start3A_340] : memref<10240x128xf32, #tpu.memory_space<hbm>> -> memref<10240x128xf32, #tpu.memory_space<hbm>>
        tpu.enqueue_indirect_dma source(%dma_start3A_341 : memref<10240x128xf32, #tpu.memory_space<hbm>>) target(%dma_start3A_335 : memref<64x128xf32, #tpu.memory_space<vmem>>) offsets(%dma_start3A_338 : memref<64xi32, #tpu.memory_space<vmem>>) semaphore(%arg14 : memref<!tpu.dma_semaphore, #tpu.memory_space<semaphore_mem>>)
        %dma_wait3A_342 = arith.constant 0 : i32
        %dma_wait3A_343 = arith.constant 0 : i32
        %dma_wait3A_344 = tpu.memref_slice %arg10[%dma_wait3A_342, %dma_wait3A_343] : memref<128x128xf32, #tpu.memory_space<vmem>> -> memref<64x128xf32, #tpu.memory_space<vmem>>
        %dma_wait3A_345 = arith.constant 0 : i32
        %dma_wait3A_346 = tpu.memref_slice %arg8[%add3A_321, %dma_wait3A_345] : memref<8x128xi32, #tpu.memory_space<vmem>> -> memref<1x64xi32, #tpu.memory_space<vmem>>
        %dma_wait3A_347 = tpu.memref_squeeze %dma_wait3A_346 : memref<1x64xi32, #tpu.memory_space<vmem>> -> memref<64xi32, #tpu.memory_space<vmem>>
        %dma_wait3A_348 = arith.constant 0 : i32
        %dma_wait3A_349 = arith.constant 0 : i32
        %dma_wait3A_350 = tpu.memref_slice %arg2[%dma_wait3A_348, %dma_wait3A_349] : memref<10240x128xf32, #tpu.memory_space<hbm>> -> memref<10240x128xf32, #tpu.memory_space<hbm>>
        tpu.wait_indirect_dma semaphore(%arg13 : memref<!tpu.dma_semaphore, #tpu.memory_space<semaphore_mem>>) src(%dma_wait3A_350 : memref<10240x128xf32, #tpu.memory_space<hbm>>) dst(%dma_wait3A_344 : memref<64x128xf32, #tpu.memory_space<vmem>>)
        %dma_wait3A_351 = arith.constant 64 : i32
        %dma_wait3A_352 = arith.constant 0 : i32
        %dma_wait3A_353 = tpu.memref_slice %arg10[%dma_wait3A_351, %dma_wait3A_352] : memref<128x128xf32, #tpu.memory_space<vmem>> -> memref<64x128xf32, #tpu.memory_space<vmem>>
        %dma_wait3A_354 = arith.constant 64 : i32
        %dma_wait3A_355 = tpu.memref_slice %arg8[%add3A_321, %dma_wait3A_354] : memref<8x128xi32, #tpu.memory_space<vmem>> -> memref<1x64xi32, #tpu.memory_space<vmem>>
        %dma_wait3A_356 = tpu.memref_squeeze %dma_wait3A_355 : memref<1x64xi32, #tpu.memory_space<vmem>> -> memref<64xi32, #tpu.memory_space<vmem>>
        %dma_wait3A_357 = arith.constant 0 : i32
        %dma_wait3A_358 = arith.constant 0 : i32
        %dma_wait3A_359 = tpu.memref_slice %arg2[%dma_wait3A_357, %dma_wait3A_358] : memref<10240x128xf32, #tpu.memory_space<hbm>> -> memref<10240x128xf32, #tpu.memory_space<hbm>>
        tpu.wait_indirect_dma semaphore(%arg13 : memref<!tpu.dma_semaphore, #tpu.memory_space<semaphore_mem>>) src(%dma_wait3A_359 : memref<10240x128xf32, #tpu.memory_space<hbm>>) dst(%dma_wait3A_353 : memref<64x128xf32, #tpu.memory_space<vmem>>)
        "tpu.region"() ({
          %run_scoped3A_402 = tpu.sem_alloc : memref<!tpu.dma_semaphore, #tpu.memory_space<semaphore_mem>>
          %dma_start3A_403 = arith.constant 0 : i32
          %dma_start3A_404 = tpu.memref_slice %arg9[%add3A_321, %dma_start3A_403] : memref<8x128xi32, #tpu.memory_space<vmem>> -> memref<1x128xi32, #tpu.memory_space<vmem>>
          %dma_start3A_405 = tpu.memref_squeeze %dma_start3A_404 : memref<1x128xi32, #tpu.memory_space<vmem>> -> memref<128xi32, #tpu.memory_space<vmem>>
          %dma_start3A_406 = arith.constant 0 : i32
          %dma_start3A_407 = arith.constant 0 : i32
          %dma_start3A_408 = tpu.memref_slice %arg12[%dma_start3A_406, %dma_start3A_407] : memref<10240x128xf32, #tpu.memory_space<vmem_shared>> -> memref<10240x128xf32, #tpu.memory_space<vmem_shared>>
          tpu.enqueue_indirect_dma source(%arg10 : memref<128x128xf32, #tpu.memory_space<vmem>>) target(%dma_start3A_408 : memref<10240x128xf32, #tpu.memory_space<vmem_shared>>) offsets(%dma_start3A_405 : memref<128xi32, #tpu.memory_space<vmem>>) semaphore(%run_scoped3A_402 : memref<!tpu.dma_semaphore, #tpu.memory_space<semaphore_mem>>) {add = true}
          %dma_wait3A_409 = arith.constant 0 : i32
          %dma_wait3A_410 = tpu.memref_slice %arg9[%add3A_321, %dma_wait3A_409] : memref<8x128xi32, #tpu.memory_space<vmem>> -> memref<1x128xi32, #tpu.memory_space<vmem>>
          %dma_wait3A_411 = tpu.memref_squeeze %dma_wait3A_410 : memref<1x128xi32, #tpu.memory_space<vmem>> -> memref<128xi32, #tpu.memory_space<vmem>>
          %dma_wait3A_412 = arith.constant 0 : i32
          %dma_wait3A_413 = arith.constant 0 : i32
          %dma_wait3A_414 = tpu.memref_slice %arg12[%dma_wait3A_412, %dma_wait3A_413] : memref<10240x128xf32, #tpu.memory_space<vmem_shared>> -> memref<10240x128xf32, #tpu.memory_space<vmem_shared>>
          tpu.wait_indirect_dma semaphore(%run_scoped3A_402 : memref<!tpu.dma_semaphore, #tpu.memory_space<semaphore_mem>>) src(%arg10 : memref<128x128xf32, #tpu.memory_space<vmem>>) dst(%dma_wait3A_414 : memref<10240x128xf32, #tpu.memory_space<vmem_shared>>)
          tpu.yield
        }) : () -> ()
        %add3A_360 = arith.constant 2 : i32
        %add3A_361 = arith.addi %add3A_321, %add3A_360 : i32
        %dma_start3A_362 = arith.constant 0 : i32
        %dma_start3A_363 = arith.constant 0 : i32
        %dma_start3A_364 = tpu.memref_slice %arg10[%dma_start3A_362, %dma_start3A_363] : memref<128x128xf32, #tpu.memory_space<vmem>> -> memref<64x128xf32, #tpu.memory_space<vmem>>
        %dma_start3A_365 = arith.constant 0 : i32
        %dma_start3A_366 = tpu.memref_slice %arg8[%add3A_361, %dma_start3A_365] : memref<8x128xi32, #tpu.memory_space<vmem>> -> memref<1x64xi32, #tpu.memory_space<vmem>>
        %dma_start3A_367 = tpu.memref_squeeze %dma_start3A_366 : memref<1x64xi32, #tpu.memory_space<vmem>> -> memref<64xi32, #tpu.memory_space<vmem>>
        %dma_start3A_368 = arith.constant 0 : i32
        %dma_start3A_369 = arith.constant 0 : i32
        %dma_start3A_370 = tpu.memref_slice %arg2[%dma_start3A_368, %dma_start3A_369] : memref<10240x128xf32, #tpu.memory_space<hbm>> -> memref<10240x128xf32, #tpu.memory_space<hbm>>
        tpu.enqueue_indirect_dma source(%dma_start3A_370 : memref<10240x128xf32, #tpu.memory_space<hbm>>) target(%dma_start3A_364 : memref<64x128xf32, #tpu.memory_space<vmem>>) offsets(%dma_start3A_367 : memref<64xi32, #tpu.memory_space<vmem>>) semaphore(%arg13 : memref<!tpu.dma_semaphore, #tpu.memory_space<semaphore_mem>>)
        %dma_start3A_371 = arith.constant 64 : i32
        %dma_start3A_372 = arith.constant 0 : i32
        %dma_start3A_373 = tpu.memref_slice %arg10[%dma_start3A_371, %dma_start3A_372] : memref<128x128xf32, #tpu.memory_space<vmem>> -> memref<64x128xf32, #tpu.memory_space<vmem>>
        %dma_start3A_374 = arith.constant 64 : i32
        %dma_start3A_375 = tpu.memref_slice %arg8[%add3A_361, %dma_start3A_374] : memref<8x128xi32, #tpu.memory_space<vmem>> -> memref<1x64xi32, #tpu.memory_space<vmem>>
        %dma_start3A_376 = tpu.memref_squeeze %dma_start3A_375 : memref<1x64xi32, #tpu.memory_space<vmem>> -> memref<64xi32, #tpu.memory_space<vmem>>
        %dma_start3A_377 = arith.constant 0 : i32
        %dma_start3A_378 = arith.constant 0 : i32
        %dma_start3A_379 = tpu.memref_slice %arg2[%dma_start3A_377, %dma_start3A_378] : memref<10240x128xf32, #tpu.memory_space<hbm>> -> memref<10240x128xf32, #tpu.memory_space<hbm>>
        tpu.enqueue_indirect_dma source(%dma_start3A_379 : memref<10240x128xf32, #tpu.memory_space<hbm>>) target(%dma_start3A_373 : memref<64x128xf32, #tpu.memory_space<vmem>>) offsets(%dma_start3A_376 : memref<64xi32, #tpu.memory_space<vmem>>) semaphore(%arg13 : memref<!tpu.dma_semaphore, #tpu.memory_space<semaphore_mem>>)
        %add3A_380 = arith.constant 1 : i32
        %add3A_381 = arith.addi %add3A_321, %add3A_380 : i32
        %dma_wait3A_382 = arith.constant 0 : i32
        %dma_wait3A_383 = arith.constant 0 : i32
        %dma_wait3A_384 = tpu.memref_slice %arg11[%dma_wait3A_382, %dma_wait3A_383] : memref<128x128xf32, #tpu.memory_space<vmem>> -> memref<64x128xf32, #tpu.memory_space<vmem>>
        %dma_wait3A_385 = arith.constant 0 : i32
        %dma_wait3A_386 = tpu.memref_slice %arg8[%add3A_381, %dma_wait3A_385] : memref<8x128xi32, #tpu.memory_space<vmem>> -> memref<1x64xi32, #tpu.memory_space<vmem>>
        %dma_wait3A_387 = tpu.memref_squeeze %dma_wait3A_386 : memref<1x64xi32, #tpu.memory_space<vmem>> -> memref<64xi32, #tpu.memory_space<vmem>>
        %dma_wait3A_388 = arith.constant 0 : i32
        %dma_wait3A_389 = arith.constant 0 : i32
        %dma_wait3A_390 = tpu.memref_slice %arg2[%dma_wait3A_388, %dma_wait3A_389] : memref<10240x128xf32, #tpu.memory_space<hbm>> -> memref<10240x128xf32, #tpu.memory_space<hbm>>
        tpu.wait_indirect_dma semaphore(%arg14 : memref<!tpu.dma_semaphore, #tpu.memory_space<semaphore_mem>>) src(%dma_wait3A_390 : memref<10240x128xf32, #tpu.memory_space<hbm>>) dst(%dma_wait3A_384 : memref<64x128xf32, #tpu.memory_space<vmem>>)
        %dma_wait3A_391 = arith.constant 64 : i32
        %dma_wait3A_392 = arith.constant 0 : i32
        %dma_wait3A_393 = tpu.memref_slice %arg11[%dma_wait3A_391, %dma_wait3A_392] : memref<128x128xf32, #tpu.memory_space<vmem>> -> memref<64x128xf32, #tpu.memory_space<vmem>>
        %dma_wait3A_394 = arith.constant 64 : i32
        %dma_wait3A_395 = tpu.memref_slice %arg8[%add3A_381, %dma_wait3A_394] : memref<8x128xi32, #tpu.memory_space<vmem>> -> memref<1x64xi32, #tpu.memory_space<vmem>>
        %dma_wait3A_396 = tpu.memref_squeeze %dma_wait3A_395 : memref<1x64xi32, #tpu.memory_space<vmem>> -> memref<64xi32, #tpu.memory_space<vmem>>
        %dma_wait3A_397 = arith.constant 0 : i32
        %dma_wait3A_398 = arith.constant 0 : i32
        %dma_wait3A_399 = tpu.memref_slice %arg2[%dma_wait3A_397, %dma_wait3A_398] : memref<10240x128xf32, #tpu.memory_space<hbm>> -> memref<10240x128xf32, #tpu.memory_space<hbm>>
        tpu.wait_indirect_dma semaphore(%arg14 : memref<!tpu.dma_semaphore, #tpu.memory_space<semaphore_mem>>) src(%dma_wait3A_399 : memref<10240x128xf32, #tpu.memory_space<hbm>>) dst(%dma_wait3A_393 : memref<64x128xf32, #tpu.memory_space<vmem>>)
        %add3A_400 = arith.constant 1 : i32
        %add3A_401 = arith.addi %add3A_321, %add3A_400 : i32
        "tpu.region"() ({
          %run_scoped3A_402 = tpu.sem_alloc : memref<!tpu.dma_semaphore, #tpu.memory_space<semaphore_mem>>
          %dma_start3A_403 = arith.constant 0 : i32
          %dma_start3A_404 = tpu.memref_slice %arg9[%add3A_401, %dma_start3A_403] : memref<8x128xi32, #tpu.memory_space<vmem>> -> memref<1x128xi32, #tpu.memory_space<vmem>>
          %dma_start3A_405 = tpu.memref_squeeze %dma_start3A_404 : memref<1x128xi32, #tpu.memory_space<vmem>> -> memref<128xi32, #tpu.memory_space<vmem>>
          %dma_start3A_406 = arith.constant 0 : i32
          %dma_start3A_407 = arith.constant 0 : i32
          %dma_start3A_408 = tpu.memref_slice %arg12[%dma_start3A_406, %dma_start3A_407] : memref<10240x128xf32, #tpu.memory_space<vmem_shared>> -> memref<10240x128xf32, #tpu.memory_space<vmem_shared>>
          tpu.enqueue_indirect_dma source(%arg11 : memref<128x128xf32, #tpu.memory_space<vmem>>) target(%dma_start3A_408 : memref<10240x128xf32, #tpu.memory_space<vmem_shared>>) offsets(%dma_start3A_405 : memref<128xi32, #tpu.memory_space<vmem>>) semaphore(%run_scoped3A_402 : memref<!tpu.dma_semaphore, #tpu.memory_space<semaphore_mem>>) {add = true}
          %dma_wait3A_409 = arith.constant 0 : i32
          %dma_wait3A_410 = tpu.memref_slice %arg9[%add3A_401, %dma_wait3A_409] : memref<8x128xi32, #tpu.memory_space<vmem>> -> memref<1x128xi32, #tpu.memory_space<vmem>>
          %dma_wait3A_411 = tpu.memref_squeeze %dma_wait3A_410 : memref<1x128xi32, #tpu.memory_space<vmem>> -> memref<128xi32, #tpu.memory_space<vmem>>
          %dma_wait3A_412 = arith.constant 0 : i32
          %dma_wait3A_413 = arith.constant 0 : i32
          %dma_wait3A_414 = tpu.memref_slice %arg12[%dma_wait3A_412, %dma_wait3A_413] : memref<10240x128xf32, #tpu.memory_space<vmem_shared>> -> memref<10240x128xf32, #tpu.memory_space<vmem_shared>>
          tpu.wait_indirect_dma semaphore(%run_scoped3A_402 : memref<!tpu.dma_semaphore, #tpu.memory_space<semaphore_mem>>) src(%arg11 : memref<128x128xf32, #tpu.memory_space<vmem>>) dst(%dma_wait3A_414 : memref<10240x128xf32, #tpu.memory_space<vmem_shared>>)
          tpu.yield
        }) : () -> ()
      }
      %scan3A_218 = arith.constant 3 : i32
      %dma_start3A_219 = arith.constant 7 : i32
      %dma_start3A_220 = arith.constant 0 : i32
      %dma_start3A_221 = arith.constant 0 : i32
      %dma_start3A_222 = tpu.memref_slice %arg11[%dma_start3A_220, %dma_start3A_221] : memref<128x128xf32, #tpu.memory_space<vmem>> -> memref<64x128xf32, #tpu.memory_space<vmem>>
      %dma_start3A_223 = arith.constant 0 : i32
      %dma_start3A_224 = tpu.memref_slice %arg8[%dma_start3A_219, %dma_start3A_223] : memref<8x128xi32, #tpu.memory_space<vmem>> -> memref<1x64xi32, #tpu.memory_space<vmem>>
      %dma_start3A_225 = tpu.memref_squeeze %dma_start3A_224 : memref<1x64xi32, #tpu.memory_space<vmem>> -> memref<64xi32, #tpu.memory_space<vmem>>
      %dma_start3A_226 = arith.constant 0 : i32
      %dma_start3A_227 = arith.constant 0 : i32
      %dma_start3A_228 = tpu.memref_slice %arg2[%dma_start3A_226, %dma_start3A_227] : memref<10240x128xf32, #tpu.memory_space<hbm>> -> memref<10240x128xf32, #tpu.memory_space<hbm>>
      tpu.enqueue_indirect_dma source(%dma_start3A_228 : memref<10240x128xf32, #tpu.memory_space<hbm>>) target(%dma_start3A_222 : memref<64x128xf32, #tpu.memory_space<vmem>>) offsets(%dma_start3A_225 : memref<64xi32, #tpu.memory_space<vmem>>) semaphore(%arg14 : memref<!tpu.dma_semaphore, #tpu.memory_space<semaphore_mem>>)
      %dma_start3A_229 = arith.constant 7 : i32
      %dma_start3A_230 = arith.constant 64 : i32
      %dma_start3A_231 = arith.constant 0 : i32
      %dma_start3A_232 = tpu.memref_slice %arg11[%dma_start3A_230, %dma_start3A_231] : memref<128x128xf32, #tpu.memory_space<vmem>> -> memref<64x128xf32, #tpu.memory_space<vmem>>
      %dma_start3A_233 = arith.constant 64 : i32
      %dma_start3A_234 = tpu.memref_slice %arg8[%dma_start3A_229, %dma_start3A_233] : memref<8x128xi32, #tpu.memory_space<vmem>> -> memref<1x64xi32, #tpu.memory_space<vmem>>
      %dma_start3A_235 = tpu.memref_squeeze %dma_start3A_234 : memref<1x64xi32, #tpu.memory_space<vmem>> -> memref<64xi32, #tpu.memory_space<vmem>>
      %dma_start3A_236 = arith.constant 0 : i32
      %dma_start3A_237 = arith.constant 0 : i32
      %dma_start3A_238 = tpu.memref_slice %arg2[%dma_start3A_236, %dma_start3A_237] : memref<10240x128xf32, #tpu.memory_space<hbm>> -> memref<10240x128xf32, #tpu.memory_space<hbm>>
      tpu.enqueue_indirect_dma source(%dma_start3A_238 : memref<10240x128xf32, #tpu.memory_space<hbm>>) target(%dma_start3A_232 : memref<64x128xf32, #tpu.memory_space<vmem>>) offsets(%dma_start3A_235 : memref<64xi32, #tpu.memory_space<vmem>>) semaphore(%arg14 : memref<!tpu.dma_semaphore, #tpu.memory_space<semaphore_mem>>)
      %dma_wait3A_239 = arith.constant 6 : i32
      %dma_wait3A_240 = arith.constant 0 : i32
      %dma_wait3A_241 = arith.constant 0 : i32
      %dma_wait3A_242 = tpu.memref_slice %arg10[%dma_wait3A_240, %dma_wait3A_241] : memref<128x128xf32, #tpu.memory_space<vmem>> -> memref<64x128xf32, #tpu.memory_space<vmem>>
      %dma_wait3A_243 = arith.constant 0 : i32
      %dma_wait3A_244 = tpu.memref_slice %arg8[%dma_wait3A_239, %dma_wait3A_243] : memref<8x128xi32, #tpu.memory_space<vmem>> -> memref<1x64xi32, #tpu.memory_space<vmem>>
      %dma_wait3A_245 = tpu.memref_squeeze %dma_wait3A_244 : memref<1x64xi32, #tpu.memory_space<vmem>> -> memref<64xi32, #tpu.memory_space<vmem>>
      %dma_wait3A_246 = arith.constant 0 : i32
      %dma_wait3A_247 = arith.constant 0 : i32
      %dma_wait3A_248 = tpu.memref_slice %arg2[%dma_wait3A_246, %dma_wait3A_247] : memref<10240x128xf32, #tpu.memory_space<hbm>> -> memref<10240x128xf32, #tpu.memory_space<hbm>>
      tpu.wait_indirect_dma semaphore(%arg13 : memref<!tpu.dma_semaphore, #tpu.memory_space<semaphore_mem>>) src(%dma_wait3A_248 : memref<10240x128xf32, #tpu.memory_space<hbm>>) dst(%dma_wait3A_242 : memref<64x128xf32, #tpu.memory_space<vmem>>)
      %dma_wait3A_249 = arith.constant 6 : i32
      %dma_wait3A_250 = arith.constant 64 : i32
      %dma_wait3A_251 = arith.constant 0 : i32
      %dma_wait3A_252 = tpu.memref_slice %arg10[%dma_wait3A_250, %dma_wait3A_251] : memref<128x128xf32, #tpu.memory_space<vmem>> -> memref<64x128xf32, #tpu.memory_space<vmem>>
      %dma_wait3A_253 = arith.constant 64 : i32
      %dma_wait3A_254 = tpu.memref_slice %arg8[%dma_wait3A_249, %dma_wait3A_253] : memref<8x128xi32, #tpu.memory_space<vmem>> -> memref<1x64xi32, #tpu.memory_space<vmem>>
      %dma_wait3A_255 = tpu.memref_squeeze %dma_wait3A_254 : memref<1x64xi32, #tpu.memory_space<vmem>> -> memref<64xi32, #tpu.memory_space<vmem>>
      %dma_wait3A_256 = arith.constant 0 : i32
      %dma_wait3A_257 = arith.constant 0 : i32
      %dma_wait3A_258 = tpu.memref_slice %arg2[%dma_wait3A_256, %dma_wait3A_257] : memref<10240x128xf32, #tpu.memory_space<hbm>> -> memref<10240x128xf32, #tpu.memory_space<hbm>>
      tpu.wait_indirect_dma semaphore(%arg13 : memref<!tpu.dma_semaphore, #tpu.memory_space<semaphore_mem>>) src(%dma_wait3A_258 : memref<10240x128xf32, #tpu.memory_space<hbm>>) dst(%dma_wait3A_252 : memref<64x128xf32, #tpu.memory_space<vmem>>)
      %run_scoped3A_259 = arith.constant 6 : i32
      "tpu.region"() ({
        %run_scoped3A_317 = tpu.sem_alloc : memref<!tpu.dma_semaphore, #tpu.memory_space<semaphore_mem>>
        %dma_start3A_318 = arith.constant 0 : i32
        %dma_start3A_319 = tpu.memref_slice %arg9[%run_scoped3A_259, %dma_start3A_318] : memref<8x128xi32, #tpu.memory_space<vmem>> -> memref<1x128xi32, #tpu.memory_space<vmem>>
        %dma_start3A_320 = tpu.memref_squeeze %dma_start3A_319 : memref<1x128xi32, #tpu.memory_space<vmem>> -> memref<128xi32, #tpu.memory_space<vmem>>
        %dma_start3A_321 = arith.constant 0 : i32
        %dma_start3A_322 = arith.constant 0 : i32
        %dma_start3A_323 = tpu.memref_slice %arg12[%dma_start3A_321, %dma_start3A_322] : memref<10240x128xf32, #tpu.memory_space<vmem_shared>> -> memref<10240x128xf32, #tpu.memory_space<vmem_shared>>
        tpu.enqueue_indirect_dma source(%arg10 : memref<128x128xf32, #tpu.memory_space<vmem>>) target(%dma_start3A_323 : memref<10240x128xf32, #tpu.memory_space<vmem_shared>>) offsets(%dma_start3A_320 : memref<128xi32, #tpu.memory_space<vmem>>) semaphore(%run_scoped3A_317 : memref<!tpu.dma_semaphore, #tpu.memory_space<semaphore_mem>>) {add = true}
        %dma_wait3A_324 = arith.constant 0 : i32
        %dma_wait3A_325 = tpu.memref_slice %arg9[%run_scoped3A_259, %dma_wait3A_324] : memref<8x128xi32, #tpu.memory_space<vmem>> -> memref<1x128xi32, #tpu.memory_space<vmem>>
        %dma_wait3A_326 = tpu.memref_squeeze %dma_wait3A_325 : memref<1x128xi32, #tpu.memory_space<vmem>> -> memref<128xi32, #tpu.memory_space<vmem>>
        %dma_wait3A_327 = arith.constant 0 : i32
        %dma_wait3A_328 = arith.constant 0 : i32
        %dma_wait3A_329 = tpu.memref_slice %arg12[%dma_wait3A_327, %dma_wait3A_328] : memref<10240x128xf32, #tpu.memory_space<vmem_shared>> -> memref<10240x128xf32, #tpu.memory_space<vmem_shared>>
        tpu.wait_indirect_dma semaphore(%run_scoped3A_317 : memref<!tpu.dma_semaphore, #tpu.memory_space<semaphore_mem>>) src(%arg10 : memref<128x128xf32, #tpu.memory_space<vmem>>) dst(%dma_wait3A_329 : memref<10240x128xf32, #tpu.memory_space<vmem_shared>>)
        tpu.yield
      }) : () -> ()
      %dma_start3A_260 = arith.constant 0 : i32
      %dma_start3A_261 = arith.constant 0 : i32
      %dma_start3A_262 = arith.constant 0 : i32
      %dma_start3A_263 = tpu.memref_slice %arg10[%dma_start3A_261, %dma_start3A_262] : memref<128x128xf32, #tpu.memory_space<vmem>> -> memref<64x128xf32, #tpu.memory_space<vmem>>
      %dma_start3A_264 = arith.constant 0 : i32
      %dma_start3A_265 = tpu.memref_slice %arg6[%dma_start3A_260, %dma_start3A_264] : memref<8x128xi32, #tpu.memory_space<vmem>> -> memref<1x64xi32, #tpu.memory_space<vmem>>
      %dma_start3A_266 = tpu.memref_squeeze %dma_start3A_265 : memref<1x64xi32, #tpu.memory_space<vmem>> -> memref<64xi32, #tpu.memory_space<vmem>>
      %dma_start3A_267 = arith.constant 0 : i32
      %dma_start3A_268 = arith.constant 0 : i32
      %dma_start3A_269 = tpu.memref_slice %arg2[%dma_start3A_267, %dma_start3A_268] : memref<10240x128xf32, #tpu.memory_space<hbm>> -> memref<10240x128xf32, #tpu.memory_space<hbm>>
      tpu.enqueue_indirect_dma source(%dma_start3A_269 : memref<10240x128xf32, #tpu.memory_space<hbm>>) target(%dma_start3A_263 : memref<64x128xf32, #tpu.memory_space<vmem>>) offsets(%dma_start3A_266 : memref<64xi32, #tpu.memory_space<vmem>>) semaphore(%arg13 : memref<!tpu.dma_semaphore, #tpu.memory_space<semaphore_mem>>)
      %dma_start3A_270 = arith.constant 0 : i32
      %dma_start3A_271 = arith.constant 64 : i32
      %dma_start3A_272 = arith.constant 0 : i32
      %dma_start3A_273 = tpu.memref_slice %arg10[%dma_start3A_271, %dma_start3A_272] : memref<128x128xf32, #tpu.memory_space<vmem>> -> memref<64x128xf32, #tpu.memory_space<vmem>>
      %dma_start3A_274 = arith.constant 64 : i32
      %dma_start3A_275 = tpu.memref_slice %arg6[%dma_start3A_270, %dma_start3A_274] : memref<8x128xi32, #tpu.memory_space<vmem>> -> memref<1x64xi32, #tpu.memory_space<vmem>>
      %dma_start3A_276 = tpu.memref_squeeze %dma_start3A_275 : memref<1x64xi32, #tpu.memory_space<vmem>> -> memref<64xi32, #tpu.memory_space<vmem>>
      %dma_start3A_277 = arith.constant 0 : i32
      %dma_start3A_278 = arith.constant 0 : i32
      %dma_start3A_279 = tpu.memref_slice %arg2[%dma_start3A_277, %dma_start3A_278] : memref<10240x128xf32, #tpu.memory_space<hbm>> -> memref<10240x128xf32, #tpu.memory_space<hbm>>
      tpu.enqueue_indirect_dma source(%dma_start3A_279 : memref<10240x128xf32, #tpu.memory_space<hbm>>) target(%dma_start3A_273 : memref<64x128xf32, #tpu.memory_space<vmem>>) offsets(%dma_start3A_276 : memref<64xi32, #tpu.memory_space<vmem>>) semaphore(%arg13 : memref<!tpu.dma_semaphore, #tpu.memory_space<semaphore_mem>>)
      %dma_wait3A_280 = arith.constant 7 : i32
      %dma_wait3A_281 = arith.constant 0 : i32
      %dma_wait3A_282 = arith.constant 0 : i32
      %dma_wait3A_283 = tpu.memref_slice %arg11[%dma_wait3A_281, %dma_wait3A_282] : memref<128x128xf32, #tpu.memory_space<vmem>> -> memref<64x128xf32, #tpu.memory_space<vmem>>
      %dma_wait3A_284 = arith.constant 0 : i32
      %dma_wait3A_285 = tpu.memref_slice %arg8[%dma_wait3A_280, %dma_wait3A_284] : memref<8x128xi32, #tpu.memory_space<vmem>> -> memref<1x64xi32, #tpu.memory_space<vmem>>
      %dma_wait3A_286 = tpu.memref_squeeze %dma_wait3A_285 : memref<1x64xi32, #tpu.memory_space<vmem>> -> memref<64xi32, #tpu.memory_space<vmem>>
      %dma_wait3A_287 = arith.constant 0 : i32
      %dma_wait3A_288 = arith.constant 0 : i32
      %dma_wait3A_289 = tpu.memref_slice %arg2[%dma_wait3A_287, %dma_wait3A_288] : memref<10240x128xf32, #tpu.memory_space<hbm>> -> memref<10240x128xf32, #tpu.memory_space<hbm>>
      tpu.wait_indirect_dma semaphore(%arg14 : memref<!tpu.dma_semaphore, #tpu.memory_space<semaphore_mem>>) src(%dma_wait3A_289 : memref<10240x128xf32, #tpu.memory_space<hbm>>) dst(%dma_wait3A_283 : memref<64x128xf32, #tpu.memory_space<vmem>>)
      %dma_wait3A_290 = arith.constant 7 : i32
      %dma_wait3A_291 = arith.constant 64 : i32
      %dma_wait3A_292 = arith.constant 0 : i32
      %dma_wait3A_293 = tpu.memref_slice %arg11[%dma_wait3A_291, %dma_wait3A_292] : memref<128x128xf32, #tpu.memory_space<vmem>> -> memref<64x128xf32, #tpu.memory_space<vmem>>
      %dma_wait3A_294 = arith.constant 64 : i32
      %dma_wait3A_295 = tpu.memref_slice %arg8[%dma_wait3A_290, %dma_wait3A_294] : memref<8x128xi32, #tpu.memory_space<vmem>> -> memref<1x64xi32, #tpu.memory_space<vmem>>
      %dma_wait3A_296 = tpu.memref_squeeze %dma_wait3A_295 : memref<1x64xi32, #tpu.memory_space<vmem>> -> memref<64xi32, #tpu.memory_space<vmem>>
      %dma_wait3A_297 = arith.constant 0 : i32
      %dma_wait3A_298 = arith.constant 0 : i32
      %dma_wait3A_299 = tpu.memref_slice %arg2[%dma_wait3A_297, %dma_wait3A_298] : memref<10240x128xf32, #tpu.memory_space<hbm>> -> memref<10240x128xf32, #tpu.memory_space<hbm>>
      tpu.wait_indirect_dma semaphore(%arg14 : memref<!tpu.dma_semaphore, #tpu.memory_space<semaphore_mem>>) src(%dma_wait3A_299 : memref<10240x128xf32, #tpu.memory_space<hbm>>) dst(%dma_wait3A_293 : memref<64x128xf32, #tpu.memory_space<vmem>>)
      %run_scoped3A_300 = arith.constant 7 : i32
      "tpu.region"() ({
        %run_scoped3A_317 = tpu.sem_alloc : memref<!tpu.dma_semaphore, #tpu.memory_space<semaphore_mem>>
        %dma_start3A_318 = arith.constant 0 : i32
        %dma_start3A_319 = tpu.memref_slice %arg9[%run_scoped3A_300, %dma_start3A_318] : memref<8x128xi32, #tpu.memory_space<vmem>> -> memref<1x128xi32, #tpu.memory_space<vmem>>
        %dma_start3A_320 = tpu.memref_squeeze %dma_start3A_319 : memref<1x128xi32, #tpu.memory_space<vmem>> -> memref<128xi32, #tpu.memory_space<vmem>>
        %dma_start3A_321 = arith.constant 0 : i32
        %dma_start3A_322 = arith.constant 0 : i32
        %dma_start3A_323 = tpu.memref_slice %arg12[%dma_start3A_321, %dma_start3A_322] : memref<10240x128xf32, #tpu.memory_space<vmem_shared>> -> memref<10240x128xf32, #tpu.memory_space<vmem_shared>>
        tpu.enqueue_indirect_dma source(%arg11 : memref<128x128xf32, #tpu.memory_space<vmem>>) target(%dma_start3A_323 : memref<10240x128xf32, #tpu.memory_space<vmem_shared>>) offsets(%dma_start3A_320 : memref<128xi32, #tpu.memory_space<vmem>>) semaphore(%run_scoped3A_317 : memref<!tpu.dma_semaphore, #tpu.memory_space<semaphore_mem>>) {add = true}
        %dma_wait3A_324 = arith.constant 0 : i32
        %dma_wait3A_325 = tpu.memref_slice %arg9[%run_scoped3A_300, %dma_wait3A_324] : memref<8x128xi32, #tpu.memory_space<vmem>> -> memref<1x128xi32, #tpu.memory_space<vmem>>
        %dma_wait3A_326 = tpu.memref_squeeze %dma_wait3A_325 : memref<1x128xi32, #tpu.memory_space<vmem>> -> memref<128xi32, #tpu.memory_space<vmem>>
        %dma_wait3A_327 = arith.constant 0 : i32
        %dma_wait3A_328 = arith.constant 0 : i32
        %dma_wait3A_329 = tpu.memref_slice %arg12[%dma_wait3A_327, %dma_wait3A_328] : memref<10240x128xf32, #tpu.memory_space<vmem_shared>> -> memref<10240x128xf32, #tpu.memory_space<vmem_shared>>
        tpu.wait_indirect_dma semaphore(%run_scoped3A_317 : memref<!tpu.dma_semaphore, #tpu.memory_space<semaphore_mem>>) src(%arg11 : memref<128x128xf32, #tpu.memory_space<vmem>>) dst(%dma_wait3A_329 : memref<10240x128xf32, #tpu.memory_space<vmem_shared>>)
        tpu.yield
      }) : () -> ()
      %add3A_301 = arith.constant 3 : i32
      %add3A_302 = arith.addi %add3A_88, %add3A_301 : i32
      %min3A_303 = arith.constant 9 : i32
      %min3A_304 = arith.minsi %add3A_302, %min3A_303 : i32
      %mul3A_305 = arith.constant 8 : i32
      %mul3A_306 = arith.muli %min3A_304, %mul3A_305 : i32
      %add3A_307 = arith.addi %mul3A_11, %mul3A_306 : i32
      %dma_start3A_308 = arith.constant 0 : i32
      %dma_start3A_309 = tpu.memref_slice %arg3[%add3A_307, %dma_start3A_308] : memref<2560x128xi32, #tpu.memory_space<hbm>> -> memref<8x128xi32, #tpu.memory_space<hbm>>
      %dma_start3A_310 = arith.constant 0 : i32
      %dma_start3A_311 = tpu.memref_slice %arg3[%add3A_307, %dma_start3A_310] : memref<2560x128xi32, #tpu.memory_space<hbm>> -> memref<8x128xi32, #tpu.memory_space<hbm>>
      tpu.enqueue_dma source(%dma_start3A_311 : memref<8x128xi32, #tpu.memory_space<hbm>>) target(%arg8 : memref<8x128xi32, #tpu.memory_space<vmem>>) target_semaphore(%arg15 : memref<!tpu.dma_semaphore, #tpu.memory_space<semaphore_mem>>)
      %add3A_312 = arith.addi %mul3A_11, %mul3A_306 : i32
      %dma_start3A_313 = arith.constant 0 : i32
      %dma_start3A_314 = tpu.memref_slice %arg4[%add3A_312, %dma_start3A_313] : memref<2560x128xi32, #tpu.memory_space<hbm>> -> memref<8x128xi32, #tpu.memory_space<hbm>>
      %dma_start3A_315 = arith.constant 0 : i32
      %dma_start3A_316 = tpu.memref_slice %arg4[%add3A_312, %dma_start3A_315] : memref<2560x128xi32, #tpu.memory_space<hbm>> -> memref<8x128xi32, #tpu.memory_space<hbm>>
      tpu.enqueue_dma source(%dma_start3A_316 : memref<8x128xi32, #tpu.memory_space<hbm>>) target(%arg9 : memref<8x128xi32, #tpu.memory_space<vmem>>) target_semaphore(%arg15 : memref<!tpu.dma_semaphore, #tpu.memory_space<semaphore_mem>>)
    }
    %scan3A_47 = arith.constant 5 : i32
    %dma_wait3A = arith.constant 0 : i32
    %dma_wait3A_48 = arith.constant 0 : i32
    %dma_wait3A_49 = tpu.memref_slice %arg3[%dma_wait3A, %dma_wait3A_48] : memref<2560x128xi32, #tpu.memory_space<hbm>> -> memref<8x128xi32, #tpu.memory_space<hbm>>
    %dma_wait3A_50 = arith.constant 0 : i32
    %dma_wait3A_51 = arith.constant 0 : i32
    %dma_wait3A_52 = tpu.memref_slice %arg3[%dma_wait3A_50, %dma_wait3A_51] : memref<2560x128xi32, #tpu.memory_space<hbm>> -> memref<8x128xi32, #tpu.memory_space<hbm>>
    tpu.wait_dma2 semaphore(%arg15 : memref<!tpu.dma_semaphore, #tpu.memory_space<semaphore_mem>>) src(%dma_wait3A_52 : memref<8x128xi32, #tpu.memory_space<hbm>>) dst(%arg8 : memref<8x128xi32, #tpu.memory_space<vmem>>)
    %dma_wait3A_53 = arith.constant 0 : i32
    %dma_wait3A_54 = arith.constant 0 : i32
    %dma_wait3A_55 = tpu.memref_slice %arg4[%dma_wait3A_53, %dma_wait3A_54] : memref<2560x128xi32, #tpu.memory_space<hbm>> -> memref<8x128xi32, #tpu.memory_space<hbm>>
    %dma_wait3A_56 = arith.constant 0 : i32
    %dma_wait3A_57 = arith.constant 0 : i32
    %dma_wait3A_58 = tpu.memref_slice %arg4[%dma_wait3A_56, %dma_wait3A_57] : memref<2560x128xi32, #tpu.memory_space<hbm>> -> memref<8x128xi32, #tpu.memory_space<hbm>>
    tpu.wait_dma2 semaphore(%arg15 : memref<!tpu.dma_semaphore, #tpu.memory_space<semaphore_mem>>) src(%dma_wait3A_58 : memref<8x128xi32, #tpu.memory_space<hbm>>) dst(%arg9 : memref<8x128xi32, #tpu.memory_space<vmem>>)
    %dma_wait3A_59 = arith.constant 0 : i32
    %dma_wait3A_60 = arith.constant 0 : i32
    %dma_wait3A_61 = arith.constant 0 : i32
    %dma_wait3A_62 = tpu.memref_slice %arg10[%dma_wait3A_60, %dma_wait3A_61] : memref<128x128xf32, #tpu.memory_space<vmem>> -> memref<64x128xf32, #tpu.memory_space<vmem>>
    %dma_wait3A_63 = arith.constant 0 : i32
    %dma_wait3A_64 = tpu.memref_slice %arg6[%dma_wait3A_59, %dma_wait3A_63] : memref<8x128xi32, #tpu.memory_space<vmem>> -> memref<1x64xi32, #tpu.memory_space<vmem>>
    %dma_wait3A_65 = tpu.memref_squeeze %dma_wait3A_64 : memref<1x64xi32, #tpu.memory_space<vmem>> -> memref<64xi32, #tpu.memory_space<vmem>>
    %dma_wait3A_66 = arith.constant 0 : i32
    %dma_wait3A_67 = arith.constant 0 : i32
    %dma_wait3A_68 = tpu.memref_slice %arg2[%dma_wait3A_66, %dma_wait3A_67] : memref<10240x128xf32, #tpu.memory_space<hbm>> -> memref<10240x128xf32, #tpu.memory_space<hbm>>
    tpu.wait_indirect_dma semaphore(%arg13 : memref<!tpu.dma_semaphore, #tpu.memory_space<semaphore_mem>>) src(%dma_wait3A_68 : memref<10240x128xf32, #tpu.memory_space<hbm>>) dst(%dma_wait3A_62 : memref<64x128xf32, #tpu.memory_space<vmem>>)
    %dma_wait3A_69 = arith.constant 0 : i32
    %dma_wait3A_70 = arith.constant 64 : i32
    %dma_wait3A_71 = arith.constant 0 : i32
    %dma_wait3A_72 = tpu.memref_slice %arg10[%dma_wait3A_70, %dma_wait3A_71] : memref<128x128xf32, #tpu.memory_space<vmem>> -> memref<64x128xf32, #tpu.memory_space<vmem>>
    %dma_wait3A_73 = arith.constant 64 : i32
    %dma_wait3A_74 = tpu.memref_slice %arg6[%dma_wait3A_69, %dma_wait3A_73] : memref<8x128xi32, #tpu.memory_space<vmem>> -> memref<1x64xi32, #tpu.memory_space<vmem>>
    %dma_wait3A_75 = tpu.memref_squeeze %dma_wait3A_74 : memref<1x64xi32, #tpu.memory_space<vmem>> -> memref<64xi32, #tpu.memory_space<vmem>>
    %dma_wait3A_76 = arith.constant 0 : i32
    %dma_wait3A_77 = arith.constant 0 : i32
    %dma_wait3A_78 = tpu.memref_slice %arg2[%dma_wait3A_76, %dma_wait3A_77] : memref<10240x128xf32, #tpu.memory_space<hbm>> -> memref<10240x128xf32, #tpu.memory_space<hbm>>
    tpu.wait_indirect_dma semaphore(%arg13 : memref<!tpu.dma_semaphore, #tpu.memory_space<semaphore_mem>>) src(%dma_wait3A_78 : memref<10240x128xf32, #tpu.memory_space<hbm>>) dst(%dma_wait3A_72 : memref<64x128xf32, #tpu.memory_space<vmem>>)
    %barrier3A_79 = arith.constant 0 : index
    tpu.barrier barrier_id(%barrier3A_79)
    %mul3A_80 = arith.constant 640 : i32
    %mul3A_81 = arith.muli %arg1, %mul3A_80 : i32
    %mul3A_82 = arith.constant 640 : i32
    %mul3A_83 = arith.muli %arg1, %mul3A_82 : i32
    "tpu.region"() ({
      %run_scoped3A = tpu.sem_alloc : memref<!tpu.dma_semaphore, #tpu.memory_space<semaphore_mem>>
      %dma_start3A_84 = arith.constant 0 : i32
      %dma_start3A_85 = arith.constant 0 : i32
      %dma_start3A_86 = tpu.memref_slice %arg5[%arg0, %dma_start3A_84, %dma_start3A_85] : memref<2x10240x128xf32, #tpu.memory_space<hbm>> -> memref<1x10240x128xf32, #tpu.memory_space<hbm>>
      %dma_start3A_87 = tpu.memref_squeeze %dma_start3A_86 : memref<1x10240x128xf32, #tpu.memory_space<hbm>> -> memref<10240x128xf32, #tpu.memory_space<hbm>>
      %dma_start3A_88 = arith.constant 0 : i32
      %dma_start3A_89 = tpu.memref_slice %dma_start3A_87[%mul3A_83, %dma_start3A_88] : memref<10240x128xf32, #tpu.memory_space<hbm>> -> memref<640x128xf32, #tpu.memory_space<hbm>>
      %dma_start3A_90 = arith.constant 0 : i32
      %dma_start3A_91 = tpu.memref_slice %arg12[%mul3A_81, %dma_start3A_90] : memref<10240x128xf32, #tpu.memory_space<vmem_shared>> -> memref<640x128xf32, #tpu.memory_space<vmem_shared>>
      tpu.enqueue_dma source(%dma_start3A_91 : memref<640x128xf32, #tpu.memory_space<vmem_shared>>) target(%dma_start3A_89 : memref<640x128xf32, #tpu.memory_space<hbm>>) target_semaphore(%run_scoped3A : memref<!tpu.dma_semaphore, #tpu.memory_space<semaphore_mem>>)
      %dma_wait3A_92 = arith.constant 0 : i32
      %dma_wait3A_93 = arith.constant 0 : i32
      %dma_wait3A_94 = tpu.memref_slice %arg5[%arg0, %dma_wait3A_92, %dma_wait3A_93] : memref<2x10240x128xf32, #tpu.memory_space<hbm>> -> memref<1x10240x128xf32, #tpu.memory_space<hbm>>
      %dma_wait3A_95 = tpu.memref_squeeze %dma_wait3A_94 : memref<1x10240x128xf32, #tpu.memory_space<hbm>> -> memref<10240x128xf32, #tpu.memory_space<hbm>>
      %dma_wait3A_96 = arith.constant 0 : i32
      %dma_wait3A_97 = tpu.memref_slice %dma_wait3A_95[%mul3A_83, %dma_wait3A_96] : memref<10240x128xf32, #tpu.memory_space<hbm>> -> memref<640x128xf32, #tpu.memory_space<hbm>>
      %dma_wait3A_98 = arith.constant 0 : i32
      %dma_wait3A_99 = tpu.memref_slice %arg12[%mul3A_81, %dma_wait3A_98] : memref<10240x128xf32, #tpu.memory_space<vmem_shared>> -> memref<640x128xf32, #tpu.memory_space<vmem_shared>>
      tpu.wait_dma2 semaphore(%run_scoped3A : memref<!tpu.dma_semaphore, #tpu.memory_space<semaphore_mem>>) src(%dma_wait3A_99 : memref<640x128xf32, #tpu.memory_space<vmem_shared>>) dst(%dma_wait3A_97 : memref<640x128xf32, #tpu.memory_space<hbm>>)
      tpu.yield
    }) : () -> ()
    return
  }
}

#map = affine_map<(d0, d1) -> (0, 0)>
module attributes {stable_mosaic.version = 14 : i64} {
  func.func @k(%arg0: i32, %arg1: i32, %arg2: memref<2560x128xi32, #tpu.memory_space<hbm>>, %arg3: memref<32x10240xf32, #tpu.memory_space<hbm>>, %arg4: memref<80x128xi32, #tpu.memory_space<vmem>>, %arg5: memref<10240xf32, #tpu.memory_space<vmem>>) attributes {dimension_semantics = [#tpu.dimension_semantics<core_parallel>, #tpu.dimension_semantics<subcore_parallel>], iteration_bounds = array<i64: 2, 16>, scalar_prefetch = 0 : i64, scratch_operands = 2 : i64, tpu.core_type = #tpu.core_type<sc_vector_subcore>, window_params = [{transform_indices = #map}, {transform_indices = #map}]} {
    %mul3A = arith.constant 16 : i32
    %mul3A_0 = arith.muli %arg0, %mul3A : i32
    %add3A = arith.addi %mul3A_0, %arg1 : i32
    %scan3A = arith.constant 0 : i32
    %scan3A_1 = arith.constant 640 : i32
    %scan3A_2 = arith.addi %scan3A, %scan3A_1 : i32
    %scan3A_3 = arith.constant 1 : i32
    scf.for %scan3A_13 = %scan3A to %scan3A_2 step %scan3A_3  : i32 {
      %mul3A_14 = arith.constant 16 : i32
      %mul3A_15 = arith.muli %scan3A_13, %mul3A_14 : i32
      %add3A_16 = arith.constant 0 : i32
      %add3A_17 = arith.addi %add3A_16, %mul3A_15 : i32
      %broadcast_in_dim3A_18 = arith.constant 0.000000e+00 : f32
      %broadcast_in_dim3A_19 = vector.broadcast %broadcast_in_dim3A_18 : f32 to vector<16xf32>
      %swap3A = arith.index_cast %add3A_17 : i32 to index
      %swap3A_20 = tpu.vector_load %arg5[%swap3A] {strides = array<i32>} : memref<10240xf32, #tpu.memory_space<vmem>>, vector<16xf32>,
      tpu.vector_store %arg5[%swap3A], %broadcast_in_dim3A_19 {strides = array<i32>} : memref<10240xf32, #tpu.memory_space<vmem>>, vector<16xf32>,
    }
    %scan3A_4 = arith.constant 640 : i32
    %mul3A_5 = arith.constant 80 : i32
    %mul3A_6 = arith.muli %add3A, %mul3A_5 : i32
    "tpu.region"() ({
      %run_scoped3A = tpu.sem_alloc : memref<!tpu.dma_semaphore, #tpu.memory_space<semaphore_mem>>
      %dma_start3A = arith.constant 0 : i32
      %dma_start3A_13 = tpu.memref_slice %arg2[%mul3A_6, %dma_start3A] : memref<2560x128xi32, #tpu.memory_space<hbm>> -> memref<80x128xi32, #tpu.memory_space<hbm>>
      %dma_start3A_14 = arith.constant 0 : i32
      %dma_start3A_15 = tpu.memref_slice %arg2[%mul3A_6, %dma_start3A_14] : memref<2560x128xi32, #tpu.memory_space<hbm>> -> memref<80x128xi32, #tpu.memory_space<hbm>>
      tpu.enqueue_dma source(%dma_start3A_15 : memref<80x128xi32, #tpu.memory_space<hbm>>) target(%arg4 : memref<80x128xi32, #tpu.memory_space<vmem>>) target_semaphore(%run_scoped3A : memref<!tpu.dma_semaphore, #tpu.memory_space<semaphore_mem>>)
      %dma_wait3A = arith.constant 0 : i32
      %dma_wait3A_16 = tpu.memref_slice %arg2[%mul3A_6, %dma_wait3A] : memref<2560x128xi32, #tpu.memory_space<hbm>> -> memref<80x128xi32, #tpu.memory_space<hbm>>
      %dma_wait3A_17 = arith.constant 0 : i32
      %dma_wait3A_18 = tpu.memref_slice %arg2[%mul3A_6, %dma_wait3A_17] : memref<2560x128xi32, #tpu.memory_space<hbm>> -> memref<80x128xi32, #tpu.memory_space<hbm>>
      tpu.wait_dma2 semaphore(%run_scoped3A : memref<!tpu.dma_semaphore, #tpu.memory_space<semaphore_mem>>) src(%dma_wait3A_18 : memref<80x128xi32, #tpu.memory_space<hbm>>) dst(%arg4 : memref<80x128xi32, #tpu.memory_space<vmem>>)
      tpu.yield
    }) : () -> ()
    %broadcast_in_dim3A = arith.constant 1.000000e+00 : f32
    %broadcast_in_dim3A_7 = vector.broadcast %broadcast_in_dim3A : f32 to vector<16xf32>
    %scan3A_8 = arith.constant 0 : i32
    %scan3A_9 = arith.constant 80 : i32
    %scan3A_10 = arith.addi %scan3A_8, %scan3A_9 : i32
    %scan3A_11 = arith.constant 1 : i32
    scf.for %scan3A_13 = %scan3A_8 to %scan3A_10 step %scan3A_11  : i32 {
      %mul3A_14 = arith.constant 1 : i32
      %mul3A_15 = arith.muli %scan3A_13, %mul3A_14 : i32
      %add3A_16 = arith.constant 0 : i32
      %add3A_17 = arith.addi %add3A_16, %mul3A_15 : i32
      %scan3A_18 = arith.constant 0 : i32
      %scan3A_19 = arith.constant 8 : i32
      %scan3A_20 = arith.addi %scan3A_18, %scan3A_19 : i32
      %scan3A_21 = arith.constant 1 : i32
      scf.for %scan3A_23 = %scan3A_18 to %scan3A_20 step %scan3A_21  : i32 {
        %mul3A_24 = arith.constant 16 : i32
        %mul3A_25 = arith.muli %scan3A_23, %mul3A_24 : i32
        %add3A_26 = arith.constant 0 : i32
        %add3A_27 = arith.addi %add3A_26, %mul3A_25 : i32
        %get3A = arith.index_cast %add3A_17 : i32 to index
        %get3A_28 = arith.index_cast %add3A_27 : i32 to index
        %get3A_29 = tpu.vector_load %arg4[%get3A, %get3A_28] {strides = array<i32>} : memref<80x128xi32, #tpu.memory_space<vmem>>, vector<16xi32>,
        tpu.vector_store_idx %arg5[%get3A_29], %broadcast_in_dim3A_7 {add = true} : memref<10240xf32, #tpu.memory_space<vmem>>[vector<16xi32>], vector<16xf32>,
      }
      %scan3A_22 = arith.constant 8 : i32
    }
    %scan3A_12 = arith.constant 80 : i32
    "tpu.region"() ({
      %run_scoped3A = tpu.sem_alloc : memref<!tpu.dma_semaphore, #tpu.memory_space<semaphore_mem>>
      %dma_start3A = arith.constant 0 : i32
      %dma_start3A_13 = tpu.memref_slice %arg3[%add3A, %dma_start3A] : memref<32x10240xf32, #tpu.memory_space<hbm>> -> memref<1x10240xf32, #tpu.memory_space<hbm>>
      %dma_start3A_14 = tpu.memref_squeeze %dma_start3A_13 : memref<1x10240xf32, #tpu.memory_space<hbm>> -> memref<10240xf32, #tpu.memory_space<hbm>>
      %dma_start3A_15 = arith.constant 0 : i32
      %dma_start3A_16 = tpu.memref_slice %arg3[%add3A, %dma_start3A_15] : memref<32x10240xf32, #tpu.memory_space<hbm>> -> memref<1x10240xf32, #tpu.memory_space<hbm>>
      %dma_start3A_17 = tpu.memref_squeeze %dma_start3A_16 : memref<1x10240xf32, #tpu.memory_space<hbm>> -> memref<10240xf32, #tpu.memory_space<hbm>>
      tpu.enqueue_dma source(%arg5 : memref<10240xf32, #tpu.memory_space<vmem>>) target(%dma_start3A_17 : memref<10240xf32, #tpu.memory_space<hbm>>) target_semaphore(%run_scoped3A : memref<!tpu.dma_semaphore, #tpu.memory_space<semaphore_mem>>)
      %dma_wait3A = arith.constant 0 : i32
      %dma_wait3A_18 = tpu.memref_slice %arg3[%add3A, %dma_wait3A] : memref<32x10240xf32, #tpu.memory_space<hbm>> -> memref<1x10240xf32, #tpu.memory_space<hbm>>
      %dma_wait3A_19 = tpu.memref_squeeze %dma_wait3A_18 : memref<1x10240xf32, #tpu.memory_space<hbm>> -> memref<10240xf32, #tpu.memory_space<hbm>>
      %dma_wait3A_20 = arith.constant 0 : i32
      %dma_wait3A_21 = tpu.memref_slice %arg3[%add3A, %dma_wait3A_20] : memref<32x10240xf32, #tpu.memory_space<hbm>> -> memref<1x10240xf32, #tpu.memory_space<hbm>>
      %dma_wait3A_22 = tpu.memref_squeeze %dma_wait3A_21 : memref<1x10240xf32, #tpu.memory_space<hbm>> -> memref<10240xf32, #tpu.memory_space<hbm>>
      tpu.wait_dma2 semaphore(%run_scoped3A : memref<!tpu.dma_semaphore, #tpu.memory_space<semaphore_mem>>) src(%arg5 : memref<10240xf32, #tpu.memory_space<vmem>>) dst(%dma_wait3A_22 : memref<10240xf32, #tpu.memory_space<hbm>>)
      tpu.yield
    }) : () -> ()
    return
  }
}

module attributes {stable_mosaic.version = 14 : i64} {
  func.func @body(%arg0: i32, %arg1: memref<2560x128xf32, #tpu.memory_space<vmem>>, %arg2: memref<128x128xf32, #tpu.memory_space<vmem>>, %arg3: memref<32x2560xf32, #tpu.memory_space<vmem>>, %arg4: memref<2560x128xf32, #tpu.memory_space<vmem>>) attributes {dimension_semantics = [#tpu.dimension_semantics<arbitrary>], iteration_bounds = array<i64: 4>, scalar_prefetch = 0 : i64, scratch_operands = 0 : i64, tpu.core_type = #tpu.core_type<tc>, window_params = [{transform_indices = @transform_0, window_bounds = array<i64: 2560, 128>}, {pipeline_mode = #tpu.pipeline_mode<synchronous>, transform_indices = @transform_1, window_bounds = array<i64: 128, 128>}, {transform_indices = @transform_2, window_bounds = array<i64: 32, 2560>}, {transform_indices = @transform_3, window_bounds = array<i64: 2560, 128>}]} {
    %get3A = arith.constant 0 : index
    %get3A_0 = arith.constant 0 : index
    %get3A_1 = vector.load %arg1[%get3A, %get3A_0] : memref<2560x128xf32, #tpu.memory_space<vmem>>, vector<2560x128xf32>
    %get3A_2 = arith.constant 0 : index
    %get3A_3 = arith.constant 0 : index
    %get3A_4 = vector.load %arg2[%get3A_2, %get3A_3] : memref<128x128xf32, #tpu.memory_space<vmem>>, vector<128x128xf32>
    %dot_general3A = arith.constant dense<0.000000e+00> : vector<2560x128xf32>
    %dot_general3A_5 = tpu.matmul %get3A_1, %get3A_4, %dot_general3A {dimension_numbers = #tpu.dot_dimension_numbers<[1], [0], [0], [1], [0, 0, 1, 1], [], []>, transpose_lhs_hint = false} : vector<2560x128xf32>, vector<128x128xf32>, vector<2560x128xf32> -> vector<2560x128xf32>
    %get3A_6 = arith.constant 0 : index
    %get3A_7 = arith.constant 0 : index
    %get3A_8 = vector.load %arg3[%get3A_6, %get3A_7] : memref<32x2560xf32, #tpu.memory_space<vmem>>, vector<32x2560xf32>
    %reduce_sum3A = arith.constant dense<0.000000e+00> : vector<2560xf32>
    %reduce_sum3A_9 = vector.multi_reduction <add>, %get3A_8, %reduce_sum3A [0] : vector<32x2560xf32> to vector<2560xf32>
    %add3A = arith.constant 1.000000e+00 : f32
    %add3A_10 = vector.broadcast %add3A : f32 to vector<2560xf32>
    %add3A_11 = arith.addf %add3A_10, %reduce_sum3A_9 : vector<2560xf32>
    %rsqrt3A = math.rsqrt %add3A_11 : vector<2560xf32>
    %broadcast_in_dim3A = vector.shape_cast %rsqrt3A : vector<2560xf32> to vector<2560x1xf32>
    %mul3A = vector.broadcast %broadcast_in_dim3A : vector<2560x1xf32> to vector<2560x128xf32>
    %mul3A_12 = arith.mulf %dot_general3A_5, %mul3A : vector<2560x128xf32>
    %swap3A = arith.constant 0 : index
    %swap3A_13 = arith.constant 0 : index
    %swap3A_14 = vector.load %arg4[%swap3A, %swap3A_13] : memref<2560x128xf32, #tpu.memory_space<vmem>>, vector<2560x128xf32>
    tpu.vector_store %arg4[%swap3A, %swap3A_13], %mul3A_12 {strides = array<i32>} : memref<2560x128xf32, #tpu.memory_space<vmem>>, vector<2560x128xf32>,
    return
  }
  func.func @transform_0(%arg0: i32) -> (i32, i32) {
    %c0_i32 = arith.constant 0 : i32
    %c0_i32_0 = arith.constant 0 : i32
    return %arg0, %c0_i32 : i32, i32
  }
  func.func @transform_1(%arg0: i32) -> (i32, i32) {
    %c0_i32 = arith.constant 0 : i32
    %c0_i32_0 = arith.constant 0 : i32
    %c0_i32_1 = arith.constant 0 : i32
    return %c0_i32, %c0_i32_0 : i32, i32
  }
  func.func @transform_2(%arg0: i32) -> (i32, i32) {
    %c0_i32 = arith.constant 0 : i32
    %c0_i32_0 = arith.constant 0 : i32
    return %c0_i32, %arg0 : i32, i32
  }
  func.func @transform_3(%arg0: i32) -> (i32, i32) {
    %c0_i32 = arith.constant 0 : i32
    %c0_i32_0 = arith.constant 0 : i32
    return %arg0, %c0_i32 : i32, i32
  }
}

module attributes {stable_mosaic.version = 14 : i64} {
  func.func @body(%arg0: i32, %arg1: memref<2x2560x128xf32, #tpu.memory_space<vmem>>, %arg2: memref<2560x128xf32, #tpu.memory_space<vmem>>, %arg3: memref<32x2560xf32, #tpu.memory_space<vmem>>, %arg4: memref<128xf32, #tpu.memory_space<vmem>>, %arg5: memref<128x128xf32, #tpu.memory_space<vmem>>, %arg6: memref<2560x128xf32, #tpu.memory_space<vmem>>) attributes {dimension_semantics = [#tpu.dimension_semantics<arbitrary>], iteration_bounds = array<i64: 4>, scalar_prefetch = 0 : i64, scratch_operands = 0 : i64, tpu.core_type = #tpu.core_type<tc>, window_params = [{transform_indices = @transform_0, window_bounds = array<i64: 2, 2560, 128>}, {transform_indices = @transform_1, window_bounds = array<i64: 2560, 128>}, {transform_indices = @transform_2, window_bounds = array<i64: 32, 2560>}, {pipeline_mode = #tpu.pipeline_mode<synchronous>, transform_indices = @transform_3, window_bounds = array<i64: 128>}, {pipeline_mode = #tpu.pipeline_mode<synchronous>, transform_indices = @transform_4, window_bounds = array<i64: 128, 128>}, {transform_indices = @transform_5, window_bounds = array<i64: 2560, 128>}]} {
    %get3A = arith.constant 0 : index
    %get3A_0 = arith.constant 0 : index
    %get3A_1 = vector.load %arg3[%get3A, %get3A_0] : memref<32x2560xf32, #tpu.memory_space<vmem>>, vector<32x2560xf32>
    %reduce_sum3A = arith.constant dense<0.000000e+00> : vector<2560xf32>
    %reduce_sum3A_2 = vector.multi_reduction <add>, %get3A_1, %reduce_sum3A [0] : vector<32x2560xf32> to vector<2560xf32>
    %add3A = arith.constant 1.000000e+00 : f32
    %add3A_3 = vector.broadcast %add3A : f32 to vector<2560xf32>
    %add3A_4 = arith.addf %add3A_3, %reduce_sum3A_2 : vector<2560xf32>
    %rsqrt3A = math.rsqrt %add3A_4 : vector<2560xf32>
    %broadcast_in_dim3A = vector.shape_cast %rsqrt3A : vector<2560xf32> to vector<2560x1xf32>
    %get3A_5 = arith.constant 0 : index
    %get3A_6 = arith.constant 0 : index
    %get3A_7 = arith.constant 0 : index
    %get3A_8 = vector.load %arg1[%get3A_5, %get3A_6, %get3A_7] : memref<2x2560x128xf32, #tpu.memory_space<vmem>>, vector<1x2560x128xf32>
    %get3A_9 = vector.shape_cast %get3A_8 : vector<1x2560x128xf32> to vector<2560x128xf32>
    %add3A_10 = arith.constant 0.000000e+00 : f32
    %add3A_11 = vector.broadcast %add3A_10 : f32 to vector<2560x128xf32>
    %add3A_12 = arith.addf %add3A_11, %get3A_9 : vector<2560x128xf32>
    %get3A_13 = arith.constant 1 : index
    %get3A_14 = arith.constant 0 : index
    %get3A_15 = arith.constant 0 : index
    %get3A_16 = vector.load %arg1[%get3A_13, %get3A_14, %get3A_15] : memref<2x2560x128xf32, #tpu.memory_space<vmem>>, vector<1x2560x128xf32>
    %get3A_17 = vector.shape_cast %get3A_16 : vector<1x2560x128xf32> to vector<2560x128xf32>
    %add3A_18 = arith.addf %add3A_12, %get3A_17 : vector<2560x128xf32>
    %get3A_19 = arith.constant 0 : index
    %get3A_20 = arith.constant 0 : index
    %get3A_21 = vector.load %arg2[%get3A_19, %get3A_20] : memref<2560x128xf32, #tpu.memory_space<vmem>>, vector<2560x128xf32>
    %add3A_22 = arith.addf %add3A_18, %get3A_21 : vector<2560x128xf32>
    %mul3A = vector.broadcast %broadcast_in_dim3A : vector<2560x1xf32> to vector<2560x128xf32>
    %mul3A_23 = arith.mulf %add3A_22, %mul3A : vector<2560x128xf32>
    %get3A_24 = arith.constant 0 : index
    %get3A_25 = vector.load %arg4[%get3A_24] : memref<128xf32, #tpu.memory_space<vmem>>, vector<128xf32>
    %broadcast_in_dim3A_26 = vector.shape_cast %get3A_25 : vector<128xf32> to vector<1x128xf32>
    %add3A_27 = vector.broadcast %broadcast_in_dim3A_26 : vector<1x128xf32> to vector<2560x128xf32>
    %add3A_28 = arith.addf %mul3A_23, %add3A_27 : vector<2560x128xf32>
    %max3A = arith.constant 0.000000e+00 : f32
    %max3A_29 = vector.broadcast %max3A : f32 to vector<2560x128xf32>
    %max3A_30 = arith.maximumf %add3A_28, %max3A_29 : vector<2560x128xf32>
    %mul3A_31 = arith.constant 2560 : i32
    %mul3A_32 = arith.muli %arg0, %mul3A_31 : i32
    %iota3A = tpu.iota {dimensions = array<i32: 0>} : vector<2560x1xi32>
    %add3A_33 = vector.broadcast %mul3A_32 : i32 to vector<2560x1xi32>
    %add3A_34 = arith.addi %add3A_33, %iota3A : vector<2560x1xi32>
    %lt3A = arith.constant 10000 : i32
    %lt3A_35 = vector.broadcast %lt3A : i32 to vector<2560x1xi32>
    %lt3A_36 = arith.cmpi slt, %add3A_34, %lt3A_35 : vector<2560x1xi32>
    %jit3A = arith.constant 0.000000e+00 : f32
    %broadcast_in_dim3A_37 = vector.shape_cast %lt3A_36 : vector<2560x1xi1> to vector<2560x1xi1>
    %broadcast_in_dim3A_38 = vector.broadcast %broadcast_in_dim3A_37 : vector<2560x1xi1> to vector<2560x128xi1>
    %broadcast_in_dim3A_39 = vector.broadcast %jit3A : f32 to vector<2560x128xf32>
    %select_n3A = arith.select %broadcast_in_dim3A_38, %max3A_30, %broadcast_in_dim3A_39 : vector<2560x128xi1>, vector<2560x128xf32>
    %get3A_40 = arith.constant 0 : index
    %get3A_41 = arith.constant 0 : index
    %get3A_42 = vector.load %arg5[%get3A_40, %get3A_41] : memref<128x128xf32, #tpu.memory_space<vmem>>, vector<128x128xf32>
    %dot_general3A = arith.constant dense<0.000000e+00> : vector<2560x128xf32>
    %dot_general3A_43 = tpu.matmul %select_n3A, %get3A_42, %dot_general3A {dimension_numbers = #tpu.dot_dimension_numbers<[1], [0], [0], [1], [0, 0, 1, 1], [], []>, transpose_lhs_hint = false} : vector<2560x128xf32>, vector<128x128xf32>, vector<2560x128xf32> -> vector<2560x128xf32>
    %mul3A_44 = vector.broadcast %broadcast_in_dim3A : vector<2560x1xf32> to vector<2560x128xf32>
    %mul3A_45 = arith.mulf %dot_general3A_43, %mul3A_44 : vector<2560x128xf32>
    %swap3A = arith.constant 0 : index
    %swap3A_46 = arith.constant 0 : index
    %swap3A_47 = vector.load %arg6[%swap3A, %swap3A_46] : memref<2560x128xf32, #tpu.memory_space<vmem>>, vector<2560x128xf32>
    tpu.vector_store %arg6[%swap3A, %swap3A_46], %mul3A_45 {strides = array<i32>} : memref<2560x128xf32, #tpu.memory_space<vmem>>, vector<2560x128xf32>,
    return
  }
  func.func @transform_0(%arg0: i32) -> (i32, i32, i32) {
    %c0_i32 = arith.constant 0 : i32
    %c0_i32_0 = arith.constant 0 : i32
    %c0_i32_1 = arith.constant 0 : i32
    return %c0_i32, %arg0, %c0_i32_0 : i32, i32, i32
  }
  func.func @transform_1(%arg0: i32) -> (i32, i32) {
    %c0_i32 = arith.constant 0 : i32
    %c0_i32_0 = arith.constant 0 : i32
    return %arg0, %c0_i32 : i32, i32
  }
  func.func @transform_2(%arg0: i32) -> (i32, i32) {
    %c0_i32 = arith.constant 0 : i32
    %c0_i32_0 = arith.constant 0 : i32
    return %c0_i32, %arg0 : i32, i32
  }
  func.func @transform_3(%arg0: i32) -> i32 {
    %c0_i32 = arith.constant 0 : i32
    %c0_i32_0 = arith.constant 0 : i32
    return %c0_i32 : i32
  }
  func.func @transform_4(%arg0: i32) -> (i32, i32) {
    %c0_i32 = arith.constant 0 : i32
    %c0_i32_0 = arith.constant 0 : i32
    %c0_i32_1 = arith.constant 0 : i32
    return %c0_i32, %c0_i32_0 : i32, i32
  }
  func.func @transform_5(%arg0: i32) -> (i32, i32) {
    %c0_i32 = arith.constant 0 : i32
    %c0_i32_0 = arith.constant 0 : i32
    return %arg0, %c0_i32 : i32, i32
  }
}

module attributes {stable_mosaic.version = 14 : i64} {
  func.func @body(%arg0: i32, %arg1: memref<2x2560x128xf32, #tpu.memory_space<vmem>>, %arg2: memref<2560x128xf32, #tpu.memory_space<vmem>>, %arg3: memref<32x2560xf32, #tpu.memory_space<vmem>>, %arg4: memref<128xf32, #tpu.memory_space<vmem>>, %arg5: memref<2560x1xi32, #tpu.memory_space<vmem>>, %arg6: memref<128x128xf32, #tpu.memory_space<vmem>>, %arg7: memref<128xf32, #tpu.memory_space<vmem>>, %arg8: memref<64x128xf32, #tpu.memory_space<vmem>>, %arg9: memref<64x128xf32, #tpu.memory_space<vmem>>, %arg10: memref<64x1xf32, #tpu.memory_space<vmem>>) attributes {dimension_semantics = [#tpu.dimension_semantics<arbitrary>], iteration_bounds = array<i64: 4>, scalar_prefetch = 0 : i64, scratch_operands = 2 : i64, tpu.core_type = #tpu.core_type<tc>, window_params = [{transform_indices = @transform_0, window_bounds = array<i64: 2, 2560, 128>}, {transform_indices = @transform_1, window_bounds = array<i64: 2560, 128>}, {transform_indices = @transform_2, window_bounds = array<i64: 32, 2560>}, {pipeline_mode = #tpu.pipeline_mode<synchronous>, transform_indices = @transform_3, window_bounds = array<i64: 128>}, {transform_indices = @transform_4, window_bounds = array<i64: 2560, 1>}, {pipeline_mode = #tpu.pipeline_mode<synchronous>, transform_indices = @transform_5, window_bounds = array<i64: 128, 128>}, {pipeline_mode = #tpu.pipeline_mode<synchronous>, transform_indices = @transform_6, window_bounds = array<i64: 128>}, {pipeline_mode = #tpu.pipeline_mode<synchronous>, transform_indices = @transform_7, window_bounds = array<i64: 64, 128>}]} {
    %eq3A = arith.constant 0 : i32
    %eq3A_0 = arith.cmpi eq, %arg0, %eq3A : i32
    %convert_element_type3A = arith.extui %eq3A_0 : i1 to i32
    %cond3A = arith.constant 0 : i32
    %cond3A_1 = arith.cmpi ne, %convert_element_type3A, %cond3A : i32
    scf.if %cond3A_1 {
      %broadcast_in_dim3A_63 = arith.constant 0.000000e+00 : f32
      %broadcast_in_dim3A_64 = vector.broadcast %broadcast_in_dim3A_63 : f32 to vector<64x128xf32>
      %swap3A_65 = arith.constant 0 : index
      %swap3A_66 = arith.constant 0 : index
      %swap3A_67 = vector.load %arg9[%swap3A_65, %swap3A_66] : memref<64x128xf32, #tpu.memory_space<vmem>>, vector<64x128xf32>
      tpu.vector_store %arg9[%swap3A_65, %swap3A_66], %broadcast_in_dim3A_64 {strides = array<i32>} : memref<64x128xf32, #tpu.memory_space<vmem>>, vector<64x128xf32>,
      %broadcast_in_dim3A_68 = arith.constant 0.000000e+00 : f32
      %broadcast_in_dim3A_69 = vector.broadcast %broadcast_in_dim3A_68 : f32 to vector<64x1xf32>
      %swap3A_70 = arith.constant 0 : index
      %swap3A_71 = arith.constant 0 : index
      %swap3A_72 = vector.load %arg10[%swap3A_70, %swap3A_71] : memref<64x1xf32, #tpu.memory_space<vmem>>, vector<64x1xf32>
      tpu.vector_store %arg10[%swap3A_70, %swap3A_71], %broadcast_in_dim3A_69 {strides = array<i32>} : memref<64x1xf32, #tpu.memory_space<vmem>>, vector<64x1xf32>,
    } else {
    }
    %get3A = arith.constant 0 : index
    %get3A_2 = arith.constant 0 : index
    %get3A_3 = vector.load %arg3[%get3A, %get3A_2] : memref<32x2560xf32, #tpu.memory_space<vmem>>, vector<32x2560xf32>
    %reduce_sum3A = arith.constant dense<0.000000e+00> : vector<2560xf32>
    %reduce_sum3A_4 = vector.multi_reduction <add>, %get3A_3, %reduce_sum3A [0] : vector<32x2560xf32> to vector<2560xf32>
    %add3A = arith.constant 1.000000e+00 : f32
    %add3A_5 = vector.broadcast %add3A : f32 to vector<2560xf32>
    %add3A_6 = arith.addf %add3A_5, %reduce_sum3A_4 : vector<2560xf32>
    %rsqrt3A = math.rsqrt %add3A_6 : vector<2560xf32>
    %broadcast_in_dim3A = vector.shape_cast %rsqrt3A : vector<2560xf32> to vector<2560x1xf32>
    %get3A_7 = arith.constant 0 : index
    %get3A_8 = arith.constant 0 : index
    %get3A_9 = arith.constant 0 : index
    %get3A_10 = vector.load %arg1[%get3A_7, %get3A_8, %get3A_9] : memref<2x2560x128xf32, #tpu.memory_space<vmem>>, vector<1x2560x128xf32>
    %get3A_11 = vector.shape_cast %get3A_10 : vector<1x2560x128xf32> to vector<2560x128xf32>
    %add3A_12 = arith.constant 0.000000e+00 : f32
    %add3A_13 = vector.broadcast %add3A_12 : f32 to vector<2560x128xf32>
    %add3A_14 = arith.addf %add3A_13, %get3A_11 : vector<2560x128xf32>
    %get3A_15 = arith.constant 1 : index
    %get3A_16 = arith.constant 0 : index
    %get3A_17 = arith.constant 0 : index
    %get3A_18 = vector.load %arg1[%get3A_15, %get3A_16, %get3A_17] : memref<2x2560x128xf32, #tpu.memory_space<vmem>>, vector<1x2560x128xf32>
    %get3A_19 = vector.shape_cast %get3A_18 : vector<1x2560x128xf32> to vector<2560x128xf32>
    %add3A_20 = arith.addf %add3A_14, %get3A_19 : vector<2560x128xf32>
    %get3A_21 = arith.constant 0 : index
    %get3A_22 = arith.constant 0 : index
    %get3A_23 = vector.load %arg2[%get3A_21, %get3A_22] : memref<2560x128xf32, #tpu.memory_space<vmem>>, vector<2560x128xf32>
    %add3A_24 = arith.addf %add3A_20, %get3A_23 : vector<2560x128xf32>
    %mul3A = vector.broadcast %broadcast_in_dim3A : vector<2560x1xf32> to vector<2560x128xf32>
    %mul3A_25 = arith.mulf %add3A_24, %mul3A : vector<2560x128xf32>
    %get3A_26 = arith.constant 0 : index
    %get3A_27 = vector.load %arg4[%get3A_26] : memref<128xf32, #tpu.memory_space<vmem>>, vector<128xf32>
    %broadcast_in_dim3A_28 = vector.shape_cast %get3A_27 : vector<128xf32> to vector<1x128xf32>
    %add3A_29 = vector.broadcast %broadcast_in_dim3A_28 : vector<1x128xf32> to vector<2560x128xf32>
    %add3A_30 = arith.addf %mul3A_25, %add3A_29 : vector<2560x128xf32>
    %max3A = arith.constant 0.000000e+00 : f32
    %max3A_31 = vector.broadcast %max3A : f32 to vector<2560x128xf32>
    %max3A_32 = arith.maximumf %add3A_30, %max3A_31 : vector<2560x128xf32>
    %iota3A = tpu.iota {dimensions = array<i32: 1>} : vector<2560x64xi32>
    %get3A_33 = arith.constant 0 : index
    %get3A_34 = arith.constant 0 : index
    %get3A_35 = vector.load %arg5[%get3A_33, %get3A_34] : memref<2560x1xi32, #tpu.memory_space<vmem>>, vector<2560x1xi32>
    %eq3A_36 = vector.broadcast %get3A_35 : vector<2560x1xi32> to vector<2560x64xi32>
    %eq3A_37 = arith.cmpi eq, %eq3A_36, %iota3A : vector<2560x64xi32>
    %convert_element_type3A_38 = arith.extui %eq3A_37 : vector<2560x64xi1> to vector<2560x64xi32>
    %convert_element_type3A_39 = arith.sitofp %convert_element_type3A_38 : vector<2560x64xi32> to vector<2560x64xf32>
    %get3A_40 = arith.constant 0 : index
    %get3A_41 = arith.constant 0 : index
    %get3A_42 = vector.load %arg9[%get3A_40, %get3A_41] : memref<64x128xf32, #tpu.memory_space<vmem>>, vector<64x128xf32>
    %dot_general3A = arith.constant dense<0.000000e+00> : vector<64x128xf32>
    %dot_general3A_43 = tpu.matmul %convert_element_type3A_39, %max3A_32, %dot_general3A {dimension_numbers = #tpu.dot_dimension_numbers<[0], [0], [1], [1], [0, 1, 1, 1], [], []>, transpose_lhs_hint = false} : vector<2560x64xf32>, vector<2560x128xf32>, vector<64x128xf32> -> vector<64x128xf32>
    %add3A_44 = arith.addf %get3A_42, %dot_general3A_43 : vector<64x128xf32>
    %swap3A = arith.constant 0 : index
    %swap3A_45 = arith.constant 0 : index
    %swap3A_46 = vector.load %arg9[%swap3A, %swap3A_45] : memref<64x128xf32, #tpu.memory_space<vmem>>, vector<64x128xf32>
    tpu.vector_store %arg9[%swap3A, %swap3A_45], %add3A_44 {strides = array<i32>} : memref<64x128xf32, #tpu.memory_space<vmem>>, vector<64x128xf32>,
    %get3A_47 = arith.constant 0 : index
    %get3A_48 = arith.constant 0 : index
    %get3A_49 = vector.load %arg10[%get3A_47, %get3A_48] : memref<64x1xf32, #tpu.memory_space<vmem>>, vector<64x1xf32>
    %broadcast_in_dim3A_50 = arith.constant 1.000000e+00 : f32
    %broadcast_in_dim3A_51 = vector.broadcast %broadcast_in_dim3A_50 : f32 to vector<2560x1xf32>
    %dot_general3A_52 = arith.constant dense<0.000000e+00> : vector<64x1xf32>
    %dot_general3A_53 = tpu.matmul %convert_element_type3A_39, %broadcast_in_dim3A_51, %dot_general3A_52 {dimension_numbers = #tpu.dot_dimension_numbers<[0], [0], [1], [1], [0, 1, 1, 1], [], []>, transpose_lhs_hint = false} : vector<2560x64xf32>, vector<2560x1xf32>, vector<64x1xf32> -> vector<64x1xf32>
    %add3A_54 = arith.addf %get3A_49, %dot_general3A_53 : vector<64x1xf32>
    %swap3A_55 = arith.constant 0 : index
    %swap3A_56 = arith.constant 0 : index
    %swap3A_57 = vector.load %arg10[%swap3A_55, %swap3A_56] : memref<64x1xf32, #tpu.memory_space<vmem>>, vector<64x1xf32>
    tpu.vector_store %arg10[%swap3A_55, %swap3A_56], %add3A_54 {strides = array<i32>} : memref<64x1xf32, #tpu.memory_space<vmem>>, vector<64x1xf32>,
    %eq3A_58 = arith.constant 3 : i32
    %eq3A_59 = arith.cmpi eq, %arg0, %eq3A_58 : i32
    %convert_element_type3A_60 = arith.extui %eq3A_59 : i1 to i32
    %cond3A_61 = arith.constant 0 : i32
    %cond3A_62 = arith.cmpi ne, %convert_element_type3A_60, %cond3A_61 : i32
    scf.if %cond3A_62 {
      %get3A_63 = arith.constant 0 : index
      %get3A_64 = arith.constant 0 : index
      %get3A_65 = vector.load %arg9[%get3A_63, %get3A_64] : memref<64x128xf32, #tpu.memory_space<vmem>>, vector<64x128xf32>
      %get3A_66 = arith.constant 0 : index
      %get3A_67 = arith.constant 0 : index
      %get3A_68 = vector.load %arg10[%get3A_66, %get3A_67] : memref<64x1xf32, #tpu.memory_space<vmem>>, vector<64x1xf32>
      %max3A_69 = arith.constant 1.000000e+00 : f32
      %max3A_70 = vector.broadcast %max3A_69 : f32 to vector<64x1xf32>
      %max3A_71 = arith.maximumf %get3A_68, %max3A_70 : vector<64x1xf32>
      %div3A = vector.broadcast %max3A_71 : vector<64x1xf32> to vector<64x128xf32>
      %div3A_72 = arith.divf %get3A_65, %div3A : vector<64x128xf32>
      %get3A_73 = arith.constant 0 : index
      %get3A_74 = arith.constant 0 : index
      %get3A_75 = vector.load %arg6[%get3A_73, %get3A_74] : memref<128x128xf32, #tpu.memory_space<vmem>>, vector<128x128xf32>
      %dot_general3A_76 = arith.constant dense<0.000000e+00> : vector<64x128xf32>
      %dot_general3A_77 = tpu.matmul %div3A_72, %get3A_75, %dot_general3A_76 {dimension_numbers = #tpu.dot_dimension_numbers<[1], [0], [0], [1], [0, 0, 1, 1], [], []>, transpose_lhs_hint = false} : vector<64x128xf32>, vector<128x128xf32>, vector<64x128xf32> -> vector<64x128xf32>
      %get3A_78 = arith.constant 0 : index
      %get3A_79 = vector.load %arg7[%get3A_78] : memref<128xf32, #tpu.memory_space<vmem>>, vector<128xf32>
      %broadcast_in_dim3A_80 = vector.shape_cast %get3A_79 : vector<128xf32> to vector<1x128xf32>
      %add3A_81 = vector.broadcast %broadcast_in_dim3A_80 : vector<1x128xf32> to vector<64x128xf32>
      %add3A_82 = arith.addf %dot_general3A_77, %add3A_81 : vector<64x128xf32>
      %swap3A_83 = arith.constant 0 : index
      %swap3A_84 = arith.constant 0 : index
      %swap3A_85 = vector.load %arg8[%swap3A_83, %swap3A_84] : memref<64x128xf32, #tpu.memory_space<vmem>>, vector<64x128xf32>
      tpu.vector_store %arg8[%swap3A_83, %swap3A_84], %add3A_82 {strides = array<i32>} : memref<64x128xf32, #tpu.memory_space<vmem>>, vector<64x128xf32>,
    } else {
    }
    return
  }
  func.func @transform_0(%arg0: i32) -> (i32, i32, i32) {
    %c0_i32 = arith.constant 0 : i32
    %c0_i32_0 = arith.constant 0 : i32
    %c0_i32_1 = arith.constant 0 : i32
    return %c0_i32, %arg0, %c0_i32_0 : i32, i32, i32
  }
  func.func @transform_1(%arg0: i32) -> (i32, i32) {
    %c0_i32 = arith.constant 0 : i32
    %c0_i32_0 = arith.constant 0 : i32
    return %arg0, %c0_i32 : i32, i32
  }
  func.func @transform_2(%arg0: i32) -> (i32, i32) {
    %c0_i32 = arith.constant 0 : i32
    %c0_i32_0 = arith.constant 0 : i32
    return %c0_i32, %arg0 : i32, i32
  }
  func.func @transform_3(%arg0: i32) -> i32 {
    %c0_i32 = arith.constant 0 : i32
    %c0_i32_0 = arith.constant 0 : i32
    return %c0_i32 : i32
  }
  func.func @transform_4(%arg0: i32) -> (i32, i32) {
    %c0_i32 = arith.constant 0 : i32
    %c0_i32_0 = arith.constant 0 : i32
    return %arg0, %c0_i32 : i32, i32
  }
  func.func @transform_5(%arg0: i32) -> (i32, i32) {
    %c0_i32 = arith.constant 0 : i32
    %c0_i32_0 = arith.constant 0 : i32
    %c0_i32_1 = arith.constant 0 : i32
    return %c0_i32, %c0_i32_0 : i32, i32
  }
  func.func @transform_6(%arg0: i32) -> i32 {
    %c0_i32 = arith.constant 0 : i32
    %c0_i32_0 = arith.constant 0 : i32
    return %c0_i32 : i32
  }
  func.func @transform_7(%arg0: i32) -> (i32, i32) {
    %c0_i32 = arith.constant 0 : i32
    %c0_i32_0 = arith.constant 0 : i32
    %c0_i32_1 = arith.constant 0 : i32
    return %c0_i32, %c0_i32_0 : i32, i32
  }
}

</mosaic_0001>

<sc_bundles>
// kernel: kernel.11.cloned.1.call-start
scs
__scs_entry_jumppad:
0x0: {  	(pc) =	sbr.rel $0x88, $3  }
0x1: {  	(tag) =	ssettag $0x0;
	lr =	simm.s32 $0x1  }
0x2: {  	[smem:$0x3F98] =	sst lr;
	_ =	strace $0xD0000000  }
0x3: {  	_ = 	snop  }
0x4: {  	_ = 	snop  }
0x5: {  	_ = 	snop  }
0x6: {  	_ = 	snop  }
0x7: {  	_ = 	snop  }
__scs_overlays_trampoline_lowered:
0x8: {  	[smem:$0x3FA7] =	sst s0  }
0x9: {  	[smem:$0x3FA8] =	sst s1  }
0xa: {  	[smem:$0x3FA9] =	sst s2  }
0xb: {  	[smem:$0x3FAA] =	sst s3  }
0xc: {  	[smem:$0x3FAB] =	sst s4  }
0xd: {  	[smem:$0x3FAC] =	sst s5  }
0xe: {  	[smem:$0x3FAD] =	sst s6  }
0xf: {  	[smem:$0x3FAE] =	sst s7  }
0x10: {  	[smem:$0x3FAF] =	sst s8  }
0x11: {  	[smem:$0x3FB0] =	sst s9;
	s0 =	simm.s32 @!p0 $0x0  }
0x12: {  	s1 =	sld [smem:$0x3F96];
	s0 =	simm.s32 @p0 $0x1  }
0x13: {  	[smem:$0x3FB1] =	sst s0;
	s0 =	simm.s32 @!p1 $0x0  }
0x14: {  	s2 =	sld [smem:$0x3F95];
	s0 =	simm.s32 @p1 $0x1  }
0x15: {  	[smem:$0x3FB2] =	sst s0;
	s0 =	simm.s32 @!p2 $0x0  }
0x16: {  	s3 =	sld [smem:$0x3FDB];
	s0 =	simm.s32 @p2 $0x1  }
0x17: {  	s4 =	simm.s32 $0x1BF5;
	[smem:$0x3FB4] =	sst s0  }
0x18: {  	s0 =	sld [smem:$0x3F97];
	_ =	swait.ge [sflag:s4], $0x0  }
0x19: {  	s7 =	sld [smem:$0x3F98]  }
0x1a: {  	s8 =	sadd.s32 $0xFFFFE003, lr  }
0x1b: {  	s9 =	sadd.s32 $0xFFFFFEF7, lr;
	s5 =	simm.s32 $0xFFFFFFFF;
	p2 =	slt.u32 s8, $0xFFFFF086  }
0x1c: {  	p1 =	slt.u32 s9, $0xF7A;
	s5 =	simm.s32 @!p2 $0x0  }
0x1d: {  	s5 =	simm.s32 @p1 $0x1;
	p0 =	seq.s32 s7, s2  }
0x1e: {  	s7 =	smul.u32 @!p0 $0xF7A, s2;
	p2 =	seq.s32 @!p0 s5, $0x0  }
0x1f: {  	s9 =	smul.u32 $0xF7A, s1;
	s8 =	simm.s32 @!p0 $0x1BF5;
	p2 =	por !p2, p0  }
0x20: {  	[sflag:s8] =	ssyncset.s32 @!p0 $0xFFFFF086;
	s6 =	sadd.s32 @!p0 s3, s7;
	s7 =	simm.s32 @!p0 $0x108  }
0x21: {  	s3 =	sadd.s32 s3, s9;
	s6 =	sadd.s32 @!p0 $0x88, s6;
	s7 =	simm.s32 @p2 $0x1082  }
0x22: {  	[simem:s7], [sflag:s8] =	dma.local @!p0 [hbm:s6], $0xF7A  }
0x23: {  	s9 =	sor.u32 $0xD0000000, s2;
	s6 =	simm.s32 $0x108;
	_ =	swait.ge @!p0 [sflag:s8], $0x0  }
0x24: {  	s3 =	sadd.s32 $0x88, s3;
	s6 =	simm.s32 @!p1 $0x1082;
	[sflag:s4] =	ssyncset.s32 $0xFFFFF086  }
0x25: {  	[simem:s6], [sflag:s4] =	dma.local [hbm:s3], $0xF7A  }
0x26: {  	[smem:$0x3F98] =	sst s1;
	(tag) =	ssettag s2;
	_ =	strace s9  }
0x27: {  	s1 =	sld [smem:$0x3FA8]  }
0x28: {  	s2 =	sld [smem:$0x3FA9]  }
0x29: {  	s4 =	sld [smem:$0x3FAB]  }
0x2a: {  	p0 =	seq.s32 s5, $0x0;
	s5 =	sld [smem:$0x3FAC]  }
0x2b: {  	s6 =	sld [smem:$0x3FAD]  }
0x2c: {  	s7 =	sld [smem:$0x3FAE]  }
0x2d: {  	s3 =	simm.s32 $0x108;
	s8 =	sld [smem:$0x3FAF]  }
0x2e: {  	s3 =	simm.s32 @!p0 $0x1082;
	s9 =	sld [smem:$0x3FB0]  }
0x2f: {  	lr =	sadd.s32 s0, s3;
	s0 =	sld [smem:$0x3FA7]  }
0x30: {  	s3 =	sld [smem:$0x3FAA]  }
0x31: {  	[smem:$0x3FB3] =	sst s10  }
0x32: {  	s10 =	sld [smem:$0x3FB1];
	_ =	sdelay $0x3  }
0x33: {  	p0 =	seq.s32 s10, $0x1;
	s10 =	sld [smem:$0x3FB3];
	_ =	sdelay $0x3  }
0x34: {  	[smem:$0x3FB3] =	sst s10  }
0x35: {  	s10 =	sld [smem:$0x3FB2];
	_ =	sdelay $0x3  }
0x36: {  	p1 =	seq.s32 s10, $0x1;
	s10 =	sld [smem:$0x3FB3];
	_ =	sdelay $0x3  }
0x37: {  	[smem:$0x3FB3] =	sst s10  }
0x38: {  	s10 =	sld [smem:$0x3FB4]  }
0x39: {  	_ = 	snop;
	(pc) =	sbr.ind lr, $3  }
0x3a: {  	_ = 	snop  }
0x3b: {  	_ = 	snop  }
0x3c: {  	p2 =	seq.s32 s10, $0x1;
	s10 =	sld [smem:$0x3FB3]  }
0x3d: {  	_ =	shalt  }
0x3e: {  	_ =	shalt  }
0x3f: {  	_ =	shalt  }
0x40: {  	_ =	shalt  }
0x41: {  	_ =	shalt  }
0x42: {  	_ =	shalt  }
0x43: {  	_ =	shalt  }
0x44: {  	_ =	shalt  }
0x45: {  	_ =	shalt  }
0x46: {  	_ =	shalt  }
0x47: {  	_ =	shalt  }
0x48: {  	_ =	shalt  }
0x49: {  	_ =	shalt  }
0x4a: {  	_ =	shalt  }
0x4b: {  	_ =	shalt  }
0x4c: {  	_ =	shalt  }
0x4d: {  	_ =	shalt  }
0x4e: {  	_ =	shalt  }
0x4f: {  	_ =	shalt  }
0x50: {  	_ =	shalt  }
0x51: {  	_ =	shalt  }
0x52: {  	_ =	shalt  }
0x53: {  	_ =	shalt  }
0x54: {  	_ =	shalt  }
0x55: {  	_ =	shalt  }
0x56: {  	_ =	shalt  }
0x57: {  	_ =	shalt  }
0x58: {  	_ =	shalt  }
0x59: {  	_ =	shalt  }
0x5a: {  	_ =	shalt  }
0x5b: {  	_ =	shalt  }
0x5c: {  	_ =	shalt  }
0x5d: {  	_ =	shalt  }
0x5e: {  	_ =	shalt  }
0x5f: {  	_ =	shalt  }
0x60: {  	_ =	shalt  }
0x61: {  	_ =	shalt  }
0x62: {  	_ =	shalt  }
0x63: {  	_ =	shalt  }
0x64: {  	_ =	shalt  }
0x65: {  	_ =	shalt  }
0x66: {  	_ =	shalt  }
0x67: {  	_ =	shalt  }
0x68: {  	_ =	shalt  }
0x69: {  	_ =	shalt  }
0x6a: {  	_ =	shalt  }
0x6b: {  	_ =	shalt  }
0x6c: {  	_ =	shalt  }
0x6d: {  	_ =	shalt  }
0x6e: {  	_ =	shalt  }
0x6f: {  	_ =	shalt  }
0x70: {  	_ =	shalt  }
0x71: {  	_ =	shalt  }
0x72: {  	_ =	shalt  }
0x73: {  	_ =	shalt  }
0x74: {  	_ =	shalt  }
0x75: {  	_ =	shalt  }
0x76: {  	_ =	shalt  }
0x77: {  	_ =	shalt  }
0x78: {  	_ =	shalt  }
0x79: {  	_ =	shalt  }
0x7a: {  	_ =	shalt  }
0x7b: {  	_ =	shalt  }
0x7c: {  	_ =	shalt  }
0x7d: {  	_ =	shalt  }
0x7e: {  	_ =	shalt  }
0x7f: {  	_ =	shalt  }
0x80: {  	_ =	shalt  }
0x81: {  	_ =	shalt  }
0x82: {  	_ =	shalt  }
0x83: {  	_ =	shalt  }
0x84: {  	_ =	shalt  }
0x85: {  	_ =	shalt  }
0x86: {  	_ =	shalt  }
0x87: {  	_ =	shalt  }
.Lfunc_end0:
.L_simem_size_0:
called_computation.1_lowered:
.L_overlay_start_0:
0x88: {  	s2 =	sld [smem:$0x3FD9]  }
0x89: {  	s3 =	sld [smem:$0x3FFE];
	_ =	sdelay $0x1  }
0x8a: {  	s1 =	srdreg.scid  }
0x8b: {  	s0 =	sand.u32 $0x1, s1  }
0x8c: {  	s16 =	sshll.u32 s0, $0xA;
	s2 =	sadd.s32 s3, s2  }
0x8d: {  	s2 =	sadd.s32 s2, s16  }
0x8e: {  	[smem:$0x3FBF] =	sst s2  }
0x8f: {  	_ = 	snop  }
0x90: {  	(tm) =	ssettm $0x1  }
0x91: {  	s17 =	sld [smem:$0x3FFB];
	_ =	sdelay $0x3  }
0x92: {  	_ =	strace s17  }
0x93: {  	s2 =	sld [smem:$0x3FFC];
	_ =	sdelay $0x3  }
0x94: {  	_ =	strace s2  }
0x95: {  	s2 =	sld [smem:$0x3FFD];
	_ =	sdelay $0x3  }
0x96: {  	_ =	strace s2  }
0x97: {  	_ =	strace $0x8FFFFFFF  }
0x98: {  	s18 =	sld [smem:$0x3FDB];
	_ =	sdelay $0x1  }
0x99: {  	s19 =	simm.s32 $_scs_section_size  }
0x9a: {  	s4 =	simm.s32 $_size__tile_overlayer_lowered;
	s5 =	simm.s32 $_tile_overlayer_lowered  }
0x9b: {  	s22 =	simm.s32 $0x1BFF;
	s21 =	sshll.u32 s5, $0x1;
	s2 =	sadd.s32 s19, s18  }
0x9c: {  	s6 =	simm.s32 $0x0;
	s20 =	sshll.u32 s4, $0x1;
	s4 =	sadd.s32 s21, s2  }
0x9d: {  	[timem:s6], [sflag:s22] =	dma.local [hbm:s4], s20  }
0x9e: {  	_ =	swait.ge [sflag:s22], s20  }
0x9f: {  	s3 =	ssub.s32 $0x0, s20;
	[sflag:s22] =	ssyncset.done $0x0  }
0xa0: {  	[sflag:s22] =	ssyncadd.s32 s3;
	_ =	sdelay $0x1  }
0xa1: {  	s23 =	simm.s32 $0x1B8B  }
0xa2: {  	_ =	swait.ge [sflag:s23], $0x1  }
0xa3: {  	[sflag:s23] =	ssyncset.done $0x0  }
0xa4: {  	s25 =	simm.s32 $0x1B8E;
	s24 =	sld [smem:$0x3FFE];
	[sflag:s23] =	ssyncadd.s32 $0xFFFFFFFF  }
0xa5: {  	s26 =	simm.s32 $execute0_lowered;
	[smem:$0x3FD2] =	sst s25  }
0xa6: {  	s4 =	sshll.u32 s26, $0x1;
	_ =	strace $0x80000049;
	[dreg:$0x1] =	wrdreg $0xFFFFFFFF  }
0xa7: {  	s28 =	simm.s32 $_size_execute0_lowered;
	s2 =	sadd.s32 s2, s4;
	[dreg:$0x0] =	wrdreg $0x0  }
0xa8: {  	s4 =	sshll.u32 s28, $0x1;
	[dreg:$0x2] =	wrdreg s2  }
0xa9: {  	[dreg:$0x3] =	wrdreg s4  }
0xaa: {  	[dreg:$0x4] =	wrdreg $0xC0  }
0xab: {  	_ =	task [dreg:s6], $0x5FFFF  }
0xac: {  	[dreg:$0x1] =	wrdreg $0xFFFFFFFF  }
0xad: {  	[dreg:$0x0] =	wrdreg $0x60  }
0xae: {  	[dreg:$0x2] =	wrdreg s24  }
0xaf: {  	[dreg:$0x3] =	wrdreg $0x90000  }
0xb0: {  	[dreg:$0x4] =	wrdreg $0x9  }
0xb1: {  	_ =	task.clear_ibuf [dreg:s6], $0x5FFFF;
	_ =	strace $0x90000049  }
0xb2: {  	s29 =	simm.s32 $0x9;
	_ =	strace $0x8000004B  }
0xb3: {  	_ =	swait.ge [sflag:s29], $0x1  }
0xb4: {  	[sflag:s29] =	ssyncadd.s32 $0xFFFFFFFF  }
0xb5: {  	_ =	strace $0x9000004B  }
0xb6: {  	_ =	sfence  }
0xb7: {  	s30 =	sld [smem:$0x0];
	_ =	sdelay $0x2  }
0xb8: {  	s31 =	sshll.u32 s1, $0xD;
	s1 =	sshrl.u32 s1, $0x2  }
0xb9: {  	s3 =	sand.u32 $0x4000, s31;
	s1 =	sadd.s32 s1, s30  }
0xba: {  	s0 =	sor.u32 s3, s0;
	s1 =	sshll.u32 s1, $0x11  }
0xbb: {  	s0 =	sor.u32 s1, s0  }
0xbc: {  	s0 =	sadd.s32 $0x8F2B, s0  }
0xbd: {  	[sflag:s0] =	ssyncadd.remote.s32 $0x1  }
0xbe: {  	_ =	sfence.sel $0xFFFF  }
0xbf: {  	[dreg:$0x0] =	wrdreg $0xFFFFFFFF;
	(pc) =	sbr.abs _section_cstart, $3  }
0xc0: {  	[dreg:$0x1] =	wrdreg $0xFFFFFFFF  }
0xc1: {  	_ =	task.clear_ibuf [dreg:s6], $0x2FFFF;
	_ =	strace $0x9FFFFFFF  }
0xc2: {  	(tm) =	ssettm $0x7FFFFFFF  }
0xc3: {  	_ =	shalt  }
tec
execute0_lowered:
.L_overlay_start_1:
0x0: {  	(tag) =	ssettag $0x1  }
0x1: {  	s7 =	rddreg [dreg:$0x0]  }
0x2: {  	s2 =	rddreg [dreg:$0x1];
	s3 =	simm.s32 $0x0  }
0x3: {  	s13 =	simm.s32 $0xC0;
	[smem:$0x7FF] =	sst s3  }
0x4: {  	s14 =	simm.s32 $0x100;
	_ =	strace $0x8000004A;
	[dreg:$0x5] =	wrdreg s13  }
0x5: {  	s15 =	simm.s32 $0x140;
	[dreg:$0x6] =	wrdreg s14  }
0x6: {  	s16 =	simm.s32 $0x480;
	[dreg:$0x7] =	wrdreg s15  }
0x7: {  	s17 =	simm.s32 $0x180;
	[dreg:$0x8] =	wrdreg s16  }
0x8: {  	s18 =	simm.s32 $0x1C0;
	[dreg:$0x9] =	wrdreg s17  }
0x9: {  	s19 =	simm.s32 $0x500;
	[dreg:$0xa] =	wrdreg s18  }
0xa: {  	s20 =	simm.s32 $0x200;
	[dreg:$0xb] =	wrdreg s19  }
0xb: {  	s21 =	simm.s32 $0x240;
	[dreg:$0xc] =	wrdreg s20  }
0xc: {  	s22 =	simm.s32 $0x580;
	[dreg:$0xd] =	wrdreg s21  }
0xd: {  	s23 =	simm.s32 $0x280;
	[dreg:$0xe] =	wrdreg s22  }
0xe: {  	s24 =	simm.s32 $0x2C0;
	[dreg:$0xf] =	wrdreg s23  }
0xf: {  	s6 =	simm.s32 $0x600;
	[dreg:$0x10] =	wrdreg s24  }
0x10: {  	s25 =	simm.s32 $0x300;
	[dreg:$0x11] =	wrdreg s6  }
0x11: {  	s9 =	simm.s32 $0x340;
	[dreg:$0x12] =	wrdreg s25  }
0x12: {  	s26 =	simm.s32 $0x680;
	[dreg:$0x13] =	wrdreg s9  }
0x13: {  	s0 =	srdreg.scid;
	s10 =	simm.s32 $0x3C0;
	[dreg:$0x14] =	wrdreg s26  }
0x14: {  	s11 =	stileid.u32;
	s9 =	simm.s32 $0x380;
	[dreg:$0x16] =	wrdreg s10  }
0x15: {  	s28 =	simm.s32 $0x5000;
	s13 =	simm.s32 $0x700;
	[dreg:$0x15] =	wrdreg s9  }
0x16: {  	s29 =	simm.s32 $0x7000;
	s14 =	simm.s32 $0x840;
	[dreg:$0x17] =	wrdreg s13  }
0x17: {  	s30 =	simm.s32 $0x1;
	s15 =	simm.s32 $0x780;
	[dreg:$0x18] =	wrdreg s14  }
0x18: {  	s31 =	simm.s32 $0x2;
	s17 =	simm.s32 $0x880;
	[dreg:$0x19] =	wrdreg s15  }
0x19: {  	s1 =	sand.u32 $0x1, s0;
	s18 =	simm.s32 $0x8C0;
	[dreg:$0x1a] =	wrdreg s17  }
0x1a: {  	s0 =	sshll.u32 s1, $0x4;
	s19 =	simm.s32 $0x900;
	[dreg:$0x1b] =	wrdreg s18  }
0x1b: {  	s8 =	smul.u32 $0x28000, s1;
	s21 =	simm.s32 $0x940;
	[dreg:$0x1c] =	wrdreg s19  }
0x1c: {  	s6 =	sadd.s32 $0xD600, s7;
	s23 =	simm.s32 $0xC80;
	[dreg:$0x1d] =	wrdreg s21  }
0x1d: {  	s1 =	ssub.s32 $0x2, s1;
	s24 =	simm.s32 $0x980;
	[dreg:$0x1e] =	wrdreg s23  }
0x1e: {  	s10 =	smul.u32 $0x50000, s11;
	s26 =	simm.s32 $0x9C0;
	[dreg:$0x1f] =	wrdreg s24  }
0x1f: {  	s0 =	sor.u32 s11, s0;
	s12 =	sshrl.u32 s1, $0x1;
	[smem:$0x7F0] =	sst s26  }
0x20: {  	s9 =	simm.s32 $0xD00;
	s11 =	smul.u32 $0x2800, s11;
	s17 =	simm.s32 $0xD80  }
0x21: {  	s18 =	simm.s32 $0xA80;
	s19 =	simm.s32 $0xAC0;
	[smem:$0x7F1] =	sst s9  }
0x22: {  	s21 =	simm.s32 $0xB00;
	s23 =	simm.s32 $0xE80;
	[smem:$0x7F4] =	sst s17  }
0x23: {  	s24 =	simm.s32 $0xB80;
	s26 =	simm.s32 $0xF00;
	[smem:$0x7F5] =	sst s18  }
0x24: {  	s4 =	smul.u32 $0xA, s0;
	s8 =	sadd.s32 s8, s7;
	[smem:$0x7F6] =	sst s19  }
0x25: {  	s1 =	ssub.s32 s1, s12;
	s16 =	sshrl.u32 s10, $0x2;
	[smem:$0x7F8] =	sst s21  }
0x26: {  	s0 =	smul.u32 $0x500, s0;
	s10 =	simm.s32 $0xA00;
	[smem:$0x7FA] =	sst s23  }
0x27: {  	s17 =	simm.s32 $0x1000;
	s18 =	simm.s32 $0x4;
	[smem:$0x7FB] =	sst s24  }
0x28: {  	s19 =	simm.s32 $0x400;
	s21 =	simm.s32 $0xC00;
	[smem:$0x7FD] =	sst s26  }
0x29: {  	s23 =	simm.s32 $0x3000;
	s26 =	simm.s32 $0x80;
	s8 =	sadd.s32 $0x3F600, s8  }
0x2a: {  	[smem:$0x7F2] =	sst s10;
	s12 =	smax.u32 s1, $0x1;
	s5 =	sadd.s32 $0x2, s4  }
0x2b: {  	s1 =	simm.s32 $0xF80;
	s4 =	sadd.s32 $0x3, s4;
	[dreg:$0x3] =	wrdreg s5  }
0x2c: {  	s22 =	sadd.s32 s6, s0;
	s24 =	sadd.s32 s11, s8;
	[dreg:$0x4] =	wrdreg s4  }
0x2d: {  	s4 =	sadd.s32 $0x17600, s7;
	s5 =	sadd.s32 $0x3600, s7;
	s7 =	sadd.s32 s16, s2  }
0x2e: {  	[smem:$0x7ED] =	sst s22;
	s16 =	simm.s32 $0xA40;
	s22 =	simm.s32 $0xB40  }
0x2f: {  	s20 =	sadd.s32 s5, s0;
	s0 =	sor.u32 $0x80, s0;
	[smem:$0x7F3] =	sst s16  }
0x30: {  	s13 =	sadd.s32 $0x4000, s7;
	s14 =	sadd.s32 $0x8000, s7;
	[smem:$0x7F9] =	sst s22  }
0x31: {  	s15 =	sadd.s32 $0xC000, s7;
	[smem:$0x7EC] =	sst s20;
	s25 =	sadd.s32 s5, s0  }
0x32: {  	s16 =	sadd.s32 $0x10000, s7;
	s0 =	sadd.s32 s6, s0;
	[smem:$0x7EE] =	sst s25  }
0x33: {  	s22 =	simm.s32 $0x40;
	s20 =	simm.s32 $0xE00;
	[smem:$0x7EF] =	sst s0  }
0x34: {  	[smem:$0x7F7] =	sst s20;
	s20 =	simm.s32 $0x800;
	s25 =	simm.s32 $0xBC0  }
0x35: {  	v0 =	vimm.f32 $0.0e+00;
	s0 =	simm.s32 $0x0;
	[smem:$0x7FC] =	sst s25;
	s25 =	simm.s32 $0x3  }
.LBB2_1:
0x36: {  	s8 =	simm.s32 $0x0;
	s9 =	simm.s32 $0x200  }
.LBB2_2:
0x37: {  	p0 =	sne.s32 s9, $0xFE00;
	[tilespmem:s8+$0x1070] =	vst v0  }
0x38: {  	[tilespmem:s8+$0x1000] =	vst v0  }
0x39: {  	[tilespmem:s8+$0x1010] =	vst v0  }
.Ltmp0:
0x3a: {  	[tilespmem:s8+$0x1020] =	vst v0;
	(pc) =	sbr.rel @p0 .LBB2_2-.Ltmp0, $4  }
0x3b: {  	[tilespmem:s8+$0x1030] =	vst v0  }
0x3c: {  	[tilespmem:s8+$0x1040] =	vst v0  }
0x3d: {  	[tilespmem:s8+$0x1050] =	vst v0  }
0x3e: {  	[tilespmem:s8+$0x1060] =	vst v0;
	s8 =	sshra.s32 s9, $0x2;
	s9 =	sadd.s32 $0x200, s9  }
0x3f: {  	[tilespmem:s8+$0x1070] =	vst v0  }
0x40: {  	[tilespmem:s8+$0x1000] =	vst v0  }
0x41: {  	[tilespmem:s8+$0x1010] =	vst v0  }
0x42: {  	[tilespmem:s8+$0x1020] =	vst v0  }
0x43: {  	[tilespmem:s8+$0x1030] =	vst v0  }
0x44: {  	[tilespmem:s8+$0x1040] =	vst v0  }
0x45: {  	[tilespmem:s8+$0x1050] =	vst v0  }
0x46: {  	[tilespmem:s8+$0x1060] =	vst v0  }
0x47: {  	[spmem:s7] =	stream.linear.scatter [tilespmem:s17], [sflag:$0x4], $0x4000, $0x38;
	[tilespmem:$0x1D000] =	vst v63  }
0x48: {  	_ =	swait.ge [sflag:s18], $0x4000  }
0x49: {  	[sflag:s18] =	ssyncset.done $0x0  }
0x4a: {  	[sflag:s18] =	ssyncadd.s32 $0xFFFFC000  }
0x4b: {  	[spmem:s13] =	stream.linear.scatter [tilespmem:s17], [sflag:$0x4], $0x4000, $0x38;
	[tilespmem:$0x1D000] =	vst v63  }
0x4c: {  	_ =	swait.ge [sflag:s18], $0x4000  }
0x4d: {  	[sflag:s18] =	ssyncset.done $0x0  }
0x4e: {  	[sflag:s18] =	ssyncadd.s32 $0xFFFFC000  }
0x4f: {  	[spmem:s14] =	stream.linear.scatter [tilespmem:s17], [sflag:$0x4], $0x4000, $0x38;
	[tilespmem:$0x1D000] =	vst v63  }
0x50: {  	_ =	swait.ge [sflag:s18], $0x4000  }
0x51: {  	[sflag:s18] =	ssyncset.done $0x0  }
0x52: {  	[sflag:s18] =	ssyncadd.s32 $0xFFFFC000  }
0x53: {  	[spmem:s15] =	stream.linear.scatter [tilespmem:s17], [sflag:$0x4], $0x4000, $0x38;
	[tilespmem:$0x1D000] =	vst v63  }
0x54: {  	_ =	swait.ge [sflag:s18], $0x4000  }
0x55: {  	[sflag:s18] =	ssyncset.done $0x0  }
0x56: {  	[sflag:s18] =	ssyncadd.s32 $0xFFFFC000  }
0x57: {  	[spmem:s16] =	stream.linear.scatter [tilespmem:s17], [sflag:$0x4], $0x4000, $0x38;
	[tilespmem:$0x1D000] =	vst v63  }
0x58: {  	_ =	swait.ge [sflag:s18], $0x4000  }
0x59: {  	s9 =	sld [smem:$0x7EC]  }
0x5a: {  	[sflag:s18] =	ssyncset.done $0x0  }
0x5b: {  	s8 =	simm.s32 $0x0;
	[sflag:s18] =	ssyncadd.s32 $0xFFFFC000  }
0x5c: {  	[tilespmem:s8], [sflag:$0x4] =	stream.linear.gather [hbm4b:s9+s8], $0x400, $0x38;
	[tilespmem:$0x1D000] =	vst v63  }
0x5d: {  	_ =	swait.ge [sflag:s18], $0x400  }
0x5e: {  	s11 =	sld [smem:$0x7ED]  }
0x5f: {  	[sflag:s18] =	ssyncset.done $0x0  }
0x60: {  	[sflag:s18] =	ssyncadd.s32 $0xFFFFFC00  }
0x61: {  	[tilespmem:s19], [sflag:$0x4] =	stream.linear.gather [hbm4b:s11+s8], $0x400, $0x38;
	[tilespmem:$0x1D000] =	vst v63  }
0x62: {  	_ =	swait.ge [sflag:s18], $0x400  }
0x63: {  	s10 =	sld [smem:$0x7EE]  }
0x64: {  	[sflag:s18] =	ssyncset.done $0x0  }
0x65: {  	s11 =	sld [smem:$0x7EF];
	[sflag:s18] =	ssyncadd.s32 $0xFFFFFC00  }
0x66: {  	[tilespmem:s20], [sflag:$0x3] =	stream.linear.gather [hbm4b:s10+s8], $0x400, $0x38;
	[tilespmem:$0x1D000] =	vst v63  }
0x67: {  	_ = 	snop  }
0x68: {  	[tilespmem:s21], [sflag:$0x3] =	stream.linear.gather [hbm4b:s11+s8], $0x400, $0x38;
	[tilespmem:$0x1D000] =	vst v63  }
0x69: {  	[bflag:$0x0] =	sbarrier.arrive $0xFFFF  }
0x6a: {  	[tilespmem:s17], [sflag:$0x1] =	stream.indirect.gather [hbm4b:s4+s22], $0x80, s8, s22, $0xb8;
	[tilespmem:$0x1D000] =	vst v63  }
0x6b: {  	_ = 	snop  }
0x6c: {  	[tilespmem:s23], [sflag:$0x1] =	stream.indirect.gather [hbm4b:s4+s22], $0x80, s22, s22, $0xb8;
	[tilespmem:$0x1D000] =	vst v63  }
0x6d: {  	_ =	swait.ge [sflag:s25], $0x400  }
0x6e: {  	[sflag:s25] =	ssyncset.done $0x0  }
0x6f: {  	[sflag:s25] =	ssyncadd.s32 $0xFFFFFC00  }
0x70: {  	_ =	swait.ge [sflag:s25], $0x400  }
0x71: {  	[sflag:s25] =	ssyncset.done $0x0  }
0x72: {  	[sflag:s25] =	ssyncadd.s32 $0xFFFFFC00  }
0x73: {  	[tilespmem:s28], [sflag:$0x2] =	stream.indirect.gather [hbm4b:s4+s22], $0x80, s26, s22, $0xb8;
	[tilespmem:$0x1D000] =	vst v63  }
0x74: {  	s10 =	rddreg [dreg:$0x5]  }
0x75: {  	[tilespmem:s29], [sflag:$0x2] =	stream.indirect.gather [hbm4b:s4+s22], $0x80, s10, s22, $0xb8;
	[tilespmem:$0x1D000] =	vst v63  }
0x76: {  	_ =	swait.ge [sflag:s30], $0x2000  }
0x77: {  	[sflag:s30] =	ssyncset.done $0x0  }
0x78: {  	[sflag:s30] =	ssyncadd.s32 $0xFFFFE000  }
0x79: {  	_ =	swait.ge [sflag:s30], $0x2000  }
0x7a: {  	[sflag:s30] =	ssyncset.done $0x0  }
0x7b: {  	[sflag:s30] =	ssyncadd.s32 $0xFFFFE000  }
0x7c: {  	[spmem:s2] =	stream.indirect.scatter.add.f32 [tilespmem:s17], [sflag:$0x4], $0x80, s19, s26, $0xb8;
	[tilespmem:$0x1D000] =	vst v63  }
0x7d: {  	_ =	swait.ge [sflag:s18], $0x4000  }
0x7e: {  	[sflag:s18] =	ssyncset.done $0x0  }
0x7f: {  	s11 =	rddreg [dreg:$0x6];
	[sflag:s18] =	ssyncadd.s32 $0xFFFFC000  }
0x80: {  	[tilespmem:s17], [sflag:$0x1] =	stream.indirect.gather [hbm4b:s4+s22], $0x80, s11, s22, $0xb8;
	[tilespmem:$0x1D000] =	vst v63  }
0x81: {  	s10 =	rddreg [dreg:$0x7]  }
0x82: {  	[tilespmem:s23], [sflag:$0x1] =	stream.indirect.gather [hbm4b:s4+s22], $0x80, s10, s22, $0xb8;
	[tilespmem:$0x1D000] =	vst v63  }
0x83: {  	_ =	swait.ge [sflag:s31], $0x2000  }
0x84: {  	[sflag:s31] =	ssyncset.done $0x0  }
0x85: {  	[sflag:s31] =	ssyncadd.s32 $0xFFFFE000  }
0x86: {  	_ =	swait.ge [sflag:s31], $0x2000  }
0x87: {  	[sflag:s31] =	ssyncset.done $0x0  }
0x88: {  	s11 =	rddreg [dreg:$0x8];
	[sflag:s31] =	ssyncadd.s32 $0xFFFFE000  }
0x89: {  	[spmem:s2] =	stream.indirect.scatter.add.f32 [tilespmem:s28], [sflag:$0x4], $0x80, s11, s26, $0xb8;
	[tilespmem:$0x1D000] =	vst v63  }
0x8a: {  	_ =	swait.ge [sflag:s18], $0x4000  }
0x8b: {  	[sflag:s18] =	ssyncset.done $0x0  }
0x8c: {  	s10 =	rddreg [dreg:$0x9];
	[sflag:s18] =	ssyncadd.s32 $0xFFFFC000  }
0x8d: {  	[tilespmem:s28], [sflag:$0x2] =	stream.indirect.gather [hbm4b:s4+s22], $0x80, s10, s22, $0xb8;
	[tilespmem:$0x1D000] =	vst v63  }
0x8e: {  	s11 =	rddreg [dreg:$0xa]  }
0x8f: {  	[tilespmem:s29], [sflag:$0x2] =	stream.indirect.gather [hbm4b:s4+s22], $0x80, s11, s22, $0xb8;
	[tilespmem:$0x1D000] =	vst v63  }
0x90: {  	_ =	swait.ge [sflag:s30], $0x2000  }
0x91: {  	[sflag:s30] =	ssyncset.done $0x0  }
0x92: {  	[sflag:s30] =	ssyncadd.s32 $0xFFFFE000  }
0x93: {  	_ =	swait.ge [sflag:s30], $0x2000  }
0x94: {  	[sflag:s30] =	ssyncset.done $0x0  }
0x95: {  	s11 =	rddreg [dreg:$0xb];
	[sflag:s30] =	ssyncadd.s32 $0xFFFFE000  }
0x96: {  	[spmem:s2] =	stream.indirect.scatter.add.f32 [tilespmem:s17], [sflag:$0x4], $0x80, s11, s26, $0xb8;
	[tilespmem:$0x1D000] =	vst v63  }
0x97: {  	_ =	swait.ge [sflag:s18], $0x4000  }
0x98: {  	[sflag:s18] =	ssyncset.done $0x0  }
0x99: {  	s10 =	rddreg [dreg:$0xc];
	[sflag:s18] =	ssyncadd.s32 $0xFFFFC000  }
0x9a: {  	[tilespmem:s17], [sflag:$0x1] =	stream.indirect.gather [hbm4b:s4+s22], $0x80, s10, s22, $0xb8;
	[tilespmem:$0x1D000] =	vst v63  }
0x9b: {  	s11 =	rddreg [dreg:$0xd]  }
0x9c: {  	[tilespmem:s23], [sflag:$0x1] =	stream.indirect.gather [hbm4b:s4+s22], $0x80, s11, s22, $0xb8;
	[tilespmem:$0x1D000] =	vst v63  }
0x9d: {  	_ =	swait.ge [sflag:s31], $0x2000  }
0x9e: {  	[sflag:s31] =	ssyncset.done $0x0  }
0x9f: {  	[sflag:s31] =	ssyncadd.s32 $0xFFFFE000  }
0xa0: {  	_ =	swait.ge [sflag:s31], $0x2000  }
0xa1: {  	[sflag:s31] =	ssyncset.done $0x0  }
0xa2: {  	s11 =	rddreg [dreg:$0xe];
	[sflag:s31] =	ssyncadd.s32 $0xFFFFE000  }
0xa3: {  	[spmem:s2] =	stream.indirect.scatter.add.f32 [tilespmem:s28], [sflag:$0x4], $0x80, s11, s26, $0xb8;
	[tilespmem:$0x1D000] =	vst v63  }
0xa4: {  	_ =	swait.ge [sflag:s18], $0x4000  }
0xa5: {  	[sflag:s18] =	ssyncset.done $0x0  }
0xa6: {  	s10 =	rddreg [dreg:$0xf];
	[sflag:s18] =	ssyncadd.s32 $0xFFFFC000  }
0xa7: {  	[tilespmem:s28], [sflag:$0x2] =	stream.indirect.gather [hbm4b:s4+s22], $0x80, s10, s22, $0xb8;
	[tilespmem:$0x1D000] =	vst v63  }
0xa8: {  	s11 =	rddreg [dreg:$0x10]  }
0xa9: {  	[tilespmem:s29], [sflag:$0x2] =	stream.indirect.gather [hbm4b:s4+s22], $0x80, s11, s22, $0xb8;
	[tilespmem:$0x1D000] =	vst v63  }
0xaa: {  	_ =	swait.ge [sflag:s30], $0x2000  }
0xab: {  	[sflag:s30] =	ssyncset.done $0x0  }
0xac: {  	[sflag:s30] =	ssyncadd.s32 $0xFFFFE000  }
0xad: {  	_ =	swait.ge [sflag:s30], $0x2000  }
0xae: {  	[sflag:s30] =	ssyncset.done $0x0  }
0xaf: {  	s11 =	rddreg [dreg:$0x11];
	[sflag:s30] =	ssyncadd.s32 $0xFFFFE000  }
0xb0: {  	[spmem:s2] =	stream.indirect.scatter.add.f32 [tilespmem:s17], [sflag:$0x4], $0x80, s11, s26, $0xb8;
	[tilespmem:$0x1D000] =	vst v63  }
0xb1: {  	_ =	swait.ge [sflag:s18], $0x4000  }
0xb2: {  	[sflag:s18] =	ssyncset.done $0x0  }
0xb3: {  	s10 =	rddreg [dreg:$0x12];
	[sflag:s18] =	ssyncadd.s32 $0xFFFFC000  }
0xb4: {  	[tilespmem:s17], [sflag:$0x1] =	stream.indirect.gather [hbm4b:s4+s22], $0x80, s10, s22, $0xb8;
	[tilespmem:$0x1D000] =	vst v63  }
0xb5: {  	s11 =	rddreg [dreg:$0x13]  }
0xb6: {  	[tilespmem:s23], [sflag:$0x1] =	stream.indirect.gather [hbm4b:s4+s22], $0x80, s11, s22, $0xb8;
	[tilespmem:$0x1D000] =	vst v63  }
0xb7: {  	_ =	swait.ge [sflag:s31], $0x2000  }
0xb8: {  	[sflag:s31] =	ssyncset.done $0x0  }
0xb9: {  	[sflag:s31] =	ssyncadd.s32 $0xFFFFE000  }
0xba: {  	_ =	swait.ge [sflag:s31], $0x2000  }
0xbb: {  	[sflag:s31] =	ssyncset.done $0x0  }
0xbc: {  	s11 =	rddreg [dreg:$0x14];
	[sflag:s31] =	ssyncadd.s32 $0xFFFFE000  }
0xbd: {  	[spmem:s2] =	stream.indirect.scatter.add.f32 [tilespmem:s28], [sflag:$0x4], $0x80, s11, s26, $0xb8;
	[tilespmem:$0x1D000] =	vst v63  }
0xbe: {  	_ =	swait.ge [sflag:s18], $0x4000  }
0xbf: {  	[sflag:s18] =	ssyncset.done $0x0  }
0xc0: {  	s10 =	rddreg [dreg:$0x15];
	[sflag:s18] =	ssyncadd.s32 $0xFFFFC000  }
0xc1: {  	[tilespmem:s28], [sflag:$0x2] =	stream.indirect.gather [hbm4b:s4+s22], $0x80, s10, s22, $0xb8;
	[tilespmem:$0x1D000] =	vst v63  }
0xc2: {  	s11 =	rddreg [dreg:$0x16]  }
0xc3: {  	[tilespmem:s29], [sflag:$0x2] =	stream.indirect.gather [hbm4b:s4+s22], $0x80, s11, s22, $0xb8;
	[tilespmem:$0x1D000] =	vst v63  }
0xc4: {  	_ =	swait.ge [sflag:s30], $0x2000  }
0xc5: {  	[sflag:s30] =	ssyncset.done $0x0  }
0xc6: {  	[sflag:s30] =	ssyncadd.s32 $0xFFFFE000  }
0xc7: {  	_ =	swait.ge [sflag:s30], $0x2000  }
0xc8: {  	[sflag:s30] =	ssyncset.done $0x0  }
0xc9: {  	s10 =	rddreg [dreg:$0x17];
	[sflag:s30] =	ssyncadd.s32 $0xFFFFE000  }
0xca: {  	[spmem:s2] =	stream.indirect.scatter.add.f32 [tilespmem:s17], [sflag:$0x4], $0x80, s10, s26, $0xb8;
	[tilespmem:$0x1D000] =	vst v63  }
0xcb: {  	_ =	swait.ge [sflag:s18], $0x4000  }
0xcc: {  	[sflag:s18] =	ssyncset.done $0x0  }
0xcd: {  	[sflag:s18] =	ssyncadd.s32 $0xFFFFC000  }
0xce: {  	[tilespmem:s17], [sflag:$0x1] =	stream.indirect.gather [hbm4b:s4+s22], $0x80, s20, s22, $0xb8;
	[tilespmem:$0x1D000] =	vst v63  }
0xcf: {  	s11 =	rddreg [dreg:$0x18]  }
0xd0: {  	[tilespmem:s23], [sflag:$0x1] =	stream.indirect.gather [hbm4b:s4+s22], $0x80, s11, s22, $0xb8;
	[tilespmem:$0x1D000] =	vst v63  }
0xd1: {  	_ =	swait.ge [sflag:s31], $0x2000  }
0xd2: {  	[sflag:s31] =	ssyncset.done $0x0  }
0xd3: {  	[sflag:s31] =	ssyncadd.s32 $0xFFFFE000  }
0xd4: {  	_ =	swait.ge [sflag:s31], $0x2000  }
0xd5: {  	[sflag:s31] =	ssyncset.done $0x0  }
0xd6: {  	s10 =	rddreg [dreg:$0x19];
	[sflag:s31] =	ssyncadd.s32 $0xFFFFE000  }
0xd7: {  	[spmem:s2] =	stream.indirect.scatter.add.f32 [tilespmem:s28], [sflag:$0x4], $0x80, s10, s26, $0xb8;
	[tilespmem:$0x1D000] =	vst v63  }
0xd8: {  	p0 =	por $0x1, $0x1;
	s10 =	simm.s32 $0x0;
	_ =	swait.ge [sflag:s18], $0x4000  }
0xd9: {  	s10 =	simm.s32 @!p0 $0x7;
	s11 =	rddreg [dreg:$0x3]  }
0xda: {  	s9 =	sadd.s32 s10, s11  }
0xdb: {  	s9 =	sshll.u32 s9, $0x7  }
0xdc: {  	[sflag:s18] =	ssyncset.done $0x0;
	s9 =	sand.u32 $0x1FFFFF80, s9  }
0xdd: {  	[sflag:s18] =	ssyncadd.s32 $0xFFFFC000;
	s11 =	sadd.s32 s5, s9  }
0xde: {  	[tilespmem:s3], [sflag:$0x3] =	stream.linear.gather [hbm4b:s11+s3], $0x400, $0x38;
	[tilespmem:$0x1D000] =	vst v63  }
0xdf: {  	s9 =	sadd.s32 s6, s9  }
0xe0: {  	[tilespmem:s19], [sflag:$0x3] =	stream.linear.gather [hbm4b:s9+s3], $0x400, $0x38;
	[tilespmem:$0x1D000] =	vst v63  }
0xe1: {  	_ =	swait.ge [sflag:s25], $0x400  }
0xe2: {  	[sflag:s25] =	ssyncset.done $0x0  }
0xe3: {  	[sflag:s25] =	ssyncadd.s32 $0xFFFFFC00  }
0xe4: {  	_ =	swait.ge [sflag:s25], $0x400  }
0xe5: {  	[sflag:s25] =	ssyncset.done $0x0  }
0xe6: {  	s10 =	rddreg [dreg:$0x1a];
	[sflag:s25] =	ssyncadd.s32 $0xFFFFFC00  }
0xe7: {  	[tilespmem:s28], [sflag:$0x2] =	stream.indirect.gather [hbm4b:s4+s22], $0x80, s10, s22, $0xb8;
	[tilespmem:$0x1D000] =	vst v63  }
0xe8: {  	s11 =	rddreg [dreg:$0x1b]  }
0xe9: {  	[tilespmem:s29], [sflag:$0x2] =	stream.indirect.gather [hbm4b:s4+s22], $0x80, s11, s22, $0xb8;
	[tilespmem:$0x1D000] =	vst v63  }
0xea: {  	_ =	swait.ge [sflag:s30], $0x2000  }
0xeb: {  	[sflag:s30] =	ssyncset.done $0x0  }
0xec: {  	[sflag:s30] =	ssyncadd.s32 $0xFFFFE000  }
0xed: {  	_ =	swait.ge [sflag:s30], $0x2000  }
0xee: {  	[sflag:s30] =	ssyncset.done $0x0  }
0xef: {  	[sflag:s30] =	ssyncadd.s32 $0xFFFFE000  }
0xf0: {  	[spmem:s2] =	stream.indirect.scatter.add.f32 [tilespmem:s17], [sflag:$0x4], $0x80, s21, s26, $0xb8;
	[tilespmem:$0x1D000] =	vst v63  }
0xf1: {  	_ =	swait.ge [sflag:s18], $0x4000  }
0xf2: {  	[sflag:s18] =	ssyncset.done $0x0  }
0xf3: {  	s10 =	rddreg [dreg:$0x1c];
	[sflag:s18] =	ssyncadd.s32 $0xFFFFC000  }
0xf4: {  	[tilespmem:s17], [sflag:$0x1] =	stream.indirect.gather [hbm4b:s4+s22], $0x80, s10, s22, $0xb8;
	[tilespmem:$0x1D000] =	vst v63  }
0xf5: {  	s11 =	rddreg [dreg:$0x1d]  }
0xf6: {  	[tilespmem:s23], [sflag:$0x1] =	stream.indirect.gather [hbm4b:s4+s22], $0x80, s11, s22, $0xb8;
	[tilespmem:$0x1D000] =	vst v63  }
0xf7: {  	_ =	swait.ge [sflag:s31], $0x2000  }
0xf8: {  	[sflag:s31] =	ssyncset.done $0x0  }
0xf9: {  	[sflag:s31] =	ssyncadd.s32 $0xFFFFE000  }
0xfa: {  	_ =	swait.ge [sflag:s31], $0x2000  }
0xfb: {  	[sflag:s31] =	ssyncset.done $0x0  }
0xfc: {  	s11 =	rddreg [dreg:$0x1e];
	[sflag:s31] =	ssyncadd.s32 $0xFFFFE000  }
0xfd: {  	[spmem:s2] =	stream.indirect.scatter.add.f32 [tilespmem:s28], [sflag:$0x4], $0x80, s11, s26, $0xb8;
	[tilespmem:$0x1D000] =	vst v63  }
0xfe: {  	_ =	swait.ge [sflag:s18], $0x4000  }
0xff: {  	s10 =	rddreg [dreg:$0x1f];
	[sflag:s18] =	ssyncset.done $0x0  }
0x100: {  	s11 =	sld [smem:$0x7F0];
	[sflag:s18] =	ssyncadd.s32 $0xFFFFC000  }
0x101: {  	[tilespmem:s28], [sflag:$0x2] =	stream.indirect.gather [hbm4b:s4+s22], $0x80, s10, s22, $0xb8;
	[tilespmem:$0x1D000] =	vst v63  }
0x102: {  	_ = 	snop  }
0x103: {  	[tilespmem:s29], [sflag:$0x2] =	stream.indirect.gather [hbm4b:s4+s22], $0x80, s11, s22, $0xb8;
	[tilespmem:$0x1D000] =	vst v63  }
0x104: {  	_ =	swait.ge [sflag:s30], $0x2000  }
0x105: {  	[sflag:s30] =	ssyncset.done $0x0  }
0x106: {  	[sflag:s30] =	ssyncadd.s32 $0xFFFFE000  }
0x107: {  	_ =	swait.ge [sflag:s30], $0x2000  }
0x108: {  	s11 =	sld [smem:$0x7F1]  }
0x109: {  	[sflag:s30] =	ssyncset.done $0x0  }
0x10a: {  	[sflag:s30] =	ssyncadd.s32 $0xFFFFE000  }
0x10b: {  	[spmem:s2] =	stream.indirect.scatter.add.f32 [tilespmem:s17], [sflag:$0x4], $0x80, s11, s26, $0xb8;
	[tilespmem:$0x1D000] =	vst v63  }
0x10c: {  	_ =	swait.ge [sflag:s18], $0x4000  }
0x10d: {  	s10 =	sld [smem:$0x7F2]  }
0x10e: {  	[sflag:s18] =	ssyncset.done $0x0  }
0x10f: {  	s11 =	sld [smem:$0x7F3];
	[sflag:s18] =	ssyncadd.s32 $0xFFFFC000  }
0x110: {  	[tilespmem:s17], [sflag:$0x1] =	stream.indirect.gather [hbm4b:s4+s22], $0x80, s10, s22, $0xb8;
	[tilespmem:$0x1D000] =	vst v63  }
0x111: {  	_ = 	snop  }
0x112: {  	[tilespmem:s23], [sflag:$0x1] =	stream.indirect.gather [hbm4b:s4+s22], $0x80, s11, s22, $0xb8;
	[tilespmem:$0x1D000] =	vst v63  }
0x113: {  	_ =	swait.ge [sflag:s31], $0x2000  }
0x114: {  	[sflag:s31] =	ssyncset.done $0x0  }
0x115: {  	[sflag:s31] =	ssyncadd.s32 $0xFFFFE000  }
0x116: {  	_ =	swait.ge [sflag:s31], $0x2000  }
0x117: {  	s11 =	sld [smem:$0x7F4]  }
0x118: {  	[sflag:s31] =	ssyncset.done $0x0  }
0x119: {  	[sflag:s31] =	ssyncadd.s32 $0xFFFFE000  }
0x11a: {  	[spmem:s2] =	stream.indirect.scatter.add.f32 [tilespmem:s28], [sflag:$0x4], $0x80, s11, s26, $0xb8;
	[tilespmem:$0x1D000] =	vst v63  }
0x11b: {  	_ =	swait.ge [sflag:s18], $0x4000  }
0x11c: {  	s10 =	sld [smem:$0x7F5]  }
0x11d: {  	[sflag:s18] =	ssyncset.done $0x0  }
0x11e: {  	s11 =	sld [smem:$0x7F6];
	[sflag:s18] =	ssyncadd.s32 $0xFFFFC000  }
0x11f: {  	[tilespmem:s28], [sflag:$0x2] =	stream.indirect.gather [hbm4b:s4+s22], $0x80, s10, s22, $0xb8;
	[tilespmem:$0x1D000] =	vst v63  }
0x120: {  	_ = 	snop  }
0x121: {  	[tilespmem:s29], [sflag:$0x2] =	stream.indirect.gather [hbm4b:s4+s22], $0x80, s11, s22, $0xb8;
	[tilespmem:$0x1D000] =	vst v63  }
0x122: {  	_ =	swait.ge [sflag:s30], $0x2000  }
0x123: {  	[sflag:s30] =	ssyncset.done $0x0  }
0x124: {  	[sflag:s30] =	ssyncadd.s32 $0xFFFFE000  }
0x125: {  	_ =	swait.ge [sflag:s30], $0x2000  }
0x126: {  	s11 =	sld [smem:$0x7F7]  }
0x127: {  	[sflag:s30] =	ssyncset.done $0x0  }
0x128: {  	[sflag:s30] =	ssyncadd.s32 $0xFFFFE000  }
0x129: {  	[spmem:s2] =	stream.indirect.scatter.add.f32 [tilespmem:s17], [sflag:$0x4], $0x80, s11, s26, $0xb8;
	[tilespmem:$0x1D000] =	vst v63  }
0x12a: {  	_ =	swait.ge [sflag:s18], $0x4000  }
0x12b: {  	s10 =	sld [smem:$0x7F8]  }
0x12c: {  	[sflag:s18] =	ssyncset.done $0x0  }
0x12d: {  	s11 =	sld [smem:$0x7F9];
	[sflag:s18] =	ssyncadd.s32 $0xFFFFC000  }
0x12e: {  	[tilespmem:s17], [sflag:$0x1] =	stream.indirect.gather [hbm4b:s4+s22], $0x80, s10, s22, $0xb8;
	[tilespmem:$0x1D000] =	vst v63  }
0x12f: {  	_ = 	snop  }
0x130: {  	[tilespmem:s23], [sflag:$0x1] =	stream.indirect.gather [hbm4b:s4+s22], $0x80, s11, s22, $0xb8;
	[tilespmem:$0x1D000] =	vst v63  }
0x131: {  	_ =	swait.ge [sflag:s31], $0x2000  }
0x132: {  	[sflag:s31] =	ssyncset.done $0x0  }
0x133: {  	[sflag:s31] =	ssyncadd.s32 $0xFFFFE000  }
0x134: {  	_ =	swait.ge [sflag:s31], $0x2000  }
0x135: {  	s11 =	sld [smem:$0x7FA]  }
0x136: {  	[sflag:s31] =	ssyncset.done $0x0  }
0x137: {  	[sflag:s31] =	ssyncadd.s32 $0xFFFFE000  }
0x138: {  	[spmem:s2] =	stream.indirect.scatter.add.f32 [tilespmem:s28], [sflag:$0x4], $0x80, s11, s26, $0xb8;
	[tilespmem:$0x1D000] =	vst v63  }
0x139: {  	_ =	swait.ge [sflag:s18], $0x4000  }
0x13a: {  	s10 =	sld [smem:$0x7FB]  }
0x13b: {  	[sflag:s18] =	ssyncset.done $0x0  }
0x13c: {  	s11 =	sld [smem:$0x7FC];
	[sflag:s18] =	ssyncadd.s32 $0xFFFFC000  }
0x13d: {  	[tilespmem:s28], [sflag:$0x2] =	stream.indirect.gather [hbm4b:s4+s22], $0x80, s10, s22, $0xb8;
	[tilespmem:$0x1D000] =	vst v63  }
0x13e: {  	_ = 	snop  }
0x13f: {  	[tilespmem:s29], [sflag:$0x2] =	stream.indirect.gather [hbm4b:s4+s22], $0x80, s11, s22, $0xb8;
	[tilespmem:$0x1D000] =	vst v63  }
0x140: {  	_ =	swait.ge [sflag:s30], $0x2000  }
0x141: {  	[sflag:s30] =	ssyncset.done $0x0  }
0x142: {  	[sflag:s30] =	ssyncadd.s32 $0xFFFFE000  }
0x143: {  	_ =	swait.ge [sflag:s30], $0x2000  }
0x144: {  	s11 =	sld [smem:$0x7FD]  }
0x145: {  	[sflag:s30] =	ssyncset.done $0x0  }
0x146: {  	[sflag:s30] =	ssyncadd.s32 $0xFFFFE000  }
0x147: {  	[spmem:s2] =	stream.indirect.scatter.add.f32 [tilespmem:s17], [sflag:$0x4], $0x80, s11, s26, $0xb8;
	[tilespmem:$0x1D000] =	vst v63  }
0x148: {  	_ =	swait.ge [sflag:s18], $0x4000  }
0x149: {  	[sflag:s18] =	ssyncset.done $0x0  }
0x14a: {  	[sflag:s18] =	ssyncadd.s32 $0xFFFFC000  }
0x14b: {  	[tilespmem:s17], [sflag:$0x1] =	stream.indirect.gather [hbm4b:s4+s22], $0x80, s3, s22, $0xb8;
	[tilespmem:$0x1D000] =	vst v63  }
0x14c: {  	_ = 	snop  }
0x14d: {  	[tilespmem:s23], [sflag:$0x1] =	stream.indirect.gather [hbm4b:s4+s22], $0x80, s22, s22, $0xb8;
	[tilespmem:$0x1D000] =	vst v63  }
0x14e: {  	_ =	swait.ge [sflag:s31], $0x2000  }
0x14f: {  	[sflag:s31] =	ssyncset.done $0x0  }
0x150: {  	[sflag:s31] =	ssyncadd.s32 $0xFFFFE000  }
0x151: {  	_ =	swait.ge [sflag:s31], $0x2000  }
0x152: {  	[sflag:s31] =	ssyncset.done $0x0  }
0x153: {  	[sflag:s31] =	ssyncadd.s32 $0xFFFFE000  }
0x154: {  	[spmem:s2] =	stream.indirect.scatter.add.f32 [tilespmem:s28], [sflag:$0x4], $0x80, s1, s26, $0xb8;
	[tilespmem:$0x1D000] =	vst v63  }
0x155: {  	p0 =	por $0x1, $0x1;
	_ =	swait.ge [sflag:s18], $0x4000  }
0x156: {  	s8 =	simm.s32 @!p0 $0x6;
	s10 =	rddreg [dreg:$0x4]  }
0x157: {  	s8 =	sadd.s32 s8, s10  }
0x158: {  	s8 =	sshll.u32 s8, $0x7  }
0x159: {  	[sflag:s18] =	ssyncset.done $0x0;
	s11 =	sand.u32 $0x1FFFFF80, s8  }
0x15a: {  	[sflag:s18] =	ssyncadd.s32 $0xFFFFC000;
	s8 =	sadd.s32 s5, s11  }
0x15b: {  	[tilespmem:s20], [sflag:$0x3] =	stream.linear.gather [hbm4b:s8+s3], $0x400, $0x38;
	[tilespmem:$0x1D000] =	vst v63  }
0x15c: {  	s9 =	sadd.s32 s6, s11;
	s8 =	simm.s32 $0x2  }
.LBB2_4:
0x15d: {  	[tilespmem:s21], [sflag:$0x3] =	stream.linear.gather [hbm4b:s9+s3], $0x400, $0x38;
	[tilespmem:$0x1D000] =	vst v63  }
0x15e: {  	_ =	swait.ge [sflag:s25], $0x400  }
0x15f: {  	[sflag:s25] =	ssyncset.done $0x0  }
0x160: {  	[sflag:s25] =	ssyncadd.s32 $0xFFFFFC00  }
0x161: {  	_ =	swait.ge [sflag:s25], $0x400  }
0x162: {  	[sflag:s25] =	ssyncset.done $0x0  }
0x163: {  	[sflag:s25] =	ssyncadd.s32 $0xFFFFFC00  }
0x164: {  	[tilespmem:s28], [sflag:$0x2] =	stream.indirect.gather [hbm4b:s4+s22], $0x80, s26, s22, $0xb8;
	[tilespmem:$0x1D000] =	vst v63  }
0x165: {  	s10 =	rddreg [dreg:$0x5]  }
0x166: {  	[tilespmem:s29], [sflag:$0x2] =	stream.indirect.gather [hbm4b:s4+s22], $0x80, s10, s22, $0xb8;
	[tilespmem:$0x1D000] =	vst v63  }
0x167: {  	_ =	swait.ge [sflag:s30], $0x2000  }
0x168: {  	[sflag:s30] =	ssyncset.done $0x0  }
0x169: {  	[sflag:s30] =	ssyncadd.s32 $0xFFFFE000  }
0x16a: {  	_ =	swait.ge [sflag:s30], $0x2000  }
0x16b: {  	[sflag:s30] =	ssyncset.done $0x0  }
0x16c: {  	[sflag:s30] =	ssyncadd.s32 $0xFFFFE000  }
0x16d: {  	[spmem:s2] =	stream.indirect.scatter.add.f32 [tilespmem:s17], [sflag:$0x4], $0x80, s19, s26, $0xb8;
	[tilespmem:$0x1D000] =	vst v63  }
0x16e: {  	_ =	swait.ge [sflag:s18], $0x4000  }
0x16f: {  	[sflag:s18] =	ssyncset.done $0x0  }
0x170: {  	s10 =	rddreg [dreg:$0x6];
	[sflag:s18] =	ssyncadd.s32 $0xFFFFC000  }
0x171: {  	[tilespmem:s17], [sflag:$0x1] =	stream.indirect.gather [hbm4b:s4+s22], $0x80, s10, s22, $0xb8;
	[tilespmem:$0x1D000] =	vst v63  }
0x172: {  	s11 =	rddreg [dreg:$0x7]  }
0x173: {  	[tilespmem:s23], [sflag:$0x1] =	stream.indirect.gather [hbm4b:s4+s22], $0x80, s11, s22, $0xb8;
	[tilespmem:$0x1D000] =	vst v63  }
0x174: {  	_ =	swait.ge [sflag:s31], $0x2000  }
0x175: {  	[sflag:s31] =	ssyncset.done $0x0  }
0x176: {  	[sflag:s31] =	ssyncadd.s32 $0xFFFFE000  }
0x177: {  	_ =	swait.ge [sflag:s31], $0x2000  }
0x178: {  	[sflag:s31] =	ssyncset.done $0x0  }
0x179: {  	s11 =	rddreg [dreg:$0x8];
	[sflag:s31] =	ssyncadd.s32 $0xFFFFE000  }
0x17a: {  	[spmem:s2] =	stream.indirect.scatter.add.f32 [tilespmem:s28], [sflag:$0x4], $0x80, s11, s26, $0xb8;
	[tilespmem:$0x1D000] =	vst v63  }
0x17b: {  	_ =	swait.ge [sflag:s18], $0x4000  }
0x17c: {  	[sflag:s18] =	ssyncset.done $0x0  }
0x17d: {  	s10 =	rddreg [dreg:$0x9];
	[sflag:s18] =	ssyncadd.s32 $0xFFFFC000  }
0x17e: {  	[tilespmem:s28], [sflag:$0x2] =	stream.indirect.gather [hbm4b:s4+s22], $0x80, s10, s22, $0xb8;
	[tilespmem:$0x1D000] =	vst v63  }
0x17f: {  	s11 =	rddreg [dreg:$0xa]  }
0x180: {  	[tilespmem:s29], [sflag:$0x2] =	stream.indirect.gather [hbm4b:s4+s22], $0x80, s11, s22, $0xb8;
	[tilespmem:$0x1D000] =	vst v63  }
0x181: {  	_ =	swait.ge [sflag:s30], $0x2000  }
0x182: {  	[sflag:s30] =	ssyncset.done $0x0  }
0x183: {  	[sflag:s30] =	ssyncadd.s32 $0xFFFFE000  }
0x184: {  	_ =	swait.ge [sflag:s30], $0x2000  }
0x185: {  	[sflag:s30] =	ssyncset.done $0x0  }
0x186: {  	s11 =	rddreg [dreg:$0xb];
	[sflag:s30] =	ssyncadd.s32 $0xFFFFE000  }
0x187: {  	[spmem:s2] =	stream.indirect.scatter.add.f32 [tilespmem:s17], [sflag:$0x4], $0x80, s11, s26, $0xb8;
	[tilespmem:$0x1D000] =	vst v63  }
0x188: {  	_ =	swait.ge [sflag:s18], $0x4000  }
0x189: {  	[sflag:s18] =	ssyncset.done $0x0  }
0x18a: {  	s10 =	rddreg [dreg:$0xc];
	[sflag:s18] =	ssyncadd.s32 $0xFFFFC000  }
0x18b: {  	[tilespmem:s17], [sflag:$0x1] =	stream.indirect.gather [hbm4b:s4+s22], $0x80, s10, s22, $0xb8;
	[tilespmem:$0x1D000] =	vst v63  }
0x18c: {  	s11 =	rddreg [dreg:$0xd]  }
0x18d: {  	[tilespmem:s23], [sflag:$0x1] =	stream.indirect.gather [hbm4b:s4+s22], $0x80, s11, s22, $0xb8;
	[tilespmem:$0x1D000] =	vst v63  }
0x18e: {  	_ =	swait.ge [sflag:s31], $0x2000  }
0x18f: {  	[sflag:s31] =	ssyncset.done $0x0  }
0x190: {  	[sflag:s31] =	ssyncadd.s32 $0xFFFFE000  }
0x191: {  	_ =	swait.ge [sflag:s31], $0x2000  }
0x192: {  	[sflag:s31] =	ssyncset.done $0x0  }
0x193: {  	s11 =	rddreg [dreg:$0xe];
	[sflag:s31] =	ssyncadd.s32 $0xFFFFE000  }
0x194: {  	[spmem:s2] =	stream.indirect.scatter.add.f32 [tilespmem:s28], [sflag:$0x4], $0x80, s11, s26, $0xb8;
	[tilespmem:$0x1D000] =	vst v63  }
0x195: {  	_ =	swait.ge [sflag:s18], $0x4000  }
0x196: {  	[sflag:s18] =	ssyncset.done $0x0  }
0x197: {  	s10 =	rddreg [dreg:$0xf];
	[sflag:s18] =	ssyncadd.s32 $0xFFFFC000  }
0x198: {  	[tilespmem:s28], [sflag:$0x2] =	stream.indirect.gather [hbm4b:s4+s22], $0x80, s10, s22, $0xb8;
	[tilespmem:$0x1D000] =	vst v63  }
0x199: {  	s11 =	rddreg [dreg:$0x10]  }
0x19a: {  	[tilespmem:s29], [sflag:$0x2] =	stream.indirect.gather [hbm4b:s4+s22], $0x80, s11, s22, $0xb8;
	[tilespmem:$0x1D000] =	vst v63  }
0x19b: {  	_ =	swait.ge [sflag:s30], $0x2000  }
0x19c: {  	[sflag:s30] =	ssyncset.done $0x0  }
0x19d: {  	[sflag:s30] =	ssyncadd.s32 $0xFFFFE000  }
0x19e: {  	_ =	swait.ge [sflag:s30], $0x2000  }
0x19f: {  	[sflag:s30] =	ssyncset.done $0x0  }
0x1a0: {  	s11 =	rddreg [dreg:$0x11];
	[sflag:s30] =	ssyncadd.s32 $0xFFFFE000  }
0x1a1: {  	[spmem:s2] =	stream.indirect.scatter.add.f32 [tilespmem:s17], [sflag:$0x4], $0x80, s11, s26, $0xb8;
	[tilespmem:$0x1D000] =	vst v63  }
0x1a2: {  	_ =	swait.ge [sflag:s18], $0x4000  }
0x1a3: {  	[sflag:s18] =	ssyncset.done $0x0  }
0x1a4: {  	s10 =	rddreg [dreg:$0x12];
	[sflag:s18] =	ssyncadd.s32 $0xFFFFC000  }
0x1a5: {  	[tilespmem:s17], [sflag:$0x1] =	stream.indirect.gather [hbm4b:s4+s22], $0x80, s10, s22, $0xb8;
	[tilespmem:$0x1D000] =	vst v63  }
0x1a6: {  	s11 =	rddreg [dreg:$0x13]  }
0x1a7: {  	[tilespmem:s23], [sflag:$0x1] =	stream.indirect.gather [hbm4b:s4+s22], $0x80, s11, s22, $0xb8;
	[tilespmem:$0x1D000] =	vst v63  }
0x1a8: {  	_ =	swait.ge [sflag:s31], $0x2000  }
0x1a9: {  	[sflag:s31] =	ssyncset.done $0x0  }
0x1aa: {  	[sflag:s31] =	ssyncadd.s32 $0xFFFFE000  }
0x1ab: {  	_ =	swait.ge [sflag:s31], $0x2000  }
0x1ac: {  	[sflag:s31] =	ssyncset.done $0x0  }
0x1ad: {  	s11 =	rddreg [dreg:$0x14];
	[sflag:s31] =	ssyncadd.s32 $0xFFFFE000  }
0x1ae: {  	[spmem:s2] =	stream.indirect.scatter.add.f32 [tilespmem:s28], [sflag:$0x4], $0x80, s11, s26, $0xb8;
	[tilespmem:$0x1D000] =	vst v63  }
0x1af: {  	_ =	swait.ge [sflag:s18], $0x4000  }
0x1b0: {  	[sflag:s18] =	ssyncset.done $0x0  }
0x1b1: {  	s10 =	rddreg [dreg:$0x15];
	[sflag:s18] =	ssyncadd.s32 $0xFFFFC000  }
0x1b2: {  	[tilespmem:s28], [sflag:$0x2] =	stream.indirect.gather [hbm4b:s4+s22], $0x80, s10, s22, $0xb8;
	[tilespmem:$0x1D000] =	vst v63  }
0x1b3: {  	s11 =	rddreg [dreg:$0x16]  }
0x1b4: {  	[tilespmem:s29], [sflag:$0x2] =	stream.indirect.gather [hbm4b:s4+s22], $0x80, s11, s22, $0xb8;
	[tilespmem:$0x1D000] =	vst v63  }
0x1b5: {  	_ =	swait.ge [sflag:s30], $0x2000  }
0x1b6: {  	[sflag:s30] =	ssyncset.done $0x0  }
0x1b7: {  	[sflag:s30] =	ssyncadd.s32 $0xFFFFE000  }
0x1b8: {  	_ =	swait.ge [sflag:s30], $0x2000  }
0x1b9: {  	[sflag:s30] =	ssyncset.done $0x0  }
0x1ba: {  	s11 =	rddreg [dreg:$0x17];
	[sflag:s30] =	ssyncadd.s32 $0xFFFFE000  }
0x1bb: {  	[spmem:s2] =	stream.indirect.scatter.add.f32 [tilespmem:s17], [sflag:$0x4], $0x80, s11, s26, $0xb8;
	[tilespmem:$0x1D000] =	vst v63  }
0x1bc: {  	_ =	swait.ge [sflag:s18], $0x4000  }
0x1bd: {  	[sflag:s18] =	ssyncset.done $0x0  }
0x1be: {  	[sflag:s18] =	ssyncadd.s32 $0xFFFFC000  }
0x1bf: {  	[tilespmem:s17], [sflag:$0x1] =	stream.indirect.gather [hbm4b:s4+s22], $0x80, s20, s22, $0xb8;
	[tilespmem:$0x1D000] =	vst v63  }
0x1c0: {  	s11 =	rddreg [dreg:$0x18]  }
0x1c1: {  	[tilespmem:s23], [sflag:$0x1] =	stream.indirect.gather [hbm4b:s4+s22], $0x80, s11, s22, $0xb8;
	[tilespmem:$0x1D000] =	vst v63  }
0x1c2: {  	_ =	swait.ge [sflag:s31], $0x2000  }
0x1c3: {  	[sflag:s31] =	ssyncset.done $0x0  }
0x1c4: {  	[sflag:s31] =	ssyncadd.s32 $0xFFFFE000  }
0x1c5: {  	_ =	swait.ge [sflag:s31], $0x2000  }
0x1c6: {  	[sflag:s31] =	ssyncset.done $0x0  }
0x1c7: {  	s9 =	smov.u32 s8;
	s11 =	rddreg [dreg:$0x19];
	[sflag:s31] =	ssyncadd.s32 $0xFFFFE000  }
0x1c8: {  	[spmem:s2] =	stream.indirect.scatter.add.f32 [tilespmem:s28], [sflag:$0x4], $0x80, s11, s26, $0xb8;
	[tilespmem:$0x1D000] =	vst v63  }
0x1c9: {  	p1 =	slt.s32 s9, $0x7;
	s11 =	smov.u32 s9;
	_ =	swait.ge [sflag:s18], $0x4000  }
0x1ca: {  	s11 =	simm.s32 @!p1 $0x7;
	s10 =	rddreg [dreg:$0x3]  }
0x1cb: {  	s10 =	sadd.s32 s11, s10  }
0x1cc: {  	s10 =	sshll.u32 s10, $0x7  }
0x1cd: {  	[sflag:s18] =	ssyncset.done $0x0;
	s10 =	sand.u32 $0x1FFFFF80, s10  }
0x1ce: {  	[sflag:s18] =	ssyncadd.s32 $0xFFFFC000;
	s11 =	sadd.s32 s5, s10  }
0x1cf: {  	[tilespmem:s3], [sflag:$0x3] =	stream.linear.gather [hbm4b:s11+s3], $0x400, $0x38;
	[tilespmem:$0x1D000] =	vst v63  }
0x1d0: {  	s10 =	sadd.s32 s6, s10  }
0x1d1: {  	[tilespmem:s19], [sflag:$0x3] =	stream.linear.gather [hbm4b:s10+s3], $0x400, $0x38;
	[tilespmem:$0x1D000] =	vst v63  }
0x1d2: {  	_ =	swait.ge [sflag:s25], $0x400  }
0x1d3: {  	[sflag:s25] =	ssyncset.done $0x0  }
0x1d4: {  	[sflag:s25] =	ssyncadd.s32 $0xFFFFFC00  }
0x1d5: {  	_ =	swait.ge [sflag:s25], $0x400  }
0x1d6: {  	[sflag:s25] =	ssyncset.done $0x0  }
0x1d7: {  	s10 =	rddreg [dreg:$0x1a];
	[sflag:s25] =	ssyncadd.s32 $0xFFFFFC00  }
0x1d8: {  	[tilespmem:s28], [sflag:$0x2] =	stream.indirect.gather [hbm4b:s4+s22], $0x80, s10, s22, $0xb8;
	[tilespmem:$0x1D000] =	vst v63  }
0x1d9: {  	s11 =	rddreg [dreg:$0x1b]  }
0x1da: {  	[tilespmem:s29], [sflag:$0x2] =	stream.indirect.gather [hbm4b:s4+s22], $0x80, s11, s22, $0xb8;
	[tilespmem:$0x1D000] =	vst v63  }
0x1db: {  	_ =	swait.ge [sflag:s30], $0x2000  }
0x1dc: {  	[sflag:s30] =	ssyncset.done $0x0  }
0x1dd: {  	[sflag:s30] =	ssyncadd.s32 $0xFFFFE000  }
0x1de: {  	_ =	swait.ge [sflag:s30], $0x2000  }
0x1df: {  	[sflag:s30] =	ssyncset.done $0x0  }
0x1e0: {  	[sflag:s30] =	ssyncadd.s32 $0xFFFFE000  }
0x1e1: {  	[spmem:s2] =	stream.indirect.scatter.add.f32 [tilespmem:s17], [sflag:$0x4], $0x80, s21, s26, $0xb8;
	[tilespmem:$0x1D000] =	vst v63  }
0x1e2: {  	_ =	swait.ge [sflag:s18], $0x4000  }
0x1e3: {  	[sflag:s18] =	ssyncset.done $0x0  }
0x1e4: {  	s10 =	rddreg [dreg:$0x1c];
	[sflag:s18] =	ssyncadd.s32 $0xFFFFC000  }
0x1e5: {  	[tilespmem:s17], [sflag:$0x1] =	stream.indirect.gather [hbm4b:s4+s22], $0x80, s10, s22, $0xb8;
	[tilespmem:$0x1D000] =	vst v63  }
0x1e6: {  	s11 =	rddreg [dreg:$0x1d]  }
0x1e7: {  	[tilespmem:s23], [sflag:$0x1] =	stream.indirect.gather [hbm4b:s4+s22], $0x80, s11, s22, $0xb8;
	[tilespmem:$0x1D000] =	vst v63  }
0x1e8: {  	_ =	swait.ge [sflag:s31], $0x2000  }
0x1e9: {  	[sflag:s31] =	ssyncset.done $0x0  }
0x1ea: {  	[sflag:s31] =	ssyncadd.s32 $0xFFFFE000  }
0x1eb: {  	_ =	swait.ge [sflag:s31], $0x2000  }
0x1ec: {  	[sflag:s31] =	ssyncset.done $0x0  }
0x1ed: {  	s11 =	rddreg [dreg:$0x1e];
	[sflag:s31] =	ssyncadd.s32 $0xFFFFE000  }
0x1ee: {  	[spmem:s2] =	stream.indirect.scatter.add.f32 [tilespmem:s28], [sflag:$0x4], $0x80, s11, s26, $0xb8;
	[tilespmem:$0x1D000] =	vst v63  }
0x1ef: {  	_ =	swait.ge [sflag:s18], $0x4000  }
0x1f0: {  	s10 =	rddreg [dreg:$0x1f];
	[sflag:s18] =	ssyncset.done $0x0  }
0x1f1: {  	s11 =	sld [smem:$0x7F0];
	[sflag:s18] =	ssyncadd.s32 $0xFFFFC000  }
0x1f2: {  	[tilespmem:s28], [sflag:$0x2] =	stream.indirect.gather [hbm4b:s4+s22], $0x80, s10, s22, $0xb8;
	[tilespmem:$0x1D000] =	vst v63  }
0x1f3: {  	_ = 	snop  }
0x1f4: {  	[tilespmem:s29], [sflag:$0x2] =	stream.indirect.gather [hbm4b:s4+s22], $0x80, s11, s22, $0xb8;
	[tilespmem:$0x1D000] =	vst v63  }
0x1f5: {  	_ =	swait.ge [sflag:s30], $0x2000  }
0x1f6: {  	[sflag:s30] =	ssyncset.done $0x0  }
0x1f7: {  	[sflag:s30] =	ssyncadd.s32 $0xFFFFE000  }
0x1f8: {  	_ =	swait.ge [sflag:s30], $0x2000  }
0x1f9: {  	s11 =	sld [smem:$0x7F1]  }
0x1fa: {  	[sflag:s30] =	ssyncset.done $0x0  }
0x1fb: {  	[sflag:s30] =	ssyncadd.s32 $0xFFFFE000  }
0x1fc: {  	[spmem:s2] =	stream.indirect.scatter.add.f32 [tilespmem:s17], [sflag:$0x4], $0x80, s11, s26, $0xb8;
	[tilespmem:$0x1D000] =	vst v63  }
0x1fd: {  	_ =	swait.ge [sflag:s18], $0x4000  }
0x1fe: {  	s10 =	sld [smem:$0x7F2]  }
0x1ff: {  	[sflag:s18] =	ssyncset.done $0x0  }
0x200: {  	s11 =	sld [smem:$0x7F3];
	[sflag:s18] =	ssyncadd.s32 $0xFFFFC000  }
0x201: {  	[tilespmem:s17], [sflag:$0x1] =	stream.indirect.gather [hbm4b:s4+s22], $0x80, s10, s22, $0xb8;
	[tilespmem:$0x1D000] =	vst v63  }
0x202: {  	_ = 	snop  }
0x203: {  	[tilespmem:s23], [sflag:$0x1] =	stream.indirect.gather [hbm4b:s4+s22], $0x80, s11, s22, $0xb8;
	[tilespmem:$0x1D000] =	vst v63  }
0x204: {  	_ =	swait.ge [sflag:s31], $0x2000  }
0x205: {  	[sflag:s31] =	ssyncset.done $0x0  }
0x206: {  	[sflag:s31] =	ssyncadd.s32 $0xFFFFE000  }
0x207: {  	_ =	swait.ge [sflag:s31], $0x2000  }
0x208: {  	s11 =	sld [smem:$0x7F4]  }
0x209: {  	[sflag:s31] =	ssyncset.done $0x0  }
0x20a: {  	[sflag:s31] =	ssyncadd.s32 $0xFFFFE000  }
0x20b: {  	[spmem:s2] =	stream.indirect.scatter.add.f32 [tilespmem:s28], [sflag:$0x4], $0x80, s11, s26, $0xb8;
	[tilespmem:$0x1D000] =	vst v63  }
0x20c: {  	_ =	swait.ge [sflag:s18], $0x4000  }
0x20d: {  	s10 =	sld [smem:$0x7F5]  }
0x20e: {  	[sflag:s18] =	ssyncset.done $0x0  }
0x20f: {  	s11 =	sld [smem:$0x7F6];
	[sflag:s18] =	ssyncadd.s32 $0xFFFFC000  }
0x210: {  	[tilespmem:s28], [sflag:$0x2] =	stream.indirect.gather [hbm4b:s4+s22], $0x80, s10, s22, $0xb8;
	[tilespmem:$0x1D000] =	vst v63  }
0x211: {  	_ = 	snop  }
0x212: {  	[tilespmem:s29], [sflag:$0x2] =	stream.indirect.gather [hbm4b:s4+s22], $0x80, s11, s22, $0xb8;
	[tilespmem:$0x1D000] =	vst v63  }
0x213: {  	_ =	swait.ge [sflag:s30], $0x2000  }
0x214: {  	[sflag:s30] =	ssyncset.done $0x0  }
0x215: {  	[sflag:s30] =	ssyncadd.s32 $0xFFFFE000  }
0x216: {  	_ =	swait.ge [sflag:s30], $0x2000  }
0x217: {  	s11 =	sld [smem:$0x7F7]  }
0x218: {  	[sflag:s30] =	ssyncset.done $0x0  }
0x219: {  	[sflag:s30] =	ssyncadd.s32 $0xFFFFE000  }
0x21a: {  	[spmem:s2] =	stream.indirect.scatter.add.f32 [tilespmem:s17], [sflag:$0x4], $0x80, s11, s26, $0xb8;
	[tilespmem:$0x1D000] =	vst v63  }
0x21b: {  	_ =	swait.ge [sflag:s18], $0x4000  }
0x21c: {  	s10 =	sld [smem:$0x7F8]  }
0x21d: {  	[sflag:s18] =	ssyncset.done $0x0  }
0x21e: {  	s11 =	sld [smem:$0x7F9];
	[sflag:s18] =	ssyncadd.s32 $0xFFFFC000  }
0x21f: {  	[tilespmem:s17], [sflag:$0x1] =	stream.indirect.gather [hbm4b:s4+s22], $0x80, s10, s22, $0xb8;
	[tilespmem:$0x1D000] =	vst v63  }
0x220: {  	_ = 	snop  }
0x221: {  	[tilespmem:s23], [sflag:$0x1] =	stream.indirect.gather [hbm4b:s4+s22], $0x80, s11, s22, $0xb8;
	[tilespmem:$0x1D000] =	vst v63  }
0x222: {  	_ =	swait.ge [sflag:s31], $0x2000  }
0x223: {  	[sflag:s31] =	ssyncset.done $0x0  }
0x224: {  	[sflag:s31] =	ssyncadd.s32 $0xFFFFE000  }
0x225: {  	_ =	swait.ge [sflag:s31], $0x2000  }
0x226: {  	s11 =	sld [smem:$0x7FA]  }
0x227: {  	[sflag:s31] =	ssyncset.done $0x0  }
0x228: {  	[sflag:s31] =	ssyncadd.s32 $0xFFFFE000  }
0x229: {  	[spmem:s2] =	stream.indirect.scatter.add.f32 [tilespmem:s28], [sflag:$0x4], $0x80, s11, s26, $0xb8;
	[tilespmem:$0x1D000] =	vst v63  }
0x22a: {  	_ =	swait.ge [sflag:s18], $0x4000  }
0x22b: {  	s10 =	sld [smem:$0x7FB]  }
0x22c: {  	[sflag:s18] =	ssyncset.done $0x0  }
0x22d: {  	s11 =	sld [smem:$0x7FC];
	[sflag:s18] =	ssyncadd.s32 $0xFFFFC000  }
0x22e: {  	[tilespmem:s28], [sflag:$0x2] =	stream.indirect.gather [hbm4b:s4+s22], $0x80, s10, s22, $0xb8;
	[tilespmem:$0x1D000] =	vst v63  }
0x22f: {  	_ = 	snop  }
0x230: {  	[tilespmem:s29], [sflag:$0x2] =	stream.indirect.gather [hbm4b:s4+s22], $0x80, s11, s22, $0xb8;
	[tilespmem:$0x1D000] =	vst v63  }
0x231: {  	_ =	swait.ge [sflag:s30], $0x2000  }
0x232: {  	[sflag:s30] =	ssyncset.done $0x0  }
0x233: {  	[sflag:s30] =	ssyncadd.s32 $0xFFFFE000  }
0x234: {  	_ =	swait.ge [sflag:s30], $0x2000  }
0x235: {  	s11 =	sld [smem:$0x7FD]  }
0x236: {  	[sflag:s30] =	ssyncset.done $0x0  }
0x237: {  	[sflag:s30] =	ssyncadd.s32 $0xFFFFE000  }
0x238: {  	[spmem:s2] =	stream.indirect.scatter.add.f32 [tilespmem:s17], [sflag:$0x4], $0x80, s11, s26, $0xb8;
	[tilespmem:$0x1D000] =	vst v63  }
0x239: {  	_ =	swait.ge [sflag:s18], $0x4000  }
0x23a: {  	[sflag:s18] =	ssyncset.done $0x0  }
0x23b: {  	[sflag:s18] =	ssyncadd.s32 $0xFFFFC000  }
0x23c: {  	[tilespmem:s17], [sflag:$0x1] =	stream.indirect.gather [hbm4b:s4+s22], $0x80, s3, s22, $0xb8;
	[tilespmem:$0x1D000] =	vst v63  }
0x23d: {  	_ = 	snop  }
0x23e: {  	[tilespmem:s23], [sflag:$0x1] =	stream.indirect.gather [hbm4b:s4+s22], $0x80, s22, s22, $0xb8;
	[tilespmem:$0x1D000] =	vst v63  }
0x23f: {  	_ =	swait.ge [sflag:s31], $0x2000  }
0x240: {  	[sflag:s31] =	ssyncset.done $0x0  }
0x241: {  	[sflag:s31] =	ssyncadd.s32 $0xFFFFE000  }
0x242: {  	_ =	swait.ge [sflag:s31], $0x2000  }
0x243: {  	[sflag:s31] =	ssyncset.done $0x0  }
0x244: {  	[sflag:s31] =	ssyncadd.s32 $0xFFFFE000  }
0x245: {  	[spmem:s2] =	stream.indirect.scatter.add.f32 [tilespmem:s28], [sflag:$0x4], $0x80, s1, s26, $0xb8;
	[tilespmem:$0x1D000] =	vst v63  }
0x246: {  	p1 =	slt.s32 s9, $0x6;
	_ =	swait.ge [sflag:s18], $0x4000  }
0x247: {  	p0 =	sne.s32 s8, $0x8;
	s9 =	simm.s32 @!p1 $0x6;
	s11 =	rddreg [dreg:$0x4]  }
.Ltmp1:
0x248: {  	s9 =	sadd.s32 s9, s11;
	(pc) =	sbr.rel @p0 .LBB2_4-.Ltmp1, $4  }
0x249: {  	s9 =	sshll.u32 s9, $0x7  }
0x24a: {  	s8 =	sadd.s32 $0x2, s8;
	[sflag:s18] =	ssyncset.done $0x0;
	s9 =	sand.u32 $0x1FFFFF80, s9  }
0x24b: {  	[sflag:s18] =	ssyncadd.s32 $0xFFFFC000;
	s11 =	sadd.s32 s5, s9;
	s9 =	sadd.s32 s6, s9  }
0x24c: {  	[tilespmem:s20], [sflag:$0x3] =	stream.linear.gather [hbm4b:s11+s3], $0x400, $0x38;
	[tilespmem:$0x1D000] =	vst v63  }
0x24d: {  	[tilespmem:s21], [sflag:$0x3] =	stream.linear.gather [hbm4b:s9+s3], $0x400, $0x38;
	[tilespmem:$0x1D000] =	vst v63  }
0x24e: {  	_ =	swait.ge [sflag:s25], $0x400  }
0x24f: {  	[sflag:s25] =	ssyncset.done $0x0  }
0x250: {  	[sflag:s25] =	ssyncadd.s32 $0xFFFFFC00  }
0x251: {  	_ =	swait.ge [sflag:s25], $0x400  }
0x252: {  	[sflag:s25] =	ssyncset.done $0x0  }
0x253: {  	[sflag:s25] =	ssyncadd.s32 $0xFFFFFC00  }
0x254: {  	_ =	swait.ge [sflag:s30], $0x2000  }
0x255: {  	[sflag:s30] =	ssyncset.done $0x0  }
0x256: {  	[sflag:s30] =	ssyncadd.s32 $0xFFFFE000  }
0x257: {  	s8 =	stileid.u32;
	_ =	swait.ge [sflag:s30], $0x2000  }
0x258: {  	s11 =	sshrl.u32 s7, $0x3;
	s0 =	sadd.s32 $0x1, s0;
	[sflag:s30] =	ssyncset.done $0x0  }
0x259: {  	s8 =	sshll.u32 s8, $0x6;
	p0 =	sne.s32 s0, s12;
	[sflag:s30] =	ssyncadd.s32 $0xFFFFE000  }
.Ltmp2:
0x25a: {  	s8 =	sor.u32 $0x1C04, s8;
	[bflag:$0x0] =	sbarrier.arrive $0xFFFF;
	(pc) =	sbr.rel @p0 .LBB2_1-.Ltmp2, $4  }
0x25b: {  	[hbm:s24], [sflag:s8] =	dma.local [spmem:s11], $0x2800  }
0x25c: {  	_ =	swait.ge [sflag:s18], $0x2800  }
0x25d: {  	[sflag:s18] =	ssyncset.done $0x0  }
0x25e: {  	[sflag:s18] =	ssyncadd.s32 $0xFFFFD800  }
0x25f: {  	_ =	sfence.sel $0x180000  }
0x260: {  	[bflag:$0x0] =	sbarrier.arrive $0xFFFF  }
0x261: {  	_ =	strace $0x9000004A  }
0x262: {  	s0 =	stileid.u32;
	[bflag:$0x2] =	sbarrier.arrive $0xFFFF  }
0x263: {  	p0 =	sne.s32 s0, $0x0;
	s0 =	rddreg [dreg:$0x2]  }
0x264: {  	s0 =	sadd.s32 @!p0 $0x100000, s0  }
0x265: {  	[sflag:s0] =	ssyncadd.tile.s32 @!p0 $0x1;
	_ =	shalt  }
.Lfunc_end2:
_tile_overlayer_lowered:
.L_overlay_start_2:
0x266: {  	(tag) =	ssettag $0x2  }
0x267: {  	s0 =	rddreg [dreg:$0x0];
	s2 =	stileid.u32  }
0x268: {  	s1 =	rddreg [dreg:$0x1];
	p0 =	sne.s32 s2, $0x0  }
0x269: {  	s3 =	rddreg [dreg:$0x2];
	[bflag:$0x3] =	sbarrier.arrive $0xFFFF;
	s2 =	simm.s32 @!p0 $0x1C04  }
0x26a: {  	[timem:s3], [sflag:s2] =	dma.local @!p0 [hbm:s0], s1  }
0x26b: {  	s0 =	simm.s32 @!p0 $0x4  }
0x26c: {  	_ =	swait.ge @!p0 [sflag:s0], s1  }
0x26d: {  	s1 =	ssub.s32 @!p0 $0x0, s1;
	[sflag:s0] =	ssyncset.done @!p0 $0x0  }
0x26e: {  	[sflag:s0] =	ssyncadd.s32 @!p0 s1  }
0x26f: {  	[bflag:$0x3] =	sbarrier.arrive $0xFFFF  }
0x270: {  	_ =	shalt  }

// kernel: kernel.14.cloned.1.call-start
scs
__scs_entry_jumppad:
0x0: {  	(pc) =	sbr.rel $0x88, $3  }
0x1: {  	(tag) =	ssettag $0x0;
	lr =	simm.s32 $0x1  }
0x2: {  	[smem:$0x3F98] =	sst lr;
	_ =	strace $0xD0000000  }
0x3: {  	_ = 	snop  }
0x4: {  	_ = 	snop  }
0x5: {  	_ = 	snop  }
0x6: {  	_ = 	snop  }
0x7: {  	_ = 	snop  }
__scs_overlays_trampoline_lowered:
0x8: {  	[smem:$0x3FA7] =	sst s0  }
0x9: {  	[smem:$0x3FA8] =	sst s1  }
0xa: {  	[smem:$0x3FA9] =	sst s2  }
0xb: {  	[smem:$0x3FAA] =	sst s3  }
0xc: {  	[smem:$0x3FAB] =	sst s4  }
0xd: {  	[smem:$0x3FAC] =	sst s5  }
0xe: {  	[smem:$0x3FAD] =	sst s6  }
0xf: {  	[smem:$0x3FAE] =	sst s7  }
0x10: {  	[smem:$0x3FAF] =	sst s8  }
0x11: {  	[smem:$0x3FB0] =	sst s9;
	s0 =	simm.s32 @!p0 $0x0  }
0x12: {  	s1 =	sld [smem:$0x3F96];
	s0 =	simm.s32 @p0 $0x1  }
0x13: {  	[smem:$0x3FB1] =	sst s0;
	s0 =	simm.s32 @!p1 $0x0  }
0x14: {  	s2 =	sld [smem:$0x3F95];
	s0 =	simm.s32 @p1 $0x1  }
0x15: {  	[smem:$0x3FB2] =	sst s0;
	s0 =	simm.s32 @!p2 $0x0  }
0x16: {  	s3 =	sld [smem:$0x3FDB];
	s0 =	simm.s32 @p2 $0x1  }
0x17: {  	s4 =	simm.s32 $0x1BF5;
	[smem:$0x3FB4] =	sst s0  }
0x18: {  	s0 =	sld [smem:$0x3F97];
	_ =	swait.ge [sflag:s4], $0x0  }
0x19: {  	s7 =	sld [smem:$0x3F98]  }
0x1a: {  	s8 =	sadd.s32 $0xFFFFE003, lr  }
0x1b: {  	s9 =	sadd.s32 $0xFFFFFEF7, lr;
	s5 =	simm.s32 $0xFFFFFFFF;
	p2 =	slt.u32 s8, $0xFFFFF086  }
0x1c: {  	p1 =	slt.u32 s9, $0xF7A;
	s5 =	simm.s32 @!p2 $0x0  }
0x1d: {  	s5 =	simm.s32 @p1 $0x1;
	p0 =	seq.s32 s7, s2  }
0x1e: {  	s7 =	smul.u32 @!p0 $0xF7A, s2;
	p2 =	seq.s32 @!p0 s5, $0x0  }
0x1f: {  	s9 =	smul.u32 $0xF7A, s1;
	s8 =	simm.s32 @!p0 $0x1BF5;
	p2 =	por !p2, p0  }
0x20: {  	[sflag:s8] =	ssyncset.s32 @!p0 $0xFFFFF086;
	s6 =	sadd.s32 @!p0 s3, s7;
	s7 =	simm.s32 @!p0 $0x108  }
0x21: {  	s3 =	sadd.s32 s3, s9;
	s6 =	sadd.s32 @!p0 $0x88, s6;
	s7 =	simm.s32 @p2 $0x1082  }
0x22: {  	[simem:s7], [sflag:s8] =	dma.local @!p0 [hbm:s6], $0xF7A  }
0x23: {  	s9 =	sor.u32 $0xD0000000, s2;
	s6 =	simm.s32 $0x108;
	_ =	swait.ge @!p0 [sflag:s8], $0x0  }
0x24: {  	s3 =	sadd.s32 $0x88, s3;
	s6 =	simm.s32 @!p1 $0x1082;
	[sflag:s4] =	ssyncset.s32 $0xFFFFF086  }
0x25: {  	[simem:s6], [sflag:s4] =	dma.local [hbm:s3], $0xF7A  }
0x26: {  	[smem:$0x3F98] =	sst s1;
	(tag) =	ssettag s2;
	_ =	strace s9  }
0x27: {  	s1 =	sld [smem:$0x3FA8]  }
0x28: {  	s2 =	sld [smem:$0x3FA9]  }
0x29: {  	s4 =	sld [smem:$0x3FAB]  }
0x2a: {  	p0 =	seq.s32 s5, $0x0;
	s5 =	sld [smem:$0x3FAC]  }
0x2b: {  	s6 =	sld [smem:$0x3FAD]  }
0x2c: {  	s7 =	sld [smem:$0x3FAE]  }
0x2d: {  	s3 =	simm.s32 $0x108;
	s8 =	sld [smem:$0x3FAF]  }
0x2e: {  	s3 =	simm.s32 @!p0 $0x1082;
	s9 =	sld [smem:$0x3FB0]  }
0x2f: {  	lr =	sadd.s32 s0, s3;
	s0 =	sld [smem:$0x3FA7]  }
0x30: {  	s3 =	sld [smem:$0x3FAA]  }
0x31: {  	[smem:$0x3FB3] =	sst s10  }
0x32: {  	s10 =	sld [smem:$0x3FB1];
	_ =	sdelay $0x3  }
0x33: {  	p0 =	seq.s32 s10, $0x1;
	s10 =	sld [smem:$0x3FB3];
	_ =	sdelay $0x3  }
0x34: {  	[smem:$0x3FB3] =	sst s10  }
0x35: {  	s10 =	sld [smem:$0x3FB2];
	_ =	sdelay $0x3  }
0x36: {  	p1 =	seq.s32 s10, $0x1;
	s10 =	sld [smem:$0x3FB3];
	_ =	sdelay $0x3  }
0x37: {  	[smem:$0x3FB3] =	sst s10  }
0x38: {  	s10 =	sld [smem:$0x3FB4]  }
0x39: {  	_ = 	snop;
	(pc) =	sbr.ind lr, $3  }
0x3a: {  	_ = 	snop  }
0x3b: {  	_ = 	snop  }
0x3c: {  	p2 =	seq.s32 s10, $0x1;
	s10 =	sld [smem:$0x3FB3]  }
0x3d: {  	_ =	shalt  }
0x3e: {  	_ =	shalt  }
0x3f: {  	_ =	shalt  }
0x40: {  	_ =	shalt  }
0x41: {  	_ =	shalt  }
0x42: {  	_ =	shalt  }
0x43: {  	_ =	shalt  }
0x44: {  	_ =	shalt  }
0x45: {  	_ =	shalt  }
0x46: {  	_ =	shalt  }
0x47: {  	_ =	shalt  }
0x48: {  	_ =	shalt  }
0x49: {  	_ =	shalt  }
0x4a: {  	_ =	shalt  }
0x4b: {  	_ =	shalt  }
0x4c: {  	_ =	shalt  }
0x4d: {  	_ =	shalt  }
0x4e: {  	_ =	shalt  }
0x4f: {  	_ =	shalt  }
0x50: {  	_ =	shalt  }
0x51: {  	_ =	shalt  }
0x52: {  	_ =	shalt  }
0x53: {  	_ =	shalt  }
0x54: {  	_ =	shalt  }
0x55: {  	_ =	shalt  }
0x56: {  	_ =	shalt  }
0x57: {  	_ =	shalt  }
0x58: {  	_ =	shalt  }
0x59: {  	_ =	shalt  }
0x5a: {  	_ =	shalt  }
0x5b: {  	_ =	shalt  }
0x5c: {  	_ =	shalt  }
0x5d: {  	_ =	shalt  }
0x5e: {  	_ =	shalt  }
0x5f: {  	_ =	shalt  }
0x60: {  	_ =	shalt  }
0x61: {  	_ =	shalt  }
0x62: {  	_ =	shalt  }
0x63: {  	_ =	shalt  }
0x64: {  	_ =	shalt  }
0x65: {  	_ =	shalt  }
0x66: {  	_ =	shalt  }
0x67: {  	_ =	shalt  }
0x68: {  	_ =	shalt  }
0x69: {  	_ =	shalt  }
0x6a: {  	_ =	shalt  }
0x6b: {  	_ =	shalt  }
0x6c: {  	_ =	shalt  }
0x6d: {  	_ =	shalt  }
0x6e: {  	_ =	shalt  }
0x6f: {  	_ =	shalt  }
0x70: {  	_ =	shalt  }
0x71: {  	_ =	shalt  }
0x72: {  	_ =	shalt  }
0x73: {  	_ =	shalt  }
0x74: {  	_ =	shalt  }
0x75: {  	_ =	shalt  }
0x76: {  	_ =	shalt  }
0x77: {  	_ =	shalt  }
0x78: {  	_ =	shalt  }
0x79: {  	_ =	shalt  }
0x7a: {  	_ =	shalt  }
0x7b: {  	_ =	shalt  }
0x7c: {  	_ =	shalt  }
0x7d: {  	_ =	shalt  }
0x7e: {  	_ =	shalt  }
0x7f: {  	_ =	shalt  }
0x80: {  	_ =	shalt  }
0x81: {  	_ =	shalt  }
0x82: {  	_ =	shalt  }
0x83: {  	_ =	shalt  }
0x84: {  	_ =	shalt  }
0x85: {  	_ =	shalt  }
0x86: {  	_ =	shalt  }
0x87: {  	_ =	shalt  }
.Lfunc_end0:
.L_simem_size_0:
called_computation.2_lowered:
.L_overlay_start_0:
0x88: {  	s2 =	sld [smem:$0x3FD9]  }
0x89: {  	s3 =	sld [smem:$0x3FFE];
	_ =	sdelay $0x1  }
0x8a: {  	s1 =	srdreg.scid  }
0x8b: {  	s0 =	sand.u32 $0x1, s1  }
0x8c: {  	s16 =	sshll.u32 s0, $0xA;
	s2 =	sadd.s32 s3, s2  }
0x8d: {  	s2 =	sadd.s32 s2, s16  }
0x8e: {  	[smem:$0x3FBF] =	sst s2  }
0x8f: {  	_ = 	snop  }
0x90: {  	(tm) =	ssettm $0x1  }
0x91: {  	s17 =	sld [smem:$0x3FFB];
	_ =	sdelay $0x3  }
0x92: {  	_ =	strace s17  }
0x93: {  	s2 =	sld [smem:$0x3FFC];
	_ =	sdelay $0x3  }
0x94: {  	_ =	strace s2  }
0x95: {  	s2 =	sld [smem:$0x3FFD];
	_ =	sdelay $0x3  }
0x96: {  	_ =	strace s2  }
0x97: {  	_ =	strace $0x8FFFFFFF  }
0x98: {  	s18 =	sld [smem:$0x3FDB];
	_ =	sdelay $0x1  }
0x99: {  	s19 =	simm.s32 $_scs_section_size  }
0x9a: {  	s4 =	simm.s32 $_size__tile_overlayer_lowered;
	s5 =	simm.s32 $_tile_overlayer_lowered  }
0x9b: {  	s22 =	simm.s32 $0x1BFF;
	s21 =	sshll.u32 s5, $0x1;
	s2 =	sadd.s32 s19, s18  }
0x9c: {  	s6 =	simm.s32 $0x0;
	s20 =	sshll.u32 s4, $0x1;
	s4 =	sadd.s32 s21, s2  }
0x9d: {  	[timem:s6], [sflag:s22] =	dma.local [hbm:s4], s20  }
0x9e: {  	_ =	swait.ge [sflag:s22], s20  }
0x9f: {  	s3 =	ssub.s32 $0x0, s20;
	[sflag:s22] =	ssyncset.done $0x0  }
0xa0: {  	[sflag:s22] =	ssyncadd.s32 s3;
	_ =	sdelay $0x1  }
0xa1: {  	s23 =	simm.s32 $0x1B8B  }
0xa2: {  	_ =	swait.ge [sflag:s23], $0x1  }
0xa3: {  	[sflag:s23] =	ssyncset.done $0x0  }
0xa4: {  	s25 =	simm.s32 $0x1B8E;
	s24 =	sld [smem:$0x3FFE];
	[sflag:s23] =	ssyncadd.s32 $0xFFFFFFFF  }
0xa5: {  	s26 =	simm.s32 $execute0_lowered;
	[smem:$0x3FD2] =	sst s25  }
0xa6: {  	s4 =	sshll.u32 s26, $0x1;
	_ =	strace $0x8000004C;
	[dreg:$0x1] =	wrdreg $0xFFFFFFFF  }
0xa7: {  	s28 =	simm.s32 $_size_execute0_lowered;
	s2 =	sadd.s32 s2, s4;
	[dreg:$0x0] =	wrdreg $0x0  }
0xa8: {  	s4 =	sshll.u32 s28, $0x1;
	[dreg:$0x2] =	wrdreg s2  }
0xa9: {  	[dreg:$0x3] =	wrdreg s4  }
0xaa: {  	[dreg:$0x4] =	wrdreg $0xC0  }
0xab: {  	_ =	task [dreg:s6], $0x5FFFF  }
0xac: {  	[dreg:$0x1] =	wrdreg $0xFFFFFFFF  }
0xad: {  	[dreg:$0x0] =	wrdreg $0x60  }
0xae: {  	[dreg:$0x2] =	wrdreg s24  }
0xaf: {  	[dreg:$0x3] =	wrdreg $0x90000  }
0xb0: {  	[dreg:$0x4] =	wrdreg $0x9  }
0xb1: {  	_ =	task.clear_ibuf [dreg:s6], $0x5FFFF;
	_ =	strace $0x9000004C  }
0xb2: {  	s29 =	simm.s32 $0x9;
	_ =	strace $0x8000004E  }
0xb3: {  	_ =	swait.ge [sflag:s29], $0x1  }
0xb4: {  	[sflag:s29] =	ssyncadd.s32 $0xFFFFFFFF  }
0xb5: {  	_ =	strace $0x9000004E  }
0xb6: {  	_ =	sfence  }
0xb7: {  	s30 =	sld [smem:$0x0];
	_ =	sdelay $0x2  }
0xb8: {  	s31 =	sshll.u32 s1, $0xD;
	s1 =	sshrl.u32 s1, $0x2  }
0xb9: {  	s3 =	sand.u32 $0x4000, s31;
	s1 =	sadd.s32 s1, s30  }
0xba: {  	s0 =	sor.u32 s3, s0;
	s1 =	sshll.u32 s1, $0x11  }
0xbb: {  	s0 =	sor.u32 s1, s0  }
0xbc: {  	s0 =	sadd.s32 $0x8F2B, s0  }
0xbd: {  	[sflag:s0] =	ssyncadd.remote.s32 $0x1  }
0xbe: {  	_ =	sfence.sel $0xFFFF  }
0xbf: {  	[dreg:$0x0] =	wrdreg $0xFFFFFFFF;
	(pc) =	sbr.abs _section_cstart, $3  }
0xc0: {  	[dreg:$0x1] =	wrdreg $0xFFFFFFFF  }
0xc1: {  	_ =	task.clear_ibuf [dreg:s6], $0x2FFFF;
	_ =	strace $0x9FFFFFFF  }
0xc2: {  	(tm) =	ssettm $0x7FFFFFFF  }
0xc3: {  	_ =	shalt  }
tec
execute0_lowered:
.L_overlay_start_1:
0x0: {  	(tag) =	ssettag $0x1  }
0x1: {  	s7 =	rddreg [dreg:$0x0]  }
0x2: {  	s2 =	rddreg [dreg:$0x1];
	s3 =	simm.s32 $0x0  }
0x3: {  	s13 =	simm.s32 $0xC0;
	[smem:$0x7FF] =	sst s3  }
0x4: {  	s14 =	simm.s32 $0x100;
	_ =	strace $0x8000004D;
	[dreg:$0x5] =	wrdreg s13  }
0x5: {  	s15 =	simm.s32 $0x140;
	[dreg:$0x6] =	wrdreg s14  }
0x6: {  	s16 =	simm.s32 $0x480;
	[dreg:$0x7] =	wrdreg s15  }
0x7: {  	s17 =	simm.s32 $0x180;
	[dreg:$0x8] =	wrdreg s16  }
0x8: {  	s18 =	simm.s32 $0x1C0;
	[dreg:$0x9] =	wrdreg s17  }
0x9: {  	s19 =	simm.s32 $0x500;
	[dreg:$0xa] =	wrdreg s18  }
0xa: {  	s20 =	simm.s32 $0x200;
	[dreg:$0xb] =	wrdreg s19  }
0xb: {  	s21 =	simm.s32 $0x240;
	[dreg:$0xc] =	wrdreg s20  }
0xc: {  	s22 =	simm.s32 $0x580;
	[dreg:$0xd] =	wrdreg s21  }
0xd: {  	s23 =	simm.s32 $0x280;
	[dreg:$0xe] =	wrdreg s22  }
0xe: {  	s24 =	simm.s32 $0x2C0;
	[dreg:$0xf] =	wrdreg s23  }
0xf: {  	s6 =	simm.s32 $0x600;
	[dreg:$0x10] =	wrdreg s24  }
0x10: {  	s25 =	simm.s32 $0x300;
	[dreg:$0x11] =	wrdreg s6  }
0x11: {  	s9 =	simm.s32 $0x340;
	[dreg:$0x12] =	wrdreg s25  }
0x12: {  	s26 =	simm.s32 $0x680;
	[dreg:$0x13] =	wrdreg s9  }
0x13: {  	s0 =	srdreg.scid;
	s10 =	simm.s32 $0x3C0;
	[dreg:$0x14] =	wrdreg s26  }
0x14: {  	s11 =	stileid.u32;
	s9 =	simm.s32 $0x380;
	[dreg:$0x16] =	wrdreg s10  }
0x15: {  	s28 =	simm.s32 $0x5000;
	s13 =	simm.s32 $0x700;
	[dreg:$0x15] =	wrdreg s9  }
0x16: {  	s29 =	simm.s32 $0x7000;
	s14 =	simm.s32 $0x840;
	[dreg:$0x17] =	wrdreg s13  }
0x17: {  	s30 =	simm.s32 $0x1;
	s15 =	simm.s32 $0x780;
	[dreg:$0x18] =	wrdreg s14  }
0x18: {  	s31 =	simm.s32 $0x2;
	s17 =	simm.s32 $0x880;
	[dreg:$0x19] =	wrdreg s15  }
0x19: {  	s1 =	sand.u32 $0x1, s0;
	s18 =	simm.s32 $0x8C0;
	[dreg:$0x1a] =	wrdreg s17  }
0x1a: {  	s0 =	sshll.u32 s1, $0x4;
	s19 =	simm.s32 $0x900;
	[dreg:$0x1b] =	wrdreg s18  }
0x1b: {  	s8 =	smul.u32 $0x28000, s1;
	s21 =	simm.s32 $0x940;
	[dreg:$0x1c] =	wrdreg s19  }
0x1c: {  	s6 =	sadd.s32 $0xD600, s7;
	s23 =	simm.s32 $0xC80;
	[dreg:$0x1d] =	wrdreg s21  }
0x1d: {  	s1 =	ssub.s32 $0x2, s1;
	s24 =	simm.s32 $0x980;
	[dreg:$0x1e] =	wrdreg s23  }
0x1e: {  	s10 =	smul.u32 $0x50000, s11;
	s26 =	simm.s32 $0x9C0;
	[dreg:$0x1f] =	wrdreg s24  }
0x1f: {  	s0 =	sor.u32 s11, s0;
	s12 =	sshrl.u32 s1, $0x1;
	[smem:$0x7F0] =	sst s26  }
0x20: {  	s9 =	simm.s32 $0xD00;
	s11 =	smul.u32 $0x2800, s11;
	s17 =	simm.s32 $0xD80  }
0x21: {  	s18 =	simm.s32 $0xA80;
	s19 =	simm.s32 $0xAC0;
	[smem:$0x7F1] =	sst s9  }
0x22: {  	s21 =	simm.s32 $0xB00;
	s23 =	simm.s32 $0xE80;
	[smem:$0x7F4] =	sst s17  }
0x23: {  	s24 =	simm.s32 $0xB80;
	s26 =	simm.s32 $0xF00;
	[smem:$0x7F5] =	sst s18  }
0x24: {  	s4 =	smul.u32 $0xA, s0;
	s8 =	sadd.s32 s8, s7;
	[smem:$0x7F6] =	sst s19  }
0x25: {  	s1 =	ssub.s32 s1, s12;
	s16 =	sshrl.u32 s10, $0x2;
	[smem:$0x7F8] =	sst s21  }
0x26: {  	s0 =	smul.u32 $0x500, s0;
	s10 =	simm.s32 $0xA00;
	[smem:$0x7FA] =	sst s23  }
0x27: {  	s17 =	simm.s32 $0x1000;
	s18 =	simm.s32 $0x4;
	[smem:$0x7FB] =	sst s24  }
0x28: {  	s19 =	simm.s32 $0x400;
	s21 =	simm.s32 $0xC00;
	[smem:$0x7FD] =	sst s26  }
0x29: {  	s23 =	simm.s32 $0x3000;
	s26 =	simm.s32 $0x80;
	s8 =	sadd.s32 $0x3F600, s8  }
0x2a: {  	[smem:$0x7F2] =	sst s10;
	s12 =	smax.u32 s1, $0x1;
	s5 =	sadd.s32 $0x2, s4  }
0x2b: {  	s1 =	simm.s32 $0xF80;
	s4 =	sadd.s32 $0x3, s4;
	[dreg:$0x3] =	wrdreg s5  }
0x2c: {  	s22 =	sadd.s32 s6, s0;
	s24 =	sadd.s32 s11, s8;
	[dreg:$0x4] =	wrdreg s4  }
0x2d: {  	s4 =	sadd.s32 $0x17600, s7;
	s5 =	sadd.s32 $0x3600, s7;
	s7 =	sadd.s32 s16, s2  }
0x2e: {  	[smem:$0x7ED] =	sst s22;
	s16 =	simm.s32 $0xA40;
	s22 =	simm.s32 $0xB40  }
0x2f: {  	s20 =	sadd.s32 s5, s0;
	s0 =	sor.u32 $0x80, s0;
	[smem:$0x7F3] =	sst s16  }
0x30: {  	s13 =	sadd.s32 $0x4000, s7;
	s14 =	sadd.s32 $0x8000, s7;
	[smem:$0x7F9] =	sst s22  }
0x31: {  	s15 =	sadd.s32 $0xC000, s7;
	[smem:$0x7EC] =	sst s20;
	s25 =	sadd.s32 s5, s0  }
0x32: {  	s16 =	sadd.s32 $0x10000, s7;
	s0 =	sadd.s32 s6, s0;
	[smem:$0x7EE] =	sst s25  }
0x33: {  	s22 =	simm.s32 $0x40;
	s20 =	simm.s32 $0xE00;
	[smem:$0x7EF] =	sst s0  }
0x34: {  	[smem:$0x7F7] =	sst s20;
	s20 =	simm.s32 $0x800;
	s25 =	simm.s32 $0xBC0  }
0x35: {  	v0 =	vimm.f32 $0.0e+00;
	s0 =	simm.s32 $0x0;
	[smem:$0x7FC] =	sst s25;
	s25 =	simm.s32 $0x3  }
.LBB2_1:
0x36: {  	s8 =	simm.s32 $0x0;
	s9 =	simm.s32 $0x200  }
.LBB2_2:
0x37: {  	p0 =	sne.s32 s9, $0xFE00;
	[tilespmem:s8+$0x1070] =	vst v0  }
0x38: {  	[tilespmem:s8+$0x1000] =	vst v0  }
0x39: {  	[tilespmem:s8+$0x1010] =	vst v0  }
.Ltmp0:
0x3a: {  	[tilespmem:s8+$0x1020] =	vst v0;
	(pc) =	sbr.rel @p0 .LBB2_2-.Ltmp0, $4  }
0x3b: {  	[tilespmem:s8+$0x1030] =	vst v0  }
0x3c: {  	[tilespmem:s8+$0x1040] =	vst v0  }
0x3d: {  	[tilespmem:s8+$0x1050] =	vst v0  }
0x3e: {  	[tilespmem:s8+$0x1060] =	vst v0;
	s8 =	sshra.s32 s9, $0x2;
	s9 =	sadd.s32 $0x200, s9  }
0x3f: {  	[tilespmem:s8+$0x1070] =	vst v0  }
0x40: {  	[tilespmem:s8+$0x1000] =	vst v0  }
0x41: {  	[tilespmem:s8+$0x1010] =	vst v0  }
0x42: {  	[tilespmem:s8+$0x1020] =	vst v0  }
0x43: {  	[tilespmem:s8+$0x1030] =	vst v0  }
0x44: {  	[tilespmem:s8+$0x1040] =	vst v0  }
0x45: {  	[tilespmem:s8+$0x1050] =	vst v0  }
0x46: {  	[tilespmem:s8+$0x1060] =	vst v0  }
0x47: {  	[spmem:s7] =	stream.linear.scatter [tilespmem:s17], [sflag:$0x4], $0x4000, $0x38;
	[tilespmem:$0x1D000] =	vst v63  }
0x48: {  	_ =	swait.ge [sflag:s18], $0x4000  }
0x49: {  	[sflag:s18] =	ssyncset.done $0x0  }
0x4a: {  	[sflag:s18] =	ssyncadd.s32 $0xFFFFC000  }
0x4b: {  	[spmem:s13] =	stream.linear.scatter [tilespmem:s17], [sflag:$0x4], $0x4000, $0x38;
	[tilespmem:$0x1D000] =	vst v63  }
0x4c: {  	_ =	swait.ge [sflag:s18], $0x4000  }
0x4d: {  	[sflag:s18] =	ssyncset.done $0x0  }
0x4e: {  	[sflag:s18] =	ssyncadd.s32 $0xFFFFC000  }
0x4f: {  	[spmem:s14] =	stream.linear.scatter [tilespmem:s17], [sflag:$0x4], $0x4000, $0x38;
	[tilespmem:$0x1D000] =	vst v63  }
0x50: {  	_ =	swait.ge [sflag:s18], $0x4000  }
0x51: {  	[sflag:s18] =	ssyncset.done $0x0  }
0x52: {  	[sflag:s18] =	ssyncadd.s32 $0xFFFFC000  }
0x53: {  	[spmem:s15] =	stream.linear.scatter [tilespmem:s17], [sflag:$0x4], $0x4000, $0x38;
	[tilespmem:$0x1D000] =	vst v63  }
0x54: {  	_ =	swait.ge [sflag:s18], $0x4000  }
0x55: {  	[sflag:s18] =	ssyncset.done $0x0  }
0x56: {  	[sflag:s18] =	ssyncadd.s32 $0xFFFFC000  }
0x57: {  	[spmem:s16] =	stream.linear.scatter [tilespmem:s17], [sflag:$0x4], $0x4000, $0x38;
	[tilespmem:$0x1D000] =	vst v63  }
0x58: {  	_ =	swait.ge [sflag:s18], $0x4000  }
0x59: {  	s9 =	sld [smem:$0x7EC]  }
0x5a: {  	[sflag:s18] =	ssyncset.done $0x0  }
0x5b: {  	s8 =	simm.s32 $0x0;
	[sflag:s18] =	ssyncadd.s32 $0xFFFFC000  }
0x5c: {  	[tilespmem:s8], [sflag:$0x4] =	stream.linear.gather [hbm4b:s9+s8], $0x400, $0x38;
	[tilespmem:$0x1D000] =	vst v63  }
0x5d: {  	_ =	swait.ge [sflag:s18], $0x400  }
0x5e: {  	s11 =	sld [smem:$0x7ED]  }
0x5f: {  	[sflag:s18] =	ssyncset.done $0x0  }
0x60: {  	[sflag:s18] =	ssyncadd.s32 $0xFFFFFC00  }
0x61: {  	[tilespmem:s19], [sflag:$0x4] =	stream.linear.gather [hbm4b:s11+s8], $0x400, $0x38;
	[tilespmem:$0x1D000] =	vst v63  }
0x62: {  	_ =	swait.ge [sflag:s18], $0x400  }
0x63: {  	s10 =	sld [smem:$0x7EE]  }
0x64: {  	[sflag:s18] =	ssyncset.done $0x0  }
0x65: {  	s11 =	sld [smem:$0x7EF];
	[sflag:s18] =	ssyncadd.s32 $0xFFFFFC00  }
0x66: {  	[tilespmem:s20], [sflag:$0x3] =	stream.linear.gather [hbm4b:s10+s8], $0x400, $0x38;
	[tilespmem:$0x1D000] =	vst v63  }
0x67: {  	_ = 	snop  }
0x68: {  	[tilespmem:s21], [sflag:$0x3] =	stream.linear.gather [hbm4b:s11+s8], $0x400, $0x38;
	[tilespmem:$0x1D000] =	vst v63  }
0x69: {  	[bflag:$0x0] =	sbarrier.arrive $0xFFFF  }
0x6a: {  	[tilespmem:s17], [sflag:$0x1] =	stream.indirect.gather [hbm4b:s4+s22], $0x80, s8, s22, $0xb8;
	[tilespmem:$0x1D000] =	vst v63  }
0x6b: {  	_ = 	snop  }
0x6c: {  	[tilespmem:s23], [sflag:$0x1] =	stream.indirect.gather [hbm4b:s4+s22], $0x80, s22, s22, $0xb8;
	[tilespmem:$0x1D000] =	vst v63  }
0x6d: {  	_ =	swait.ge [sflag:s25], $0x400  }
0x6e: {  	[sflag:s25] =	ssyncset.done $0x0  }
0x6f: {  	[sflag:s25] =	ssyncadd.s32 $0xFFFFFC00  }
0x70: {  	_ =	swait.ge [sflag:s25], $0x400  }
0x71: {  	[sflag:s25] =	ssyncset.done $0x0  }
0x72: {  	[sflag:s25] =	ssyncadd.s32 $0xFFFFFC00  }
0x73: {  	[tilespmem:s28], [sflag:$0x2] =	stream.indirect.gather [hbm4b:s4+s22], $0x80, s26, s22, $0xb8;
	[tilespmem:$0x1D000] =	vst v63  }
0x74: {  	s10 =	rddreg [dreg:$0x5]  }
0x75: {  	[tilespmem:s29], [sflag:$0x2] =	stream.indirect.gather [hbm4b:s4+s22], $0x80, s10, s22, $0xb8;
	[tilespmem:$0x1D000] =	vst v63  }
0x76: {  	_ =	swait.ge [sflag:s30], $0x2000  }
0x77: {  	[sflag:s30] =	ssyncset.done $0x0  }
0x78: {  	[sflag:s30] =	ssyncadd.s32 $0xFFFFE000  }
0x79: {  	_ =	swait.ge [sflag:s30], $0x2000  }
0x7a: {  	[sflag:s30] =	ssyncset.done $0x0  }
0x7b: {  	[sflag:s30] =	ssyncadd.s32 $0xFFFFE000  }
0x7c: {  	[spmem:s2] =	stream.indirect.scatter.add.f32 [tilespmem:s17], [sflag:$0x4], $0x80, s19, s26, $0xb8;
	[tilespmem:$0x1D000] =	vst v63  }
0x7d: {  	_ =	swait.ge [sflag:s18], $0x4000  }
0x7e: {  	[sflag:s18] =	ssyncset.done $0x0  }
0x7f: {  	s11 =	rddreg [dreg:$0x6];
	[sflag:s18] =	ssyncadd.s32 $0xFFFFC000  }
0x80: {  	[tilespmem:s17], [sflag:$0x1] =	stream.indirect.gather [hbm4b:s4+s22], $0x80, s11, s22, $0xb8;
	[tilespmem:$0x1D000] =	vst v63  }
0x81: {  	s10 =	rddreg [dreg:$0x7]  }
0x82: {  	[tilespmem:s23], [sflag:$0x1] =	stream.indirect.gather [hbm4b:s4+s22], $0x80, s10, s22, $0xb8;
	[tilespmem:$0x1D000] =	vst v63  }
0x83: {  	_ =	swait.ge [sflag:s31], $0x2000  }
0x84: {  	[sflag:s31] =	ssyncset.done $0x0  }
0x85: {  	[sflag:s31] =	ssyncadd.s32 $0xFFFFE000  }
0x86: {  	_ =	swait.ge [sflag:s31], $0x2000  }
0x87: {  	[sflag:s31] =	ssyncset.done $0x0  }
0x88: {  	s11 =	rddreg [dreg:$0x8];
	[sflag:s31] =	ssyncadd.s32 $0xFFFFE000  }
0x89: {  	[spmem:s2] =	stream.indirect.scatter.add.f32 [tilespmem:s28], [sflag:$0x4], $0x80, s11, s26, $0xb8;
	[tilespmem:$0x1D000] =	vst v63  }
0x8a: {  	_ =	swait.ge [sflag:s18], $0x4000  }
0x8b: {  	[sflag:s18] =	ssyncset.done $0x0  }
0x8c: {  	s10 =	rddreg [dreg:$0x9];
	[sflag:s18] =	ssyncadd.s32 $0xFFFFC000  }
0x8d: {  	[tilespmem:s28], [sflag:$0x2] =	stream.indirect.gather [hbm4b:s4+s22], $0x80, s10, s22, $0xb8;
	[tilespmem:$0x1D000] =	vst v63  }
0x8e: {  	s11 =	rddreg [dreg:$0xa]  }
0x8f: {  	[tilespmem:s29], [sflag:$0x2] =	stream.indirect.gather [hbm4b:s4+s22], $0x80, s11, s22, $0xb8;
	[tilespmem:$0x1D000] =	vst v63  }
0x90: {  	_ =	swait.ge [sflag:s30], $0x2000  }
0x91: {  	[sflag:s30] =	ssyncset.done $0x0  }
0x92: {  	[sflag:s30] =	ssyncadd.s32 $0xFFFFE000  }
0x93: {  	_ =	swait.ge [sflag:s30], $0x2000  }
0x94: {  	[sflag:s30] =	ssyncset.done $0x0  }
0x95: {  	s11 =	rddreg [dreg:$0xb];
	[sflag:s30] =	ssyncadd.s32 $0xFFFFE000  }
0x96: {  	[spmem:s2] =	stream.indirect.scatter.add.f32 [tilespmem:s17], [sflag:$0x4], $0x80, s11, s26, $0xb8;
	[tilespmem:$0x1D000] =	vst v63  }
0x97: {  	_ =	swait.ge [sflag:s18], $0x4000  }
0x98: {  	[sflag:s18] =	ssyncset.done $0x0  }
0x99: {  	s10 =	rddreg [dreg:$0xc];
	[sflag:s18] =	ssyncadd.s32 $0xFFFFC000  }
0x9a: {  	[tilespmem:s17], [sflag:$0x1] =	stream.indirect.gather [hbm4b:s4+s22], $0x80, s10, s22, $0xb8;
	[tilespmem:$0x1D000] =	vst v63  }
0x9b: {  	s11 =	rddreg [dreg:$0xd]  }
0x9c: {  	[tilespmem:s23], [sflag:$0x1] =	stream.indirect.gather [hbm4b:s4+s22], $0x80, s11, s22, $0xb8;
	[tilespmem:$0x1D000] =	vst v63  }
0x9d: {  	_ =	swait.ge [sflag:s31], $0x2000  }
0x9e: {  	[sflag:s31] =	ssyncset.done $0x0  }
0x9f: {  	[sflag:s31] =	ssyncadd.s32 $0xFFFFE000  }
0xa0: {  	_ =	swait.ge [sflag:s31], $0x2000  }
0xa1: {  	[sflag:s31] =	ssyncset.done $0x0  }
0xa2: {  	s11 =	rddreg [dreg:$0xe];
	[sflag:s31] =	ssyncadd.s32 $0xFFFFE000  }
0xa3: {  	[spmem:s2] =	stream.indirect.scatter.add.f32 [tilespmem:s28], [sflag:$0x4], $0x80, s11, s26, $0xb8;
	[tilespmem:$0x1D000] =	vst v63  }
0xa4: {  	_ =	swait.ge [sflag:s18], $0x4000  }
0xa5: {  	[sflag:s18] =	ssyncset.done $0x0  }
0xa6: {  	s10 =	rddreg [dreg:$0xf];
	[sflag:s18] =	ssyncadd.s32 $0xFFFFC000  }
0xa7: {  	[tilespmem:s28], [sflag:$0x2] =	stream.indirect.gather [hbm4b:s4+s22], $0x80, s10, s22, $0xb8;
	[tilespmem:$0x1D000] =	vst v63  }
0xa8: {  	s11 =	rddreg [dreg:$0x10]  }
0xa9: {  	[tilespmem:s29], [sflag:$0x2] =	stream.indirect.gather [hbm4b:s4+s22], $0x80, s11, s22, $0xb8;
	[tilespmem:$0x1D000] =	vst v63  }
0xaa: {  	_ =	swait.ge [sflag:s30], $0x2000  }
0xab: {  	[sflag:s30] =	ssyncset.done $0x0  }
0xac: {  	[sflag:s30] =	ssyncadd.s32 $0xFFFFE000  }
0xad: {  	_ =	swait.ge [sflag:s30], $0x2000  }
0xae: {  	[sflag:s30] =	ssyncset.done $0x0  }
0xaf: {  	s11 =	rddreg [dreg:$0x11];
	[sflag:s30] =	ssyncadd.s32 $0xFFFFE000  }
0xb0: {  	[spmem:s2] =	stream.indirect.scatter.add.f32 [tilespmem:s17], [sflag:$0x4], $0x80, s11, s26, $0xb8;
	[tilespmem:$0x1D000] =	vst v63  }
0xb1: {  	_ =	swait.ge [sflag:s18], $0x4000  }
0xb2: {  	[sflag:s18] =	ssyncset.done $0x0  }
0xb3: {  	s10 =	rddreg [dreg:$0x12];
	[sflag:s18] =	ssyncadd.s32 $0xFFFFC000  }
0xb4: {  	[tilespmem:s17], [sflag:$0x1] =	stream.indirect.gather [hbm4b:s4+s22], $0x80, s10, s22, $0xb8;
	[tilespmem:$0x1D000] =	vst v63  }
0xb5: {  	s11 =	rddreg [dreg:$0x13]  }
0xb6: {  	[tilespmem:s23], [sflag:$0x1] =	stream.indirect.gather [hbm4b:s4+s22], $0x80, s11, s22, $0xb8;
	[tilespmem:$0x1D000] =	vst v63  }
0xb7: {  	_ =	swait.ge [sflag:s31], $0x2000  }
0xb8: {  	[sflag:s31] =	ssyncset.done $0x0  }
0xb9: {  	[sflag:s31] =	ssyncadd.s32 $0xFFFFE000  }
0xba: {  	_ =	swait.ge [sflag:s31], $0x2000  }
0xbb: {  	[sflag:s31] =	ssyncset.done $0x0  }
0xbc: {  	s11 =	rddreg [dreg:$0x14];
	[sflag:s31] =	ssyncadd.s32 $0xFFFFE000  }
0xbd: {  	[spmem:s2] =	stream.indirect.scatter.add.f32 [tilespmem:s28], [sflag:$0x4], $0x80, s11, s26, $0xb8;
	[tilespmem:$0x1D000] =	vst v63  }
0xbe: {  	_ =	swait.ge [sflag:s18], $0x4000  }
0xbf: {  	[sflag:s18] =	ssyncset.done $0x0  }
0xc0: {  	s10 =	rddreg [dreg:$0x15];
	[sflag:s18] =	ssyncadd.s32 $0xFFFFC000  }
0xc1: {  	[tilespmem:s28], [sflag:$0x2] =	stream.indirect.gather [hbm4b:s4+s22], $0x80, s10, s22, $0xb8;
	[tilespmem:$0x1D000] =	vst v63  }
0xc2: {  	s11 =	rddreg [dreg:$0x16]  }
0xc3: {  	[tilespmem:s29], [sflag:$0x2] =	stream.indirect.gather [hbm4b:s4+s22], $0x80, s11, s22, $0xb8;
	[tilespmem:$0x1D000] =	vst v63  }
0xc4: {  	_ =	swait.ge [sflag:s30], $0x2000  }
0xc5: {  	[sflag:s30] =	ssyncset.done $0x0  }
0xc6: {  	[sflag:s30] =	ssyncadd.s32 $0xFFFFE000  }
0xc7: {  	_ =	swait.ge [sflag:s30], $0x2000  }
0xc8: {  	[sflag:s30] =	ssyncset.done $0x0  }
0xc9: {  	s10 =	rddreg [dreg:$0x17];
	[sflag:s30] =	ssyncadd.s32 $0xFFFFE000  }
0xca: {  	[spmem:s2] =	stream.indirect.scatter.add.f32 [tilespmem:s17], [sflag:$0x4], $0x80, s10, s26, $0xb8;
	[tilespmem:$0x1D000] =	vst v63  }
0xcb: {  	_ =	swait.ge [sflag:s18], $0x4000  }
0xcc: {  	[sflag:s18] =	ssyncset.done $0x0  }
0xcd: {  	[sflag:s18] =	ssyncadd.s32 $0xFFFFC000  }
0xce: {  	[tilespmem:s17], [sflag:$0x1] =	stream.indirect.gather [hbm4b:s4+s22], $0x80, s20, s22, $0xb8;
	[tilespmem:$0x1D000] =	vst v63  }
0xcf: {  	s11 =	rddreg [dreg:$0x18]  }
0xd0: {  	[tilespmem:s23], [sflag:$0x1] =	stream.indirect.gather [hbm4b:s4+s22], $0x80, s11, s22, $0xb8;
	[tilespmem:$0x1D000] =	vst v63  }
0xd1: {  	_ =	swait.ge [sflag:s31], $0x2000  }
0xd2: {  	[sflag:s31] =	ssyncset.done $0x0  }
0xd3: {  	[sflag:s31] =	ssyncadd.s32 $0xFFFFE000  }
0xd4: {  	_ =	swait.ge [sflag:s31], $0x2000  }
0xd5: {  	[sflag:s31] =	ssyncset.done $0x0  }
0xd6: {  	s10 =	rddreg [dreg:$0x19];
	[sflag:s31] =	ssyncadd.s32 $0xFFFFE000  }
0xd7: {  	[spmem:s2] =	stream.indirect.scatter.add.f32 [tilespmem:s28], [sflag:$0x4], $0x80, s10, s26, $0xb8;
	[tilespmem:$0x1D000] =	vst v63  }
0xd8: {  	p0 =	por $0x1, $0x1;
	s10 =	simm.s32 $0x0;
	_ =	swait.ge [sflag:s18], $0x4000  }
0xd9: {  	s10 =	simm.s32 @!p0 $0x7;
	s11 =	rddreg [dreg:$0x3]  }
0xda: {  	s9 =	sadd.s32 s10, s11  }
0xdb: {  	s9 =	sshll.u32 s9, $0x7  }
0xdc: {  	[sflag:s18] =	ssyncset.done $0x0;
	s9 =	sand.u32 $0x1FFFFF80, s9  }
0xdd: {  	[sflag:s18] =	ssyncadd.s32 $0xFFFFC000;
	s11 =	sadd.s32 s5, s9  }
0xde: {  	[tilespmem:s3], [sflag:$0x3] =	stream.linear.gather [hbm4b:s11+s3], $0x400, $0x38;
	[tilespmem:$0x1D000] =	vst v63  }
0xdf: {  	s9 =	sadd.s32 s6, s9  }
0xe0: {  	[tilespmem:s19], [sflag:$0x3] =	stream.linear.gather [hbm4b:s9+s3], $0x400, $0x38;
	[tilespmem:$0x1D000] =	vst v63  }
0xe1: {  	_ =	swait.ge [sflag:s25], $0x400  }
0xe2: {  	[sflag:s25] =	ssyncset.done $0x0  }
0xe3: {  	[sflag:s25] =	ssyncadd.s32 $0xFFFFFC00  }
0xe4: {  	_ =	swait.ge [sflag:s25], $0x400  }
0xe5: {  	[sflag:s25] =	ssyncset.done $0x0  }
0xe6: {  	s10 =	rddreg [dreg:$0x1a];
	[sflag:s25] =	ssyncadd.s32 $0xFFFFFC00  }
0xe7: {  	[tilespmem:s28], [sflag:$0x2] =	stream.indirect.gather [hbm4b:s4+s22], $0x80, s10, s22, $0xb8;
	[tilespmem:$0x1D000] =	vst v63  }
0xe8: {  	s11 =	rddreg [dreg:$0x1b]  }
0xe9: {  	[tilespmem:s29], [sflag:$0x2] =	stream.indirect.gather [hbm4b:s4+s22], $0x80, s11, s22, $0xb8;
	[tilespmem:$0x1D000] =	vst v63  }
0xea: {  	_ =	swait.ge [sflag:s30], $0x2000  }
0xeb: {  	[sflag:s30] =	ssyncset.done $0x0  }
0xec: {  	[sflag:s30] =	ssyncadd.s32 $0xFFFFE000  }
0xed: {  	_ =	swait.ge [sflag:s30], $0x2000  }
0xee: {  	[sflag:s30] =	ssyncset.done $0x0  }
0xef: {  	[sflag:s30] =	ssyncadd.s32 $0xFFFFE000  }
0xf0: {  	[spmem:s2] =	stream.indirect.scatter.add.f32 [tilespmem:s17], [sflag:$0x4], $0x80, s21, s26, $0xb8;
	[tilespmem:$0x1D000] =	vst v63  }
0xf1: {  	_ =	swait.ge [sflag:s18], $0x4000  }
0xf2: {  	[sflag:s18] =	ssyncset.done $0x0  }
0xf3: {  	s10 =	rddreg [dreg:$0x1c];
	[sflag:s18] =	ssyncadd.s32 $0xFFFFC000  }
0xf4: {  	[tilespmem:s17], [sflag:$0x1] =	stream.indirect.gather [hbm4b:s4+s22], $0x80, s10, s22, $0xb8;
	[tilespmem:$0x1D000] =	vst v63  }
0xf5: {  	s11 =	rddreg [dreg:$0x1d]  }
0xf6: {  	[tilespmem:s23], [sflag:$0x1] =	stream.indirect.gather [hbm4b:s4+s22], $0x80, s11, s22, $0xb8;
	[tilespmem:$0x1D000] =	vst v63  }
0xf7: {  	_ =	swait.ge [sflag:s31], $0x2000  }
0xf8: {  	[sflag:s31] =	ssyncset.done $0x0  }
0xf9: {  	[sflag:s31] =	ssyncadd.s32 $0xFFFFE000  }
0xfa: {  	_ =	swait.ge [sflag:s31], $0x2000  }
0xfb: {  	[sflag:s31] =	ssyncset.done $0x0  }
0xfc: {  	s11 =	rddreg [dreg:$0x1e];
	[sflag:s31] =	ssyncadd.s32 $0xFFFFE000  }
0xfd: {  	[spmem:s2] =	stream.indirect.scatter.add.f32 [tilespmem:s28], [sflag:$0x4], $0x80, s11, s26, $0xb8;
	[tilespmem:$0x1D000] =	vst v63  }
0xfe: {  	_ =	swait.ge [sflag:s18], $0x4000  }
0xff: {  	s10 =	rddreg [dreg:$0x1f];
	[sflag:s18] =	ssyncset.done $0x0  }
0x100: {  	s11 =	sld [smem:$0x7F0];
	[sflag:s18] =	ssyncadd.s32 $0xFFFFC000  }
0x101: {  	[tilespmem:s28], [sflag:$0x2] =	stream.indirect.gather [hbm4b:s4+s22], $0x80, s10, s22, $0xb8;
	[tilespmem:$0x1D000] =	vst v63  }
0x102: {  	_ = 	snop  }
0x103: {  	[tilespmem:s29], [sflag:$0x2] =	stream.indirect.gather [hbm4b:s4+s22], $0x80, s11, s22, $0xb8;
	[tilespmem:$0x1D000] =	vst v63  }
0x104: {  	_ =	swait.ge [sflag:s30], $0x2000  }
0x105: {  	[sflag:s30] =	ssyncset.done $0x0  }
0x106: {  	[sflag:s30] =	ssyncadd.s32 $0xFFFFE000  }
0x107: {  	_ =	swait.ge [sflag:s30], $0x2000  }
0x108: {  	s11 =	sld [smem:$0x7F1]  }
0x109: {  	[sflag:s30] =	ssyncset.done $0x0  }
0x10a: {  	[sflag:s30] =	ssyncadd.s32 $0xFFFFE000  }
0x10b: {  	[spmem:s2] =	stream.indirect.scatter.add.f32 [tilespmem:s17], [sflag:$0x4], $0x80, s11, s26, $0xb8;
	[tilespmem:$0x1D000] =	vst v63  }
0x10c: {  	_ =	swait.ge [sflag:s18], $0x4000  }
0x10d: {  	s10 =	sld [smem:$0x7F2]  }
0x10e: {  	[sflag:s18] =	ssyncset.done $0x0  }
0x10f: {  	s11 =	sld [smem:$0x7F3];
	[sflag:s18] =	ssyncadd.s32 $0xFFFFC000  }
0x110: {  	[tilespmem:s17], [sflag:$0x1] =	stream.indirect.gather [hbm4b:s4+s22], $0x80, s10, s22, $0xb8;
	[tilespmem:$0x1D000] =	vst v63  }
0x111: {  	_ = 	snop  }
0x112: {  	[tilespmem:s23], [sflag:$0x1] =	stream.indirect.gather [hbm4b:s4+s22], $0x80, s11, s22, $0xb8;
	[tilespmem:$0x1D000] =	vst v63  }
0x113: {  	_ =	swait.ge [sflag:s31], $0x2000  }
0x114: {  	[sflag:s31] =	ssyncset.done $0x0  }
0x115: {  	[sflag:s31] =	ssyncadd.s32 $0xFFFFE000  }
0x116: {  	_ =	swait.ge [sflag:s31], $0x2000  }
0x117: {  	s11 =	sld [smem:$0x7F4]  }
0x118: {  	[sflag:s31] =	ssyncset.done $0x0  }
0x119: {  	[sflag:s31] =	ssyncadd.s32 $0xFFFFE000  }
0x11a: {  	[spmem:s2] =	stream.indirect.scatter.add.f32 [tilespmem:s28], [sflag:$0x4], $0x80, s11, s26, $0xb8;
	[tilespmem:$0x1D000] =	vst v63  }
0x11b: {  	_ =	swait.ge [sflag:s18], $0x4000  }
0x11c: {  	s10 =	sld [smem:$0x7F5]  }
0x11d: {  	[sflag:s18] =	ssyncset.done $0x0  }
0x11e: {  	s11 =	sld [smem:$0x7F6];
	[sflag:s18] =	ssyncadd.s32 $0xFFFFC000  }
0x11f: {  	[tilespmem:s28], [sflag:$0x2] =	stream.indirect.gather [hbm4b:s4+s22], $0x80, s10, s22, $0xb8;
	[tilespmem:$0x1D000] =	vst v63  }
0x120: {  	_ = 	snop  }
0x121: {  	[tilespmem:s29], [sflag:$0x2] =	stream.indirect.gather [hbm4b:s4+s22], $0x80, s11, s22, $0xb8;
	[tilespmem:$0x1D000] =	vst v63  }
0x122: {  	_ =	swait.ge [sflag:s30], $0x2000  }
0x123: {  	[sflag:s30] =	ssyncset.done $0x0  }
0x124: {  	[sflag:s30] =	ssyncadd.s32 $0xFFFFE000  }
0x125: {  	_ =	swait.ge [sflag:s30], $0x2000  }
0x126: {  	s11 =	sld [smem:$0x7F7]  }
0x127: {  	[sflag:s30] =	ssyncset.done $0x0  }
0x128: {  	[sflag:s30] =	ssyncadd.s32 $0xFFFFE000  }
0x129: {  	[spmem:s2] =	stream.indirect.scatter.add.f32 [tilespmem:s17], [sflag:$0x4], $0x80, s11, s26, $0xb8;
	[tilespmem:$0x1D000] =	vst v63  }
0x12a: {  	_ =	swait.ge [sflag:s18], $0x4000  }
0x12b: {  	s10 =	sld [smem:$0x7F8]  }
0x12c: {  	[sflag:s18] =	ssyncset.done $0x0  }
0x12d: {  	s11 =	sld [smem:$0x7F9];
	[sflag:s18] =	ssyncadd.s32 $0xFFFFC000  }
0x12e: {  	[tilespmem:s17], [sflag:$0x1] =	stream.indirect.gather [hbm4b:s4+s22], $0x80, s10, s22, $0xb8;
	[tilespmem:$0x1D000] =	vst v63  }
0x12f: {  	_ = 	snop  }
0x130: {  	[tilespmem:s23], [sflag:$0x1] =	stream.indirect.gather [hbm4b:s4+s22], $0x80, s11, s22, $0xb8;
	[tilespmem:$0x1D000] =	vst v63  }
0x131: {  	_ =	swait.ge [sflag:s31], $0x2000  }
0x132: {  	[sflag:s31] =	ssyncset.done $0x0  }
0x133: {  	[sflag:s31] =	ssyncadd.s32 $0xFFFFE000  }
0x134: {  	_ =	swait.ge [sflag:s31], $0x2000  }
0x135: {  	s11 =	sld [smem:$0x7FA]  }
0x136: {  	[sflag:s31] =	ssyncset.done $0x0  }
0x137: {  	[sflag:s31] =	ssyncadd.s32 $0xFFFFE000  }
0x138: {  	[spmem:s2] =	stream.indirect.scatter.add.f32 [tilespmem:s28], [sflag:$0x4], $0x80, s11, s26, $0xb8;
	[tilespmem:$0x1D000] =	vst v63  }
0x139: {  	_ =	swait.ge [sflag:s18], $0x4000  }
0x13a: {  	s10 =	sld [smem:$0x7FB]  }
0x13b: {  	[sflag:s18] =	ssyncset.done $0x0  }
0x13c: {  	s11 =	sld [smem:$0x7FC];
	[sflag:s18] =	ssyncadd.s32 $0xFFFFC000  }
0x13d: {  	[tilespmem:s28], [sflag:$0x2] =	stream.indirect.gather [hbm4b:s4+s22], $0x80, s10, s22, $0xb8;
	[tilespmem:$0x1D000] =	vst v63  }
0x13e: {  	_ = 	snop  }
0x13f: {  	[tilespmem:s29], [sflag:$0x2] =	stream.indirect.gather [hbm4b:s4+s22], $0x80, s11, s22, $0xb8;
	[tilespmem:$0x1D000] =	vst v63  }
0x140: {  	_ =	swait.ge [sflag:s30], $0x2000  }
0x141: {  	[sflag:s30] =	ssyncset.done $0x0  }
0x142: {  	[sflag:s30] =	ssyncadd.s32 $0xFFFFE000  }
0x143: {  	_ =	swait.ge [sflag:s30], $0x2000  }
0x144: {  	s11 =	sld [smem:$0x7FD]  }
0x145: {  	[sflag:s30] =	ssyncset.done $0x0  }
0x146: {  	[sflag:s30] =	ssyncadd.s32 $0xFFFFE000  }
0x147: {  	[spmem:s2] =	stream.indirect.scatter.add.f32 [tilespmem:s17], [sflag:$0x4], $0x80, s11, s26, $0xb8;
	[tilespmem:$0x1D000] =	vst v63  }
0x148: {  	_ =	swait.ge [sflag:s18], $0x4000  }
0x149: {  	[sflag:s18] =	ssyncset.done $0x0  }
0x14a: {  	[sflag:s18] =	ssyncadd.s32 $0xFFFFC000  }
0x14b: {  	[tilespmem:s17], [sflag:$0x1] =	stream.indirect.gather [hbm4b:s4+s22], $0x80, s3, s22, $0xb8;
	[tilespmem:$0x1D000] =	vst v63  }
0x14c: {  	_ = 	snop  }
0x14d: {  	[tilespmem:s23], [sflag:$0x1] =	stream.indirect.gather [hbm4b:s4+s22], $0x80, s22, s22, $0xb8;
	[tilespmem:$0x1D000] =	vst v63  }
0x14e: {  	_ =	swait.ge [sflag:s31], $0x2000  }
0x14f: {  	[sflag:s31] =	ssyncset.done $0x0  }
0x150: {  	[sflag:s31] =	ssyncadd.s32 $0xFFFFE000  }
0x151: {  	_ =	swait.ge [sflag:s31], $0x2000  }
0x152: {  	[sflag:s31] =	ssyncset.done $0x0  }
0x153: {  	[sflag:s31] =	ssyncadd.s32 $0xFFFFE000  }
0x154: {  	[spmem:s2] =	stream.indirect.scatter.add.f32 [tilespmem:s28], [sflag:$0x4], $0x80, s1, s26, $0xb8;
	[tilespmem:$0x1D000] =	vst v63  }
0x155: {  	p0 =	por $0x1, $0x1;
	_ =	swait.ge [sflag:s18], $0x4000  }
0x156: {  	s8 =	simm.s32 @!p0 $0x6;
	s10 =	rddreg [dreg:$0x4]  }
0x157: {  	s8 =	sadd.s32 s8, s10  }
0x158: {  	s8 =	sshll.u32 s8, $0x7  }
0x159: {  	[sflag:s18] =	ssyncset.done $0x0;
	s11 =	sand.u32 $0x1FFFFF80, s8  }
0x15a: {  	[sflag:s18] =	ssyncadd.s32 $0xFFFFC000;
	s8 =	sadd.s32 s5, s11  }
0x15b: {  	[tilespmem:s20], [sflag:$0x3] =	stream.linear.gather [hbm4b:s8+s3], $0x400, $0x38;
	[tilespmem:$0x1D000] =	vst v63  }
0x15c: {  	s9 =	sadd.s32 s6, s11;
	s8 =	simm.s32 $0x2  }
.LBB2_4:
0x15d: {  	[tilespmem:s21], [sflag:$0x3] =	stream.linear.gather [hbm4b:s9+s3], $0x400, $0x38;
	[tilespmem:$0x1D000] =	vst v63  }
0x15e: {  	_ =	swait.ge [sflag:s25], $0x400  }
0x15f: {  	[sflag:s25] =	ssyncset.done $0x0  }
0x160: {  	[sflag:s25] =	ssyncadd.s32 $0xFFFFFC00  }
0x161: {  	_ =	swait.ge [sflag:s25], $0x400  }
0x162: {  	[sflag:s25] =	ssyncset.done $0x0  }
0x163: {  	[sflag:s25] =	ssyncadd.s32 $0xFFFFFC00  }
0x164: {  	[tilespmem:s28], [sflag:$0x2] =	stream.indirect.gather [hbm4b:s4+s22], $0x80, s26, s22, $0xb8;
	[tilespmem:$0x1D000] =	vst v63  }
0x165: {  	s10 =	rddreg [dreg:$0x5]  }
0x166: {  	[tilespmem:s29], [sflag:$0x2] =	stream.indirect.gather [hbm4b:s4+s22], $0x80, s10, s22, $0xb8;
	[tilespmem:$0x1D000] =	vst v63  }
0x167: {  	_ =	swait.ge [sflag:s30], $0x2000  }
0x168: {  	[sflag:s30] =	ssyncset.done $0x0  }
0x169: {  	[sflag:s30] =	ssyncadd.s32 $0xFFFFE000  }
0x16a: {  	_ =	swait.ge [sflag:s30], $0x2000  }
0x16b: {  	[sflag:s30] =	ssyncset.done $0x0  }
0x16c: {  	[sflag:s30] =	ssyncadd.s32 $0xFFFFE000  }
0x16d: {  	[spmem:s2] =	stream.indirect.scatter.add.f32 [tilespmem:s17], [sflag:$0x4], $0x80, s19, s26, $0xb8;
	[tilespmem:$0x1D000] =	vst v63  }
0x16e: {  	_ =	swait.ge [sflag:s18], $0x4000  }
0x16f: {  	[sflag:s18] =	ssyncset.done $0x0  }
0x170: {  	s10 =	rddreg [dreg:$0x6];
	[sflag:s18] =	ssyncadd.s32 $0xFFFFC000  }
0x171: {  	[tilespmem:s17], [sflag:$0x1] =	stream.indirect.gather [hbm4b:s4+s22], $0x80, s10, s22, $0xb8;
	[tilespmem:$0x1D000] =	vst v63  }
0x172: {  	s11 =	rddreg [dreg:$0x7]  }
0x173: {  	[tilespmem:s23], [sflag:$0x1] =	stream.indirect.gather [hbm4b:s4+s22], $0x80, s11, s22, $0xb8;
	[tilespmem:$0x1D000] =	vst v63  }
0x174: {  	_ =	swait.ge [sflag:s31], $0x2000  }
0x175: {  	[sflag:s31] =	ssyncset.done $0x0  }
0x176: {  	[sflag:s31] =	ssyncadd.s32 $0xFFFFE000  }
0x177: {  	_ =	swait.ge [sflag:s31], $0x2000  }
0x178: {  	[sflag:s31] =	ssyncset.done $0x0  }
0x179: {  	s11 =	rddreg [dreg:$0x8];
	[sflag:s31] =	ssyncadd.s32 $0xFFFFE000  }
0x17a: {  	[spmem:s2] =	stream.indirect.scatter.add.f32 [tilespmem:s28], [sflag:$0x4], $0x80, s11, s26, $0xb8;
	[tilespmem:$0x1D000] =	vst v63  }
0x17b: {  	_ =	swait.ge [sflag:s18], $0x4000  }
0x17c: {  	[sflag:s18] =	ssyncset.done $0x0  }
0x17d: {  	s10 =	rddreg [dreg:$0x9];
	[sflag:s18] =	ssyncadd.s32 $0xFFFFC000  }
0x17e: {  	[tilespmem:s28], [sflag:$0x2] =	stream.indirect.gather [hbm4b:s4+s22], $0x80, s10, s22, $0xb8;
	[tilespmem:$0x1D000] =	vst v63  }
0x17f: {  	s11 =	rddreg [dreg:$0xa]  }
0x180: {  	[tilespmem:s29], [sflag:$0x2] =	stream.indirect.gather [hbm4b:s4+s22], $0x80, s11, s22, $0xb8;
	[tilespmem:$0x1D000] =	vst v63  }
0x181: {  	_ =	swait.ge [sflag:s30], $0x2000  }
0x182: {  	[sflag:s30] =	ssyncset.done $0x0  }
0x183: {  	[sflag:s30] =	ssyncadd.s32 $0xFFFFE000  }
0x184: {  	_ =	swait.ge [sflag:s30], $0x2000  }
0x185: {  	[sflag:s30] =	ssyncset.done $0x0  }
0x186: {  	s11 =	rddreg [dreg:$0xb];
	[sflag:s30] =	ssyncadd.s32 $0xFFFFE000  }
0x187: {  	[spmem:s2] =	stream.indirect.scatter.add.f32 [tilespmem:s17], [sflag:$0x4], $0x80, s11, s26, $0xb8;
	[tilespmem:$0x1D000] =	vst v63  }
0x188: {  	_ =	swait.ge [sflag:s18], $0x4000  }
0x189: {  	[sflag:s18] =	ssyncset.done $0x0  }
0x18a: {  	s10 =	rddreg [dreg:$0xc];
	[sflag:s18] =	ssyncadd.s32 $0xFFFFC000  }
0x18b: {  	[tilespmem:s17], [sflag:$0x1] =	stream.indirect.gather [hbm4b:s4+s22], $0x80, s10, s22, $0xb8;
	[tilespmem:$0x1D000] =	vst v63  }
0x18c: {  	s11 =	rddreg [dreg:$0xd]  }
0x18d: {  	[tilespmem:s23], [sflag:$0x1] =	stream.indirect.gather [hbm4b:s4+s22], $0x80, s11, s22, $0xb8;
	[tilespmem:$0x1D000] =	vst v63  }
0x18e: {  	_ =	swait.ge [sflag:s31], $0x2000  }
0x18f: {  	[sflag:s31] =	ssyncset.done $0x0  }
0x190: {  	[sflag:s31] =	ssyncadd.s32 $0xFFFFE000  }
0x191: {  	_ =	swait.ge [sflag:s31], $0x2000  }
0x192: {  	[sflag:s31] =	ssyncset.done $0x0  }
0x193: {  	s11 =	rddreg [dreg:$0xe];
	[sflag:s31] =	ssyncadd.s32 $0xFFFFE000  }
0x194: {  	[spmem:s2] =	stream.indirect.scatter.add.f32 [tilespmem:s28], [sflag:$0x4], $0x80, s11, s26, $0xb8;
	[tilespmem:$0x1D000] =	vst v63  }
0x195: {  	_ =	swait.ge [sflag:s18], $0x4000  }
0x196: {  	[sflag:s18] =	ssyncset.done $0x0  }
0x197: {  	s10 =	rddreg [dreg:$0xf];
	[sflag:s18] =	ssyncadd.s32 $0xFFFFC000  }
0x198: {  	[tilespmem:s28], [sflag:$0x2] =	stream.indirect.gather [hbm4b:s4+s22], $0x80, s10, s22, $0xb8;
	[tilespmem:$0x1D000] =	vst v63  }
0x199: {  	s11 =	rddreg [dreg:$0x10]  }
0x19a: {  	[tilespmem:s29], [sflag:$0x2] =	stream.indirect.gather [hbm4b:s4+s22], $0x80, s11, s22, $0xb8;
	[tilespmem:$0x1D000] =	vst v63  }
0x19b: {  	_ =	swait.ge [sflag:s30], $0x2000  }
0x19c: {  	[sflag:s30] =	ssyncset.done $0x0  }
0x19d: {  	[sflag:s30] =	ssyncadd.s32 $0xFFFFE000  }
0x19e: {  	_ =	swait.ge [sflag:s30], $0x2000  }
0x19f: {  	[sflag:s30] =	ssyncset.done $0x0  }
0x1a0: {  	s11 =	rddreg [dreg:$0x11];
	[sflag:s30] =	ssyncadd.s32 $0xFFFFE000  }
0x1a1: {  	[spmem:s2] =	stream.indirect.scatter.add.f32 [tilespmem:s17], [sflag:$0x4], $0x80, s11, s26, $0xb8;
	[tilespmem:$0x1D000] =	vst v63  }
0x1a2: {  	_ =	swait.ge [sflag:s18], $0x4000  }
0x1a3: {  	[sflag:s18] =	ssyncset.done $0x0  }
0x1a4: {  	s10 =	rddreg [dreg:$0x12];
	[sflag:s18] =	ssyncadd.s32 $0xFFFFC000  }
0x1a5: {  	[tilespmem:s17], [sflag:$0x1] =	stream.indirect.gather [hbm4b:s4+s22], $0x80, s10, s22, $0xb8;
	[tilespmem:$0x1D000] =	vst v63  }
0x1a6: {  	s11 =	rddreg [dreg:$0x13]  }
0x1a7: {  	[tilespmem:s23], [sflag:$0x1] =	stream.indirect.gather [hbm4b:s4+s22], $0x80, s11, s22, $0xb8;
	[tilespmem:$0x1D000] =	vst v63  }
0x1a8: {  	_ =	swait.ge [sflag:s31], $0x2000  }
0x1a9: {  	[sflag:s31] =	ssyncset.done $0x0  }
0x1aa: {  	[sflag:s31] =	ssyncadd.s32 $0xFFFFE000  }
0x1ab: {  	_ =	swait.ge [sflag:s31], $0x2000  }
0x1ac: {  	[sflag:s31] =	ssyncset.done $0x0  }
0x1ad: {  	s11 =	rddreg [dreg:$0x14];
	[sflag:s31] =	ssyncadd.s32 $0xFFFFE000  }
0x1ae: {  	[spmem:s2] =	stream.indirect.scatter.add.f32 [tilespmem:s28], [sflag:$0x4], $0x80, s11, s26, $0xb8;
	[tilespmem:$0x1D000] =	vst v63  }
0x1af: {  	_ =	swait.ge [sflag:s18], $0x4000  }
0x1b0: {  	[sflag:s18] =	ssyncset.done $0x0  }
0x1b1: {  	s10 =	rddreg [dreg:$0x15];
	[sflag:s18] =	ssyncadd.s32 $0xFFFFC000  }
0x1b2: {  	[tilespmem:s28], [sflag:$0x2] =	stream.indirect.gather [hbm4b:s4+s22], $0x80, s10, s22, $0xb8;
	[tilespmem:$0x1D000] =	vst v63  }
0x1b3: {  	s11 =	rddreg [dreg:$0x16]  }
0x1b4: {  	[tilespmem:s29], [sflag:$0x2] =	stream.indirect.gather [hbm4b:s4+s22], $0x80, s11, s22, $0xb8;
	[tilespmem:$0x1D000] =	vst v63  }
0x1b5: {  	_ =	swait.ge [sflag:s30], $0x2000  }
0x1b6: {  	[sflag:s30] =	ssyncset.done $0x0  }
0x1b7: {  	[sflag:s30] =	ssyncadd.s32 $0xFFFFE000  }
0x1b8: {  	_ =	swait.ge [sflag:s30], $0x2000  }
0x1b9: {  	[sflag:s30] =	ssyncset.done $0x0  }
0x1ba: {  	s11 =	rddreg [dreg:$0x17];
	[sflag:s30] =	ssyncadd.s32 $0xFFFFE000  }
0x1bb: {  	[spmem:s2] =	stream.indirect.scatter.add.f32 [tilespmem:s17], [sflag:$0x4], $0x80, s11, s26, $0xb8;
	[tilespmem:$0x1D000] =	vst v63  }
0x1bc: {  	_ =	swait.ge [sflag:s18], $0x4000  }
0x1bd: {  	[sflag:s18] =	ssyncset.done $0x0  }
0x1be: {  	[sflag:s18] =	ssyncadd.s32 $0xFFFFC000  }
0x1bf: {  	[tilespmem:s17], [sflag:$0x1] =	stream.indirect.gather [hbm4b:s4+s22], $0x80, s20, s22, $0xb8;
	[tilespmem:$0x1D000] =	vst v63  }
0x1c0: {  	s11 =	rddreg [dreg:$0x18]  }
0x1c1: {  	[tilespmem:s23], [sflag:$0x1] =	stream.indirect.gather [hbm4b:s4+s22], $0x80, s11, s22, $0xb8;
	[tilespmem:$0x1D000] =	vst v63  }
0x1c2: {  	_ =	swait.ge [sflag:s31], $0x2000  }
0x1c3: {  	[sflag:s31] =	ssyncset.done $0x0  }
0x1c4: {  	[sflag:s31] =	ssyncadd.s32 $0xFFFFE000  }
0x1c5: {  	_ =	swait.ge [sflag:s31], $0x2000  }
0x1c6: {  	[sflag:s31] =	ssyncset.done $0x0  }
0x1c7: {  	s9 =	smov.u32 s8;
	s11 =	rddreg [dreg:$0x19];
	[sflag:s31] =	ssyncadd.s32 $0xFFFFE000  }
0x1c8: {  	[spmem:s2] =	stream.indirect.scatter.add.f32 [tilespmem:s28], [sflag:$0x4], $0x80, s11, s26, $0xb8;
	[tilespmem:$0x1D000] =	vst v63  }
0x1c9: {  	p1 =	slt.s32 s9, $0x7;
	s11 =	smov.u32 s9;
	_ =	swait.ge [sflag:s18], $0x4000  }
0x1ca: {  	s11 =	simm.s32 @!p1 $0x7;
	s10 =	rddreg [dreg:$0x3]  }
0x1cb: {  	s10 =	sadd.s32 s11, s10  }
0x1cc: {  	s10 =	sshll.u32 s10, $0x7  }
0x1cd: {  	[sflag:s18] =	ssyncset.done $0x0;
	s10 =	sand.u32 $0x1FFFFF80, s10  }
0x1ce: {  	[sflag:s18] =	ssyncadd.s32 $0xFFFFC000;
	s11 =	sadd.s32 s5, s10  }
0x1cf: {  	[tilespmem:s3], [sflag:$0x3] =	stream.linear.gather [hbm4b:s11+s3], $0x400, $0x38;
	[tilespmem:$0x1D000] =	vst v63  }
0x1d0: {  	s10 =	sadd.s32 s6, s10  }
0x1d1: {  	[tilespmem:s19], [sflag:$0x3] =	stream.linear.gather [hbm4b:s10+s3], $0x400, $0x38;
	[tilespmem:$0x1D000] =	vst v63  }
0x1d2: {  	_ =	swait.ge [sflag:s25], $0x400  }
0x1d3: {  	[sflag:s25] =	ssyncset.done $0x0  }
0x1d4: {  	[sflag:s25] =	ssyncadd.s32 $0xFFFFFC00  }
0x1d5: {  	_ =	swait.ge [sflag:s25], $0x400  }
0x1d6: {  	[sflag:s25] =	ssyncset.done $0x0  }
0x1d7: {  	s10 =	rddreg [dreg:$0x1a];
	[sflag:s25] =	ssyncadd.s32 $0xFFFFFC00  }
0x1d8: {  	[tilespmem:s28], [sflag:$0x2] =	stream.indirect.gather [hbm4b:s4+s22], $0x80, s10, s22, $0xb8;
	[tilespmem:$0x1D000] =	vst v63  }
0x1d9: {  	s11 =	rddreg [dreg:$0x1b]  }
0x1da: {  	[tilespmem:s29], [sflag:$0x2] =	stream.indirect.gather [hbm4b:s4+s22], $0x80, s11, s22, $0xb8;
	[tilespmem:$0x1D000] =	vst v63  }
0x1db: {  	_ =	swait.ge [sflag:s30], $0x2000  }
0x1dc: {  	[sflag:s30] =	ssyncset.done $0x0  }
0x1dd: {  	[sflag:s30] =	ssyncadd.s32 $0xFFFFE000  }
0x1de: {  	_ =	swait.ge [sflag:s30], $0x2000  }
0x1df: {  	[sflag:s30] =	ssyncset.done $0x0  }
0x1e0: {  	[sflag:s30] =	ssyncadd.s32 $0xFFFFE000  }
0x1e1: {  	[spmem:s2] =	stream.indirect.scatter.add.f32 [tilespmem:s17], [sflag:$0x4], $0x80, s21, s26, $0xb8;
	[tilespmem:$0x1D000] =	vst v63  }
0x1e2: {  	_ =	swait.ge [sflag:s18], $0x4000  }
0x1e3: {  	[sflag:s18] =	ssyncset.done $0x0  }
0x1e4: {  	s10 =	rddreg [dreg:$0x1c];
	[sflag:s18] =	ssyncadd.s32 $0xFFFFC000  }
0x1e5: {  	[tilespmem:s17], [sflag:$0x1] =	stream.indirect.gather [hbm4b:s4+s22], $0x80, s10, s22, $0xb8;
	[tilespmem:$0x1D000] =	vst v63  }
0x1e6: {  	s11 =	rddreg [dreg:$0x1d]  }
0x1e7: {  	[tilespmem:s23], [sflag:$0x1] =	stream.indirect.gather [hbm4b:s4+s22], $0x80, s11, s22, $0xb8;
	[tilespmem:$0x1D000] =	vst v63  }
0x1e8: {  	_ =	swait.ge [sflag:s31], $0x2000  }
0x1e9: {  	[sflag:s31] =	ssyncset.done $0x0  }
0x1ea: {  	[sflag:s31] =	ssyncadd.s32 $0xFFFFE000  }
0x1eb: {  	_ =	swait.ge [sflag:s31], $0x2000  }
0x1ec: {  	[sflag:s31] =	ssyncset.done $0x0  }
0x1ed: {  	s11 =	rddreg [dreg:$0x1e];
	[sflag:s31] =	ssyncadd.s32 $0xFFFFE000  }
0x1ee: {  	[spmem:s2] =	stream.indirect.scatter.add.f32 [tilespmem:s28], [sflag:$0x4], $0x80, s11, s26, $0xb8;
	[tilespmem:$0x1D000] =	vst v63  }
0x1ef: {  	_ =	swait.ge [sflag:s18], $0x4000  }
0x1f0: {  	s10 =	rddreg [dreg:$0x1f];
	[sflag:s18] =	ssyncset.done $0x0  }
0x1f1: {  	s11 =	sld [smem:$0x7F0];
	[sflag:s18] =	ssyncadd.s32 $0xFFFFC000  }
0x1f2: {  	[tilespmem:s28], [sflag:$0x2] =	stream.indirect.gather [hbm4b:s4+s22], $0x80, s10, s22, $0xb8;
	[tilespmem:$0x1D000] =	vst v63  }
0x1f3: {  	_ = 	snop  }
0x1f4: {  	[tilespmem:s29], [sflag:$0x2] =	stream.indirect.gather [hbm4b:s4+s22], $0x80, s11, s22, $0xb8;
	[tilespmem:$0x1D000] =	vst v63  }
0x1f5: {  	_ =	swait.ge [sflag:s30], $0x2000  }
0x1f6: {  	[sflag:s30] =	ssyncset.done $0x0  }
0x1f7: {  	[sflag:s30] =	ssyncadd.s32 $0xFFFFE000  }
0x1f8: {  	_ =	swait.ge [sflag:s30], $0x2000  }
0x1f9: {  	s11 =	sld [smem:$0x7F1]  }
0x1fa: {  	[sflag:s30] =	ssyncset.done $0x0  }
0x1fb: {  	[sflag:s30] =	ssyncadd.s32 $0xFFFFE000  }
0x1fc: {  	[spmem:s2] =	stream.indirect.scatter.add.f32 [tilespmem:s17], [sflag:$0x4], $0x80, s11, s26, $0xb8;
	[tilespmem:$0x1D000] =	vst v63  }
0x1fd: {  	_ =	swait.ge [sflag:s18], $0x4000  }
0x1fe: {  	s10 =	sld [smem:$0x7F2]  }
0x1ff: {  	[sflag:s18] =	ssyncset.done $0x0  }
0x200: {  	s11 =	sld [smem:$0x7F3];
	[sflag:s18] =	ssyncadd.s32 $0xFFFFC000  }
0x201: {  	[tilespmem:s17], [sflag:$0x1] =	stream.indirect.gather [hbm4b:s4+s22], $0x80, s10, s22, $0xb8;
	[tilespmem:$0x1D000] =	vst v63  }
0x202: {  	_ = 	snop  }
0x203: {  	[tilespmem:s23], [sflag:$0x1] =	stream.indirect.gather [hbm4b:s4+s22], $0x80, s11, s22, $0xb8;
	[tilespmem:$0x1D000] =	vst v63  }
0x204: {  	_ =	swait.ge [sflag:s31], $0x2000  }
0x205: {  	[sflag:s31] =	ssyncset.done $0x0  }
0x206: {  	[sflag:s31] =	ssyncadd.s32 $0xFFFFE000  }
0x207: {  	_ =	swait.ge [sflag:s31], $0x2000  }
0x208: {  	s11 =	sld [smem:$0x7F4]  }
0x209: {  	[sflag:s31] =	ssyncset.done $0x0  }
0x20a: {  	[sflag:s31] =	ssyncadd.s32 $0xFFFFE000  }
0x20b: {  	[spmem:s2] =	stream.indirect.scatter.add.f32 [tilespmem:s28], [sflag:$0x4], $0x80, s11, s26, $0xb8;
	[tilespmem:$0x1D000] =	vst v63  }
0x20c: {  	_ =	swait.ge [sflag:s18], $0x4000  }
0x20d: {  	s10 =	sld [smem:$0x7F5]  }
0x20e: {  	[sflag:s18] =	ssyncset.done $0x0  }
0x20f: {  	s11 =	sld [smem:$0x7F6];
	[sflag:s18] =	ssyncadd.s32 $0xFFFFC000  }
0x210: {  	[tilespmem:s28], [sflag:$0x2] =	stream.indirect.gather [hbm4b:s4+s22], $0x80, s10, s22, $0xb8;
	[tilespmem:$0x1D000] =	vst v63  }
0x211: {  	_ = 	snop  }
0x212: {  	[tilespmem:s29], [sflag:$0x2] =	stream.indirect.gather [hbm4b:s4+s22], $0x80, s11, s22, $0xb8;
	[tilespmem:$0x1D000] =	vst v63  }
0x213: {  	_ =	swait.ge [sflag:s30], $0x2000  }
0x214: {  	[sflag:s30] =	ssyncset.done $0x0  }
0x215: {  	[sflag:s30] =	ssyncadd.s32 $0xFFFFE000  }
0x216: {  	_ =	swait.ge [sflag:s30], $0x2000  }
0x217: {  	s11 =	sld [smem:$0x7F7]  }
0x218: {  	[sflag:s30] =	ssyncset.done $0x0  }
0x219: {  	[sflag:s30] =	ssyncadd.s32 $0xFFFFE000  }
0x21a: {  	[spmem:s2] =	stream.indirect.scatter.add.f32 [tilespmem:s17], [sflag:$0x4], $0x80, s11, s26, $0xb8;
	[tilespmem:$0x1D000] =	vst v63  }
0x21b: {  	_ =	swait.ge [sflag:s18], $0x4000  }
0x21c: {  	s10 =	sld [smem:$0x7F8]  }
0x21d: {  	[sflag:s18] =	ssyncset.done $0x0  }
0x21e: {  	s11 =	sld [smem:$0x7F9];
	[sflag:s18] =	ssyncadd.s32 $0xFFFFC000  }
0x21f: {  	[tilespmem:s17], [sflag:$0x1] =	stream.indirect.gather [hbm4b:s4+s22], $0x80, s10, s22, $0xb8;
	[tilespmem:$0x1D000] =	vst v63  }
0x220: {  	_ = 	snop  }
0x221: {  	[tilespmem:s23], [sflag:$0x1] =	stream.indirect.gather [hbm4b:s4+s22], $0x80, s11, s22, $0xb8;
	[tilespmem:$0x1D000] =	vst v63  }
0x222: {  	_ =	swait.ge [sflag:s31], $0x2000  }
0x223: {  	[sflag:s31] =	ssyncset.done $0x0  }
0x224: {  	[sflag:s31] =	ssyncadd.s32 $0xFFFFE000  }
0x225: {  	_ =	swait.ge [sflag:s31], $0x2000  }
0x226: {  	s11 =	sld [smem:$0x7FA]  }
0x227: {  	[sflag:s31] =	ssyncset.done $0x0  }
0x228: {  	[sflag:s31] =	ssyncadd.s32 $0xFFFFE000  }
0x229: {  	[spmem:s2] =	stream.indirect.scatter.add.f32 [tilespmem:s28], [sflag:$0x4], $0x80, s11, s26, $0xb8;
	[tilespmem:$0x1D000] =	vst v63  }
0x22a: {  	_ =	swait.ge [sflag:s18], $0x4000  }
0x22b: {  	s10 =	sld [smem:$0x7FB]  }
0x22c: {  	[sflag:s18] =	ssyncset.done $0x0  }
0x22d: {  	s11 =	sld [smem:$0x7FC];
	[sflag:s18] =	ssyncadd.s32 $0xFFFFC000  }
0x22e: {  	[tilespmem:s28], [sflag:$0x2] =	stream.indirect.gather [hbm4b:s4+s22], $0x80, s10, s22, $0xb8;
	[tilespmem:$0x1D000] =	vst v63  }
0x22f: {  	_ = 	snop  }
0x230: {  	[tilespmem:s29], [sflag:$0x2] =	stream.indirect.gather [hbm4b:s4+s22], $0x80, s11, s22, $0xb8;
	[tilespmem:$0x1D000] =	vst v63  }
0x231: {  	_ =	swait.ge [sflag:s30], $0x2000  }
0x232: {  	[sflag:s30] =	ssyncset.done $0x0  }
0x233: {  	[sflag:s30] =	ssyncadd.s32 $0xFFFFE000  }
0x234: {  	_ =	swait.ge [sflag:s30], $0x2000  }
0x235: {  	s11 =	sld [smem:$0x7FD]  }
0x236: {  	[sflag:s30] =	ssyncset.done $0x0  }
0x237: {  	[sflag:s30] =	ssyncadd.s32 $0xFFFFE000  }
0x238: {  	[spmem:s2] =	stream.indirect.scatter.add.f32 [tilespmem:s17], [sflag:$0x4], $0x80, s11, s26, $0xb8;
	[tilespmem:$0x1D000] =	vst v63  }
0x239: {  	_ =	swait.ge [sflag:s18], $0x4000  }
0x23a: {  	[sflag:s18] =	ssyncset.done $0x0  }
0x23b: {  	[sflag:s18] =	ssyncadd.s32 $0xFFFFC000  }
0x23c: {  	[tilespmem:s17], [sflag:$0x1] =	stream.indirect.gather [hbm4b:s4+s22], $0x80, s3, s22, $0xb8;
	[tilespmem:$0x1D000] =	vst v63  }
0x23d: {  	_ = 	snop  }
0x23e: {  	[tilespmem:s23], [sflag:$0x1] =	stream.indirect.gather [hbm4b:s4+s22], $0x80, s22, s22, $0xb8;
	[tilespmem:$0x1D000] =	vst v63  }
0x23f: {  	_ =	swait.ge [sflag:s31], $0x2000  }
0x240: {  	[sflag:s31] =	ssyncset.done $0x0  }
0x241: {  	[sflag:s31] =	ssyncadd.s32 $0xFFFFE000  }
0x242: {  	_ =	swait.ge [sflag:s31], $0x2000  }
0x243: {  	[sflag:s31] =	ssyncset.done $0x0  }
0x244: {  	[sflag:s31] =	ssyncadd.s32 $0xFFFFE000  }
0x245: {  	[spmem:s2] =	stream.indirect.scatter.add.f32 [tilespmem:s28], [sflag:$0x4], $0x80, s1, s26, $0xb8;
	[tilespmem:$0x1D000] =	vst v63  }
0x246: {  	p1 =	slt.s32 s9, $0x6;
	_ =	swait.ge [sflag:s18], $0x4000  }
0x247: {  	p0 =	sne.s32 s8, $0x8;
	s9 =	simm.s32 @!p1 $0x6;
	s11 =	rddreg [dreg:$0x4]  }
.Ltmp1:
0x248: {  	s9 =	sadd.s32 s9, s11;
	(pc) =	sbr.rel @p0 .LBB2_4-.Ltmp1, $4  }
0x249: {  	s9 =	sshll.u32 s9, $0x7  }
0x24a: {  	s8 =	sadd.s32 $0x2, s8;
	[sflag:s18] =	ssyncset.done $0x0;
	s9 =	sand.u32 $0x1FFFFF80, s9  }
0x24b: {  	[sflag:s18] =	ssyncadd.s32 $0xFFFFC000;
	s11 =	sadd.s32 s5, s9;
	s9 =	sadd.s32 s6, s9  }
0x24c: {  	[tilespmem:s20], [sflag:$0x3] =	stream.linear.gather [hbm4b:s11+s3], $0x400, $0x38;
	[tilespmem:$0x1D000] =	vst v63  }
0x24d: {  	[tilespmem:s21], [sflag:$0x3] =	stream.linear.gather [hbm4b:s9+s3], $0x400, $0x38;
	[tilespmem:$0x1D000] =	vst v63  }
0x24e: {  	_ =	swait.ge [sflag:s25], $0x400  }
0x24f: {  	[sflag:s25] =	ssyncset.done $0x0  }
0x250: {  	[sflag:s25] =	ssyncadd.s32 $0xFFFFFC00  }
0x251: {  	_ =	swait.ge [sflag:s25], $0x400  }
0x252: {  	[sflag:s25] =	ssyncset.done $0x0  }
0x253: {  	[sflag:s25] =	ssyncadd.s32 $0xFFFFFC00  }
0x254: {  	_ =	swait.ge [sflag:s30], $0x2000  }
0x255: {  	[sflag:s30] =	ssyncset.done $0x0  }
0x256: {  	[sflag:s30] =	ssyncadd.s32 $0xFFFFE000  }
0x257: {  	s8 =	stileid.u32;
	_ =	swait.ge [sflag:s30], $0x2000  }
0x258: {  	s11 =	sshrl.u32 s7, $0x3;
	s0 =	sadd.s32 $0x1, s0;
	[sflag:s30] =	ssyncset.done $0x0  }
0x259: {  	s8 =	sshll.u32 s8, $0x6;
	p0 =	sne.s32 s0, s12;
	[sflag:s30] =	ssyncadd.s32 $0xFFFFE000  }
.Ltmp2:
0x25a: {  	s8 =	sor.u32 $0x1C04, s8;
	[bflag:$0x0] =	sbarrier.arrive $0xFFFF;
	(pc) =	sbr.rel @p0 .LBB2_1-.Ltmp2, $4  }
0x25b: {  	[hbm:s24], [sflag:s8] =	dma.local [spmem:s11], $0x2800  }
0x25c: {  	_ =	swait.ge [sflag:s18], $0x2800  }
0x25d: {  	[sflag:s18] =	ssyncset.done $0x0  }
0x25e: {  	[sflag:s18] =	ssyncadd.s32 $0xFFFFD800  }
0x25f: {  	_ =	sfence.sel $0x180000  }
0x260: {  	[bflag:$0x0] =	sbarrier.arrive $0xFFFF  }
0x261: {  	_ =	strace $0x9000004D  }
0x262: {  	s0 =	stileid.u32;
	[bflag:$0x2] =	sbarrier.arrive $0xFFFF  }
0x263: {  	p0 =	sne.s32 s0, $0x0;
	s0 =	rddreg [dreg:$0x2]  }
0x264: {  	s0 =	sadd.s32 @!p0 $0x100000, s0  }
0x265: {  	[sflag:s0] =	ssyncadd.tile.s32 @!p0 $0x1;
	_ =	shalt  }
.Lfunc_end2:
_tile_overlayer_lowered:
.L_overlay_start_2:
0x266: {  	(tag) =	ssettag $0x2  }
0x267: {  	s0 =	rddreg [dreg:$0x0];
	s2 =	stileid.u32  }
0x268: {  	s1 =	rddreg [dreg:$0x1];
	p0 =	sne.s32 s2, $0x0  }
0x269: {  	s3 =	rddreg [dreg:$0x2];
	[bflag:$0x3] =	sbarrier.arrive $0xFFFF;
	s2 =	simm.s32 @!p0 $0x1C04  }
0x26a: {  	[timem:s3], [sflag:s2] =	dma.local @!p0 [hbm:s0], s1  }
0x26b: {  	s0 =	simm.s32 @!p0 $0x4  }
0x26c: {  	_ =	swait.ge @!p0 [sflag:s0], s1  }
0x26d: {  	s1 =	ssub.s32 @!p0 $0x0, s1;
	[sflag:s0] =	ssyncset.done @!p0 $0x0  }
0x26e: {  	[sflag:s0] =	ssyncadd.s32 @!p0 s1  }
0x26f: {  	[bflag:$0x3] =	sbarrier.arrive $0xFFFF  }
0x270: {  	_ =	shalt  }

// kernel: kernel.8.cloned.1.call-start
scs
__scs_entry_jumppad:
0x0: {  	(pc) =	sbr.rel $0x88, $3  }
0x1: {  	(tag) =	ssettag $0x0;
	lr =	simm.s32 $0x1  }
0x2: {  	[smem:$0x3F98] =	sst lr;
	_ =	strace $0xD0000000  }
0x3: {  	_ = 	snop  }
0x4: {  	_ = 	snop  }
0x5: {  	_ = 	snop  }
0x6: {  	_ = 	snop  }
0x7: {  	_ = 	snop  }
__scs_overlays_trampoline_lowered:
0x8: {  	[smem:$0x3FA7] =	sst s0  }
0x9: {  	[smem:$0x3FA8] =	sst s1  }
0xa: {  	[smem:$0x3FA9] =	sst s2  }
0xb: {  	[smem:$0x3FAA] =	sst s3  }
0xc: {  	[smem:$0x3FAB] =	sst s4  }
0xd: {  	[smem:$0x3FAC] =	sst s5  }
0xe: {  	[smem:$0x3FAD] =	sst s6  }
0xf: {  	[smem:$0x3FAE] =	sst s7  }
0x10: {  	[smem:$0x3FAF] =	sst s8  }
0x11: {  	[smem:$0x3FB0] =	sst s9;
	s0 =	simm.s32 @!p0 $0x0  }
0x12: {  	s1 =	sld [smem:$0x3F96];
	s0 =	simm.s32 @p0 $0x1  }
0x13: {  	[smem:$0x3FB1] =	sst s0;
	s0 =	simm.s32 @!p1 $0x0  }
0x14: {  	s2 =	sld [smem:$0x3F95];
	s0 =	simm.s32 @p1 $0x1  }
0x15: {  	[smem:$0x3FB2] =	sst s0;
	s0 =	simm.s32 @!p2 $0x0  }
0x16: {  	s3 =	sld [smem:$0x3FDB];
	s0 =	simm.s32 @p2 $0x1  }
0x17: {  	s4 =	simm.s32 $0x1BF5;
	[smem:$0x3FB4] =	sst s0  }
0x18: {  	s0 =	sld [smem:$0x3F97];
	_ =	swait.ge [sflag:s4], $0x0  }
0x19: {  	s7 =	sld [smem:$0x3F98]  }
0x1a: {  	s8 =	sadd.s32 $0xFFFFE003, lr  }
0x1b: {  	s9 =	sadd.s32 $0xFFFFFEF7, lr;
	s5 =	simm.s32 $0xFFFFFFFF;
	p2 =	slt.u32 s8, $0xFFFFF086  }
0x1c: {  	p1 =	slt.u32 s9, $0xF7A;
	s5 =	simm.s32 @!p2 $0x0  }
0x1d: {  	s5 =	simm.s32 @p1 $0x1;
	p0 =	seq.s32 s7, s2  }
0x1e: {  	s7 =	smul.u32 @!p0 $0xF7A, s2;
	p2 =	seq.s32 @!p0 s5, $0x0  }
0x1f: {  	s9 =	smul.u32 $0xF7A, s1;
	s8 =	simm.s32 @!p0 $0x1BF5;
	p2 =	por !p2, p0  }
0x20: {  	[sflag:s8] =	ssyncset.s32 @!p0 $0xFFFFF086;
	s6 =	sadd.s32 @!p0 s3, s7;
	s7 =	simm.s32 @!p0 $0x108  }
0x21: {  	s3 =	sadd.s32 s3, s9;
	s6 =	sadd.s32 @!p0 $0x88, s6;
	s7 =	simm.s32 @p2 $0x1082  }
0x22: {  	[simem:s7], [sflag:s8] =	dma.local @!p0 [hbm:s6], $0xF7A  }
0x23: {  	s9 =	sor.u32 $0xD0000000, s2;
	s6 =	simm.s32 $0x108;
	_ =	swait.ge @!p0 [sflag:s8], $0x0  }
0x24: {  	s3 =	sadd.s32 $0x88, s3;
	s6 =	simm.s32 @!p1 $0x1082;
	[sflag:s4] =	ssyncset.s32 $0xFFFFF086  }
0x25: {  	[simem:s6], [sflag:s4] =	dma.local [hbm:s3], $0xF7A  }
0x26: {  	[smem:$0x3F98] =	sst s1;
	(tag) =	ssettag s2;
	_ =	strace s9  }
0x27: {  	s1 =	sld [smem:$0x3FA8]  }
0x28: {  	s2 =	sld [smem:$0x3FA9]  }
0x29: {  	s4 =	sld [smem:$0x3FAB]  }
0x2a: {  	p0 =	seq.s32 s5, $0x0;
	s5 =	sld [smem:$0x3FAC]  }
0x2b: {  	s6 =	sld [smem:$0x3FAD]  }
0x2c: {  	s7 =	sld [smem:$0x3FAE]  }
0x2d: {  	s3 =	simm.s32 $0x108;
	s8 =	sld [smem:$0x3FAF]  }
0x2e: {  	s3 =	simm.s32 @!p0 $0x1082;
	s9 =	sld [smem:$0x3FB0]  }
0x2f: {  	lr =	sadd.s32 s0, s3;
	s0 =	sld [smem:$0x3FA7]  }
0x30: {  	s3 =	sld [smem:$0x3FAA]  }
0x31: {  	[smem:$0x3FB3] =	sst s10  }
0x32: {  	s10 =	sld [smem:$0x3FB1];
	_ =	sdelay $0x3  }
0x33: {  	p0 =	seq.s32 s10, $0x1;
	s10 =	sld [smem:$0x3FB3];
	_ =	sdelay $0x3  }
0x34: {  	[smem:$0x3FB3] =	sst s10  }
0x35: {  	s10 =	sld [smem:$0x3FB2];
	_ =	sdelay $0x3  }
0x36: {  	p1 =	seq.s32 s10, $0x1;
	s10 =	sld [smem:$0x3FB3];
	_ =	sdelay $0x3  }
0x37: {  	[smem:$0x3FB3] =	sst s10  }
0x38: {  	s10 =	sld [smem:$0x3FB4]  }
0x39: {  	_ = 	snop;
	(pc) =	sbr.ind lr, $3  }
0x3a: {  	_ = 	snop  }
0x3b: {  	_ = 	snop  }
0x3c: {  	p2 =	seq.s32 s10, $0x1;
	s10 =	sld [smem:$0x3FB3]  }
0x3d: {  	_ =	shalt  }
0x3e: {  	_ =	shalt  }
0x3f: {  	_ =	shalt  }
0x40: {  	_ =	shalt  }
0x41: {  	_ =	shalt  }
0x42: {  	_ =	shalt  }
0x43: {  	_ =	shalt  }
0x44: {  	_ =	shalt  }
0x45: {  	_ =	shalt  }
0x46: {  	_ =	shalt  }
0x47: {  	_ =	shalt  }
0x48: {  	_ =	shalt  }
0x49: {  	_ =	shalt  }
0x4a: {  	_ =	shalt  }
0x4b: {  	_ =	shalt  }
0x4c: {  	_ =	shalt  }
0x4d: {  	_ =	shalt  }
0x4e: {  	_ =	shalt  }
0x4f: {  	_ =	shalt  }
0x50: {  	_ =	shalt  }
0x51: {  	_ =	shalt  }
0x52: {  	_ =	shalt  }
0x53: {  	_ =	shalt  }
0x54: {  	_ =	shalt  }
0x55: {  	_ =	shalt  }
0x56: {  	_ =	shalt  }
0x57: {  	_ =	shalt  }
0x58: {  	_ =	shalt  }
0x59: {  	_ =	shalt  }
0x5a: {  	_ =	shalt  }
0x5b: {  	_ =	shalt  }
0x5c: {  	_ =	shalt  }
0x5d: {  	_ =	shalt  }
0x5e: {  	_ =	shalt  }
0x5f: {  	_ =	shalt  }
0x60: {  	_ =	shalt  }
0x61: {  	_ =	shalt  }
0x62: {  	_ =	shalt  }
0x63: {  	_ =	shalt  }
0x64: {  	_ =	shalt  }
0x65: {  	_ =	shalt  }
0x66: {  	_ =	shalt  }
0x67: {  	_ =	shalt  }
0x68: {  	_ =	shalt  }
0x69: {  	_ =	shalt  }
0x6a: {  	_ =	shalt  }
0x6b: {  	_ =	shalt  }
0x6c: {  	_ =	shalt  }
0x6d: {  	_ =	shalt  }
0x6e: {  	_ =	shalt  }
0x6f: {  	_ =	shalt  }
0x70: {  	_ =	shalt  }
0x71: {  	_ =	shalt  }
0x72: {  	_ =	shalt  }
0x73: {  	_ =	shalt  }
0x74: {  	_ =	shalt  }
0x75: {  	_ =	shalt  }
0x76: {  	_ =	shalt  }
0x77: {  	_ =	shalt  }
0x78: {  	_ =	shalt  }
0x79: {  	_ =	shalt  }
0x7a: {  	_ =	shalt  }
0x7b: {  	_ =	shalt  }
0x7c: {  	_ =	shalt  }
0x7d: {  	_ =	shalt  }
0x7e: {  	_ =	shalt  }
0x7f: {  	_ =	shalt  }
0x80: {  	_ =	shalt  }
0x81: {  	_ =	shalt  }
0x82: {  	_ =	shalt  }
0x83: {  	_ =	shalt  }
0x84: {  	_ =	shalt  }
0x85: {  	_ =	shalt  }
0x86: {  	_ =	shalt  }
0x87: {  	_ =	shalt  }
.Lfunc_end0:
.L_simem_size_0:
called_computation_lowered:
.L_overlay_start_0:
0x88: {  	s2 =	sld [smem:$0x3FD9]  }
0x89: {  	s3 =	sld [smem:$0x3FFE];
	_ =	sdelay $0x1  }
0x8a: {  	s1 =	srdreg.scid  }
0x8b: {  	s0 =	sand.u32 $0x1, s1  }
0x8c: {  	s16 =	sshll.u32 s0, $0xA;
	s2 =	sadd.s32 s3, s2  }
0x8d: {  	s2 =	sadd.s32 s2, s16  }
0x8e: {  	[smem:$0x3FBF] =	sst s2  }
0x8f: {  	_ = 	snop  }
0x90: {  	(tm) =	ssettm $0x1  }
0x91: {  	s17 =	sld [smem:$0x3FFB];
	_ =	sdelay $0x3  }
0x92: {  	_ =	strace s17  }
0x93: {  	s2 =	sld [smem:$0x3FFC];
	_ =	sdelay $0x3  }
0x94: {  	_ =	strace s2  }
0x95: {  	s2 =	sld [smem:$0x3FFD];
	_ =	sdelay $0x3  }
0x96: {  	_ =	strace s2  }
0x97: {  	_ =	strace $0x8FFFFFFF  }
0x98: {  	s18 =	sld [smem:$0x3FDB];
	_ =	sdelay $0x1  }
0x99: {  	s19 =	simm.s32 $_scs_section_size  }
0x9a: {  	s4 =	simm.s32 $_size__tile_overlayer_lowered;
	s5 =	simm.s32 $_tile_overlayer_lowered  }
0x9b: {  	s22 =	simm.s32 $0x1BFF;
	s21 =	sshll.u32 s5, $0x1;
	s2 =	sadd.s32 s19, s18  }
0x9c: {  	s6 =	simm.s32 $0x0;
	s20 =	sshll.u32 s4, $0x1;
	s4 =	sadd.s32 s21, s2  }
0x9d: {  	[timem:s6], [sflag:s22] =	dma.local [hbm:s4], s20  }
0x9e: {  	_ =	swait.ge [sflag:s22], s20  }
0x9f: {  	s3 =	ssub.s32 $0x0, s20;
	[sflag:s22] =	ssyncset.done $0x0  }
0xa0: {  	[sflag:s22] =	ssyncadd.s32 s3;
	_ =	sdelay $0x1  }
0xa1: {  	s23 =	simm.s32 $0x1B8B  }
0xa2: {  	_ =	swait.ge [sflag:s23], $0x1  }
0xa3: {  	[sflag:s23] =	ssyncset.done $0x0  }
0xa4: {  	s25 =	simm.s32 $0x1B8E;
	s24 =	sld [smem:$0x3FFE];
	[sflag:s23] =	ssyncadd.s32 $0xFFFFFFFF  }
0xa5: {  	s26 =	simm.s32 $execute0_lowered;
	[smem:$0x3FD2] =	sst s25  }
0xa6: {  	s4 =	sshll.u32 s26, $0x1;
	_ =	strace $0x80000046;
	[dreg:$0x1] =	wrdreg $0xFFFFFFFF  }
0xa7: {  	s28 =	simm.s32 $_size_execute0_lowered;
	s2 =	sadd.s32 s2, s4;
	[dreg:$0x0] =	wrdreg $0x0  }
0xa8: {  	s4 =	sshll.u32 s28, $0x1;
	[dreg:$0x2] =	wrdreg s2  }
0xa9: {  	[dreg:$0x3] =	wrdreg s4  }
0xaa: {  	[dreg:$0x4] =	wrdreg $0xC0  }
0xab: {  	_ =	task [dreg:s6], $0x5FFFF  }
0xac: {  	[dreg:$0x1] =	wrdreg $0xFFFFFFFF  }
0xad: {  	[dreg:$0x0] =	wrdreg $0x60  }
0xae: {  	[dreg:$0x2] =	wrdreg s24  }
0xaf: {  	[dreg:$0x3] =	wrdreg $0x9  }
0xb0: {  	_ =	task.clear_ibuf [dreg:s6], $0x4FFFF;
	_ =	strace $0x90000046  }
0xb1: {  	s29 =	simm.s32 $0x9;
	_ =	strace $0x80000048  }
0xb2: {  	_ =	swait.ge [sflag:s29], $0x1  }
0xb3: {  	[sflag:s29] =	ssyncadd.s32 $0xFFFFFFFF  }
0xb4: {  	_ =	strace $0x90000048  }
0xb5: {  	_ =	sfence  }
0xb6: {  	s30 =	sld [smem:$0x0];
	_ =	sdelay $0x2  }
0xb7: {  	s31 =	sshll.u32 s1, $0xD;
	s1 =	sshrl.u32 s1, $0x2  }
0xb8: {  	s3 =	sand.u32 $0x4000, s31;
	s1 =	sadd.s32 s1, s30  }
0xb9: {  	s0 =	sor.u32 s3, s0;
	s1 =	sshll.u32 s1, $0x11  }
0xba: {  	s0 =	sor.u32 s1, s0  }
0xbb: {  	s0 =	sadd.s32 $0x8F2B, s0  }
0xbc: {  	[sflag:s0] =	ssyncadd.remote.s32 $0x1  }
0xbd: {  	_ =	sfence.sel $0xFFFF  }
0xbe: {  	[dreg:$0x0] =	wrdreg $0xFFFFFFFF;
	(pc) =	sbr.abs _section_cstart, $3  }
0xbf: {  	[dreg:$0x1] =	wrdreg $0xFFFFFFFF  }
0xc0: {  	_ =	task.clear_ibuf [dreg:s6], $0x2FFFF;
	_ =	strace $0x9FFFFFFF  }
0xc1: {  	(tm) =	ssettm $0x7FFFFFFF  }
tec
execute0_lowered:
.L_overlay_start_1:
0x0: {  	(tag) =	ssettag $0x1  }
0x1: {  	s0 =	srdreg.scid  }
0x2: {  	s5 =	rddreg [dreg:$0x0];
	s3 =	sand.u32 $0x1, s0  }
0x3: {  	s2 =	simm.s32 $0x0;
	s0 =	stileid.u32;
	s1 =	sshll.u32 s3, $0x4  }
0x4: {  	s8 =	simm.s32 $0x80;
	s9 =	simm.s32 $0x400;
	s4 =	sor.u32 s0, s1  }
0x5: {  	s10 =	simm.s32 $0x0;
	[smem:$0x7FF] =	sst s2;
	s1 =	sshrl.u32 s4, $0x3  }
0x6: {  	s7 =	sshll.u32 s0, $0x7;
	s3 =	ssub.s32 $0x2, s3;
	s6 =	smul.u32 $0x14000, s1  }
0x7: {  	s7 =	sand.u32 $0x380, s7;
	s31 =	sshrl.u32 s3, $0x1;
	s4 =	smul.u32 $0x500, s4  }
0x8: {  	s1 =	rddreg [dreg:$0x1];
	_ =	strace $0x80000047;
	s6 =	sor.u32 s7, s6  }
0x9: {  	s4 =	sadd.s32 s4, s5;
	s7 =	simm.s32 $0x2800;
	s6 =	sshrl.u32 s6, $0x3  }
0xa: {  	s5 =	sadd.s32 s6, s5;
	s6 =	ssub.s32 s3, s31;
	s3 =	sadd.s32 $0xD600, s4  }
0xb: {  	v0 =	vimm.f32 $0.0e+00;
	v1 =	vimm.f32 $1.000000000e+00;
	s4 =	sadd.s32 $0x17600, s5;
	s5 =	smax.u32 s6, $0x1;
	s6 =	simm.s32 $0x1  }
.LBB2_1:
0xc: {  	s11 =	simm.s32 $0x40;
	s12 =	simm.s32 $0x0  }
.LBB2_2:
0xd: {  	p0 =	sne.s32 s11, $0x9FC0;
	[tilespmem:s12+$0x2800] =	vst v0;
	s12 =	smov.u32 s11;
	s11 =	sadd.s32 $0x40, s11  }
.Ltmp0:
0xe: {  	(pc) =	sbr.rel @p0 .LBB2_2-.Ltmp0, $2  }
0xf: {  	_ =	sdelay $0x2  }
0x10: {  	s12 =	sshra.s32 s12, $0x2  }
0x11: {  	[tilespmem:s12+$0x2800] =	vst v0  }
0x12: {  	[tilespmem:s2], [sflag:$0x1] =	stream.linear.gather [hbm4b:s3+s2], $0x2800, $0x38;
	[tilespmem:$0x5000] =	vst v63  }
0x13: {  	_ =	swait.ge [sflag:s6], $0x2800  }
0x14: {  	[sflag:s6] =	ssyncset.done $0x0  }
0x15: {  	s11 =	simm.s32 $0x1C0;
	[sflag:s6] =	ssyncadd.s32 $0xFFFFD800  }
.LBB2_4:
0x16: {  	s12 =	sshra.s32 s11, $0x2  }
0x17: {  	v2 =	vld [tilespmem:s12+$0xFFFFFF90];
	_ =	sdelay $0x7  }
0x18: {  	[tilespmem:v2+s7+$0x0] =	vst.idx.add.f32.msk $0xffff, v1  }
0x19: {  	v2 =	vld [tilespmem:s12+$0xFFFFFFA0];
	_ =	sdelay $0x7  }
0x1a: {  	[tilespmem:v2+s7+$0x0] =	vst.idx.add.f32.msk $0xffff, v1  }
0x1b: {  	v2 =	vld [tilespmem:s12+$0xFFFFFFB0];
	_ =	sdelay $0x7  }
0x1c: {  	[tilespmem:v2+s7+$0x0] =	vst.idx.add.f32.msk $0xffff, v1  }
0x1d: {  	v2 =	vld [tilespmem:s12+$0xFFFFFFC0];
	_ =	sdelay $0x7  }
0x1e: {  	[tilespmem:v2+s7+$0x0] =	vst.idx.add.f32.msk $0xffff, v1  }
0x1f: {  	v2 =	vld [tilespmem:s12+$0xFFFFFFD0];
	_ =	sdelay $0x7  }
0x20: {  	[tilespmem:v2+s7+$0x0] =	vst.idx.add.f32.msk $0xffff, v1  }
0x21: {  	v2 =	vld [tilespmem:s12+$0xFFFFFFE0];
	_ =	sdelay $0x7  }
0x22: {  	[tilespmem:v2+s7+$0x0] =	vst.idx.add.f32.msk $0xffff, v1  }
0x23: {  	v2 =	vld [tilespmem:s12+$0xFFFFFFF0];
	_ =	sdelay $0x7  }
0x24: {  	[tilespmem:v2+s7+$0x0] =	vst.idx.add.f32.msk $0xffff, v1  }
0x25: {  	v2 =	vld [tilespmem:s12+$0x0];
	_ =	sdelay $0x2  }
0x26: {  	p0 =	sne.s32 s11, $0x9FC0  }
.Ltmp1:
0x27: {  	_ = 	snop;
	(pc) =	sbr.rel @p0 .LBB2_4-.Ltmp1, $2  }
0x28: {  	_ =	sdelay $0x2  }
0x29: {  	s11 =	sadd.s32 $0x200, s11;
	[tilespmem:v2+s7+$0x0] =	vst.idx.add.f32.msk $0xffff, v1  }
0x2a: {  	s10 =	sadd.s32 $0x1, s10  }
0x2b: {  	p0 =	sne.s32 s10, s5  }
.Ltmp2:
0x2c: {  	_ = 	snop;
	(pc) =	sbr.rel @p0 .LBB2_1-.Ltmp2, $4  }
0x2d: {  	[hbm4b:s4+s8] =	stream.strided.scatter [tilespmem:s7], [sflag:$0x1], $0x2800, s9, s8, $0x38;
	[tilespmem:$0x5000] =	vst v63  }
0x2e: {  	_ =	swait.ge [sflag:s6], $0x2800  }
0x2f: {  	[sflag:s6] =	ssyncset.done $0x0  }
0x30: {  	[sflag:s6] =	ssyncadd.s32 $0xFFFFD800  }
0x31: {  	_ =	sfence.sel $0x180000  }
0x32: {  	[bflag:$0x0] =	sbarrier.arrive $0xFFFF  }
0x33: {  	p0 =	sne.s32 s0, $0x0;
	_ =	strace $0x90000047  }
0x34: {  	s0 =	sadd.s32 @!p0 $0x100000, s1;
	[bflag:$0x2] =	sbarrier.arrive $0xFFFF  }
0x35: {  	[sflag:s0] =	ssyncadd.tile.s32 @!p0 $0x1;
	_ =	shalt  }
.Lfunc_end2:
_tile_overlayer_lowered:
.L_overlay_start_2:
0x36: {  	(tag) =	ssettag $0x2  }
0x37: {  	s0 =	rddreg [dreg:$0x0];
	s2 =	stileid.u32  }
0x38: {  	s1 =	rddreg [dreg:$0x1];
	p0 =	sne.s32 s2, $0x0  }
0x39: {  	s3 =	rddreg [dreg:$0x2];
	[bflag:$0x3] =	sbarrier.arrive $0xFFFF;
	s2 =	simm.s32 @!p0 $0x1C01  }
0x3a: {  	[timem:s3], [sflag:s2] =	dma.local @!p0 [hbm:s0], s1  }
0x3b: {  	s0 =	simm.s32 @!p0 $0x1  }
0x3c: {  	_ =	swait.ge @!p0 [sflag:s0], s1  }
0x3d: {  	s1 =	ssub.s32 @!p0 $0x0, s1;
	[sflag:s0] =	ssyncset.done @!p0 $0x0  }
0x3e: {  	[sflag:s0] =	ssyncadd.s32 @!p0 s1  }
0x3f: {  	[bflag:$0x3] =	sbarrier.arrive $0xFFFF  }
0x40: {  	_ =	shalt  }

</sc_bundles>
